<compile_context>
chip_gen: v7x
topology: tpu7x:2x2x1
jax: 0.10.2.dev20260603
libtpu: 0.0.44.dev20260713+nightly
codegen_flags: <defaults>
</compile_context>

<pallas_src>
import functools

import jax
import jax.numpy as jnp
from jax import lax
from jax.experimental import pallas as pl
from jax.experimental.pallas import tpu as pltpu
from jax.experimental.pallas import tpu_sc as plsc

N = 10000
E = 256000
D = 128

NC = 2
NS = 16
CHUNK = 128
NBUF = 2
EPT = E // NS
NCH = EPT // CHUNK
DRC = 80
NDC = N // DRC



def _sc_body(ta, tb, sa, da, sb, db, zeros_hbm, out_a, out_b,
             acc, src_v, dst_ring, rows_v, gsem, dsem):
    c = lax.axis_index("c")
    s = lax.axis_index("s")

    def do_relation(t_hbm, src_hbm, dst_hbm, out_hbm):
        pltpu.sync_copy(src_hbm.at[pl.ds(s * EPT, EPT)], src_v)
        for m in range(8):
            j = m * NS + s

            @pl.when(j < NDC)
            def _():
                pltpu.sync_copy(zeros_hbm, acc.at[pl.ds(j * DRC, DRC)])
        plsc.subcore_barrier()

        def issue(jn, b):
            pltpu.async_copy(
                dst_hbm.at[pl.ds(s * EPT + jn * CHUNK, CHUNK)],
                dst_ring.at[b], dsem.at[b])
            pltpu.async_copy(
                t_hbm.at[src_v.at[pl.ds(jn * CHUNK, CHUNK)]],
                rows_v.at[b], gsem.at[b])

        def step(j, b):
            pltpu.make_async_copy(
                dst_hbm.at[pl.ds(0, CHUNK)], dst_ring.at[b],
                dsem.at[b]).wait()
            pltpu.make_async_copy(
                t_hbm.at[pl.ds(0, CHUNK)], rows_v.at[b], gsem.at[b]).wait()
            pltpu.sync_copy(rows_v.at[b], acc.at[dst_ring.at[b]], add=True)

            @pl.when(j + NBUF < NCH)
            def _():
                issue(j + NBUF, b)

        for b in range(NBUF):
            issue(b, b)

        def outer(j0, carry):
            for b in range(NBUF):
                step(j0 * NBUF + b, b)
            return carry

        lax.fori_loop(0, NCH // NBUF, outer, 0)
        step(NCH - 1, 0)
        plsc.subcore_barrier()

        for m in range(8):
            j = m * NS + s

            @pl.when(j < NDC)
            def _():
                base = j * DRC
                pltpu.sync_copy(acc.at[pl.ds(base, DRC)],
                                out_hbm.at[pl.ds(base, DRC)])

    @pl.when(c == 0)
    def _():
        do_relation(ta, sa, da, out_a)

    @pl.when(c == 1)
    def _():
        do_relation(tb, sb, db, out_b)


def _sc_agg(t_a, t_b, src_a, dst_a, src_b, dst_b, zeros):
    mesh = plsc.VectorSubcoreMesh(
        core_axis_name="c", subcore_axis_name="s",
        num_cores=NC, num_subcores=NS)
    f = pl.kernel(
        _sc_body,
        out_type=[jax.ShapeDtypeStruct((N, D), jnp.float32),
                  jax.ShapeDtypeStruct((N, D), jnp.float32)],
        mesh=mesh,
        scratch_types=[
            pltpu.VMEM_SHARED((N, D), jnp.float32),
            pltpu.VMEM((EPT,), jnp.int32),
            pltpu.VMEM((8, CHUNK), jnp.int32),
            pltpu.VMEM((NBUF, CHUNK, D), jnp.float32),
            pltpu.SemaphoreType.DMA((NBUF,)),
            pltpu.SemaphoreType.DMA((NBUF,)),
        ],
    )
    return f(t_a, t_b, src_a, dst_a, src_b, dst_b, zeros)



_BR = 2000


def _mm2_body(x, wa, wb, oa, ob):
    oa[...] = jnp.dot(x[...], wa[...], preferred_element_type=jnp.float32)
    ob[...] = jnp.dot(x[...], wb[...], preferred_element_type=jnp.float32)


def _mm2(x, wa, wb):
    grid = (N // _BR,)
    bs_x = pl.BlockSpec((_BR, D), lambda i: (i, 0))
    bs_w = pl.BlockSpec((D, D), lambda i: (0, 0))
    return pl.pallas_call(
        _mm2_body,
        grid=grid,
        in_specs=[bs_x, bs_w, bs_w],
        out_specs=[bs_x, bs_x],
        out_shape=[jax.ShapeDtypeStruct((N, D), jnp.float32)] * 2,
    )(x, wa, wb)


def _post_mm2_body(sref, aref, bref, wa, wb, oh, oa, ob):
    h = jnp.maximum(sref[...] + aref[...] + bref[...], 0.0)
    oh[...] = h
    oa[...] = jnp.dot(h, wa[...], preferred_element_type=jnp.float32)
    ob[...] = jnp.dot(h, wb[...], preferred_element_type=jnp.float32)


def _post_mm2(sx, agg, bias, wa, wb):
    grid = (N // _BR,)
    bs_x = pl.BlockSpec((_BR, D), lambda i: (i, 0))
    bs_b = pl.BlockSpec((1, D), lambda i: (0, 0))
    bs_w = pl.BlockSpec((D, D), lambda i: (0, 0))
    return pl.pallas_call(
        _post_mm2_body,
        grid=grid,
        in_specs=[bs_x, bs_x, bs_b, bs_w, bs_w],
        out_specs=[bs_x, bs_x, bs_x],
        out_shape=[jax.ShapeDtypeStruct((N, D), jnp.float32)] * 3,
    )(sx, agg, bias.reshape(1, D), wa, wb)


def _post_body(sref, aref, bref, oh):
    oh[...] = jnp.maximum(sref[...] + aref[...] + bref[...], 0.0)


def _post(sx, agg, bias):
    grid = (N // _BR,)
    bs_x = pl.BlockSpec((_BR, D), lambda i: (i, 0))
    bs_b = pl.BlockSpec((1, D), lambda i: (0, 0))
    return pl.pallas_call(
        _post_body,
        grid=grid,
        in_specs=[bs_x, bs_x, bs_b],
        out_specs=bs_x,
        out_shape=jax.ShapeDtypeStruct((N, D), jnp.float32),
    )(sx, agg, bias.reshape(1, D))



def kernel(x_user, x_item, edge_index_u2i, edge_index_i2u,
           Ws0u, Ws0i, Wm0_u2i, Wm0_i2u, b0u, b0i,
           Ws1u, Ws1i, Wm1_u2i, Wm1_i2u, b1u, b1i):
    src_a = edge_index_u2i[0]
    dst_a = edge_index_u2i[1]
    src_b = edge_index_i2u[0]
    dst_b = edge_index_i2u[1]
    zeros = jnp.zeros((DRC, D), jnp.float32)

    s0u, t0u = _mm2(x_user, Ws0u, Wm0_u2i)
    s0i, t0i = _mm2(x_item, Ws0i, Wm0_i2u)
    agg_i0, agg_u0 = _sc_agg(t0u, t0i, src_a, dst_a, src_b, dst_b, zeros)
    h0u, s1u, t1u = _post_mm2(s0u, agg_u0, b0u, Ws1u, Wm1_u2i)
    h0i, s1i, t1i = _post_mm2(s0i, agg_i0, b0i, Ws1i, Wm1_i2u)
    agg_i1, agg_u1 = _sc_agg(t1u, t1i, src_a, dst_a, src_b, dst_b, zeros)
    h1u = _post(s1u, agg_u1, b1u)
    h1i = _post(s1i, agg_i1, b1i)
    return (h0u, h0i, h1u, h1i)

# --- scband reference (transcript-rebuilt; emitter-appended) ---
"""Pipeline reference for scband-gc-29824252903799 (READ-ONLY COPY).

The authoritative reference and input builder live on the scoring server;
editing this copy changes nothing except your own understanding.
"""

import jax, jax.numpy as jnp
import numpy as np

N_USER = 10000
N_ITEM = 10000
E = 256000
D_IN = 128
D_OUT = 128


def setup_inputs(seed: int = 0) -> dict:
    key = jax.random.key(seed)
    ks = jax.random.split(key, 18)
    s_in = 1.0 / np.sqrt(D_IN)
    s_h = 1.0 / np.sqrt(D_OUT)
    inp = {
        "x_user": jax.random.normal(ks[0], (N_USER, D_IN), jnp.float32),
        "x_item": jax.random.normal(ks[1], (N_ITEM, D_IN), jnp.float32),
        "edge_index_u2i": jax.random.randint(ks[2], (2, E), 0, N_USER, dtype=jnp.int32),
        "edge_index_i2u": jax.random.randint(ks[3], (2, E), 0, N_ITEM, dtype=jnp.int32),
        # layer 0 (HeteroPGC) params
        "Ws0u": jax.random.normal(ks[4], (D_IN, D_OUT), jnp.float32) * s_in,
        "Ws0i": jax.random.normal(ks[5], (D_IN, D_OUT), jnp.float32) * s_in,
        "Wm0_u2i": jax.random.normal(ks[6], (D_IN, D_OUT), jnp.float32) * s_in,
        "Wm0_i2u": jax.random.normal(ks[7], (D_IN, D_OUT), jnp.float32) * s_in,
        "b0u": jnp.zeros((D_OUT,), jnp.float32),
        "b0i": jnp.zeros((D_OUT,), jnp.float32),
        # layer 1 (HeteroGC) params
        "Ws1u": jax.random.normal(ks[8], (D_OUT, D_OUT), jnp.float32) * s_h,
        "Ws1i": jax.random.normal(ks[9], (D_OUT, D_OUT), jnp.float32) * s_h,
        "Wm1_u2i": jax.random.normal(ks[10], (D_OUT, D_OUT), jnp.float32) * s_h,
        "Wm1_i2u": jax.random.normal(ks[11], (D_OUT, D_OUT), jnp.float32) * s_h,
        "b1u": jnp.zeros((D_OUT,), jnp.float32),
        "b1i": jnp.zeros((D_OUT,), jnp.float32),
    }
    return inp


def _hetero_gc_layer(xu, xi, eu2i, ei2u, Wsu, Wsi, Wm_u2i, Wm_i2u, bu, bi):
    # transform on nodes, then gather messages along edges, scatter-add to dst
    mu2i = (xu @ Wm_u2i)[eu2i[0]]                       # gather src 'user' features per edge
    agg_i = jax.ops.segment_sum(mu2i, eu2i[1], num_segments=N_ITEM)
    mi2u = (xi @ Wm_i2u)[ei2u[0]]                       # gather src 'item' features per edge
    agg_u = jax.ops.segment_sum(mi2u, ei2u[1], num_segments=N_USER)
    hu = jax.nn.relu(xu @ Wsu + agg_u + bu)
    hi = jax.nn.relu(xi @ Wsi + agg_i + bi)
    return hu, hi


def reference(x_user, x_item, edge_index_u2i, edge_index_i2u,
              Ws0u, Ws0i, Wm0_u2i, Wm0_i2u, b0u, b0i,
              Ws1u, Ws1i, Wm1_u2i, Wm1_i2u, b1u, b1i):
    # layer 0: HeteroPGC cell
    h0u, h0i = _hetero_gc_layer(x_user, x_item, edge_index_u2i, edge_index_i2u,
                                Ws0u, Ws0i, Wm0_u2i, Wm0_i2u, b0u, b0i)
    # layer 1: HeteroGC cell on previous layer output
    h1u, h1i = _hetero_gc_layer(h0u, h0i, edge_index_u2i, edge_index_i2u,
                                Ws1u, Ws1i, Wm1_u2i, Wm1_i2u, b1u, b1i)
    # return_all_layers=True -> states for every layer (as flat tuple of per-node-type tensors)
    return (h0u, h0i, h1u, h1i)

if __name__ == "__main__":
    import jax
    _d = setup_inputs()
    print(jax.jit(kernel)(*tuple(_d.values())))

</pallas_src>

<mosaic_0001>
#map = affine_map<(d0, d1) -> (0, 0)>
#map1 = affine_map<(d0, d1) -> (0)>
module attributes {stable_mosaic.version = 14 : i64} {
  func.func @_sc_body(%arg0: i32, %arg1: i32, %arg2: memref<10000x128xf32, #tpu.memory_space<hbm>>, %arg3: memref<10000x128xf32, #tpu.memory_space<hbm>>, %arg4: memref<256000xi32, #tpu.memory_space<hbm>>, %arg5: memref<256000xi32, #tpu.memory_space<hbm>>, %arg6: memref<256000xi32, #tpu.memory_space<hbm>>, %arg7: memref<256000xi32, #tpu.memory_space<hbm>>, %arg8: memref<80x128xf32, #tpu.memory_space<hbm>>, %arg9: memref<10000x128xf32, #tpu.memory_space<hbm>>, %arg10: memref<10000x128xf32, #tpu.memory_space<hbm>>, %arg11: memref<10000x128xf32, #tpu.memory_space<vmem_shared>>, %arg12: memref<16000xi32, #tpu.memory_space<vmem>>, %arg13: memref<8x128xi32, #tpu.memory_space<vmem>>, %arg14: memref<2x128x128xf32, #tpu.memory_space<vmem>>, %arg15: memref<2x!tpu.dma_semaphore, #tpu.memory_space<semaphore_mem>>, %arg16: memref<2x!tpu.dma_semaphore, #tpu.memory_space<semaphore_mem>>) attributes {dimension_semantics = [#tpu.dimension_semantics<core_parallel>, #tpu.dimension_semantics<subcore_parallel>], iteration_bounds = array<i64: 2, 16>, scalar_prefetch = 0 : i64, scratch_operands = 6 : i64, tpu.core_type = #tpu.core_type<sc_vector_subcore>, window_params = [{transform_indices = #map}, {transform_indices = #map}, {transform_indices = #map1}, {transform_indices = #map1}, {transform_indices = #map1}, {transform_indices = #map1}, {transform_indices = #map}, {transform_indices = #map}, {transform_indices = #map}]} {
    %eq3A = arith.constant 0 : i32
    %eq3A_0 = arith.cmpi eq, %arg0, %eq3A : i32
    %convert_element_type3A = arith.extui %eq3A_0 : i1 to i32
    %cond3A = arith.constant 0 : i32
    %cond3A_1 = arith.cmpi ne, %convert_element_type3A, %cond3A : i32
    scf.if %cond3A_1 {
      %mul3A = arith.constant 16000 : i32
      %mul3A_7 = arith.muli %arg1, %mul3A : i32
      "tpu.region"() ({
        %run_scoped3A_213 = tpu.sem_alloc : memref<!tpu.dma_semaphore, #tpu.memory_space<semaphore_mem>>
        %dma_start3A_214 = tpu.memref_slice %arg4[%mul3A_7] : memref<256000xi32, #tpu.memory_space<hbm>> -> memref<16000xi32, #tpu.memory_space<hbm>>
        %dma_start3A_215 = tpu.memref_slice %arg4[%mul3A_7] : memref<256000xi32, #tpu.memory_space<hbm>> -> memref<16000xi32, #tpu.memory_space<hbm>>
        tpu.enqueue_dma source(%dma_start3A_215 : memref<16000xi32, #tpu.memory_space<hbm>>) target(%arg12 : memref<16000xi32, #tpu.memory_space<vmem>>) target_semaphore(%run_scoped3A_213 : memref<!tpu.dma_semaphore, #tpu.memory_space<semaphore_mem>>)
        %dma_wait3A_216 = tpu.memref_slice %arg4[%mul3A_7] : memref<256000xi32, #tpu.memory_space<hbm>> -> memref<16000xi32, #tpu.memory_space<hbm>>
        %dma_wait3A_217 = tpu.memref_slice %arg4[%mul3A_7] : memref<256000xi32, #tpu.memory_space<hbm>> -> memref<16000xi32, #tpu.memory_space<hbm>>
        tpu.wait_dma2 semaphore(%run_scoped3A_213 : memref<!tpu.dma_semaphore, #tpu.memory_space<semaphore_mem>>) src(%dma_wait3A_217 : memref<16000xi32, #tpu.memory_space<hbm>>) dst(%arg12 : memref<16000xi32, #tpu.memory_space<vmem>>)
        tpu.yield
      }) : () -> ()
      %add3A = arith.constant 0 : i32
      %add3A_8 = arith.addi %add3A, %arg1 : i32
      %lt3A = arith.constant 125 : i32
      %lt3A_9 = arith.cmpi slt, %add3A_8, %lt3A : i32
      %convert_element_type3A_10 = arith.extui %lt3A_9 : i1 to i32
      %cond3A_11 = arith.constant 0 : i32
      %cond3A_12 = arith.cmpi ne, %convert_element_type3A_10, %cond3A_11 : i32
      scf.if %cond3A_12 {
        %mul3A_213 = arith.constant 80 : i32
        %mul3A_214 = arith.muli %add3A_8, %mul3A_213 : i32
        "tpu.region"() ({
          %run_scoped3A_215 = tpu.sem_alloc : memref<!tpu.dma_semaphore, #tpu.memory_space<semaphore_mem>>
          %dma_start3A_216 = arith.constant 0 : i32
          %dma_start3A_217 = tpu.memref_slice %arg11[%mul3A_214, %dma_start3A_216] : memref<10000x128xf32, #tpu.memory_space<vmem_shared>> -> memref<80x128xf32, #tpu.memory_space<vmem_shared>>
          tpu.enqueue_dma source(%arg8 : memref<80x128xf32, #tpu.memory_space<hbm>>) target(%dma_start3A_217 : memref<80x128xf32, #tpu.memory_space<vmem_shared>>) target_semaphore(%run_scoped3A_215 : memref<!tpu.dma_semaphore, #tpu.memory_space<semaphore_mem>>)
          %dma_wait3A_218 = arith.constant 0 : i32
          %dma_wait3A_219 = tpu.memref_slice %arg11[%mul3A_214, %dma_wait3A_218] : memref<10000x128xf32, #tpu.memory_space<vmem_shared>> -> memref<80x128xf32, #tpu.memory_space<vmem_shared>>
          tpu.wait_dma2 semaphore(%run_scoped3A_215 : memref<!tpu.dma_semaphore, #tpu.memory_space<semaphore_mem>>) src(%arg8 : memref<80x128xf32, #tpu.memory_space<hbm>>) dst(%dma_wait3A_219 : memref<80x128xf32, #tpu.memory_space<vmem_shared>>)
          tpu.yield
        }) : () -> ()
      } else {
      }
      %add3A_13 = arith.constant 16 : i32
      %add3A_14 = arith.addi %add3A_13, %arg1 : i32
      %lt3A_15 = arith.constant 125 : i32
      %lt3A_16 = arith.cmpi slt, %add3A_14, %lt3A_15 : i32
      %convert_element_type3A_17 = arith.extui %lt3A_16 : i1 to i32
      %cond3A_18 = arith.constant 0 : i32
      %cond3A_19 = arith.cmpi ne, %convert_element_type3A_17, %cond3A_18 : i32
      scf.if %cond3A_19 {
        %mul3A_213 = arith.constant 80 : i32
        %mul3A_214 = arith.muli %add3A_14, %mul3A_213 : i32
        "tpu.region"() ({
          %run_scoped3A_215 = tpu.sem_alloc : memref<!tpu.dma_semaphore, #tpu.memory_space<semaphore_mem>>
          %dma_start3A_216 = arith.constant 0 : i32
          %dma_start3A_217 = tpu.memref_slice %arg11[%mul3A_214, %dma_start3A_216] : memref<10000x128xf32, #tpu.memory_space<vmem_shared>> -> memref<80x128xf32, #tpu.memory_space<vmem_shared>>
          tpu.enqueue_dma source(%arg8 : memref<80x128xf32, #tpu.memory_space<hbm>>) target(%dma_start3A_217 : memref<80x128xf32, #tpu.memory_space<vmem_shared>>) target_semaphore(%run_scoped3A_215 : memref<!tpu.dma_semaphore, #tpu.memory_space<semaphore_mem>>)
          %dma_wait3A_218 = arith.constant 0 : i32
          %dma_wait3A_219 = tpu.memref_slice %arg11[%mul3A_214, %dma_wait3A_218] : memref<10000x128xf32, #tpu.memory_space<vmem_shared>> -> memref<80x128xf32, #tpu.memory_space<vmem_shared>>
          tpu.wait_dma2 semaphore(%run_scoped3A_215 : memref<!tpu.dma_semaphore, #tpu.memory_space<semaphore_mem>>) src(%arg8 : memref<80x128xf32, #tpu.memory_space<hbm>>) dst(%dma_wait3A_219 : memref<80x128xf32, #tpu.memory_space<vmem_shared>>)
          tpu.yield
        }) : () -> ()
      } else {
      }
      %add3A_20 = arith.constant 32 : i32
      %add3A_21 = arith.addi %add3A_20, %arg1 : i32
      %lt3A_22 = arith.constant 125 : i32
      %lt3A_23 = arith.cmpi slt, %add3A_21, %lt3A_22 : i32
      %convert_element_type3A_24 = arith.extui %lt3A_23 : i1 to i32
      %cond3A_25 = arith.constant 0 : i32
      %cond3A_26 = arith.cmpi ne, %convert_element_type3A_24, %cond3A_25 : i32
      scf.if %cond3A_26 {
        %mul3A_213 = arith.constant 80 : i32
        %mul3A_214 = arith.muli %add3A_21, %mul3A_213 : i32
        "tpu.region"() ({
          %run_scoped3A_215 = tpu.sem_alloc : memref<!tpu.dma_semaphore, #tpu.memory_space<semaphore_mem>>
          %dma_start3A_216 = arith.constant 0 : i32
          %dma_start3A_217 = tpu.memref_slice %arg11[%mul3A_214, %dma_start3A_216] : memref<10000x128xf32, #tpu.memory_space<vmem_shared>> -> memref<80x128xf32, #tpu.memory_space<vmem_shared>>
          tpu.enqueue_dma source(%arg8 : memref<80x128xf32, #tpu.memory_space<hbm>>) target(%dma_start3A_217 : memref<80x128xf32, #tpu.memory_space<vmem_shared>>) target_semaphore(%run_scoped3A_215 : memref<!tpu.dma_semaphore, #tpu.memory_space<semaphore_mem>>)
          %dma_wait3A_218 = arith.constant 0 : i32
          %dma_wait3A_219 = tpu.memref_slice %arg11[%mul3A_214, %dma_wait3A_218] : memref<10000x128xf32, #tpu.memory_space<vmem_shared>> -> memref<80x128xf32, #tpu.memory_space<vmem_shared>>
          tpu.wait_dma2 semaphore(%run_scoped3A_215 : memref<!tpu.dma_semaphore, #tpu.memory_space<semaphore_mem>>) src(%arg8 : memref<80x128xf32, #tpu.memory_space<hbm>>) dst(%dma_wait3A_219 : memref<80x128xf32, #tpu.memory_space<vmem_shared>>)
          tpu.yield
        }) : () -> ()
      } else {
      }
      %add3A_27 = arith.constant 48 : i32
      %add3A_28 = arith.addi %add3A_27, %arg1 : i32
      %lt3A_29 = arith.constant 125 : i32
      %lt3A_30 = arith.cmpi slt, %add3A_28, %lt3A_29 : i32
      %convert_element_type3A_31 = arith.extui %lt3A_30 : i1 to i32
      %cond3A_32 = arith.constant 0 : i32
      %cond3A_33 = arith.cmpi ne, %convert_element_type3A_31, %cond3A_32 : i32
      scf.if %cond3A_33 {
        %mul3A_213 = arith.constant 80 : i32
        %mul3A_214 = arith.muli %add3A_28, %mul3A_213 : i32
        "tpu.region"() ({
          %run_scoped3A_215 = tpu.sem_alloc : memref<!tpu.dma_semaphore, #tpu.memory_space<semaphore_mem>>
          %dma_start3A_216 = arith.constant 0 : i32
          %dma_start3A_217 = tpu.memref_slice %arg11[%mul3A_214, %dma_start3A_216] : memref<10000x128xf32, #tpu.memory_space<vmem_shared>> -> memref<80x128xf32, #tpu.memory_space<vmem_shared>>
          tpu.enqueue_dma source(%arg8 : memref<80x128xf32, #tpu.memory_space<hbm>>) target(%dma_start3A_217 : memref<80x128xf32, #tpu.memory_space<vmem_shared>>) target_semaphore(%run_scoped3A_215 : memref<!tpu.dma_semaphore, #tpu.memory_space<semaphore_mem>>)
          %dma_wait3A_218 = arith.constant 0 : i32
          %dma_wait3A_219 = tpu.memref_slice %arg11[%mul3A_214, %dma_wait3A_218] : memref<10000x128xf32, #tpu.memory_space<vmem_shared>> -> memref<80x128xf32, #tpu.memory_space<vmem_shared>>
          tpu.wait_dma2 semaphore(%run_scoped3A_215 : memref<!tpu.dma_semaphore, #tpu.memory_space<semaphore_mem>>) src(%arg8 : memref<80x128xf32, #tpu.memory_space<hbm>>) dst(%dma_wait3A_219 : memref<80x128xf32, #tpu.memory_space<vmem_shared>>)
          tpu.yield
        }) : () -> ()
      } else {
      }
      %add3A_34 = arith.constant 64 : i32
      %add3A_35 = arith.addi %add3A_34, %arg1 : i32
      %lt3A_36 = arith.constant 125 : i32
      %lt3A_37 = arith.cmpi slt, %add3A_35, %lt3A_36 : i32
      %convert_element_type3A_38 = arith.extui %lt3A_37 : i1 to i32
      %cond3A_39 = arith.constant 0 : i32
      %cond3A_40 = arith.cmpi ne, %convert_element_type3A_38, %cond3A_39 : i32
      scf.if %cond3A_40 {
        %mul3A_213 = arith.constant 80 : i32
        %mul3A_214 = arith.muli %add3A_35, %mul3A_213 : i32
        "tpu.region"() ({
          %run_scoped3A_215 = tpu.sem_alloc : memref<!tpu.dma_semaphore, #tpu.memory_space<semaphore_mem>>
          %dma_start3A_216 = arith.constant 0 : i32
          %dma_start3A_217 = tpu.memref_slice %arg11[%mul3A_214, %dma_start3A_216] : memref<10000x128xf32, #tpu.memory_space<vmem_shared>> -> memref<80x128xf32, #tpu.memory_space<vmem_shared>>
          tpu.enqueue_dma source(%arg8 : memref<80x128xf32, #tpu.memory_space<hbm>>) target(%dma_start3A_217 : memref<80x128xf32, #tpu.memory_space<vmem_shared>>) target_semaphore(%run_scoped3A_215 : memref<!tpu.dma_semaphore, #tpu.memory_space<semaphore_mem>>)
          %dma_wait3A_218 = arith.constant 0 : i32
          %dma_wait3A_219 = tpu.memref_slice %arg11[%mul3A_214, %dma_wait3A_218] : memref<10000x128xf32, #tpu.memory_space<vmem_shared>> -> memref<80x128xf32, #tpu.memory_space<vmem_shared>>
          tpu.wait_dma2 semaphore(%run_scoped3A_215 : memref<!tpu.dma_semaphore, #tpu.memory_space<semaphore_mem>>) src(%arg8 : memref<80x128xf32, #tpu.memory_space<hbm>>) dst(%dma_wait3A_219 : memref<80x128xf32, #tpu.memory_space<vmem_shared>>)
          tpu.yield
        }) : () -> ()
      } else {
      }
      %add3A_41 = arith.constant 80 : i32
      %add3A_42 = arith.addi %add3A_41, %arg1 : i32
      %lt3A_43 = arith.constant 125 : i32
      %lt3A_44 = arith.cmpi slt, %add3A_42, %lt3A_43 : i32
      %convert_element_type3A_45 = arith.extui %lt3A_44 : i1 to i32
      %cond3A_46 = arith.constant 0 : i32
      %cond3A_47 = arith.cmpi ne, %convert_element_type3A_45, %cond3A_46 : i32
      scf.if %cond3A_47 {
        %mul3A_213 = arith.constant 80 : i32
        %mul3A_214 = arith.muli %add3A_42, %mul3A_213 : i32
        "tpu.region"() ({
          %run_scoped3A_215 = tpu.sem_alloc : memref<!tpu.dma_semaphore, #tpu.memory_space<semaphore_mem>>
          %dma_start3A_216 = arith.constant 0 : i32
          %dma_start3A_217 = tpu.memref_slice %arg11[%mul3A_214, %dma_start3A_216] : memref<10000x128xf32, #tpu.memory_space<vmem_shared>> -> memref<80x128xf32, #tpu.memory_space<vmem_shared>>
          tpu.enqueue_dma source(%arg8 : memref<80x128xf32, #tpu.memory_space<hbm>>) target(%dma_start3A_217 : memref<80x128xf32, #tpu.memory_space<vmem_shared>>) target_semaphore(%run_scoped3A_215 : memref<!tpu.dma_semaphore, #tpu.memory_space<semaphore_mem>>)
          %dma_wait3A_218 = arith.constant 0 : i32
          %dma_wait3A_219 = tpu.memref_slice %arg11[%mul3A_214, %dma_wait3A_218] : memref<10000x128xf32, #tpu.memory_space<vmem_shared>> -> memref<80x128xf32, #tpu.memory_space<vmem_shared>>
          tpu.wait_dma2 semaphore(%run_scoped3A_215 : memref<!tpu.dma_semaphore, #tpu.memory_space<semaphore_mem>>) src(%arg8 : memref<80x128xf32, #tpu.memory_space<hbm>>) dst(%dma_wait3A_219 : memref<80x128xf32, #tpu.memory_space<vmem_shared>>)
          tpu.yield
        }) : () -> ()
      } else {
      }
      %add3A_48 = arith.constant 96 : i32
      %add3A_49 = arith.addi %add3A_48, %arg1 : i32
      %lt3A_50 = arith.constant 125 : i32
      %lt3A_51 = arith.cmpi slt, %add3A_49, %lt3A_50 : i32
      %convert_element_type3A_52 = arith.extui %lt3A_51 : i1 to i32
      %cond3A_53 = arith.constant 0 : i32
      %cond3A_54 = arith.cmpi ne, %convert_element_type3A_52, %cond3A_53 : i32
      scf.if %cond3A_54 {
        %mul3A_213 = arith.constant 80 : i32
        %mul3A_214 = arith.muli %add3A_49, %mul3A_213 : i32
        "tpu.region"() ({
          %run_scoped3A_215 = tpu.sem_alloc : memref<!tpu.dma_semaphore, #tpu.memory_space<semaphore_mem>>
          %dma_start3A_216 = arith.constant 0 : i32
          %dma_start3A_217 = tpu.memref_slice %arg11[%mul3A_214, %dma_start3A_216] : memref<10000x128xf32, #tpu.memory_space<vmem_shared>> -> memref<80x128xf32, #tpu.memory_space<vmem_shared>>
          tpu.enqueue_dma source(%arg8 : memref<80x128xf32, #tpu.memory_space<hbm>>) target(%dma_start3A_217 : memref<80x128xf32, #tpu.memory_space<vmem_shared>>) target_semaphore(%run_scoped3A_215 : memref<!tpu.dma_semaphore, #tpu.memory_space<semaphore_mem>>)
          %dma_wait3A_218 = arith.constant 0 : i32
          %dma_wait3A_219 = tpu.memref_slice %arg11[%mul3A_214, %dma_wait3A_218] : memref<10000x128xf32, #tpu.memory_space<vmem_shared>> -> memref<80x128xf32, #tpu.memory_space<vmem_shared>>
          tpu.wait_dma2 semaphore(%run_scoped3A_215 : memref<!tpu.dma_semaphore, #tpu.memory_space<semaphore_mem>>) src(%arg8 : memref<80x128xf32, #tpu.memory_space<hbm>>) dst(%dma_wait3A_219 : memref<80x128xf32, #tpu.memory_space<vmem_shared>>)
          tpu.yield
        }) : () -> ()
      } else {
      }
      %add3A_55 = arith.constant 112 : i32
      %add3A_56 = arith.addi %add3A_55, %arg1 : i32
      %lt3A_57 = arith.constant 125 : i32
      %lt3A_58 = arith.cmpi slt, %add3A_56, %lt3A_57 : i32
      %convert_element_type3A_59 = arith.extui %lt3A_58 : i1 to i32
      %cond3A_60 = arith.constant 0 : i32
      %cond3A_61 = arith.cmpi ne, %convert_element_type3A_59, %cond3A_60 : i32
      scf.if %cond3A_61 {
        %mul3A_213 = arith.constant 80 : i32
        %mul3A_214 = arith.muli %add3A_56, %mul3A_213 : i32
        "tpu.region"() ({
          %run_scoped3A_215 = tpu.sem_alloc : memref<!tpu.dma_semaphore, #tpu.memory_space<semaphore_mem>>
          %dma_start3A_216 = arith.constant 0 : i32
          %dma_start3A_217 = tpu.memref_slice %arg11[%mul3A_214, %dma_start3A_216] : memref<10000x128xf32, #tpu.memory_space<vmem_shared>> -> memref<80x128xf32, #tpu.memory_space<vmem_shared>>
          tpu.enqueue_dma source(%arg8 : memref<80x128xf32, #tpu.memory_space<hbm>>) target(%dma_start3A_217 : memref<80x128xf32, #tpu.memory_space<vmem_shared>>) target_semaphore(%run_scoped3A_215 : memref<!tpu.dma_semaphore, #tpu.memory_space<semaphore_mem>>)
          %dma_wait3A_218 = arith.constant 0 : i32
          %dma_wait3A_219 = tpu.memref_slice %arg11[%mul3A_214, %dma_wait3A_218] : memref<10000x128xf32, #tpu.memory_space<vmem_shared>> -> memref<80x128xf32, #tpu.memory_space<vmem_shared>>
          tpu.wait_dma2 semaphore(%run_scoped3A_215 : memref<!tpu.dma_semaphore, #tpu.memory_space<semaphore_mem>>) src(%arg8 : memref<80x128xf32, #tpu.memory_space<hbm>>) dst(%dma_wait3A_219 : memref<80x128xf32, #tpu.memory_space<vmem_shared>>)
          tpu.yield
        }) : () -> ()
      } else {
      }
      %barrier3A = arith.constant 0 : index
      tpu.barrier barrier_id(%barrier3A)
      %mul3A_62 = arith.constant 16000 : i32
      %mul3A_63 = arith.muli %arg1, %mul3A_62 : i32
      %add3A_64 = arith.constant 0 : i32
      %add3A_65 = arith.addi %mul3A_63, %add3A_64 : i32
      %dma_start3A = arith.constant 0 : i32
      %dma_start3A_66 = arith.constant 0 : i32
      %dma_start3A_67 = arith.constant 0 : i32
      %dma_start3A_68 = tpu.memref_slice %arg13[%dma_start3A, %dma_start3A_67] : memref<8x128xi32, #tpu.memory_space<vmem>> -> memref<1x128xi32, #tpu.memory_space<vmem>>
      %dma_start3A_69 = tpu.memref_squeeze %dma_start3A_68 : memref<1x128xi32, #tpu.memory_space<vmem>> -> memref<128xi32, #tpu.memory_space<vmem>>
      %dma_start3A_70 = tpu.memref_slice %arg5[%add3A_65] : memref<256000xi32, #tpu.memory_space<hbm>> -> memref<128xi32, #tpu.memory_space<hbm>>
      %dma_start3A_71 = tpu.memref_slice %arg16[%dma_start3A_66] : memref<2x!tpu.dma_semaphore, #tpu.memory_space<semaphore_mem>> -> memref<1x!tpu.dma_semaphore, #tpu.memory_space<semaphore_mem>>
      %dma_start3A_72 = tpu.memref_squeeze %dma_start3A_71 : memref<1x!tpu.dma_semaphore, #tpu.memory_space<semaphore_mem>> -> memref<!tpu.dma_semaphore, #tpu.memory_space<semaphore_mem>>
      %dma_start3A_73 = arith.constant 0 : i32
      %dma_start3A_74 = tpu.memref_slice %arg13[%dma_start3A, %dma_start3A_73] : memref<8x128xi32, #tpu.memory_space<vmem>> -> memref<1x128xi32, #tpu.memory_space<vmem>>
      %dma_start3A_75 = tpu.memref_squeeze %dma_start3A_74 : memref<1x128xi32, #tpu.memory_space<vmem>> -> memref<128xi32, #tpu.memory_space<vmem>>
      %dma_start3A_76 = tpu.memref_slice %arg5[%add3A_65] : memref<256000xi32, #tpu.memory_space<hbm>> -> memref<128xi32, #tpu.memory_space<hbm>>
      tpu.enqueue_dma source(%dma_start3A_76 : memref<128xi32, #tpu.memory_space<hbm>>) target(%dma_start3A_75 : memref<128xi32, #tpu.memory_space<vmem>>) target_semaphore(%dma_start3A_72 : memref<!tpu.dma_semaphore, #tpu.memory_space<semaphore_mem>>)
      %dma_start3A_77 = arith.constant 0 : i32
      %dma_start3A_78 = arith.constant 0 : i32
      %dma_start3A_79 = arith.constant 0 : i32
      %dma_start3A_80 = arith.constant 0 : i32
      %dma_start3A_81 = tpu.memref_slice %arg14[%dma_start3A_77, %dma_start3A_79, %dma_start3A_80] : memref<2x128x128xf32, #tpu.memory_space<vmem>> -> memref<1x128x128xf32, #tpu.memory_space<vmem>>
      %dma_start3A_82 = tpu.memref_squeeze %dma_start3A_81 : memref<1x128x128xf32, #tpu.memory_space<vmem>> -> memref<128x128xf32, #tpu.memory_space<vmem>>
      %dma_start3A_83 = arith.constant 0 : i32
      %dma_start3A_84 = tpu.memref_slice %arg12[%dma_start3A_83] : memref<16000xi32, #tpu.memory_space<vmem>> -> memref<128xi32, #tpu.memory_space<vmem>>
      %dma_start3A_85 = arith.constant 0 : i32
      %dma_start3A_86 = arith.constant 0 : i32
      %dma_start3A_87 = tpu.memref_slice %arg2[%dma_start3A_85, %dma_start3A_86] : memref<10000x128xf32, #tpu.memory_space<hbm>> -> memref<10000x128xf32, #tpu.memory_space<hbm>>
      %dma_start3A_88 = tpu.memref_slice %arg15[%dma_start3A_78] : memref<2x!tpu.dma_semaphore, #tpu.memory_space<semaphore_mem>> -> memref<1x!tpu.dma_semaphore, #tpu.memory_space<semaphore_mem>>
      %dma_start3A_89 = tpu.memref_squeeze %dma_start3A_88 : memref<1x!tpu.dma_semaphore, #tpu.memory_space<semaphore_mem>> -> memref<!tpu.dma_semaphore, #tpu.memory_space<semaphore_mem>>
      tpu.enqueue_indirect_dma source(%dma_start3A_87 : memref<10000x128xf32, #tpu.memory_space<hbm>>) target(%dma_start3A_82 : memref<128x128xf32, #tpu.memory_space<vmem>>) offsets(%dma_start3A_84 : memref<128xi32, #tpu.memory_space<vmem>>) semaphore(%dma_start3A_89 : memref<!tpu.dma_semaphore, #tpu.memory_space<semaphore_mem>>)
      %mul3A_90 = arith.constant 16000 : i32
      %mul3A_91 = arith.muli %arg1, %mul3A_90 : i32
      %add3A_92 = arith.constant 128 : i32
      %add3A_93 = arith.addi %mul3A_91, %add3A_92 : i32
      %dma_start3A_94 = arith.constant 1 : i32
      %dma_start3A_95 = arith.constant 1 : i32
      %dma_start3A_96 = arith.constant 0 : i32
      %dma_start3A_97 = tpu.memref_slice %arg13[%dma_start3A_94, %dma_start3A_96] : memref<8x128xi32, #tpu.memory_space<vmem>> -> memref<1x128xi32, #tpu.memory_space<vmem>>
      %dma_start3A_98 = tpu.memref_squeeze %dma_start3A_97 : memref<1x128xi32, #tpu.memory_space<vmem>> -> memref<128xi32, #tpu.memory_space<vmem>>
      %dma_start3A_99 = tpu.memref_slice %arg5[%add3A_93] : memref<256000xi32, #tpu.memory_space<hbm>> -> memref<128xi32, #tpu.memory_space<hbm>>
      %dma_start3A_100 = tpu.memref_slice %arg16[%dma_start3A_95] : memref<2x!tpu.dma_semaphore, #tpu.memory_space<semaphore_mem>> -> memref<1x!tpu.dma_semaphore, #tpu.memory_space<semaphore_mem>>
      %dma_start3A_101 = tpu.memref_squeeze %dma_start3A_100 : memref<1x!tpu.dma_semaphore, #tpu.memory_space<semaphore_mem>> -> memref<!tpu.dma_semaphore, #tpu.memory_space<semaphore_mem>>
      %dma_start3A_102 = arith.constant 0 : i32
      %dma_start3A_103 = tpu.memref_slice %arg13[%dma_start3A_94, %dma_start3A_102] : memref<8x128xi32, #tpu.memory_space<vmem>> -> memref<1x128xi32, #tpu.memory_space<vmem>>
      %dma_start3A_104 = tpu.memref_squeeze %dma_start3A_103 : memref<1x128xi32, #tpu.memory_space<vmem>> -> memref<128xi32, #tpu.memory_space<vmem>>
      %dma_start3A_105 = tpu.memref_slice %arg5[%add3A_93] : memref<256000xi32, #tpu.memory_space<hbm>> -> memref<128xi32, #tpu.memory_space<hbm>>
      tpu.enqueue_dma source(%dma_start3A_105 : memref<128xi32, #tpu.memory_space<hbm>>) target(%dma_start3A_104 : memref<128xi32, #tpu.memory_space<vmem>>) target_semaphore(%dma_start3A_101 : memref<!tpu.dma_semaphore, #tpu.memory_space<semaphore_mem>>)
      %dma_start3A_106 = arith.constant 1 : i32
      %dma_start3A_107 = arith.constant 1 : i32
      %dma_start3A_108 = arith.constant 0 : i32
      %dma_start3A_109 = arith.constant 0 : i32
      %dma_start3A_110 = tpu.memref_slice %arg14[%dma_start3A_106, %dma_start3A_108, %dma_start3A_109] : memref<2x128x128xf32, #tpu.memory_space<vmem>> -> memref<1x128x128xf32, #tpu.memory_space<vmem>>
      %dma_start3A_111 = tpu.memref_squeeze %dma_start3A_110 : memref<1x128x128xf32, #tpu.memory_space<vmem>> -> memref<128x128xf32, #tpu.memory_space<vmem>>
      %dma_start3A_112 = arith.constant 128 : i32
      %dma_start3A_113 = tpu.memref_slice %arg12[%dma_start3A_112] : memref<16000xi32, #tpu.memory_space<vmem>> -> memref<128xi32, #tpu.memory_space<vmem>>
      %dma_start3A_114 = arith.constant 0 : i32
      %dma_start3A_115 = arith.constant 0 : i32
      %dma_start3A_116 = tpu.memref_slice %arg2[%dma_start3A_114, %dma_start3A_115] : memref<10000x128xf32, #tpu.memory_space<hbm>> -> memref<10000x128xf32, #tpu.memory_space<hbm>>
      %dma_start3A_117 = tpu.memref_slice %arg15[%dma_start3A_107] : memref<2x!tpu.dma_semaphore, #tpu.memory_space<semaphore_mem>> -> memref<1x!tpu.dma_semaphore, #tpu.memory_space<semaphore_mem>>
      %dma_start3A_118 = tpu.memref_squeeze %dma_start3A_117 : memref<1x!tpu.dma_semaphore, #tpu.memory_space<semaphore_mem>> -> memref<!tpu.dma_semaphore, #tpu.memory_space<semaphore_mem>>
      tpu.enqueue_indirect_dma source(%dma_start3A_116 : memref<10000x128xf32, #tpu.memory_space<hbm>>) target(%dma_start3A_111 : memref<128x128xf32, #tpu.memory_space<vmem>>) offsets(%dma_start3A_113 : memref<128xi32, #tpu.memory_space<vmem>>) semaphore(%dma_start3A_118 : memref<!tpu.dma_semaphore, #tpu.memory_space<semaphore_mem>>)
      %scan3A = arith.constant 0 : i32
      %scan3A_119 = arith.constant 0 : i32
      %scan3A_120 = arith.constant 62 : i32
      %scan3A_121 = arith.addi %scan3A_119, %scan3A_120 : i32
      %scan3A_122 = arith.constant 1 : i32
      scf.for %scan3A_213 = %scan3A_119 to %scan3A_121 step %scan3A_122  : i32 {
        %mul3A_214 = arith.constant 2 : i32
        %mul3A_215 = arith.muli %scan3A_213, %mul3A_214 : i32
        %add3A_216 = arith.constant 0 : i32
        %add3A_217 = arith.addi %mul3A_215, %add3A_216 : i32
        %dma_wait3A_218 = arith.constant 0 : i32
        %dma_wait3A_219 = arith.constant 0 : i32
        %dma_wait3A_220 = arith.constant 0 : i32
        %dma_wait3A_221 = tpu.memref_slice %arg13[%dma_wait3A_218, %dma_wait3A_220] : memref<8x128xi32, #tpu.memory_space<vmem>> -> memref<1x128xi32, #tpu.memory_space<vmem>>
        %dma_wait3A_222 = tpu.memref_squeeze %dma_wait3A_221 : memref<1x128xi32, #tpu.memory_space<vmem>> -> memref<128xi32, #tpu.memory_space<vmem>>
        %dma_wait3A_223 = arith.constant 0 : i32
        %dma_wait3A_224 = tpu.memref_slice %arg5[%dma_wait3A_223] : memref<256000xi32, #tpu.memory_space<hbm>> -> memref<128xi32, #tpu.memory_space<hbm>>
        %dma_wait3A_225 = tpu.memref_slice %arg16[%dma_wait3A_219] : memref<2x!tpu.dma_semaphore, #tpu.memory_space<semaphore_mem>> -> memref<1x!tpu.dma_semaphore, #tpu.memory_space<semaphore_mem>>
        %dma_wait3A_226 = tpu.memref_squeeze %dma_wait3A_225 : memref<1x!tpu.dma_semaphore, #tpu.memory_space<semaphore_mem>> -> memref<!tpu.dma_semaphore, #tpu.memory_space<semaphore_mem>>
        %dma_wait3A_227 = arith.constant 0 : i32
        %dma_wait3A_228 = tpu.memref_slice %arg13[%dma_wait3A_218, %dma_wait3A_227] : memref<8x128xi32, #tpu.memory_space<vmem>> -> memref<1x128xi32, #tpu.memory_space<vmem>>
        %dma_wait3A_229 = tpu.memref_squeeze %dma_wait3A_228 : memref<1x128xi32, #tpu.memory_space<vmem>> -> memref<128xi32, #tpu.memory_space<vmem>>
        %dma_wait3A_230 = arith.constant 0 : i32
        %dma_wait3A_231 = tpu.memref_slice %arg5[%dma_wait3A_230] : memref<256000xi32, #tpu.memory_space<hbm>> -> memref<128xi32, #tpu.memory_space<hbm>>
        tpu.wait_dma2 semaphore(%dma_wait3A_226 : memref<!tpu.dma_semaphore, #tpu.memory_space<semaphore_mem>>) src(%dma_wait3A_231 : memref<128xi32, #tpu.memory_space<hbm>>) dst(%dma_wait3A_229 : memref<128xi32, #tpu.memory_space<vmem>>)
        %dma_wait3A_232 = arith.constant 0 : i32
        %dma_wait3A_233 = arith.constant 0 : i32
        %dma_wait3A_234 = arith.constant 0 : i32
        %dma_wait3A_235 = arith.constant 0 : i32
        %dma_wait3A_236 = tpu.memref_slice %arg14[%dma_wait3A_232, %dma_wait3A_234, %dma_wait3A_235] : memref<2x128x128xf32, #tpu.memory_space<vmem>> -> memref<1x128x128xf32, #tpu.memory_space<vmem>>
        %dma_wait3A_237 = tpu.memref_squeeze %dma_wait3A_236 : memref<1x128x128xf32, #tpu.memory_space<vmem>> -> memref<128x128xf32, #tpu.memory_space<vmem>>
        %dma_wait3A_238 = arith.constant 0 : i32
        %dma_wait3A_239 = arith.constant 0 : i32
        %dma_wait3A_240 = tpu.memref_slice %arg2[%dma_wait3A_238, %dma_wait3A_239] : memref<10000x128xf32, #tpu.memory_space<hbm>> -> memref<128x128xf32, #tpu.memory_space<hbm>>
        %dma_wait3A_241 = tpu.memref_slice %arg15[%dma_wait3A_233] : memref<2x!tpu.dma_semaphore, #tpu.memory_space<semaphore_mem>> -> memref<1x!tpu.dma_semaphore, #tpu.memory_space<semaphore_mem>>
        %dma_wait3A_242 = tpu.memref_squeeze %dma_wait3A_241 : memref<1x!tpu.dma_semaphore, #tpu.memory_space<semaphore_mem>> -> memref<!tpu.dma_semaphore, #tpu.memory_space<semaphore_mem>>
        %dma_wait3A_243 = arith.constant 0 : i32
        %dma_wait3A_244 = arith.constant 0 : i32
        %dma_wait3A_245 = tpu.memref_slice %arg14[%dma_wait3A_232, %dma_wait3A_243, %dma_wait3A_244] : memref<2x128x128xf32, #tpu.memory_space<vmem>> -> memref<1x128x128xf32, #tpu.memory_space<vmem>>
        %dma_wait3A_246 = tpu.memref_squeeze %dma_wait3A_245 : memref<1x128x128xf32, #tpu.memory_space<vmem>> -> memref<128x128xf32, #tpu.memory_space<vmem>>
        %dma_wait3A_247 = arith.constant 0 : i32
        %dma_wait3A_248 = arith.constant 0 : i32
        %dma_wait3A_249 = tpu.memref_slice %arg2[%dma_wait3A_247, %dma_wait3A_248] : memref<10000x128xf32, #tpu.memory_space<hbm>> -> memref<128x128xf32, #tpu.memory_space<hbm>>
        tpu.wait_dma2 semaphore(%dma_wait3A_242 : memref<!tpu.dma_semaphore, #tpu.memory_space<semaphore_mem>>) src(%dma_wait3A_249 : memref<128x128xf32, #tpu.memory_space<hbm>>) dst(%dma_wait3A_246 : memref<128x128xf32, #tpu.memory_space<vmem>>)
        %run_scoped3A_250 = arith.constant 0 : i32
        %run_scoped3A_251 = arith.constant 0 : i32
        "tpu.region"() ({
          %run_scoped3A_304 = tpu.sem_alloc : memref<!tpu.dma_semaphore, #tpu.memory_space<semaphore_mem>>
          %dma_start3A_305 = arith.constant 0 : i32
          %dma_start3A_306 = arith.constant 0 : i32
          %dma_start3A_307 = tpu.memref_slice %arg14[%run_scoped3A_250, %dma_start3A_305, %dma_start3A_306] : memref<2x128x128xf32, #tpu.memory_space<vmem>> -> memref<1x128x128xf32, #tpu.memory_space<vmem>>
          %dma_start3A_308 = tpu.memref_squeeze %dma_start3A_307 : memref<1x128x128xf32, #tpu.memory_space<vmem>> -> memref<128x128xf32, #tpu.memory_space<vmem>>
          %dma_start3A_309 = arith.constant 0 : i32
          %dma_start3A_310 = tpu.memref_slice %arg13[%run_scoped3A_251, %dma_start3A_309] : memref<8x128xi32, #tpu.memory_space<vmem>> -> memref<1x128xi32, #tpu.memory_space<vmem>>
          %dma_start3A_311 = tpu.memref_squeeze %dma_start3A_310 : memref<1x128xi32, #tpu.memory_space<vmem>> -> memref<128xi32, #tpu.memory_space<vmem>>
          %dma_start3A_312 = arith.constant 0 : i32
          %dma_start3A_313 = arith.constant 0 : i32
          %dma_start3A_314 = tpu.memref_slice %arg11[%dma_start3A_312, %dma_start3A_313] : memref<10000x128xf32, #tpu.memory_space<vmem_shared>> -> memref<10000x128xf32, #tpu.memory_space<vmem_shared>>
          tpu.enqueue_indirect_dma source(%dma_start3A_308 : memref<128x128xf32, #tpu.memory_space<vmem>>) target(%dma_start3A_314 : memref<10000x128xf32, #tpu.memory_space<vmem_shared>>) offsets(%dma_start3A_311 : memref<128xi32, #tpu.memory_space<vmem>>) semaphore(%run_scoped3A_304 : memref<!tpu.dma_semaphore, #tpu.memory_space<semaphore_mem>>) {add = true}
          %dma_wait3A_315 = arith.constant 0 : i32
          %dma_wait3A_316 = arith.constant 0 : i32
          %dma_wait3A_317 = tpu.memref_slice %arg14[%run_scoped3A_250, %dma_wait3A_315, %dma_wait3A_316] : memref<2x128x128xf32, #tpu.memory_space<vmem>> -> memref<1x128x128xf32, #tpu.memory_space<vmem>>
          %dma_wait3A_318 = tpu.memref_squeeze %dma_wait3A_317 : memref<1x128x128xf32, #tpu.memory_space<vmem>> -> memref<128x128xf32, #tpu.memory_space<vmem>>
          %dma_wait3A_319 = arith.constant 0 : i32
          %dma_wait3A_320 = tpu.memref_slice %arg13[%run_scoped3A_251, %dma_wait3A_319] : memref<8x128xi32, #tpu.memory_space<vmem>> -> memref<1x128xi32, #tpu.memory_space<vmem>>
          %dma_wait3A_321 = tpu.memref_squeeze %dma_wait3A_320 : memref<1x128xi32, #tpu.memory_space<vmem>> -> memref<128xi32, #tpu.memory_space<vmem>>
          %dma_wait3A_322 = arith.constant 0 : i32
          %dma_wait3A_323 = arith.constant 0 : i32
          %dma_wait3A_324 = tpu.memref_slice %arg11[%dma_wait3A_322, %dma_wait3A_323] : memref<10000x128xf32, #tpu.memory_space<vmem_shared>> -> memref<10000x128xf32, #tpu.memory_space<vmem_shared>>
          tpu.wait_indirect_dma semaphore(%run_scoped3A_304 : memref<!tpu.dma_semaphore, #tpu.memory_space<semaphore_mem>>) src(%dma_wait3A_318 : memref<128x128xf32, #tpu.memory_space<vmem>>) dst(%dma_wait3A_324 : memref<10000x128xf32, #tpu.memory_space<vmem_shared>>)
          tpu.yield
        }) : () -> ()
        %add3A_252 = arith.constant 2 : i32
        %add3A_253 = arith.addi %add3A_217, %add3A_252 : i32
        %lt3A_254 = arith.constant 125 : i32
        %lt3A_255 = arith.cmpi slt, %add3A_253, %lt3A_254 : i32
        %convert_element_type3A_256 = arith.extui %lt3A_255 : i1 to i32
        %cond3A_257 = arith.constant 0 : i32
        %cond3A_258 = arith.cmpi ne, %convert_element_type3A_256, %cond3A_257 : i32
        scf.if %cond3A_258 {
          %add3A_304 = arith.constant 2 : i32
          %add3A_305 = arith.addi %add3A_217, %add3A_304 : i32
          %mul3A_306 = arith.constant 16000 : i32
          %mul3A_307 = arith.muli %arg1, %mul3A_306 : i32
          %mul3A_308 = arith.constant 128 : i32
          %mul3A_309 = arith.muli %add3A_305, %mul3A_308 : i32
          %add3A_310 = arith.addi %mul3A_307, %mul3A_309 : i32
          %dma_start3A_311 = arith.constant 0 : i32
          %dma_start3A_312 = arith.constant 0 : i32
          %dma_start3A_313 = arith.constant 0 : i32
          %dma_start3A_314 = tpu.memref_slice %arg13[%dma_start3A_311, %dma_start3A_313] : memref<8x128xi32, #tpu.memory_space<vmem>> -> memref<1x128xi32, #tpu.memory_space<vmem>>
          %dma_start3A_315 = tpu.memref_squeeze %dma_start3A_314 : memref<1x128xi32, #tpu.memory_space<vmem>> -> memref<128xi32, #tpu.memory_space<vmem>>
          %dma_start3A_316 = tpu.memref_slice %arg5[%add3A_310] : memref<256000xi32, #tpu.memory_space<hbm>> -> memref<128xi32, #tpu.memory_space<hbm>>
          %dma_start3A_317 = tpu.memref_slice %arg16[%dma_start3A_312] : memref<2x!tpu.dma_semaphore, #tpu.memory_space<semaphore_mem>> -> memref<1x!tpu.dma_semaphore, #tpu.memory_space<semaphore_mem>>
          %dma_start3A_318 = tpu.memref_squeeze %dma_start3A_317 : memref<1x!tpu.dma_semaphore, #tpu.memory_space<semaphore_mem>> -> memref<!tpu.dma_semaphore, #tpu.memory_space<semaphore_mem>>
          %dma_start3A_319 = arith.constant 0 : i32
          %dma_start3A_320 = tpu.memref_slice %arg13[%dma_start3A_311, %dma_start3A_319] : memref<8x128xi32, #tpu.memory_space<vmem>> -> memref<1x128xi32, #tpu.memory_space<vmem>>
          %dma_start3A_321 = tpu.memref_squeeze %dma_start3A_320 : memref<1x128xi32, #tpu.memory_space<vmem>> -> memref<128xi32, #tpu.memory_space<vmem>>
          %dma_start3A_322 = tpu.memref_slice %arg5[%add3A_310] : memref<256000xi32, #tpu.memory_space<hbm>> -> memref<128xi32, #tpu.memory_space<hbm>>
          tpu.enqueue_dma source(%dma_start3A_322 : memref<128xi32, #tpu.memory_space<hbm>>) target(%dma_start3A_321 : memref<128xi32, #tpu.memory_space<vmem>>) target_semaphore(%dma_start3A_318 : memref<!tpu.dma_semaphore, #tpu.memory_space<semaphore_mem>>)
          %mul3A_323 = arith.constant 128 : i32
          %mul3A_324 = arith.muli %add3A_305, %mul3A_323 : i32
          %dma_start3A_325 = arith.constant 0 : i32
          %dma_start3A_326 = arith.constant 0 : i32
          %dma_start3A_327 = arith.constant 0 : i32
          %dma_start3A_328 = arith.constant 0 : i32
          %dma_start3A_329 = tpu.memref_slice %arg14[%dma_start3A_325, %dma_start3A_327, %dma_start3A_328] : memref<2x128x128xf32, #tpu.memory_space<vmem>> -> memref<1x128x128xf32, #tpu.memory_space<vmem>>
          %dma_start3A_330 = tpu.memref_squeeze %dma_start3A_329 : memref<1x128x128xf32, #tpu.memory_space<vmem>> -> memref<128x128xf32, #tpu.memory_space<vmem>>
          %dma_start3A_331 = tpu.memref_slice %arg12[%mul3A_324] : memref<16000xi32, #tpu.memory_space<vmem>> -> memref<128xi32, #tpu.memory_space<vmem>>
          %dma_start3A_332 = arith.constant 0 : i32
          %dma_start3A_333 = arith.constant 0 : i32
          %dma_start3A_334 = tpu.memref_slice %arg2[%dma_start3A_332, %dma_start3A_333] : memref<10000x128xf32, #tpu.memory_space<hbm>> -> memref<10000x128xf32, #tpu.memory_space<hbm>>
          %dma_start3A_335 = tpu.memref_slice %arg15[%dma_start3A_326] : memref<2x!tpu.dma_semaphore, #tpu.memory_space<semaphore_mem>> -> memref<1x!tpu.dma_semaphore, #tpu.memory_space<semaphore_mem>>
          %dma_start3A_336 = tpu.memref_squeeze %dma_start3A_335 : memref<1x!tpu.dma_semaphore, #tpu.memory_space<semaphore_mem>> -> memref<!tpu.dma_semaphore, #tpu.memory_space<semaphore_mem>>
          tpu.enqueue_indirect_dma source(%dma_start3A_334 : memref<10000x128xf32, #tpu.memory_space<hbm>>) target(%dma_start3A_330 : memref<128x128xf32, #tpu.memory_space<vmem>>) offsets(%dma_start3A_331 : memref<128xi32, #tpu.memory_space<vmem>>) semaphore(%dma_start3A_336 : memref<!tpu.dma_semaphore, #tpu.memory_space<semaphore_mem>>)
        } else {
        }
        %mul3A_259 = arith.constant 2 : i32
        %mul3A_260 = arith.muli %scan3A_213, %mul3A_259 : i32
        %add3A_261 = arith.constant 1 : i32
        %add3A_262 = arith.addi %mul3A_260, %add3A_261 : i32
        %dma_wait3A_263 = arith.constant 1 : i32
        %dma_wait3A_264 = arith.constant 1 : i32
        %dma_wait3A_265 = arith.constant 0 : i32
        %dma_wait3A_266 = tpu.memref_slice %arg13[%dma_wait3A_263, %dma_wait3A_265] : memref<8x128xi32, #tpu.memory_space<vmem>> -> memref<1x128xi32, #tpu.memory_space<vmem>>
        %dma_wait3A_267 = tpu.memref_squeeze %dma_wait3A_266 : memref<1x128xi32, #tpu.memory_space<vmem>> -> memref<128xi32, #tpu.memory_space<vmem>>
        %dma_wait3A_268 = arith.constant 0 : i32
        %dma_wait3A_269 = tpu.memref_slice %arg5[%dma_wait3A_268] : memref<256000xi32, #tpu.memory_space<hbm>> -> memref<128xi32, #tpu.memory_space<hbm>>
        %dma_wait3A_270 = tpu.memref_slice %arg16[%dma_wait3A_264] : memref<2x!tpu.dma_semaphore, #tpu.memory_space<semaphore_mem>> -> memref<1x!tpu.dma_semaphore, #tpu.memory_space<semaphore_mem>>
        %dma_wait3A_271 = tpu.memref_squeeze %dma_wait3A_270 : memref<1x!tpu.dma_semaphore, #tpu.memory_space<semaphore_mem>> -> memref<!tpu.dma_semaphore, #tpu.memory_space<semaphore_mem>>
        %dma_wait3A_272 = arith.constant 0 : i32
        %dma_wait3A_273 = tpu.memref_slice %arg13[%dma_wait3A_263, %dma_wait3A_272] : memref<8x128xi32, #tpu.memory_space<vmem>> -> memref<1x128xi32, #tpu.memory_space<vmem>>
        %dma_wait3A_274 = tpu.memref_squeeze %dma_wait3A_273 : memref<1x128xi32, #tpu.memory_space<vmem>> -> memref<128xi32, #tpu.memory_space<vmem>>
        %dma_wait3A_275 = arith.constant 0 : i32
        %dma_wait3A_276 = tpu.memref_slice %arg5[%dma_wait3A_275] : memref<256000xi32, #tpu.memory_space<hbm>> -> memref<128xi32, #tpu.memory_space<hbm>>
        tpu.wait_dma2 semaphore(%dma_wait3A_271 : memref<!tpu.dma_semaphore, #tpu.memory_space<semaphore_mem>>) src(%dma_wait3A_276 : memref<128xi32, #tpu.memory_space<hbm>>) dst(%dma_wait3A_274 : memref<128xi32, #tpu.memory_space<vmem>>)
        %dma_wait3A_277 = arith.constant 1 : i32
        %dma_wait3A_278 = arith.constant 1 : i32
        %dma_wait3A_279 = arith.constant 0 : i32
        %dma_wait3A_280 = arith.constant 0 : i32
        %dma_wait3A_281 = tpu.memref_slice %arg14[%dma_wait3A_277, %dma_wait3A_279, %dma_wait3A_280] : memref<2x128x128xf32, #tpu.memory_space<vmem>> -> memref<1x128x128xf32, #tpu.memory_space<vmem>>
        %dma_wait3A_282 = tpu.memref_squeeze %dma_wait3A_281 : memref<1x128x128xf32, #tpu.memory_space<vmem>> -> memref<128x128xf32, #tpu.memory_space<vmem>>
        %dma_wait3A_283 = arith.constant 0 : i32
        %dma_wait3A_284 = arith.constant 0 : i32
        %dma_wait3A_285 = tpu.memref_slice %arg2[%dma_wait3A_283, %dma_wait3A_284] : memref<10000x128xf32, #tpu.memory_space<hbm>> -> memref<128x128xf32, #tpu.memory_space<hbm>>
        %dma_wait3A_286 = tpu.memref_slice %arg15[%dma_wait3A_278] : memref<2x!tpu.dma_semaphore, #tpu.memory_space<semaphore_mem>> -> memref<1x!tpu.dma_semaphore, #tpu.memory_space<semaphore_mem>>
        %dma_wait3A_287 = tpu.memref_squeeze %dma_wait3A_286 : memref<1x!tpu.dma_semaphore, #tpu.memory_space<semaphore_mem>> -> memref<!tpu.dma_semaphore, #tpu.memory_space<semaphore_mem>>
        %dma_wait3A_288 = arith.constant 0 : i32
        %dma_wait3A_289 = arith.constant 0 : i32
        %dma_wait3A_290 = tpu.memref_slice %arg14[%dma_wait3A_277, %dma_wait3A_288, %dma_wait3A_289] : memref<2x128x128xf32, #tpu.memory_space<vmem>> -> memref<1x128x128xf32, #tpu.memory_space<vmem>>
        %dma_wait3A_291 = tpu.memref_squeeze %dma_wait3A_290 : memref<1x128x128xf32, #tpu.memory_space<vmem>> -> memref<128x128xf32, #tpu.memory_space<vmem>>
        %dma_wait3A_292 = arith.constant 0 : i32
        %dma_wait3A_293 = arith.constant 0 : i32
        %dma_wait3A_294 = tpu.memref_slice %arg2[%dma_wait3A_292, %dma_wait3A_293] : memref<10000x128xf32, #tpu.memory_space<hbm>> -> memref<128x128xf32, #tpu.memory_space<hbm>>
        tpu.wait_dma2 semaphore(%dma_wait3A_287 : memref<!tpu.dma_semaphore, #tpu.memory_space<semaphore_mem>>) src(%dma_wait3A_294 : memref<128x128xf32, #tpu.memory_space<hbm>>) dst(%dma_wait3A_291 : memref<128x128xf32, #tpu.memory_space<vmem>>)
        %run_scoped3A_295 = arith.constant 1 : i32
        %run_scoped3A_296 = arith.constant 1 : i32
        "tpu.region"() ({
          %run_scoped3A_304 = tpu.sem_alloc : memref<!tpu.dma_semaphore, #tpu.memory_space<semaphore_mem>>
          %dma_start3A_305 = arith.constant 0 : i32
          %dma_start3A_306 = arith.constant 0 : i32
          %dma_start3A_307 = tpu.memref_slice %arg14[%run_scoped3A_295, %dma_start3A_305, %dma_start3A_306] : memref<2x128x128xf32, #tpu.memory_space<vmem>> -> memref<1x128x128xf32, #tpu.memory_space<vmem>>
          %dma_start3A_308 = tpu.memref_squeeze %dma_start3A_307 : memref<1x128x128xf32, #tpu.memory_space<vmem>> -> memref<128x128xf32, #tpu.memory_space<vmem>>
          %dma_start3A_309 = arith.constant 0 : i32
          %dma_start3A_310 = tpu.memref_slice %arg13[%run_scoped3A_296, %dma_start3A_309] : memref<8x128xi32, #tpu.memory_space<vmem>> -> memref<1x128xi32, #tpu.memory_space<vmem>>
          %dma_start3A_311 = tpu.memref_squeeze %dma_start3A_310 : memref<1x128xi32, #tpu.memory_space<vmem>> -> memref<128xi32, #tpu.memory_space<vmem>>
          %dma_start3A_312 = arith.constant 0 : i32
          %dma_start3A_313 = arith.constant 0 : i32
          %dma_start3A_314 = tpu.memref_slice %arg11[%dma_start3A_312, %dma_start3A_313] : memref<10000x128xf32, #tpu.memory_space<vmem_shared>> -> memref<10000x128xf32, #tpu.memory_space<vmem_shared>>
          tpu.enqueue_indirect_dma source(%dma_start3A_308 : memref<128x128xf32, #tpu.memory_space<vmem>>) target(%dma_start3A_314 : memref<10000x128xf32, #tpu.memory_space<vmem_shared>>) offsets(%dma_start3A_311 : memref<128xi32, #tpu.memory_space<vmem>>) semaphore(%run_scoped3A_304 : memref<!tpu.dma_semaphore, #tpu.memory_space<semaphore_mem>>) {add = true}
          %dma_wait3A_315 = arith.constant 0 : i32
          %dma_wait3A_316 = arith.constant 0 : i32
          %dma_wait3A_317 = tpu.memref_slice %arg14[%run_scoped3A_295, %dma_wait3A_315, %dma_wait3A_316] : memref<2x128x128xf32, #tpu.memory_space<vmem>> -> memref<1x128x128xf32, #tpu.memory_space<vmem>>
          %dma_wait3A_318 = tpu.memref_squeeze %dma_wait3A_317 : memref<1x128x128xf32, #tpu.memory_space<vmem>> -> memref<128x128xf32, #tpu.memory_space<vmem>>
          %dma_wait3A_319 = arith.constant 0 : i32
          %dma_wait3A_320 = tpu.memref_slice %arg13[%run_scoped3A_296, %dma_wait3A_319] : memref<8x128xi32, #tpu.memory_space<vmem>> -> memref<1x128xi32, #tpu.memory_space<vmem>>
          %dma_wait3A_321 = tpu.memref_squeeze %dma_wait3A_320 : memref<1x128xi32, #tpu.memory_space<vmem>> -> memref<128xi32, #tpu.memory_space<vmem>>
          %dma_wait3A_322 = arith.constant 0 : i32
          %dma_wait3A_323 = arith.constant 0 : i32
          %dma_wait3A_324 = tpu.memref_slice %arg11[%dma_wait3A_322, %dma_wait3A_323] : memref<10000x128xf32, #tpu.memory_space<vmem_shared>> -> memref<10000x128xf32, #tpu.memory_space<vmem_shared>>
          tpu.wait_indirect_dma semaphore(%run_scoped3A_304 : memref<!tpu.dma_semaphore, #tpu.memory_space<semaphore_mem>>) src(%dma_wait3A_318 : memref<128x128xf32, #tpu.memory_space<vmem>>) dst(%dma_wait3A_324 : memref<10000x128xf32, #tpu.memory_space<vmem_shared>>)
          tpu.yield
        }) : () -> ()
        %add3A_297 = arith.constant 2 : i32
        %add3A_298 = arith.addi %add3A_262, %add3A_297 : i32
        %lt3A_299 = arith.constant 125 : i32
        %lt3A_300 = arith.cmpi slt, %add3A_298, %lt3A_299 : i32
        %convert_element_type3A_301 = arith.extui %lt3A_300 : i1 to i32
        %cond3A_302 = arith.constant 0 : i32
        %cond3A_303 = arith.cmpi ne, %convert_element_type3A_301, %cond3A_302 : i32
        scf.if %cond3A_303 {
          %add3A_304 = arith.constant 2 : i32
          %add3A_305 = arith.addi %add3A_262, %add3A_304 : i32
          %mul3A_306 = arith.constant 16000 : i32
          %mul3A_307 = arith.muli %arg1, %mul3A_306 : i32
          %mul3A_308 = arith.constant 128 : i32
          %mul3A_309 = arith.muli %add3A_305, %mul3A_308 : i32
          %add3A_310 = arith.addi %mul3A_307, %mul3A_309 : i32
          %dma_start3A_311 = arith.constant 1 : i32
          %dma_start3A_312 = arith.constant 1 : i32
          %dma_start3A_313 = arith.constant 0 : i32
          %dma_start3A_314 = tpu.memref_slice %arg13[%dma_start3A_311, %dma_start3A_313] : memref<8x128xi32, #tpu.memory_space<vmem>> -> memref<1x128xi32, #tpu.memory_space<vmem>>
          %dma_start3A_315 = tpu.memref_squeeze %dma_start3A_314 : memref<1x128xi32, #tpu.memory_space<vmem>> -> memref<128xi32, #tpu.memory_space<vmem>>
          %dma_start3A_316 = tpu.memref_slice %arg5[%add3A_310] : memref<256000xi32, #tpu.memory_space<hbm>> -> memref<128xi32, #tpu.memory_space<hbm>>
          %dma_start3A_317 = tpu.memref_slice %arg16[%dma_start3A_312] : memref<2x!tpu.dma_semaphore, #tpu.memory_space<semaphore_mem>> -> memref<1x!tpu.dma_semaphore, #tpu.memory_space<semaphore_mem>>
          %dma_start3A_318 = tpu.memref_squeeze %dma_start3A_317 : memref<1x!tpu.dma_semaphore, #tpu.memory_space<semaphore_mem>> -> memref<!tpu.dma_semaphore, #tpu.memory_space<semaphore_mem>>
          %dma_start3A_319 = arith.constant 0 : i32
          %dma_start3A_320 = tpu.memref_slice %arg13[%dma_start3A_311, %dma_start3A_319] : memref<8x128xi32, #tpu.memory_space<vmem>> -> memref<1x128xi32, #tpu.memory_space<vmem>>
          %dma_start3A_321 = tpu.memref_squeeze %dma_start3A_320 : memref<1x128xi32, #tpu.memory_space<vmem>> -> memref<128xi32, #tpu.memory_space<vmem>>
          %dma_start3A_322 = tpu.memref_slice %arg5[%add3A_310] : memref<256000xi32, #tpu.memory_space<hbm>> -> memref<128xi32, #tpu.memory_space<hbm>>
          tpu.enqueue_dma source(%dma_start3A_322 : memref<128xi32, #tpu.memory_space<hbm>>) target(%dma_start3A_321 : memref<128xi32, #tpu.memory_space<vmem>>) target_semaphore(%dma_start3A_318 : memref<!tpu.dma_semaphore, #tpu.memory_space<semaphore_mem>>)
          %mul3A_323 = arith.constant 128 : i32
          %mul3A_324 = arith.muli %add3A_305, %mul3A_323 : i32
          %dma_start3A_325 = arith.constant 1 : i32
          %dma_start3A_326 = arith.constant 1 : i32
          %dma_start3A_327 = arith.constant 0 : i32
          %dma_start3A_328 = arith.constant 0 : i32
          %dma_start3A_329 = tpu.memref_slice %arg14[%dma_start3A_325, %dma_start3A_327, %dma_start3A_328] : memref<2x128x128xf32, #tpu.memory_space<vmem>> -> memref<1x128x128xf32, #tpu.memory_space<vmem>>
          %dma_start3A_330 = tpu.memref_squeeze %dma_start3A_329 : memref<1x128x128xf32, #tpu.memory_space<vmem>> -> memref<128x128xf32, #tpu.memory_space<vmem>>
          %dma_start3A_331 = tpu.memref_slice %arg12[%mul3A_324] : memref<16000xi32, #tpu.memory_space<vmem>> -> memref<128xi32, #tpu.memory_space<vmem>>
          %dma_start3A_332 = arith.constant 0 : i32
          %dma_start3A_333 = arith.constant 0 : i32
          %dma_start3A_334 = tpu.memref_slice %arg2[%dma_start3A_332, %dma_start3A_333] : memref<10000x128xf32, #tpu.memory_space<hbm>> -> memref<10000x128xf32, #tpu.memory_space<hbm>>
          %dma_start3A_335 = tpu.memref_slice %arg15[%dma_start3A_326] : memref<2x!tpu.dma_semaphore, #tpu.memory_space<semaphore_mem>> -> memref<1x!tpu.dma_semaphore, #tpu.memory_space<semaphore_mem>>
          %dma_start3A_336 = tpu.memref_squeeze %dma_start3A_335 : memref<1x!tpu.dma_semaphore, #tpu.memory_space<semaphore_mem>> -> memref<!tpu.dma_semaphore, #tpu.memory_space<semaphore_mem>>
          tpu.enqueue_indirect_dma source(%dma_start3A_334 : memref<10000x128xf32, #tpu.memory_space<hbm>>) target(%dma_start3A_330 : memref<128x128xf32, #tpu.memory_space<vmem>>) offsets(%dma_start3A_331 : memref<128xi32, #tpu.memory_space<vmem>>) semaphore(%dma_start3A_336 : memref<!tpu.dma_semaphore, #tpu.memory_space<semaphore_mem>>)
        } else {
        }
      }
      %scan3A_123 = arith.constant 62 : i32
      %dma_wait3A = arith.constant 0 : i32
      %dma_wait3A_124 = arith.constant 0 : i32
      %dma_wait3A_125 = arith.constant 0 : i32
      %dma_wait3A_126 = tpu.memref_slice %arg13[%dma_wait3A, %dma_wait3A_125] : memref<8x128xi32, #tpu.memory_space<vmem>> -> memref<1x128xi32, #tpu.memory_space<vmem>>
      %dma_wait3A_127 = tpu.memref_squeeze %dma_wait3A_126 : memref<1x128xi32, #tpu.memory_space<vmem>> -> memref<128xi32, #tpu.memory_space<vmem>>
      %dma_wait3A_128 = arith.constant 0 : i32
      %dma_wait3A_129 = tpu.memref_slice %arg5[%dma_wait3A_128] : memref<256000xi32, #tpu.memory_space<hbm>> -> memref<128xi32, #tpu.memory_space<hbm>>
      %dma_wait3A_130 = tpu.memref_slice %arg16[%dma_wait3A_124] : memref<2x!tpu.dma_semaphore, #tpu.memory_space<semaphore_mem>> -> memref<1x!tpu.dma_semaphore, #tpu.memory_space<semaphore_mem>>
      %dma_wait3A_131 = tpu.memref_squeeze %dma_wait3A_130 : memref<1x!tpu.dma_semaphore, #tpu.memory_space<semaphore_mem>> -> memref<!tpu.dma_semaphore, #tpu.memory_space<semaphore_mem>>
      %dma_wait3A_132 = arith.constant 0 : i32
      %dma_wait3A_133 = tpu.memref_slice %arg13[%dma_wait3A, %dma_wait3A_132] : memref<8x128xi32, #tpu.memory_space<vmem>> -> memref<1x128xi32, #tpu.memory_space<vmem>>
      %dma_wait3A_134 = tpu.memref_squeeze %dma_wait3A_133 : memref<1x128xi32, #tpu.memory_space<vmem>> -> memref<128xi32, #tpu.memory_space<vmem>>
      %dma_wait3A_135 = arith.constant 0 : i32
      %dma_wait3A_136 = tpu.memref_slice %arg5[%dma_wait3A_135] : memref<256000xi32, #tpu.memory_space<hbm>> -> memref<128xi32, #tpu.memory_space<hbm>>
      tpu.wait_dma2 semaphore(%dma_wait3A_131 : memref<!tpu.dma_semaphore, #tpu.memory_space<semaphore_mem>>) src(%dma_wait3A_136 : memref<128xi32, #tpu.memory_space<hbm>>) dst(%dma_wait3A_134 : memref<128xi32, #tpu.memory_space<vmem>>)
      %dma_wait3A_137 = arith.constant 0 : i32
      %dma_wait3A_138 = arith.constant 0 : i32
      %dma_wait3A_139 = arith.constant 0 : i32
      %dma_wait3A_140 = arith.constant 0 : i32
      %dma_wait3A_141 = tpu.memref_slice %arg14[%dma_wait3A_137, %dma_wait3A_139, %dma_wait3A_140] : memref<2x128x128xf32, #tpu.memory_space<vmem>> -> memref<1x128x128xf32, #tpu.memory_space<vmem>>
      %dma_wait3A_142 = tpu.memref_squeeze %dma_wait3A_141 : memref<1x128x128xf32, #tpu.memory_space<vmem>> -> memref<128x128xf32, #tpu.memory_space<vmem>>
      %dma_wait3A_143 = arith.constant 0 : i32
      %dma_wait3A_144 = arith.constant 0 : i32
      %dma_wait3A_145 = tpu.memref_slice %arg2[%dma_wait3A_143, %dma_wait3A_144] : memref<10000x128xf32, #tpu.memory_space<hbm>> -> memref<128x128xf32, #tpu.memory_space<hbm>>
      %dma_wait3A_146 = tpu.memref_slice %arg15[%dma_wait3A_138] : memref<2x!tpu.dma_semaphore, #tpu.memory_space<semaphore_mem>> -> memref<1x!tpu.dma_semaphore, #tpu.memory_space<semaphore_mem>>
      %dma_wait3A_147 = tpu.memref_squeeze %dma_wait3A_146 : memref<1x!tpu.dma_semaphore, #tpu.memory_space<semaphore_mem>> -> memref<!tpu.dma_semaphore, #tpu.memory_space<semaphore_mem>>
      %dma_wait3A_148 = arith.constant 0 : i32
      %dma_wait3A_149 = arith.constant 0 : i32
      %dma_wait3A_150 = tpu.memref_slice %arg14[%dma_wait3A_137, %dma_wait3A_148, %dma_wait3A_149] : memref<2x128x128xf32, #tpu.memory_space<vmem>> -> memref<1x128x128xf32, #tpu.memory_space<vmem>>
      %dma_wait3A_151 = tpu.memref_squeeze %dma_wait3A_150 : memref<1x128x128xf32, #tpu.memory_space<vmem>> -> memref<128x128xf32, #tpu.memory_space<vmem>>
      %dma_wait3A_152 = arith.constant 0 : i32
      %dma_wait3A_153 = arith.constant 0 : i32
      %dma_wait3A_154 = tpu.memref_slice %arg2[%dma_wait3A_152, %dma_wait3A_153] : memref<10000x128xf32, #tpu.memory_space<hbm>> -> memref<128x128xf32, #tpu.memory_space<hbm>>
      tpu.wait_dma2 semaphore(%dma_wait3A_147 : memref<!tpu.dma_semaphore, #tpu.memory_space<semaphore_mem>>) src(%dma_wait3A_154 : memref<128x128xf32, #tpu.memory_space<hbm>>) dst(%dma_wait3A_151 : memref<128x128xf32, #tpu.memory_space<vmem>>)
      %run_scoped3A = arith.constant 0 : i32
      %run_scoped3A_155 = arith.constant 0 : i32
      "tpu.region"() ({
        %run_scoped3A_213 = tpu.sem_alloc : memref<!tpu.dma_semaphore, #tpu.memory_space<semaphore_mem>>
        %dma_start3A_214 = arith.constant 0 : i32
        %dma_start3A_215 = arith.constant 0 : i32
        %dma_start3A_216 = tpu.memref_slice %arg14[%run_scoped3A, %dma_start3A_214, %dma_start3A_215] : memref<2x128x128xf32, #tpu.memory_space<vmem>> -> memref<1x128x128xf32, #tpu.memory_space<vmem>>
        %dma_start3A_217 = tpu.memref_squeeze %dma_start3A_216 : memref<1x128x128xf32, #tpu.memory_space<vmem>> -> memref<128x128xf32, #tpu.memory_space<vmem>>
        %dma_start3A_218 = arith.constant 0 : i32
        %dma_start3A_219 = tpu.memref_slice %arg13[%run_scoped3A_155, %dma_start3A_218] : memref<8x128xi32, #tpu.memory_space<vmem>> -> memref<1x128xi32, #tpu.memory_space<vmem>>
        %dma_start3A_220 = tpu.memref_squeeze %dma_start3A_219 : memref<1x128xi32, #tpu.memory_space<vmem>> -> memref<128xi32, #tpu.memory_space<vmem>>
        %dma_start3A_221 = arith.constant 0 : i32
        %dma_start3A_222 = arith.constant 0 : i32
        %dma_start3A_223 = tpu.memref_slice %arg11[%dma_start3A_221, %dma_start3A_222] : memref<10000x128xf32, #tpu.memory_space<vmem_shared>> -> memref<10000x128xf32, #tpu.memory_space<vmem_shared>>
        tpu.enqueue_indirect_dma source(%dma_start3A_217 : memref<128x128xf32, #tpu.memory_space<vmem>>) target(%dma_start3A_223 : memref<10000x128xf32, #tpu.memory_space<vmem_shared>>) offsets(%dma_start3A_220 : memref<128xi32, #tpu.memory_space<vmem>>) semaphore(%run_scoped3A_213 : memref<!tpu.dma_semaphore, #tpu.memory_space<semaphore_mem>>) {add = true}
        %dma_wait3A_224 = arith.constant 0 : i32
        %dma_wait3A_225 = arith.constant 0 : i32
        %dma_wait3A_226 = tpu.memref_slice %arg14[%run_scoped3A, %dma_wait3A_224, %dma_wait3A_225] : memref<2x128x128xf32, #tpu.memory_space<vmem>> -> memref<1x128x128xf32, #tpu.memory_space<vmem>>
        %dma_wait3A_227 = tpu.memref_squeeze %dma_wait3A_226 : memref<1x128x128xf32, #tpu.memory_space<vmem>> -> memref<128x128xf32, #tpu.memory_space<vmem>>
        %dma_wait3A_228 = arith.constant 0 : i32
        %dma_wait3A_229 = tpu.memref_slice %arg13[%run_scoped3A_155, %dma_wait3A_228] : memref<8x128xi32, #tpu.memory_space<vmem>> -> memref<1x128xi32, #tpu.memory_space<vmem>>
        %dma_wait3A_230 = tpu.memref_squeeze %dma_wait3A_229 : memref<1x128xi32, #tpu.memory_space<vmem>> -> memref<128xi32, #tpu.memory_space<vmem>>
        %dma_wait3A_231 = arith.constant 0 : i32
        %dma_wait3A_232 = arith.constant 0 : i32
        %dma_wait3A_233 = tpu.memref_slice %arg11[%dma_wait3A_231, %dma_wait3A_232] : memref<10000x128xf32, #tpu.memory_space<vmem_shared>> -> memref<10000x128xf32, #tpu.memory_space<vmem_shared>>
        tpu.wait_indirect_dma semaphore(%run_scoped3A_213 : memref<!tpu.dma_semaphore, #tpu.memory_space<semaphore_mem>>) src(%dma_wait3A_227 : memref<128x128xf32, #tpu.memory_space<vmem>>) dst(%dma_wait3A_233 : memref<10000x128xf32, #tpu.memory_space<vmem_shared>>)
        tpu.yield
      }) : () -> ()
      %barrier3A_156 = arith.constant 0 : index
      tpu.barrier barrier_id(%barrier3A_156)
      %add3A_157 = arith.constant 0 : i32
      %add3A_158 = arith.addi %add3A_157, %arg1 : i32
      %lt3A_159 = arith.constant 125 : i32
      %lt3A_160 = arith.cmpi slt, %add3A_158, %lt3A_159 : i32
      %convert_element_type3A_161 = arith.extui %lt3A_160 : i1 to i32
      %cond3A_162 = arith.constant 0 : i32
      %cond3A_163 = arith.cmpi ne, %convert_element_type3A_161, %cond3A_162 : i32
      scf.if %cond3A_163 {
        %mul3A_213 = arith.constant 80 : i32
        %mul3A_214 = arith.muli %add3A_158, %mul3A_213 : i32
        "tpu.region"() ({
          %run_scoped3A_215 = tpu.sem_alloc : memref<!tpu.dma_semaphore, #tpu.memory_space<semaphore_mem>>
          %dma_start3A_216 = arith.constant 0 : i32
          %dma_start3A_217 = tpu.memref_slice %arg9[%mul3A_214, %dma_start3A_216] : memref<10000x128xf32, #tpu.memory_space<hbm>> -> memref<80x128xf32, #tpu.memory_space<hbm>>
          %dma_start3A_218 = arith.constant 0 : i32
          %dma_start3A_219 = tpu.memref_slice %arg11[%mul3A_214, %dma_start3A_218] : memref<10000x128xf32, #tpu.memory_space<vmem_shared>> -> memref<80x128xf32, #tpu.memory_space<vmem_shared>>
          tpu.enqueue_dma source(%dma_start3A_219 : memref<80x128xf32, #tpu.memory_space<vmem_shared>>) target(%dma_start3A_217 : memref<80x128xf32, #tpu.memory_space<hbm>>) target_semaphore(%run_scoped3A_215 : memref<!tpu.dma_semaphore, #tpu.memory_space<semaphore_mem>>)
          %dma_wait3A_220 = arith.constant 0 : i32
          %dma_wait3A_221 = tpu.memref_slice %arg9[%mul3A_214, %dma_wait3A_220] : memref<10000x128xf32, #tpu.memory_space<hbm>> -> memref<80x128xf32, #tpu.memory_space<hbm>>
          %dma_wait3A_222 = arith.constant 0 : i32
          %dma_wait3A_223 = tpu.memref_slice %arg11[%mul3A_214, %dma_wait3A_222] : memref<10000x128xf32, #tpu.memory_space<vmem_shared>> -> memref<80x128xf32, #tpu.memory_space<vmem_shared>>
          tpu.wait_dma2 semaphore(%run_scoped3A_215 : memref<!tpu.dma_semaphore, #tpu.memory_space<semaphore_mem>>) src(%dma_wait3A_223 : memref<80x128xf32, #tpu.memory_space<vmem_shared>>) dst(%dma_wait3A_221 : memref<80x128xf32, #tpu.memory_space<hbm>>)
          tpu.yield
        }) : () -> ()
      } else {
      }
      %add3A_164 = arith.constant 16 : i32
      %add3A_165 = arith.addi %add3A_164, %arg1 : i32
      %lt3A_166 = arith.constant 125 : i32
      %lt3A_167 = arith.cmpi slt, %add3A_165, %lt3A_166 : i32
      %convert_element_type3A_168 = arith.extui %lt3A_167 : i1 to i32
      %cond3A_169 = arith.constant 0 : i32
      %cond3A_170 = arith.cmpi ne, %convert_element_type3A_168, %cond3A_169 : i32
      scf.if %cond3A_170 {
        %mul3A_213 = arith.constant 80 : i32
        %mul3A_214 = arith.muli %add3A_165, %mul3A_213 : i32
        "tpu.region"() ({
          %run_scoped3A_215 = tpu.sem_alloc : memref<!tpu.dma_semaphore, #tpu.memory_space<semaphore_mem>>
          %dma_start3A_216 = arith.constant 0 : i32
          %dma_start3A_217 = tpu.memref_slice %arg9[%mul3A_214, %dma_start3A_216] : memref<10000x128xf32, #tpu.memory_space<hbm>> -> memref<80x128xf32, #tpu.memory_space<hbm>>
          %dma_start3A_218 = arith.constant 0 : i32
          %dma_start3A_219 = tpu.memref_slice %arg11[%mul3A_214, %dma_start3A_218] : memref<10000x128xf32, #tpu.memory_space<vmem_shared>> -> memref<80x128xf32, #tpu.memory_space<vmem_shared>>
          tpu.enqueue_dma source(%dma_start3A_219 : memref<80x128xf32, #tpu.memory_space<vmem_shared>>) target(%dma_start3A_217 : memref<80x128xf32, #tpu.memory_space<hbm>>) target_semaphore(%run_scoped3A_215 : memref<!tpu.dma_semaphore, #tpu.memory_space<semaphore_mem>>)
          %dma_wait3A_220 = arith.constant 0 : i32
          %dma_wait3A_221 = tpu.memref_slice %arg9[%mul3A_214, %dma_wait3A_220] : memref<10000x128xf32, #tpu.memory_space<hbm>> -> memref<80x128xf32, #tpu.memory_space<hbm>>
          %dma_wait3A_222 = arith.constant 0 : i32
          %dma_wait3A_223 = tpu.memref_slice %arg11[%mul3A_214, %dma_wait3A_222] : memref<10000x128xf32, #tpu.memory_space<vmem_shared>> -> memref<80x128xf32, #tpu.memory_space<vmem_shared>>
          tpu.wait_dma2 semaphore(%run_scoped3A_215 : memref<!tpu.dma_semaphore, #tpu.memory_space<semaphore_mem>>) src(%dma_wait3A_223 : memref<80x128xf32, #tpu.memory_space<vmem_shared>>) dst(%dma_wait3A_221 : memref<80x128xf32, #tpu.memory_space<hbm>>)
          tpu.yield
        }) : () -> ()
      } else {
      }
      %add3A_171 = arith.constant 32 : i32
      %add3A_172 = arith.addi %add3A_171, %arg1 : i32
      %lt3A_173 = arith.constant 125 : i32
      %lt3A_174 = arith.cmpi slt, %add3A_172, %lt3A_173 : i32
      %convert_element_type3A_175 = arith.extui %lt3A_174 : i1 to i32
      %cond3A_176 = arith.constant 0 : i32
      %cond3A_177 = arith.cmpi ne, %convert_element_type3A_175, %cond3A_176 : i32
      scf.if %cond3A_177 {
        %mul3A_213 = arith.constant 80 : i32
        %mul3A_214 = arith.muli %add3A_172, %mul3A_213 : i32
        "tpu.region"() ({
          %run_scoped3A_215 = tpu.sem_alloc : memref<!tpu.dma_semaphore, #tpu.memory_space<semaphore_mem>>
          %dma_start3A_216 = arith.constant 0 : i32
          %dma_start3A_217 = tpu.memref_slice %arg9[%mul3A_214, %dma_start3A_216] : memref<10000x128xf32, #tpu.memory_space<hbm>> -> memref<80x128xf32, #tpu.memory_space<hbm>>
          %dma_start3A_218 = arith.constant 0 : i32
          %dma_start3A_219 = tpu.memref_slice %arg11[%mul3A_214, %dma_start3A_218] : memref<10000x128xf32, #tpu.memory_space<vmem_shared>> -> memref<80x128xf32, #tpu.memory_space<vmem_shared>>
          tpu.enqueue_dma source(%dma_start3A_219 : memref<80x128xf32, #tpu.memory_space<vmem_shared>>) target(%dma_start3A_217 : memref<80x128xf32, #tpu.memory_space<hbm>>) target_semaphore(%run_scoped3A_215 : memref<!tpu.dma_semaphore, #tpu.memory_space<semaphore_mem>>)
          %dma_wait3A_220 = arith.constant 0 : i32
          %dma_wait3A_221 = tpu.memref_slice %arg9[%mul3A_214, %dma_wait3A_220] : memref<10000x128xf32, #tpu.memory_space<hbm>> -> memref<80x128xf32, #tpu.memory_space<hbm>>
          %dma_wait3A_222 = arith.constant 0 : i32
          %dma_wait3A_223 = tpu.memref_slice %arg11[%mul3A_214, %dma_wait3A_222] : memref<10000x128xf32, #tpu.memory_space<vmem_shared>> -> memref<80x128xf32, #tpu.memory_space<vmem_shared>>
          tpu.wait_dma2 semaphore(%run_scoped3A_215 : memref<!tpu.dma_semaphore, #tpu.memory_space<semaphore_mem>>) src(%dma_wait3A_223 : memref<80x128xf32, #tpu.memory_space<vmem_shared>>) dst(%dma_wait3A_221 : memref<80x128xf32, #tpu.memory_space<hbm>>)
          tpu.yield
        }) : () -> ()
      } else {
      }
      %add3A_178 = arith.constant 48 : i32
      %add3A_179 = arith.addi %add3A_178, %arg1 : i32
      %lt3A_180 = arith.constant 125 : i32
      %lt3A_181 = arith.cmpi slt, %add3A_179, %lt3A_180 : i32
      %convert_element_type3A_182 = arith.extui %lt3A_181 : i1 to i32
      %cond3A_183 = arith.constant 0 : i32
      %cond3A_184 = arith.cmpi ne, %convert_element_type3A_182, %cond3A_183 : i32
      scf.if %cond3A_184 {
        %mul3A_213 = arith.constant 80 : i32
        %mul3A_214 = arith.muli %add3A_179, %mul3A_213 : i32
        "tpu.region"() ({
          %run_scoped3A_215 = tpu.sem_alloc : memref<!tpu.dma_semaphore, #tpu.memory_space<semaphore_mem>>
          %dma_start3A_216 = arith.constant 0 : i32
          %dma_start3A_217 = tpu.memref_slice %arg9[%mul3A_214, %dma_start3A_216] : memref<10000x128xf32, #tpu.memory_space<hbm>> -> memref<80x128xf32, #tpu.memory_space<hbm>>
          %dma_start3A_218 = arith.constant 0 : i32
          %dma_start3A_219 = tpu.memref_slice %arg11[%mul3A_214, %dma_start3A_218] : memref<10000x128xf32, #tpu.memory_space<vmem_shared>> -> memref<80x128xf32, #tpu.memory_space<vmem_shared>>
          tpu.enqueue_dma source(%dma_start3A_219 : memref<80x128xf32, #tpu.memory_space<vmem_shared>>) target(%dma_start3A_217 : memref<80x128xf32, #tpu.memory_space<hbm>>) target_semaphore(%run_scoped3A_215 : memref<!tpu.dma_semaphore, #tpu.memory_space<semaphore_mem>>)
          %dma_wait3A_220 = arith.constant 0 : i32
          %dma_wait3A_221 = tpu.memref_slice %arg9[%mul3A_214, %dma_wait3A_220] : memref<10000x128xf32, #tpu.memory_space<hbm>> -> memref<80x128xf32, #tpu.memory_space<hbm>>
          %dma_wait3A_222 = arith.constant 0 : i32
          %dma_wait3A_223 = tpu.memref_slice %arg11[%mul3A_214, %dma_wait3A_222] : memref<10000x128xf32, #tpu.memory_space<vmem_shared>> -> memref<80x128xf32, #tpu.memory_space<vmem_shared>>
          tpu.wait_dma2 semaphore(%run_scoped3A_215 : memref<!tpu.dma_semaphore, #tpu.memory_space<semaphore_mem>>) src(%dma_wait3A_223 : memref<80x128xf32, #tpu.memory_space<vmem_shared>>) dst(%dma_wait3A_221 : memref<80x128xf32, #tpu.memory_space<hbm>>)
          tpu.yield
        }) : () -> ()
      } else {
      }
      %add3A_185 = arith.constant 64 : i32
      %add3A_186 = arith.addi %add3A_185, %arg1 : i32
      %lt3A_187 = arith.constant 125 : i32
      %lt3A_188 = arith.cmpi slt, %add3A_186, %lt3A_187 : i32
      %convert_element_type3A_189 = arith.extui %lt3A_188 : i1 to i32
      %cond3A_190 = arith.constant 0 : i32
      %cond3A_191 = arith.cmpi ne, %convert_element_type3A_189, %cond3A_190 : i32
      scf.if %cond3A_191 {
        %mul3A_213 = arith.constant 80 : i32
        %mul3A_214 = arith.muli %add3A_186, %mul3A_213 : i32
        "tpu.region"() ({
          %run_scoped3A_215 = tpu.sem_alloc : memref<!tpu.dma_semaphore, #tpu.memory_space<semaphore_mem>>
          %dma_start3A_216 = arith.constant 0 : i32
          %dma_start3A_217 = tpu.memref_slice %arg9[%mul3A_214, %dma_start3A_216] : memref<10000x128xf32, #tpu.memory_space<hbm>> -> memref<80x128xf32, #tpu.memory_space<hbm>>
          %dma_start3A_218 = arith.constant 0 : i32
          %dma_start3A_219 = tpu.memref_slice %arg11[%mul3A_214, %dma_start3A_218] : memref<10000x128xf32, #tpu.memory_space<vmem_shared>> -> memref<80x128xf32, #tpu.memory_space<vmem_shared>>
          tpu.enqueue_dma source(%dma_start3A_219 : memref<80x128xf32, #tpu.memory_space<vmem_shared>>) target(%dma_start3A_217 : memref<80x128xf32, #tpu.memory_space<hbm>>) target_semaphore(%run_scoped3A_215 : memref<!tpu.dma_semaphore, #tpu.memory_space<semaphore_mem>>)
          %dma_wait3A_220 = arith.constant 0 : i32
          %dma_wait3A_221 = tpu.memref_slice %arg9[%mul3A_214, %dma_wait3A_220] : memref<10000x128xf32, #tpu.memory_space<hbm>> -> memref<80x128xf32, #tpu.memory_space<hbm>>
          %dma_wait3A_222 = arith.constant 0 : i32
          %dma_wait3A_223 = tpu.memref_slice %arg11[%mul3A_214, %dma_wait3A_222] : memref<10000x128xf32, #tpu.memory_space<vmem_shared>> -> memref<80x128xf32, #tpu.memory_space<vmem_shared>>
          tpu.wait_dma2 semaphore(%run_scoped3A_215 : memref<!tpu.dma_semaphore, #tpu.memory_space<semaphore_mem>>) src(%dma_wait3A_223 : memref<80x128xf32, #tpu.memory_space<vmem_shared>>) dst(%dma_wait3A_221 : memref<80x128xf32, #tpu.memory_space<hbm>>)
          tpu.yield
        }) : () -> ()
      } else {
      }
      %add3A_192 = arith.constant 80 : i32
      %add3A_193 = arith.addi %add3A_192, %arg1 : i32
      %lt3A_194 = arith.constant 125 : i32
      %lt3A_195 = arith.cmpi slt, %add3A_193, %lt3A_194 : i32
      %convert_element_type3A_196 = arith.extui %lt3A_195 : i1 to i32
      %cond3A_197 = arith.constant 0 : i32
      %cond3A_198 = arith.cmpi ne, %convert_element_type3A_196, %cond3A_197 : i32
      scf.if %cond3A_198 {
        %mul3A_213 = arith.constant 80 : i32
        %mul3A_214 = arith.muli %add3A_193, %mul3A_213 : i32
        "tpu.region"() ({
          %run_scoped3A_215 = tpu.sem_alloc : memref<!tpu.dma_semaphore, #tpu.memory_space<semaphore_mem>>
          %dma_start3A_216 = arith.constant 0 : i32
          %dma_start3A_217 = tpu.memref_slice %arg9[%mul3A_214, %dma_start3A_216] : memref<10000x128xf32, #tpu.memory_space<hbm>> -> memref<80x128xf32, #tpu.memory_space<hbm>>
          %dma_start3A_218 = arith.constant 0 : i32
          %dma_start3A_219 = tpu.memref_slice %arg11[%mul3A_214, %dma_start3A_218] : memref<10000x128xf32, #tpu.memory_space<vmem_shared>> -> memref<80x128xf32, #tpu.memory_space<vmem_shared>>
          tpu.enqueue_dma source(%dma_start3A_219 : memref<80x128xf32, #tpu.memory_space<vmem_shared>>) target(%dma_start3A_217 : memref<80x128xf32, #tpu.memory_space<hbm>>) target_semaphore(%run_scoped3A_215 : memref<!tpu.dma_semaphore, #tpu.memory_space<semaphore_mem>>)
          %dma_wait3A_220 = arith.constant 0 : i32
          %dma_wait3A_221 = tpu.memref_slice %arg9[%mul3A_214, %dma_wait3A_220] : memref<10000x128xf32, #tpu.memory_space<hbm>> -> memref<80x128xf32, #tpu.memory_space<hbm>>
          %dma_wait3A_222 = arith.constant 0 : i32
          %dma_wait3A_223 = tpu.memref_slice %arg11[%mul3A_214, %dma_wait3A_222] : memref<10000x128xf32, #tpu.memory_space<vmem_shared>> -> memref<80x128xf32, #tpu.memory_space<vmem_shared>>
          tpu.wait_dma2 semaphore(%run_scoped3A_215 : memref<!tpu.dma_semaphore, #tpu.memory_space<semaphore_mem>>) src(%dma_wait3A_223 : memref<80x128xf32, #tpu.memory_space<vmem_shared>>) dst(%dma_wait3A_221 : memref<80x128xf32, #tpu.memory_space<hbm>>)
          tpu.yield
        }) : () -> ()
      } else {
      }
      %add3A_199 = arith.constant 96 : i32
      %add3A_200 = arith.addi %add3A_199, %arg1 : i32
      %lt3A_201 = arith.constant 125 : i32
      %lt3A_202 = arith.cmpi slt, %add3A_200, %lt3A_201 : i32
      %convert_element_type3A_203 = arith.extui %lt3A_202 : i1 to i32
      %cond3A_204 = arith.constant 0 : i32
      %cond3A_205 = arith.cmpi ne, %convert_element_type3A_203, %cond3A_204 : i32
      scf.if %cond3A_205 {
        %mul3A_213 = arith.constant 80 : i32
        %mul3A_214 = arith.muli %add3A_200, %mul3A_213 : i32
        "tpu.region"() ({
          %run_scoped3A_215 = tpu.sem_alloc : memref<!tpu.dma_semaphore, #tpu.memory_space<semaphore_mem>>
          %dma_start3A_216 = arith.constant 0 : i32
          %dma_start3A_217 = tpu.memref_slice %arg9[%mul3A_214, %dma_start3A_216] : memref<10000x128xf32, #tpu.memory_space<hbm>> -> memref<80x128xf32, #tpu.memory_space<hbm>>
          %dma_start3A_218 = arith.constant 0 : i32
          %dma_start3A_219 = tpu.memref_slice %arg11[%mul3A_214, %dma_start3A_218] : memref<10000x128xf32, #tpu.memory_space<vmem_shared>> -> memref<80x128xf32, #tpu.memory_space<vmem_shared>>
          tpu.enqueue_dma source(%dma_start3A_219 : memref<80x128xf32, #tpu.memory_space<vmem_shared>>) target(%dma_start3A_217 : memref<80x128xf32, #tpu.memory_space<hbm>>) target_semaphore(%run_scoped3A_215 : memref<!tpu.dma_semaphore, #tpu.memory_space<semaphore_mem>>)
          %dma_wait3A_220 = arith.constant 0 : i32
          %dma_wait3A_221 = tpu.memref_slice %arg9[%mul3A_214, %dma_wait3A_220] : memref<10000x128xf32, #tpu.memory_space<hbm>> -> memref<80x128xf32, #tpu.memory_space<hbm>>
          %dma_wait3A_222 = arith.constant 0 : i32
          %dma_wait3A_223 = tpu.memref_slice %arg11[%mul3A_214, %dma_wait3A_222] : memref<10000x128xf32, #tpu.memory_space<vmem_shared>> -> memref<80x128xf32, #tpu.memory_space<vmem_shared>>
          tpu.wait_dma2 semaphore(%run_scoped3A_215 : memref<!tpu.dma_semaphore, #tpu.memory_space<semaphore_mem>>) src(%dma_wait3A_223 : memref<80x128xf32, #tpu.memory_space<vmem_shared>>) dst(%dma_wait3A_221 : memref<80x128xf32, #tpu.memory_space<hbm>>)
          tpu.yield
        }) : () -> ()
      } else {
      }
      %add3A_206 = arith.constant 112 : i32
      %add3A_207 = arith.addi %add3A_206, %arg1 : i32
      %lt3A_208 = arith.constant 125 : i32
      %lt3A_209 = arith.cmpi slt, %add3A_207, %lt3A_208 : i32
      %convert_element_type3A_210 = arith.extui %lt3A_209 : i1 to i32
      %cond3A_211 = arith.constant 0 : i32
      %cond3A_212 = arith.cmpi ne, %convert_element_type3A_210, %cond3A_211 : i32
      scf.if %cond3A_212 {
        %mul3A_213 = arith.constant 80 : i32
        %mul3A_214 = arith.muli %add3A_207, %mul3A_213 : i32
        "tpu.region"() ({
          %run_scoped3A_215 = tpu.sem_alloc : memref<!tpu.dma_semaphore, #tpu.memory_space<semaphore_mem>>
          %dma_start3A_216 = arith.constant 0 : i32
          %dma_start3A_217 = tpu.memref_slice %arg9[%mul3A_214, %dma_start3A_216] : memref<10000x128xf32, #tpu.memory_space<hbm>> -> memref<80x128xf32, #tpu.memory_space<hbm>>
          %dma_start3A_218 = arith.constant 0 : i32
          %dma_start3A_219 = tpu.memref_slice %arg11[%mul3A_214, %dma_start3A_218] : memref<10000x128xf32, #tpu.memory_space<vmem_shared>> -> memref<80x128xf32, #tpu.memory_space<vmem_shared>>
          tpu.enqueue_dma source(%dma_start3A_219 : memref<80x128xf32, #tpu.memory_space<vmem_shared>>) target(%dma_start3A_217 : memref<80x128xf32, #tpu.memory_space<hbm>>) target_semaphore(%run_scoped3A_215 : memref<!tpu.dma_semaphore, #tpu.memory_space<semaphore_mem>>)
          %dma_wait3A_220 = arith.constant 0 : i32
          %dma_wait3A_221 = tpu.memref_slice %arg9[%mul3A_214, %dma_wait3A_220] : memref<10000x128xf32, #tpu.memory_space<hbm>> -> memref<80x128xf32, #tpu.memory_space<hbm>>
          %dma_wait3A_222 = arith.constant 0 : i32
          %dma_wait3A_223 = tpu.memref_slice %arg11[%mul3A_214, %dma_wait3A_222] : memref<10000x128xf32, #tpu.memory_space<vmem_shared>> -> memref<80x128xf32, #tpu.memory_space<vmem_shared>>
          tpu.wait_dma2 semaphore(%run_scoped3A_215 : memref<!tpu.dma_semaphore, #tpu.memory_space<semaphore_mem>>) src(%dma_wait3A_223 : memref<80x128xf32, #tpu.memory_space<vmem_shared>>) dst(%dma_wait3A_221 : memref<80x128xf32, #tpu.memory_space<hbm>>)
          tpu.yield
        }) : () -> ()
      } else {
      }
    } else {
    }
    %eq3A_2 = arith.constant 1 : i32
    %eq3A_3 = arith.cmpi eq, %arg0, %eq3A_2 : i32
    %convert_element_type3A_4 = arith.extui %eq3A_3 : i1 to i32
    %cond3A_5 = arith.constant 0 : i32
    %cond3A_6 = arith.cmpi ne, %convert_element_type3A_4, %cond3A_5 : i32
    scf.if %cond3A_6 {
      %mul3A = arith.constant 16000 : i32
      %mul3A_7 = arith.muli %arg1, %mul3A : i32
      "tpu.region"() ({
        %run_scoped3A_213 = tpu.sem_alloc : memref<!tpu.dma_semaphore, #tpu.memory_space<semaphore_mem>>
        %dma_start3A_214 = tpu.memref_slice %arg6[%mul3A_7] : memref<256000xi32, #tpu.memory_space<hbm>> -> memref<16000xi32, #tpu.memory_space<hbm>>
        %dma_start3A_215 = tpu.memref_slice %arg6[%mul3A_7] : memref<256000xi32, #tpu.memory_space<hbm>> -> memref<16000xi32, #tpu.memory_space<hbm>>
        tpu.enqueue_dma source(%dma_start3A_215 : memref<16000xi32, #tpu.memory_space<hbm>>) target(%arg12 : memref<16000xi32, #tpu.memory_space<vmem>>) target_semaphore(%run_scoped3A_213 : memref<!tpu.dma_semaphore, #tpu.memory_space<semaphore_mem>>)
        %dma_wait3A_216 = tpu.memref_slice %arg6[%mul3A_7] : memref<256000xi32, #tpu.memory_space<hbm>> -> memref<16000xi32, #tpu.memory_space<hbm>>
        %dma_wait3A_217 = tpu.memref_slice %arg6[%mul3A_7] : memref<256000xi32, #tpu.memory_space<hbm>> -> memref<16000xi32, #tpu.memory_space<hbm>>
        tpu.wait_dma2 semaphore(%run_scoped3A_213 : memref<!tpu.dma_semaphore, #tpu.memory_space<semaphore_mem>>) src(%dma_wait3A_217 : memref<16000xi32, #tpu.memory_space<hbm>>) dst(%arg12 : memref<16000xi32, #tpu.memory_space<vmem>>)
        tpu.yield
      }) : () -> ()
      %add3A = arith.constant 0 : i32
      %add3A_8 = arith.addi %add3A, %arg1 : i32
      %lt3A = arith.constant 125 : i32
      %lt3A_9 = arith.cmpi slt, %add3A_8, %lt3A : i32
      %convert_element_type3A_10 = arith.extui %lt3A_9 : i1 to i32
      %cond3A_11 = arith.constant 0 : i32
      %cond3A_12 = arith.cmpi ne, %convert_element_type3A_10, %cond3A_11 : i32
      scf.if %cond3A_12 {
        %mul3A_213 = arith.constant 80 : i32
        %mul3A_214 = arith.muli %add3A_8, %mul3A_213 : i32
        "tpu.region"() ({
          %run_scoped3A_215 = tpu.sem_alloc : memref<!tpu.dma_semaphore, #tpu.memory_space<semaphore_mem>>
          %dma_start3A_216 = arith.constant 0 : i32
          %dma_start3A_217 = tpu.memref_slice %arg11[%mul3A_214, %dma_start3A_216] : memref<10000x128xf32, #tpu.memory_space<vmem_shared>> -> memref<80x128xf32, #tpu.memory_space<vmem_shared>>
          tpu.enqueue_dma source(%arg8 : memref<80x128xf32, #tpu.memory_space<hbm>>) target(%dma_start3A_217 : memref<80x128xf32, #tpu.memory_space<vmem_shared>>) target_semaphore(%run_scoped3A_215 : memref<!tpu.dma_semaphore, #tpu.memory_space<semaphore_mem>>)
          %dma_wait3A_218 = arith.constant 0 : i32
          %dma_wait3A_219 = tpu.memref_slice %arg11[%mul3A_214, %dma_wait3A_218] : memref<10000x128xf32, #tpu.memory_space<vmem_shared>> -> memref<80x128xf32, #tpu.memory_space<vmem_shared>>
          tpu.wait_dma2 semaphore(%run_scoped3A_215 : memref<!tpu.dma_semaphore, #tpu.memory_space<semaphore_mem>>) src(%arg8 : memref<80x128xf32, #tpu.memory_space<hbm>>) dst(%dma_wait3A_219 : memref<80x128xf32, #tpu.memory_space<vmem_shared>>)
          tpu.yield
        }) : () -> ()
      } else {
      }
      %add3A_13 = arith.constant 16 : i32
      %add3A_14 = arith.addi %add3A_13, %arg1 : i32
      %lt3A_15 = arith.constant 125 : i32
      %lt3A_16 = arith.cmpi slt, %add3A_14, %lt3A_15 : i32
      %convert_element_type3A_17 = arith.extui %lt3A_16 : i1 to i32
      %cond3A_18 = arith.constant 0 : i32
      %cond3A_19 = arith.cmpi ne, %convert_element_type3A_17, %cond3A_18 : i32
      scf.if %cond3A_19 {
        %mul3A_213 = arith.constant 80 : i32
        %mul3A_214 = arith.muli %add3A_14, %mul3A_213 : i32
        "tpu.region"() ({
          %run_scoped3A_215 = tpu.sem_alloc : memref<!tpu.dma_semaphore, #tpu.memory_space<semaphore_mem>>
          %dma_start3A_216 = arith.constant 0 : i32
          %dma_start3A_217 = tpu.memref_slice %arg11[%mul3A_214, %dma_start3A_216] : memref<10000x128xf32, #tpu.memory_space<vmem_shared>> -> memref<80x128xf32, #tpu.memory_space<vmem_shared>>
          tpu.enqueue_dma source(%arg8 : memref<80x128xf32, #tpu.memory_space<hbm>>) target(%dma_start3A_217 : memref<80x128xf32, #tpu.memory_space<vmem_shared>>) target_semaphore(%run_scoped3A_215 : memref<!tpu.dma_semaphore, #tpu.memory_space<semaphore_mem>>)
          %dma_wait3A_218 = arith.constant 0 : i32
          %dma_wait3A_219 = tpu.memref_slice %arg11[%mul3A_214, %dma_wait3A_218] : memref<10000x128xf32, #tpu.memory_space<vmem_shared>> -> memref<80x128xf32, #tpu.memory_space<vmem_shared>>
          tpu.wait_dma2 semaphore(%run_scoped3A_215 : memref<!tpu.dma_semaphore, #tpu.memory_space<semaphore_mem>>) src(%arg8 : memref<80x128xf32, #tpu.memory_space<hbm>>) dst(%dma_wait3A_219 : memref<80x128xf32, #tpu.memory_space<vmem_shared>>)
          tpu.yield
        }) : () -> ()
      } else {
      }
      %add3A_20 = arith.constant 32 : i32
      %add3A_21 = arith.addi %add3A_20, %arg1 : i32
      %lt3A_22 = arith.constant 125 : i32
      %lt3A_23 = arith.cmpi slt, %add3A_21, %lt3A_22 : i32
      %convert_element_type3A_24 = arith.extui %lt3A_23 : i1 to i32
      %cond3A_25 = arith.constant 0 : i32
      %cond3A_26 = arith.cmpi ne, %convert_element_type3A_24, %cond3A_25 : i32
      scf.if %cond3A_26 {
        %mul3A_213 = arith.constant 80 : i32
        %mul3A_214 = arith.muli %add3A_21, %mul3A_213 : i32
        "tpu.region"() ({
          %run_scoped3A_215 = tpu.sem_alloc : memref<!tpu.dma_semaphore, #tpu.memory_space<semaphore_mem>>
          %dma_start3A_216 = arith.constant 0 : i32
          %dma_start3A_217 = tpu.memref_slice %arg11[%mul3A_214, %dma_start3A_216] : memref<10000x128xf32, #tpu.memory_space<vmem_shared>> -> memref<80x128xf32, #tpu.memory_space<vmem_shared>>
          tpu.enqueue_dma source(%arg8 : memref<80x128xf32, #tpu.memory_space<hbm>>) target(%dma_start3A_217 : memref<80x128xf32, #tpu.memory_space<vmem_shared>>) target_semaphore(%run_scoped3A_215 : memref<!tpu.dma_semaphore, #tpu.memory_space<semaphore_mem>>)
          %dma_wait3A_218 = arith.constant 0 : i32
          %dma_wait3A_219 = tpu.memref_slice %arg11[%mul3A_214, %dma_wait3A_218] : memref<10000x128xf32, #tpu.memory_space<vmem_shared>> -> memref<80x128xf32, #tpu.memory_space<vmem_shared>>
          tpu.wait_dma2 semaphore(%run_scoped3A_215 : memref<!tpu.dma_semaphore, #tpu.memory_space<semaphore_mem>>) src(%arg8 : memref<80x128xf32, #tpu.memory_space<hbm>>) dst(%dma_wait3A_219 : memref<80x128xf32, #tpu.memory_space<vmem_shared>>)
          tpu.yield
        }) : () -> ()
      } else {
      }
      %add3A_27 = arith.constant 48 : i32
      %add3A_28 = arith.addi %add3A_27, %arg1 : i32
      %lt3A_29 = arith.constant 125 : i32
      %lt3A_30 = arith.cmpi slt, %add3A_28, %lt3A_29 : i32
      %convert_element_type3A_31 = arith.extui %lt3A_30 : i1 to i32
      %cond3A_32 = arith.constant 0 : i32
      %cond3A_33 = arith.cmpi ne, %convert_element_type3A_31, %cond3A_32 : i32
      scf.if %cond3A_33 {
        %mul3A_213 = arith.constant 80 : i32
        %mul3A_214 = arith.muli %add3A_28, %mul3A_213 : i32
        "tpu.region"() ({
          %run_scoped3A_215 = tpu.sem_alloc : memref<!tpu.dma_semaphore, #tpu.memory_space<semaphore_mem>>
          %dma_start3A_216 = arith.constant 0 : i32
          %dma_start3A_217 = tpu.memref_slice %arg11[%mul3A_214, %dma_start3A_216] : memref<10000x128xf32, #tpu.memory_space<vmem_shared>> -> memref<80x128xf32, #tpu.memory_space<vmem_shared>>
          tpu.enqueue_dma source(%arg8 : memref<80x128xf32, #tpu.memory_space<hbm>>) target(%dma_start3A_217 : memref<80x128xf32, #tpu.memory_space<vmem_shared>>) target_semaphore(%run_scoped3A_215 : memref<!tpu.dma_semaphore, #tpu.memory_space<semaphore_mem>>)
          %dma_wait3A_218 = arith.constant 0 : i32
          %dma_wait3A_219 = tpu.memref_slice %arg11[%mul3A_214, %dma_wait3A_218] : memref<10000x128xf32, #tpu.memory_space<vmem_shared>> -> memref<80x128xf32, #tpu.memory_space<vmem_shared>>
          tpu.wait_dma2 semaphore(%run_scoped3A_215 : memref<!tpu.dma_semaphore, #tpu.memory_space<semaphore_mem>>) src(%arg8 : memref<80x128xf32, #tpu.memory_space<hbm>>) dst(%dma_wait3A_219 : memref<80x128xf32, #tpu.memory_space<vmem_shared>>)
          tpu.yield
        }) : () -> ()
      } else {
      }
      %add3A_34 = arith.constant 64 : i32
      %add3A_35 = arith.addi %add3A_34, %arg1 : i32
      %lt3A_36 = arith.constant 125 : i32
      %lt3A_37 = arith.cmpi slt, %add3A_35, %lt3A_36 : i32
      %convert_element_type3A_38 = arith.extui %lt3A_37 : i1 to i32
      %cond3A_39 = arith.constant 0 : i32
      %cond3A_40 = arith.cmpi ne, %convert_element_type3A_38, %cond3A_39 : i32
      scf.if %cond3A_40 {
        %mul3A_213 = arith.constant 80 : i32
        %mul3A_214 = arith.muli %add3A_35, %mul3A_213 : i32
        "tpu.region"() ({
          %run_scoped3A_215 = tpu.sem_alloc : memref<!tpu.dma_semaphore, #tpu.memory_space<semaphore_mem>>
          %dma_start3A_216 = arith.constant 0 : i32
          %dma_start3A_217 = tpu.memref_slice %arg11[%mul3A_214, %dma_start3A_216] : memref<10000x128xf32, #tpu.memory_space<vmem_shared>> -> memref<80x128xf32, #tpu.memory_space<vmem_shared>>
          tpu.enqueue_dma source(%arg8 : memref<80x128xf32, #tpu.memory_space<hbm>>) target(%dma_start3A_217 : memref<80x128xf32, #tpu.memory_space<vmem_shared>>) target_semaphore(%run_scoped3A_215 : memref<!tpu.dma_semaphore, #tpu.memory_space<semaphore_mem>>)
          %dma_wait3A_218 = arith.constant 0 : i32
          %dma_wait3A_219 = tpu.memref_slice %arg11[%mul3A_214, %dma_wait3A_218] : memref<10000x128xf32, #tpu.memory_space<vmem_shared>> -> memref<80x128xf32, #tpu.memory_space<vmem_shared>>
          tpu.wait_dma2 semaphore(%run_scoped3A_215 : memref<!tpu.dma_semaphore, #tpu.memory_space<semaphore_mem>>) src(%arg8 : memref<80x128xf32, #tpu.memory_space<hbm>>) dst(%dma_wait3A_219 : memref<80x128xf32, #tpu.memory_space<vmem_shared>>)
          tpu.yield
        }) : () -> ()
      } else {
      }
      %add3A_41 = arith.constant 80 : i32
      %add3A_42 = arith.addi %add3A_41, %arg1 : i32
      %lt3A_43 = arith.constant 125 : i32
      %lt3A_44 = arith.cmpi slt, %add3A_42, %lt3A_43 : i32
      %convert_element_type3A_45 = arith.extui %lt3A_44 : i1 to i32
      %cond3A_46 = arith.constant 0 : i32
      %cond3A_47 = arith.cmpi ne, %convert_element_type3A_45, %cond3A_46 : i32
      scf.if %cond3A_47 {
        %mul3A_213 = arith.constant 80 : i32
        %mul3A_214 = arith.muli %add3A_42, %mul3A_213 : i32
        "tpu.region"() ({
          %run_scoped3A_215 = tpu.sem_alloc : memref<!tpu.dma_semaphore, #tpu.memory_space<semaphore_mem>>
          %dma_start3A_216 = arith.constant 0 : i32
          %dma_start3A_217 = tpu.memref_slice %arg11[%mul3A_214, %dma_start3A_216] : memref<10000x128xf32, #tpu.memory_space<vmem_shared>> -> memref<80x128xf32, #tpu.memory_space<vmem_shared>>
          tpu.enqueue_dma source(%arg8 : memref<80x128xf32, #tpu.memory_space<hbm>>) target(%dma_start3A_217 : memref<80x128xf32, #tpu.memory_space<vmem_shared>>) target_semaphore(%run_scoped3A_215 : memref<!tpu.dma_semaphore, #tpu.memory_space<semaphore_mem>>)
          %dma_wait3A_218 = arith.constant 0 : i32
          %dma_wait3A_219 = tpu.memref_slice %arg11[%mul3A_214, %dma_wait3A_218] : memref<10000x128xf32, #tpu.memory_space<vmem_shared>> -> memref<80x128xf32, #tpu.memory_space<vmem_shared>>
          tpu.wait_dma2 semaphore(%run_scoped3A_215 : memref<!tpu.dma_semaphore, #tpu.memory_space<semaphore_mem>>) src(%arg8 : memref<80x128xf32, #tpu.memory_space<hbm>>) dst(%dma_wait3A_219 : memref<80x128xf32, #tpu.memory_space<vmem_shared>>)
          tpu.yield
        }) : () -> ()
      } else {
      }
      %add3A_48 = arith.constant 96 : i32
      %add3A_49 = arith.addi %add3A_48, %arg1 : i32
      %lt3A_50 = arith.constant 125 : i32
      %lt3A_51 = arith.cmpi slt, %add3A_49, %lt3A_50 : i32
      %convert_element_type3A_52 = arith.extui %lt3A_51 : i1 to i32
      %cond3A_53 = arith.constant 0 : i32
      %cond3A_54 = arith.cmpi ne, %convert_element_type3A_52, %cond3A_53 : i32
      scf.if %cond3A_54 {
        %mul3A_213 = arith.constant 80 : i32
        %mul3A_214 = arith.muli %add3A_49, %mul3A_213 : i32
        "tpu.region"() ({
          %run_scoped3A_215 = tpu.sem_alloc : memref<!tpu.dma_semaphore, #tpu.memory_space<semaphore_mem>>
          %dma_start3A_216 = arith.constant 0 : i32
          %dma_start3A_217 = tpu.memref_slice %arg11[%mul3A_214, %dma_start3A_216] : memref<10000x128xf32, #tpu.memory_space<vmem_shared>> -> memref<80x128xf32, #tpu.memory_space<vmem_shared>>
          tpu.enqueue_dma source(%arg8 : memref<80x128xf32, #tpu.memory_space<hbm>>) target(%dma_start3A_217 : memref<80x128xf32, #tpu.memory_space<vmem_shared>>) target_semaphore(%run_scoped3A_215 : memref<!tpu.dma_semaphore, #tpu.memory_space<semaphore_mem>>)
          %dma_wait3A_218 = arith.constant 0 : i32
          %dma_wait3A_219 = tpu.memref_slice %arg11[%mul3A_214, %dma_wait3A_218] : memref<10000x128xf32, #tpu.memory_space<vmem_shared>> -> memref<80x128xf32, #tpu.memory_space<vmem_shared>>
          tpu.wait_dma2 semaphore(%run_scoped3A_215 : memref<!tpu.dma_semaphore, #tpu.memory_space<semaphore_mem>>) src(%arg8 : memref<80x128xf32, #tpu.memory_space<hbm>>) dst(%dma_wait3A_219 : memref<80x128xf32, #tpu.memory_space<vmem_shared>>)
          tpu.yield
        }) : () -> ()
      } else {
      }
      %add3A_55 = arith.constant 112 : i32
      %add3A_56 = arith.addi %add3A_55, %arg1 : i32
      %lt3A_57 = arith.constant 125 : i32
      %lt3A_58 = arith.cmpi slt, %add3A_56, %lt3A_57 : i32
      %convert_element_type3A_59 = arith.extui %lt3A_58 : i1 to i32
      %cond3A_60 = arith.constant 0 : i32
      %cond3A_61 = arith.cmpi ne, %convert_element_type3A_59, %cond3A_60 : i32
      scf.if %cond3A_61 {
        %mul3A_213 = arith.constant 80 : i32
        %mul3A_214 = arith.muli %add3A_56, %mul3A_213 : i32
        "tpu.region"() ({
          %run_scoped3A_215 = tpu.sem_alloc : memref<!tpu.dma_semaphore, #tpu.memory_space<semaphore_mem>>
          %dma_start3A_216 = arith.constant 0 : i32
          %dma_start3A_217 = tpu.memref_slice %arg11[%mul3A_214, %dma_start3A_216] : memref<10000x128xf32, #tpu.memory_space<vmem_shared>> -> memref<80x128xf32, #tpu.memory_space<vmem_shared>>
          tpu.enqueue_dma source(%arg8 : memref<80x128xf32, #tpu.memory_space<hbm>>) target(%dma_start3A_217 : memref<80x128xf32, #tpu.memory_space<vmem_shared>>) target_semaphore(%run_scoped3A_215 : memref<!tpu.dma_semaphore, #tpu.memory_space<semaphore_mem>>)
          %dma_wait3A_218 = arith.constant 0 : i32
          %dma_wait3A_219 = tpu.memref_slice %arg11[%mul3A_214, %dma_wait3A_218] : memref<10000x128xf32, #tpu.memory_space<vmem_shared>> -> memref<80x128xf32, #tpu.memory_space<vmem_shared>>
          tpu.wait_dma2 semaphore(%run_scoped3A_215 : memref<!tpu.dma_semaphore, #tpu.memory_space<semaphore_mem>>) src(%arg8 : memref<80x128xf32, #tpu.memory_space<hbm>>) dst(%dma_wait3A_219 : memref<80x128xf32, #tpu.memory_space<vmem_shared>>)
          tpu.yield
        }) : () -> ()
      } else {
      }
      %barrier3A = arith.constant 0 : index
      tpu.barrier barrier_id(%barrier3A)
      %mul3A_62 = arith.constant 16000 : i32
      %mul3A_63 = arith.muli %arg1, %mul3A_62 : i32
      %add3A_64 = arith.constant 0 : i32
      %add3A_65 = arith.addi %mul3A_63, %add3A_64 : i32
      %dma_start3A = arith.constant 0 : i32
      %dma_start3A_66 = arith.constant 0 : i32
      %dma_start3A_67 = arith.constant 0 : i32
      %dma_start3A_68 = tpu.memref_slice %arg13[%dma_start3A, %dma_start3A_67] : memref<8x128xi32, #tpu.memory_space<vmem>> -> memref<1x128xi32, #tpu.memory_space<vmem>>
      %dma_start3A_69 = tpu.memref_squeeze %dma_start3A_68 : memref<1x128xi32, #tpu.memory_space<vmem>> -> memref<128xi32, #tpu.memory_space<vmem>>
      %dma_start3A_70 = tpu.memref_slice %arg7[%add3A_65] : memref<256000xi32, #tpu.memory_space<hbm>> -> memref<128xi32, #tpu.memory_space<hbm>>
      %dma_start3A_71 = tpu.memref_slice %arg16[%dma_start3A_66] : memref<2x!tpu.dma_semaphore, #tpu.memory_space<semaphore_mem>> -> memref<1x!tpu.dma_semaphore, #tpu.memory_space<semaphore_mem>>
      %dma_start3A_72 = tpu.memref_squeeze %dma_start3A_71 : memref<1x!tpu.dma_semaphore, #tpu.memory_space<semaphore_mem>> -> memref<!tpu.dma_semaphore, #tpu.memory_space<semaphore_mem>>
      %dma_start3A_73 = arith.constant 0 : i32
      %dma_start3A_74 = tpu.memref_slice %arg13[%dma_start3A, %dma_start3A_73] : memref<8x128xi32, #tpu.memory_space<vmem>> -> memref<1x128xi32, #tpu.memory_space<vmem>>
      %dma_start3A_75 = tpu.memref_squeeze %dma_start3A_74 : memref<1x128xi32, #tpu.memory_space<vmem>> -> memref<128xi32, #tpu.memory_space<vmem>>
      %dma_start3A_76 = tpu.memref_slice %arg7[%add3A_65] : memref<256000xi32, #tpu.memory_space<hbm>> -> memref<128xi32, #tpu.memory_space<hbm>>
      tpu.enqueue_dma source(%dma_start3A_76 : memref<128xi32, #tpu.memory_space<hbm>>) target(%dma_start3A_75 : memref<128xi32, #tpu.memory_space<vmem>>) target_semaphore(%dma_start3A_72 : memref<!tpu.dma_semaphore, #tpu.memory_space<semaphore_mem>>)
      %dma_start3A_77 = arith.constant 0 : i32
      %dma_start3A_78 = arith.constant 0 : i32
      %dma_start3A_79 = arith.constant 0 : i32
      %dma_start3A_80 = arith.constant 0 : i32
      %dma_start3A_81 = tpu.memref_slice %arg14[%dma_start3A_77, %dma_start3A_79, %dma_start3A_80] : memref<2x128x128xf32, #tpu.memory_space<vmem>> -> memref<1x128x128xf32, #tpu.memory_space<vmem>>
      %dma_start3A_82 = tpu.memref_squeeze %dma_start3A_81 : memref<1x128x128xf32, #tpu.memory_space<vmem>> -> memref<128x128xf32, #tpu.memory_space<vmem>>
      %dma_start3A_83 = arith.constant 0 : i32
      %dma_start3A_84 = tpu.memref_slice %arg12[%dma_start3A_83] : memref<16000xi32, #tpu.memory_space<vmem>> -> memref<128xi32, #tpu.memory_space<vmem>>
      %dma_start3A_85 = arith.constant 0 : i32
      %dma_start3A_86 = arith.constant 0 : i32
      %dma_start3A_87 = tpu.memref_slice %arg3[%dma_start3A_85, %dma_start3A_86] : memref<10000x128xf32, #tpu.memory_space<hbm>> -> memref<10000x128xf32, #tpu.memory_space<hbm>>
      %dma_start3A_88 = tpu.memref_slice %arg15[%dma_start3A_78] : memref<2x!tpu.dma_semaphore, #tpu.memory_space<semaphore_mem>> -> memref<1x!tpu.dma_semaphore, #tpu.memory_space<semaphore_mem>>
      %dma_start3A_89 = tpu.memref_squeeze %dma_start3A_88 : memref<1x!tpu.dma_semaphore, #tpu.memory_space<semaphore_mem>> -> memref<!tpu.dma_semaphore, #tpu.memory_space<semaphore_mem>>
      tpu.enqueue_indirect_dma source(%dma_start3A_87 : memref<10000x128xf32, #tpu.memory_space<hbm>>) target(%dma_start3A_82 : memref<128x128xf32, #tpu.memory_space<vmem>>) offsets(%dma_start3A_84 : memref<128xi32, #tpu.memory_space<vmem>>) semaphore(%dma_start3A_89 : memref<!tpu.dma_semaphore, #tpu.memory_space<semaphore_mem>>)
      %mul3A_90 = arith.constant 16000 : i32
      %mul3A_91 = arith.muli %arg1, %mul3A_90 : i32
      %add3A_92 = arith.constant 128 : i32
      %add3A_93 = arith.addi %mul3A_91, %add3A_92 : i32
      %dma_start3A_94 = arith.constant 1 : i32
      %dma_start3A_95 = arith.constant 1 : i32
      %dma_start3A_96 = arith.constant 0 : i32
      %dma_start3A_97 = tpu.memref_slice %arg13[%dma_start3A_94, %dma_start3A_96] : memref<8x128xi32, #tpu.memory_space<vmem>> -> memref<1x128xi32, #tpu.memory_space<vmem>>
      %dma_start3A_98 = tpu.memref_squeeze %dma_start3A_97 : memref<1x128xi32, #tpu.memory_space<vmem>> -> memref<128xi32, #tpu.memory_space<vmem>>
      %dma_start3A_99 = tpu.memref_slice %arg7[%add3A_93] : memref<256000xi32, #tpu.memory_space<hbm>> -> memref<128xi32, #tpu.memory_space<hbm>>
      %dma_start3A_100 = tpu.memref_slice %arg16[%dma_start3A_95] : memref<2x!tpu.dma_semaphore, #tpu.memory_space<semaphore_mem>> -> memref<1x!tpu.dma_semaphore, #tpu.memory_space<semaphore_mem>>
      %dma_start3A_101 = tpu.memref_squeeze %dma_start3A_100 : memref<1x!tpu.dma_semaphore, #tpu.memory_space<semaphore_mem>> -> memref<!tpu.dma_semaphore, #tpu.memory_space<semaphore_mem>>
      %dma_start3A_102 = arith.constant 0 : i32
      %dma_start3A_103 = tpu.memref_slice %arg13[%dma_start3A_94, %dma_start3A_102] : memref<8x128xi32, #tpu.memory_space<vmem>> -> memref<1x128xi32, #tpu.memory_space<vmem>>
      %dma_start3A_104 = tpu.memref_squeeze %dma_start3A_103 : memref<1x128xi32, #tpu.memory_space<vmem>> -> memref<128xi32, #tpu.memory_space<vmem>>
      %dma_start3A_105 = tpu.memref_slice %arg7[%add3A_93] : memref<256000xi32, #tpu.memory_space<hbm>> -> memref<128xi32, #tpu.memory_space<hbm>>
      tpu.enqueue_dma source(%dma_start3A_105 : memref<128xi32, #tpu.memory_space<hbm>>) target(%dma_start3A_104 : memref<128xi32, #tpu.memory_space<vmem>>) target_semaphore(%dma_start3A_101 : memref<!tpu.dma_semaphore, #tpu.memory_space<semaphore_mem>>)
      %dma_start3A_106 = arith.constant 1 : i32
      %dma_start3A_107 = arith.constant 1 : i32
      %dma_start3A_108 = arith.constant 0 : i32
      %dma_start3A_109 = arith.constant 0 : i32
      %dma_start3A_110 = tpu.memref_slice %arg14[%dma_start3A_106, %dma_start3A_108, %dma_start3A_109] : memref<2x128x128xf32, #tpu.memory_space<vmem>> -> memref<1x128x128xf32, #tpu.memory_space<vmem>>
      %dma_start3A_111 = tpu.memref_squeeze %dma_start3A_110 : memref<1x128x128xf32, #tpu.memory_space<vmem>> -> memref<128x128xf32, #tpu.memory_space<vmem>>
      %dma_start3A_112 = arith.constant 128 : i32
      %dma_start3A_113 = tpu.memref_slice %arg12[%dma_start3A_112] : memref<16000xi32, #tpu.memory_space<vmem>> -> memref<128xi32, #tpu.memory_space<vmem>>
      %dma_start3A_114 = arith.constant 0 : i32
      %dma_start3A_115 = arith.constant 0 : i32
      %dma_start3A_116 = tpu.memref_slice %arg3[%dma_start3A_114, %dma_start3A_115] : memref<10000x128xf32, #tpu.memory_space<hbm>> -> memref<10000x128xf32, #tpu.memory_space<hbm>>
      %dma_start3A_117 = tpu.memref_slice %arg15[%dma_start3A_107] : memref<2x!tpu.dma_semaphore, #tpu.memory_space<semaphore_mem>> -> memref<1x!tpu.dma_semaphore, #tpu.memory_space<semaphore_mem>>
      %dma_start3A_118 = tpu.memref_squeeze %dma_start3A_117 : memref<1x!tpu.dma_semaphore, #tpu.memory_space<semaphore_mem>> -> memref<!tpu.dma_semaphore, #tpu.memory_space<semaphore_mem>>
      tpu.enqueue_indirect_dma source(%dma_start3A_116 : memref<10000x128xf32, #tpu.memory_space<hbm>>) target(%dma_start3A_111 : memref<128x128xf32, #tpu.memory_space<vmem>>) offsets(%dma_start3A_113 : memref<128xi32, #tpu.memory_space<vmem>>) semaphore(%dma_start3A_118 : memref<!tpu.dma_semaphore, #tpu.memory_space<semaphore_mem>>)
      %scan3A = arith.constant 0 : i32
      %scan3A_119 = arith.constant 0 : i32
      %scan3A_120 = arith.constant 62 : i32
      %scan3A_121 = arith.addi %scan3A_119, %scan3A_120 : i32
      %scan3A_122 = arith.constant 1 : i32
      scf.for %scan3A_213 = %scan3A_119 to %scan3A_121 step %scan3A_122  : i32 {
        %mul3A_214 = arith.constant 2 : i32
        %mul3A_215 = arith.muli %scan3A_213, %mul3A_214 : i32
        %add3A_216 = arith.constant 0 : i32
        %add3A_217 = arith.addi %mul3A_215, %add3A_216 : i32
        %dma_wait3A_218 = arith.constant 0 : i32
        %dma_wait3A_219 = arith.constant 0 : i32
        %dma_wait3A_220 = arith.constant 0 : i32
        %dma_wait3A_221 = tpu.memref_slice %arg13[%dma_wait3A_218, %dma_wait3A_220] : memref<8x128xi32, #tpu.memory_space<vmem>> -> memref<1x128xi32, #tpu.memory_space<vmem>>
        %dma_wait3A_222 = tpu.memref_squeeze %dma_wait3A_221 : memref<1x128xi32, #tpu.memory_space<vmem>> -> memref<128xi32, #tpu.memory_space<vmem>>
        %dma_wait3A_223 = arith.constant 0 : i32
        %dma_wait3A_224 = tpu.memref_slice %arg7[%dma_wait3A_223] : memref<256000xi32, #tpu.memory_space<hbm>> -> memref<128xi32, #tpu.memory_space<hbm>>
        %dma_wait3A_225 = tpu.memref_slice %arg16[%dma_wait3A_219] : memref<2x!tpu.dma_semaphore, #tpu.memory_space<semaphore_mem>> -> memref<1x!tpu.dma_semaphore, #tpu.memory_space<semaphore_mem>>
        %dma_wait3A_226 = tpu.memref_squeeze %dma_wait3A_225 : memref<1x!tpu.dma_semaphore, #tpu.memory_space<semaphore_mem>> -> memref<!tpu.dma_semaphore, #tpu.memory_space<semaphore_mem>>
        %dma_wait3A_227 = arith.constant 0 : i32
        %dma_wait3A_228 = tpu.memref_slice %arg13[%dma_wait3A_218, %dma_wait3A_227] : memref<8x128xi32, #tpu.memory_space<vmem>> -> memref<1x128xi32, #tpu.memory_space<vmem>>
        %dma_wait3A_229 = tpu.memref_squeeze %dma_wait3A_228 : memref<1x128xi32, #tpu.memory_space<vmem>> -> memref<128xi32, #tpu.memory_space<vmem>>
        %dma_wait3A_230 = arith.constant 0 : i32
        %dma_wait3A_231 = tpu.memref_slice %arg7[%dma_wait3A_230] : memref<256000xi32, #tpu.memory_space<hbm>> -> memref<128xi32, #tpu.memory_space<hbm>>
        tpu.wait_dma2 semaphore(%dma_wait3A_226 : memref<!tpu.dma_semaphore, #tpu.memory_space<semaphore_mem>>) src(%dma_wait3A_231 : memref<128xi32, #tpu.memory_space<hbm>>) dst(%dma_wait3A_229 : memref<128xi32, #tpu.memory_space<vmem>>)
        %dma_wait3A_232 = arith.constant 0 : i32
        %dma_wait3A_233 = arith.constant 0 : i32
        %dma_wait3A_234 = arith.constant 0 : i32
        %dma_wait3A_235 = arith.constant 0 : i32
        %dma_wait3A_236 = tpu.memref_slice %arg14[%dma_wait3A_232, %dma_wait3A_234, %dma_wait3A_235] : memref<2x128x128xf32, #tpu.memory_space<vmem>> -> memref<1x128x128xf32, #tpu.memory_space<vmem>>
        %dma_wait3A_237 = tpu.memref_squeeze %dma_wait3A_236 : memref<1x128x128xf32, #tpu.memory_space<vmem>> -> memref<128x128xf32, #tpu.memory_space<vmem>>
        %dma_wait3A_238 = arith.constant 0 : i32
        %dma_wait3A_239 = arith.constant 0 : i32
        %dma_wait3A_240 = tpu.memref_slice %arg3[%dma_wait3A_238, %dma_wait3A_239] : memref<10000x128xf32, #tpu.memory_space<hbm>> -> memref<128x128xf32, #tpu.memory_space<hbm>>
        %dma_wait3A_241 = tpu.memref_slice %arg15[%dma_wait3A_233] : memref<2x!tpu.dma_semaphore, #tpu.memory_space<semaphore_mem>> -> memref<1x!tpu.dma_semaphore, #tpu.memory_space<semaphore_mem>>
        %dma_wait3A_242 = tpu.memref_squeeze %dma_wait3A_241 : memref<1x!tpu.dma_semaphore, #tpu.memory_space<semaphore_mem>> -> memref<!tpu.dma_semaphore, #tpu.memory_space<semaphore_mem>>
        %dma_wait3A_243 = arith.constant 0 : i32
        %dma_wait3A_244 = arith.constant 0 : i32
        %dma_wait3A_245 = tpu.memref_slice %arg14[%dma_wait3A_232, %dma_wait3A_243, %dma_wait3A_244] : memref<2x128x128xf32, #tpu.memory_space<vmem>> -> memref<1x128x128xf32, #tpu.memory_space<vmem>>
        %dma_wait3A_246 = tpu.memref_squeeze %dma_wait3A_245 : memref<1x128x128xf32, #tpu.memory_space<vmem>> -> memref<128x128xf32, #tpu.memory_space<vmem>>
        %dma_wait3A_247 = arith.constant 0 : i32
        %dma_wait3A_248 = arith.constant 0 : i32
        %dma_wait3A_249 = tpu.memref_slice %arg3[%dma_wait3A_247, %dma_wait3A_248] : memref<10000x128xf32, #tpu.memory_space<hbm>> -> memref<128x128xf32, #tpu.memory_space<hbm>>
        tpu.wait_dma2 semaphore(%dma_wait3A_242 : memref<!tpu.dma_semaphore, #tpu.memory_space<semaphore_mem>>) src(%dma_wait3A_249 : memref<128x128xf32, #tpu.memory_space<hbm>>) dst(%dma_wait3A_246 : memref<128x128xf32, #tpu.memory_space<vmem>>)
        %run_scoped3A_250 = arith.constant 0 : i32
        %run_scoped3A_251 = arith.constant 0 : i32
        "tpu.region"() ({
          %run_scoped3A_304 = tpu.sem_alloc : memref<!tpu.dma_semaphore, #tpu.memory_space<semaphore_mem>>
          %dma_start3A_305 = arith.constant 0 : i32
          %dma_start3A_306 = arith.constant 0 : i32
          %dma_start3A_307 = tpu.memref_slice %arg14[%run_scoped3A_250, %dma_start3A_305, %dma_start3A_306] : memref<2x128x128xf32, #tpu.memory_space<vmem>> -> memref<1x128x128xf32, #tpu.memory_space<vmem>>
          %dma_start3A_308 = tpu.memref_squeeze %dma_start3A_307 : memref<1x128x128xf32, #tpu.memory_space<vmem>> -> memref<128x128xf32, #tpu.memory_space<vmem>>
          %dma_start3A_309 = arith.constant 0 : i32
          %dma_start3A_310 = tpu.memref_slice %arg13[%run_scoped3A_251, %dma_start3A_309] : memref<8x128xi32, #tpu.memory_space<vmem>> -> memref<1x128xi32, #tpu.memory_space<vmem>>
          %dma_start3A_311 = tpu.memref_squeeze %dma_start3A_310 : memref<1x128xi32, #tpu.memory_space<vmem>> -> memref<128xi32, #tpu.memory_space<vmem>>
          %dma_start3A_312 = arith.constant 0 : i32
          %dma_start3A_313 = arith.constant 0 : i32
          %dma_start3A_314 = tpu.memref_slice %arg11[%dma_start3A_312, %dma_start3A_313] : memref<10000x128xf32, #tpu.memory_space<vmem_shared>> -> memref<10000x128xf32, #tpu.memory_space<vmem_shared>>
          tpu.enqueue_indirect_dma source(%dma_start3A_308 : memref<128x128xf32, #tpu.memory_space<vmem>>) target(%dma_start3A_314 : memref<10000x128xf32, #tpu.memory_space<vmem_shared>>) offsets(%dma_start3A_311 : memref<128xi32, #tpu.memory_space<vmem>>) semaphore(%run_scoped3A_304 : memref<!tpu.dma_semaphore, #tpu.memory_space<semaphore_mem>>) {add = true}
          %dma_wait3A_315 = arith.constant 0 : i32
          %dma_wait3A_316 = arith.constant 0 : i32
          %dma_wait3A_317 = tpu.memref_slice %arg14[%run_scoped3A_250, %dma_wait3A_315, %dma_wait3A_316] : memref<2x128x128xf32, #tpu.memory_space<vmem>> -> memref<1x128x128xf32, #tpu.memory_space<vmem>>
          %dma_wait3A_318 = tpu.memref_squeeze %dma_wait3A_317 : memref<1x128x128xf32, #tpu.memory_space<vmem>> -> memref<128x128xf32, #tpu.memory_space<vmem>>
          %dma_wait3A_319 = arith.constant 0 : i32
          %dma_wait3A_320 = tpu.memref_slice %arg13[%run_scoped3A_251, %dma_wait3A_319] : memref<8x128xi32, #tpu.memory_space<vmem>> -> memref<1x128xi32, #tpu.memory_space<vmem>>
          %dma_wait3A_321 = tpu.memref_squeeze %dma_wait3A_320 : memref<1x128xi32, #tpu.memory_space<vmem>> -> memref<128xi32, #tpu.memory_space<vmem>>
          %dma_wait3A_322 = arith.constant 0 : i32
          %dma_wait3A_323 = arith.constant 0 : i32
          %dma_wait3A_324 = tpu.memref_slice %arg11[%dma_wait3A_322, %dma_wait3A_323] : memref<10000x128xf32, #tpu.memory_space<vmem_shared>> -> memref<10000x128xf32, #tpu.memory_space<vmem_shared>>
          tpu.wait_indirect_dma semaphore(%run_scoped3A_304 : memref<!tpu.dma_semaphore, #tpu.memory_space<semaphore_mem>>) src(%dma_wait3A_318 : memref<128x128xf32, #tpu.memory_space<vmem>>) dst(%dma_wait3A_324 : memref<10000x128xf32, #tpu.memory_space<vmem_shared>>)
          tpu.yield
        }) : () -> ()
        %add3A_252 = arith.constant 2 : i32
        %add3A_253 = arith.addi %add3A_217, %add3A_252 : i32
        %lt3A_254 = arith.constant 125 : i32
        %lt3A_255 = arith.cmpi slt, %add3A_253, %lt3A_254 : i32
        %convert_element_type3A_256 = arith.extui %lt3A_255 : i1 to i32
        %cond3A_257 = arith.constant 0 : i32
        %cond3A_258 = arith.cmpi ne, %convert_element_type3A_256, %cond3A_257 : i32
        scf.if %cond3A_258 {
          %add3A_304 = arith.constant 2 : i32
          %add3A_305 = arith.addi %add3A_217, %add3A_304 : i32
          %mul3A_306 = arith.constant 16000 : i32
          %mul3A_307 = arith.muli %arg1, %mul3A_306 : i32
          %mul3A_308 = arith.constant 128 : i32
          %mul3A_309 = arith.muli %add3A_305, %mul3A_308 : i32
          %add3A_310 = arith.addi %mul3A_307, %mul3A_309 : i32
          %dma_start3A_311 = arith.constant 0 : i32
          %dma_start3A_312 = arith.constant 0 : i32
          %dma_start3A_313 = arith.constant 0 : i32
          %dma_start3A_314 = tpu.memref_slice %arg13[%dma_start3A_311, %dma_start3A_313] : memref<8x128xi32, #tpu.memory_space<vmem>> -> memref<1x128xi32, #tpu.memory_space<vmem>>
          %dma_start3A_315 = tpu.memref_squeeze %dma_start3A_314 : memref<1x128xi32, #tpu.memory_space<vmem>> -> memref<128xi32, #tpu.memory_space<vmem>>
          %dma_start3A_316 = tpu.memref_slice %arg7[%add3A_310] : memref<256000xi32, #tpu.memory_space<hbm>> -> memref<128xi32, #tpu.memory_space<hbm>>
          %dma_start3A_317 = tpu.memref_slice %arg16[%dma_start3A_312] : memref<2x!tpu.dma_semaphore, #tpu.memory_space<semaphore_mem>> -> memref<1x!tpu.dma_semaphore, #tpu.memory_space<semaphore_mem>>
          %dma_start3A_318 = tpu.memref_squeeze %dma_start3A_317 : memref<1x!tpu.dma_semaphore, #tpu.memory_space<semaphore_mem>> -> memref<!tpu.dma_semaphore, #tpu.memory_space<semaphore_mem>>
          %dma_start3A_319 = arith.constant 0 : i32
          %dma_start3A_320 = tpu.memref_slice %arg13[%dma_start3A_311, %dma_start3A_319] : memref<8x128xi32, #tpu.memory_space<vmem>> -> memref<1x128xi32, #tpu.memory_space<vmem>>
          %dma_start3A_321 = tpu.memref_squeeze %dma_start3A_320 : memref<1x128xi32, #tpu.memory_space<vmem>> -> memref<128xi32, #tpu.memory_space<vmem>>
          %dma_start3A_322 = tpu.memref_slice %arg7[%add3A_310] : memref<256000xi32, #tpu.memory_space<hbm>> -> memref<128xi32, #tpu.memory_space<hbm>>
          tpu.enqueue_dma source(%dma_start3A_322 : memref<128xi32, #tpu.memory_space<hbm>>) target(%dma_start3A_321 : memref<128xi32, #tpu.memory_space<vmem>>) target_semaphore(%dma_start3A_318 : memref<!tpu.dma_semaphore, #tpu.memory_space<semaphore_mem>>)
          %mul3A_323 = arith.constant 128 : i32
          %mul3A_324 = arith.muli %add3A_305, %mul3A_323 : i32
          %dma_start3A_325 = arith.constant 0 : i32
          %dma_start3A_326 = arith.constant 0 : i32
          %dma_start3A_327 = arith.constant 0 : i32
          %dma_start3A_328 = arith.constant 0 : i32
          %dma_start3A_329 = tpu.memref_slice %arg14[%dma_start3A_325, %dma_start3A_327, %dma_start3A_328] : memref<2x128x128xf32, #tpu.memory_space<vmem>> -> memref<1x128x128xf32, #tpu.memory_space<vmem>>
          %dma_start3A_330 = tpu.memref_squeeze %dma_start3A_329 : memref<1x128x128xf32, #tpu.memory_space<vmem>> -> memref<128x128xf32, #tpu.memory_space<vmem>>
          %dma_start3A_331 = tpu.memref_slice %arg12[%mul3A_324] : memref<16000xi32, #tpu.memory_space<vmem>> -> memref<128xi32, #tpu.memory_space<vmem>>
          %dma_start3A_332 = arith.constant 0 : i32
          %dma_start3A_333 = arith.constant 0 : i32
          %dma_start3A_334 = tpu.memref_slice %arg3[%dma_start3A_332, %dma_start3A_333] : memref<10000x128xf32, #tpu.memory_space<hbm>> -> memref<10000x128xf32, #tpu.memory_space<hbm>>
          %dma_start3A_335 = tpu.memref_slice %arg15[%dma_start3A_326] : memref<2x!tpu.dma_semaphore, #tpu.memory_space<semaphore_mem>> -> memref<1x!tpu.dma_semaphore, #tpu.memory_space<semaphore_mem>>
          %dma_start3A_336 = tpu.memref_squeeze %dma_start3A_335 : memref<1x!tpu.dma_semaphore, #tpu.memory_space<semaphore_mem>> -> memref<!tpu.dma_semaphore, #tpu.memory_space<semaphore_mem>>
          tpu.enqueue_indirect_dma source(%dma_start3A_334 : memref<10000x128xf32, #tpu.memory_space<hbm>>) target(%dma_start3A_330 : memref<128x128xf32, #tpu.memory_space<vmem>>) offsets(%dma_start3A_331 : memref<128xi32, #tpu.memory_space<vmem>>) semaphore(%dma_start3A_336 : memref<!tpu.dma_semaphore, #tpu.memory_space<semaphore_mem>>)
        } else {
        }
        %mul3A_259 = arith.constant 2 : i32
        %mul3A_260 = arith.muli %scan3A_213, %mul3A_259 : i32
        %add3A_261 = arith.constant 1 : i32
        %add3A_262 = arith.addi %mul3A_260, %add3A_261 : i32
        %dma_wait3A_263 = arith.constant 1 : i32
        %dma_wait3A_264 = arith.constant 1 : i32
        %dma_wait3A_265 = arith.constant 0 : i32
        %dma_wait3A_266 = tpu.memref_slice %arg13[%dma_wait3A_263, %dma_wait3A_265] : memref<8x128xi32, #tpu.memory_space<vmem>> -> memref<1x128xi32, #tpu.memory_space<vmem>>
        %dma_wait3A_267 = tpu.memref_squeeze %dma_wait3A_266 : memref<1x128xi32, #tpu.memory_space<vmem>> -> memref<128xi32, #tpu.memory_space<vmem>>
        %dma_wait3A_268 = arith.constant 0 : i32
        %dma_wait3A_269 = tpu.memref_slice %arg7[%dma_wait3A_268] : memref<256000xi32, #tpu.memory_space<hbm>> -> memref<128xi32, #tpu.memory_space<hbm>>
        %dma_wait3A_270 = tpu.memref_slice %arg16[%dma_wait3A_264] : memref<2x!tpu.dma_semaphore, #tpu.memory_space<semaphore_mem>> -> memref<1x!tpu.dma_semaphore, #tpu.memory_space<semaphore_mem>>
        %dma_wait3A_271 = tpu.memref_squeeze %dma_wait3A_270 : memref<1x!tpu.dma_semaphore, #tpu.memory_space<semaphore_mem>> -> memref<!tpu.dma_semaphore, #tpu.memory_space<semaphore_mem>>
        %dma_wait3A_272 = arith.constant 0 : i32
        %dma_wait3A_273 = tpu.memref_slice %arg13[%dma_wait3A_263, %dma_wait3A_272] : memref<8x128xi32, #tpu.memory_space<vmem>> -> memref<1x128xi32, #tpu.memory_space<vmem>>
        %dma_wait3A_274 = tpu.memref_squeeze %dma_wait3A_273 : memref<1x128xi32, #tpu.memory_space<vmem>> -> memref<128xi32, #tpu.memory_space<vmem>>
        %dma_wait3A_275 = arith.constant 0 : i32
        %dma_wait3A_276 = tpu.memref_slice %arg7[%dma_wait3A_275] : memref<256000xi32, #tpu.memory_space<hbm>> -> memref<128xi32, #tpu.memory_space<hbm>>
        tpu.wait_dma2 semaphore(%dma_wait3A_271 : memref<!tpu.dma_semaphore, #tpu.memory_space<semaphore_mem>>) src(%dma_wait3A_276 : memref<128xi32, #tpu.memory_space<hbm>>) dst(%dma_wait3A_274 : memref<128xi32, #tpu.memory_space<vmem>>)
        %dma_wait3A_277 = arith.constant 1 : i32
        %dma_wait3A_278 = arith.constant 1 : i32
        %dma_wait3A_279 = arith.constant 0 : i32
        %dma_wait3A_280 = arith.constant 0 : i32
        %dma_wait3A_281 = tpu.memref_slice %arg14[%dma_wait3A_277, %dma_wait3A_279, %dma_wait3A_280] : memref<2x128x128xf32, #tpu.memory_space<vmem>> -> memref<1x128x128xf32, #tpu.memory_space<vmem>>
        %dma_wait3A_282 = tpu.memref_squeeze %dma_wait3A_281 : memref<1x128x128xf32, #tpu.memory_space<vmem>> -> memref<128x128xf32, #tpu.memory_space<vmem>>
        %dma_wait3A_283 = arith.constant 0 : i32
        %dma_wait3A_284 = arith.constant 0 : i32
        %dma_wait3A_285 = tpu.memref_slice %arg3[%dma_wait3A_283, %dma_wait3A_284] : memref<10000x128xf32, #tpu.memory_space<hbm>> -> memref<128x128xf32, #tpu.memory_space<hbm>>
        %dma_wait3A_286 = tpu.memref_slice %arg15[%dma_wait3A_278] : memref<2x!tpu.dma_semaphore, #tpu.memory_space<semaphore_mem>> -> memref<1x!tpu.dma_semaphore, #tpu.memory_space<semaphore_mem>>
        %dma_wait3A_287 = tpu.memref_squeeze %dma_wait3A_286 : memref<1x!tpu.dma_semaphore, #tpu.memory_space<semaphore_mem>> -> memref<!tpu.dma_semaphore, #tpu.memory_space<semaphore_mem>>
        %dma_wait3A_288 = arith.constant 0 : i32
        %dma_wait3A_289 = arith.constant 0 : i32
        %dma_wait3A_290 = tpu.memref_slice %arg14[%dma_wait3A_277, %dma_wait3A_288, %dma_wait3A_289] : memref<2x128x128xf32, #tpu.memory_space<vmem>> -> memref<1x128x128xf32, #tpu.memory_space<vmem>>
        %dma_wait3A_291 = tpu.memref_squeeze %dma_wait3A_290 : memref<1x128x128xf32, #tpu.memory_space<vmem>> -> memref<128x128xf32, #tpu.memory_space<vmem>>
        %dma_wait3A_292 = arith.constant 0 : i32
        %dma_wait3A_293 = arith.constant 0 : i32
        %dma_wait3A_294 = tpu.memref_slice %arg3[%dma_wait3A_292, %dma_wait3A_293] : memref<10000x128xf32, #tpu.memory_space<hbm>> -> memref<128x128xf32, #tpu.memory_space<hbm>>
        tpu.wait_dma2 semaphore(%dma_wait3A_287 : memref<!tpu.dma_semaphore, #tpu.memory_space<semaphore_mem>>) src(%dma_wait3A_294 : memref<128x128xf32, #tpu.memory_space<hbm>>) dst(%dma_wait3A_291 : memref<128x128xf32, #tpu.memory_space<vmem>>)
        %run_scoped3A_295 = arith.constant 1 : i32
        %run_scoped3A_296 = arith.constant 1 : i32
        "tpu.region"() ({
          %run_scoped3A_304 = tpu.sem_alloc : memref<!tpu.dma_semaphore, #tpu.memory_space<semaphore_mem>>
          %dma_start3A_305 = arith.constant 0 : i32
          %dma_start3A_306 = arith.constant 0 : i32
          %dma_start3A_307 = tpu.memref_slice %arg14[%run_scoped3A_295, %dma_start3A_305, %dma_start3A_306] : memref<2x128x128xf32, #tpu.memory_space<vmem>> -> memref<1x128x128xf32, #tpu.memory_space<vmem>>
          %dma_start3A_308 = tpu.memref_squeeze %dma_start3A_307 : memref<1x128x128xf32, #tpu.memory_space<vmem>> -> memref<128x128xf32, #tpu.memory_space<vmem>>
          %dma_start3A_309 = arith.constant 0 : i32
          %dma_start3A_310 = tpu.memref_slice %arg13[%run_scoped3A_296, %dma_start3A_309] : memref<8x128xi32, #tpu.memory_space<vmem>> -> memref<1x128xi32, #tpu.memory_space<vmem>>
          %dma_start3A_311 = tpu.memref_squeeze %dma_start3A_310 : memref<1x128xi32, #tpu.memory_space<vmem>> -> memref<128xi32, #tpu.memory_space<vmem>>
          %dma_start3A_312 = arith.constant 0 : i32
          %dma_start3A_313 = arith.constant 0 : i32
          %dma_start3A_314 = tpu.memref_slice %arg11[%dma_start3A_312, %dma_start3A_313] : memref<10000x128xf32, #tpu.memory_space<vmem_shared>> -> memref<10000x128xf32, #tpu.memory_space<vmem_shared>>
          tpu.enqueue_indirect_dma source(%dma_start3A_308 : memref<128x128xf32, #tpu.memory_space<vmem>>) target(%dma_start3A_314 : memref<10000x128xf32, #tpu.memory_space<vmem_shared>>) offsets(%dma_start3A_311 : memref<128xi32, #tpu.memory_space<vmem>>) semaphore(%run_scoped3A_304 : memref<!tpu.dma_semaphore, #tpu.memory_space<semaphore_mem>>) {add = true}
          %dma_wait3A_315 = arith.constant 0 : i32
          %dma_wait3A_316 = arith.constant 0 : i32
          %dma_wait3A_317 = tpu.memref_slice %arg14[%run_scoped3A_295, %dma_wait3A_315, %dma_wait3A_316] : memref<2x128x128xf32, #tpu.memory_space<vmem>> -> memref<1x128x128xf32, #tpu.memory_space<vmem>>
          %dma_wait3A_318 = tpu.memref_squeeze %dma_wait3A_317 : memref<1x128x128xf32, #tpu.memory_space<vmem>> -> memref<128x128xf32, #tpu.memory_space<vmem>>
          %dma_wait3A_319 = arith.constant 0 : i32
          %dma_wait3A_320 = tpu.memref_slice %arg13[%run_scoped3A_296, %dma_wait3A_319] : memref<8x128xi32, #tpu.memory_space<vmem>> -> memref<1x128xi32, #tpu.memory_space<vmem>>
          %dma_wait3A_321 = tpu.memref_squeeze %dma_wait3A_320 : memref<1x128xi32, #tpu.memory_space<vmem>> -> memref<128xi32, #tpu.memory_space<vmem>>
          %dma_wait3A_322 = arith.constant 0 : i32
          %dma_wait3A_323 = arith.constant 0 : i32
          %dma_wait3A_324 = tpu.memref_slice %arg11[%dma_wait3A_322, %dma_wait3A_323] : memref<10000x128xf32, #tpu.memory_space<vmem_shared>> -> memref<10000x128xf32, #tpu.memory_space<vmem_shared>>
          tpu.wait_indirect_dma semaphore(%run_scoped3A_304 : memref<!tpu.dma_semaphore, #tpu.memory_space<semaphore_mem>>) src(%dma_wait3A_318 : memref<128x128xf32, #tpu.memory_space<vmem>>) dst(%dma_wait3A_324 : memref<10000x128xf32, #tpu.memory_space<vmem_shared>>)
          tpu.yield
        }) : () -> ()
        %add3A_297 = arith.constant 2 : i32
        %add3A_298 = arith.addi %add3A_262, %add3A_297 : i32
        %lt3A_299 = arith.constant 125 : i32
        %lt3A_300 = arith.cmpi slt, %add3A_298, %lt3A_299 : i32
        %convert_element_type3A_301 = arith.extui %lt3A_300 : i1 to i32
        %cond3A_302 = arith.constant 0 : i32
        %cond3A_303 = arith.cmpi ne, %convert_element_type3A_301, %cond3A_302 : i32
        scf.if %cond3A_303 {
          %add3A_304 = arith.constant 2 : i32
          %add3A_305 = arith.addi %add3A_262, %add3A_304 : i32
          %mul3A_306 = arith.constant 16000 : i32
          %mul3A_307 = arith.muli %arg1, %mul3A_306 : i32
          %mul3A_308 = arith.constant 128 : i32
          %mul3A_309 = arith.muli %add3A_305, %mul3A_308 : i32
          %add3A_310 = arith.addi %mul3A_307, %mul3A_309 : i32
          %dma_start3A_311 = arith.constant 1 : i32
          %dma_start3A_312 = arith.constant 1 : i32
          %dma_start3A_313 = arith.constant 0 : i32
          %dma_start3A_314 = tpu.memref_slice %arg13[%dma_start3A_311, %dma_start3A_313] : memref<8x128xi32, #tpu.memory_space<vmem>> -> memref<1x128xi32, #tpu.memory_space<vmem>>
          %dma_start3A_315 = tpu.memref_squeeze %dma_start3A_314 : memref<1x128xi32, #tpu.memory_space<vmem>> -> memref<128xi32, #tpu.memory_space<vmem>>
          %dma_start3A_316 = tpu.memref_slice %arg7[%add3A_310] : memref<256000xi32, #tpu.memory_space<hbm>> -> memref<128xi32, #tpu.memory_space<hbm>>
          %dma_start3A_317 = tpu.memref_slice %arg16[%dma_start3A_312] : memref<2x!tpu.dma_semaphore, #tpu.memory_space<semaphore_mem>> -> memref<1x!tpu.dma_semaphore, #tpu.memory_space<semaphore_mem>>
          %dma_start3A_318 = tpu.memref_squeeze %dma_start3A_317 : memref<1x!tpu.dma_semaphore, #tpu.memory_space<semaphore_mem>> -> memref<!tpu.dma_semaphore, #tpu.memory_space<semaphore_mem>>
          %dma_start3A_319 = arith.constant 0 : i32
          %dma_start3A_320 = tpu.memref_slice %arg13[%dma_start3A_311, %dma_start3A_319] : memref<8x128xi32, #tpu.memory_space<vmem>> -> memref<1x128xi32, #tpu.memory_space<vmem>>
          %dma_start3A_321 = tpu.memref_squeeze %dma_start3A_320 : memref<1x128xi32, #tpu.memory_space<vmem>> -> memref<128xi32, #tpu.memory_space<vmem>>
          %dma_start3A_322 = tpu.memref_slice %arg7[%add3A_310] : memref<256000xi32, #tpu.memory_space<hbm>> -> memref<128xi32, #tpu.memory_space<hbm>>
          tpu.enqueue_dma source(%dma_start3A_322 : memref<128xi32, #tpu.memory_space<hbm>>) target(%dma_start3A_321 : memref<128xi32, #tpu.memory_space<vmem>>) target_semaphore(%dma_start3A_318 : memref<!tpu.dma_semaphore, #tpu.memory_space<semaphore_mem>>)
          %mul3A_323 = arith.constant 128 : i32
          %mul3A_324 = arith.muli %add3A_305, %mul3A_323 : i32
          %dma_start3A_325 = arith.constant 1 : i32
          %dma_start3A_326 = arith.constant 1 : i32
          %dma_start3A_327 = arith.constant 0 : i32
          %dma_start3A_328 = arith.constant 0 : i32
          %dma_start3A_329 = tpu.memref_slice %arg14[%dma_start3A_325, %dma_start3A_327, %dma_start3A_328] : memref<2x128x128xf32, #tpu.memory_space<vmem>> -> memref<1x128x128xf32, #tpu.memory_space<vmem>>
          %dma_start3A_330 = tpu.memref_squeeze %dma_start3A_329 : memref<1x128x128xf32, #tpu.memory_space<vmem>> -> memref<128x128xf32, #tpu.memory_space<vmem>>
          %dma_start3A_331 = tpu.memref_slice %arg12[%mul3A_324] : memref<16000xi32, #tpu.memory_space<vmem>> -> memref<128xi32, #tpu.memory_space<vmem>>
          %dma_start3A_332 = arith.constant 0 : i32
          %dma_start3A_333 = arith.constant 0 : i32
          %dma_start3A_334 = tpu.memref_slice %arg3[%dma_start3A_332, %dma_start3A_333] : memref<10000x128xf32, #tpu.memory_space<hbm>> -> memref<10000x128xf32, #tpu.memory_space<hbm>>
          %dma_start3A_335 = tpu.memref_slice %arg15[%dma_start3A_326] : memref<2x!tpu.dma_semaphore, #tpu.memory_space<semaphore_mem>> -> memref<1x!tpu.dma_semaphore, #tpu.memory_space<semaphore_mem>>
          %dma_start3A_336 = tpu.memref_squeeze %dma_start3A_335 : memref<1x!tpu.dma_semaphore, #tpu.memory_space<semaphore_mem>> -> memref<!tpu.dma_semaphore, #tpu.memory_space<semaphore_mem>>
          tpu.enqueue_indirect_dma source(%dma_start3A_334 : memref<10000x128xf32, #tpu.memory_space<hbm>>) target(%dma_start3A_330 : memref<128x128xf32, #tpu.memory_space<vmem>>) offsets(%dma_start3A_331 : memref<128xi32, #tpu.memory_space<vmem>>) semaphore(%dma_start3A_336 : memref<!tpu.dma_semaphore, #tpu.memory_space<semaphore_mem>>)
        } else {
        }
      }
      %scan3A_123 = arith.constant 62 : i32
      %dma_wait3A = arith.constant 0 : i32
      %dma_wait3A_124 = arith.constant 0 : i32
      %dma_wait3A_125 = arith.constant 0 : i32
      %dma_wait3A_126 = tpu.memref_slice %arg13[%dma_wait3A, %dma_wait3A_125] : memref<8x128xi32, #tpu.memory_space<vmem>> -> memref<1x128xi32, #tpu.memory_space<vmem>>
      %dma_wait3A_127 = tpu.memref_squeeze %dma_wait3A_126 : memref<1x128xi32, #tpu.memory_space<vmem>> -> memref<128xi32, #tpu.memory_space<vmem>>
      %dma_wait3A_128 = arith.constant 0 : i32
      %dma_wait3A_129 = tpu.memref_slice %arg7[%dma_wait3A_128] : memref<256000xi32, #tpu.memory_space<hbm>> -> memref<128xi32, #tpu.memory_space<hbm>>
      %dma_wait3A_130 = tpu.memref_slice %arg16[%dma_wait3A_124] : memref<2x!tpu.dma_semaphore, #tpu.memory_space<semaphore_mem>> -> memref<1x!tpu.dma_semaphore, #tpu.memory_space<semaphore_mem>>
      %dma_wait3A_131 = tpu.memref_squeeze %dma_wait3A_130 : memref<1x!tpu.dma_semaphore, #tpu.memory_space<semaphore_mem>> -> memref<!tpu.dma_semaphore, #tpu.memory_space<semaphore_mem>>
      %dma_wait3A_132 = arith.constant 0 : i32
      %dma_wait3A_133 = tpu.memref_slice %arg13[%dma_wait3A, %dma_wait3A_132] : memref<8x128xi32, #tpu.memory_space<vmem>> -> memref<1x128xi32, #tpu.memory_space<vmem>>
      %dma_wait3A_134 = tpu.memref_squeeze %dma_wait3A_133 : memref<1x128xi32, #tpu.memory_space<vmem>> -> memref<128xi32, #tpu.memory_space<vmem>>
      %dma_wait3A_135 = arith.constant 0 : i32
      %dma_wait3A_136 = tpu.memref_slice %arg7[%dma_wait3A_135] : memref<256000xi32, #tpu.memory_space<hbm>> -> memref<128xi32, #tpu.memory_space<hbm>>
      tpu.wait_dma2 semaphore(%dma_wait3A_131 : memref<!tpu.dma_semaphore, #tpu.memory_space<semaphore_mem>>) src(%dma_wait3A_136 : memref<128xi32, #tpu.memory_space<hbm>>) dst(%dma_wait3A_134 : memref<128xi32, #tpu.memory_space<vmem>>)
      %dma_wait3A_137 = arith.constant 0 : i32
      %dma_wait3A_138 = arith.constant 0 : i32
      %dma_wait3A_139 = arith.constant 0 : i32
      %dma_wait3A_140 = arith.constant 0 : i32
      %dma_wait3A_141 = tpu.memref_slice %arg14[%dma_wait3A_137, %dma_wait3A_139, %dma_wait3A_140] : memref<2x128x128xf32, #tpu.memory_space<vmem>> -> memref<1x128x128xf32, #tpu.memory_space<vmem>>
      %dma_wait3A_142 = tpu.memref_squeeze %dma_wait3A_141 : memref<1x128x128xf32, #tpu.memory_space<vmem>> -> memref<128x128xf32, #tpu.memory_space<vmem>>
      %dma_wait3A_143 = arith.constant 0 : i32
      %dma_wait3A_144 = arith.constant 0 : i32
      %dma_wait3A_145 = tpu.memref_slice %arg3[%dma_wait3A_143, %dma_wait3A_144] : memref<10000x128xf32, #tpu.memory_space<hbm>> -> memref<128x128xf32, #tpu.memory_space<hbm>>
      %dma_wait3A_146 = tpu.memref_slice %arg15[%dma_wait3A_138] : memref<2x!tpu.dma_semaphore, #tpu.memory_space<semaphore_mem>> -> memref<1x!tpu.dma_semaphore, #tpu.memory_space<semaphore_mem>>
      %dma_wait3A_147 = tpu.memref_squeeze %dma_wait3A_146 : memref<1x!tpu.dma_semaphore, #tpu.memory_space<semaphore_mem>> -> memref<!tpu.dma_semaphore, #tpu.memory_space<semaphore_mem>>
      %dma_wait3A_148 = arith.constant 0 : i32
      %dma_wait3A_149 = arith.constant 0 : i32
      %dma_wait3A_150 = tpu.memref_slice %arg14[%dma_wait3A_137, %dma_wait3A_148, %dma_wait3A_149] : memref<2x128x128xf32, #tpu.memory_space<vmem>> -> memref<1x128x128xf32, #tpu.memory_space<vmem>>
      %dma_wait3A_151 = tpu.memref_squeeze %dma_wait3A_150 : memref<1x128x128xf32, #tpu.memory_space<vmem>> -> memref<128x128xf32, #tpu.memory_space<vmem>>
      %dma_wait3A_152 = arith.constant 0 : i32
      %dma_wait3A_153 = arith.constant 0 : i32
      %dma_wait3A_154 = tpu.memref_slice %arg3[%dma_wait3A_152, %dma_wait3A_153] : memref<10000x128xf32, #tpu.memory_space<hbm>> -> memref<128x128xf32, #tpu.memory_space<hbm>>
      tpu.wait_dma2 semaphore(%dma_wait3A_147 : memref<!tpu.dma_semaphore, #tpu.memory_space<semaphore_mem>>) src(%dma_wait3A_154 : memref<128x128xf32, #tpu.memory_space<hbm>>) dst(%dma_wait3A_151 : memref<128x128xf32, #tpu.memory_space<vmem>>)
      %run_scoped3A = arith.constant 0 : i32
      %run_scoped3A_155 = arith.constant 0 : i32
      "tpu.region"() ({
        %run_scoped3A_213 = tpu.sem_alloc : memref<!tpu.dma_semaphore, #tpu.memory_space<semaphore_mem>>
        %dma_start3A_214 = arith.constant 0 : i32
        %dma_start3A_215 = arith.constant 0 : i32
        %dma_start3A_216 = tpu.memref_slice %arg14[%run_scoped3A, %dma_start3A_214, %dma_start3A_215] : memref<2x128x128xf32, #tpu.memory_space<vmem>> -> memref<1x128x128xf32, #tpu.memory_space<vmem>>
        %dma_start3A_217 = tpu.memref_squeeze %dma_start3A_216 : memref<1x128x128xf32, #tpu.memory_space<vmem>> -> memref<128x128xf32, #tpu.memory_space<vmem>>
        %dma_start3A_218 = arith.constant 0 : i32
        %dma_start3A_219 = tpu.memref_slice %arg13[%run_scoped3A_155, %dma_start3A_218] : memref<8x128xi32, #tpu.memory_space<vmem>> -> memref<1x128xi32, #tpu.memory_space<vmem>>
        %dma_start3A_220 = tpu.memref_squeeze %dma_start3A_219 : memref<1x128xi32, #tpu.memory_space<vmem>> -> memref<128xi32, #tpu.memory_space<vmem>>
        %dma_start3A_221 = arith.constant 0 : i32
        %dma_start3A_222 = arith.constant 0 : i32
        %dma_start3A_223 = tpu.memref_slice %arg11[%dma_start3A_221, %dma_start3A_222] : memref<10000x128xf32, #tpu.memory_space<vmem_shared>> -> memref<10000x128xf32, #tpu.memory_space<vmem_shared>>
        tpu.enqueue_indirect_dma source(%dma_start3A_217 : memref<128x128xf32, #tpu.memory_space<vmem>>) target(%dma_start3A_223 : memref<10000x128xf32, #tpu.memory_space<vmem_shared>>) offsets(%dma_start3A_220 : memref<128xi32, #tpu.memory_space<vmem>>) semaphore(%run_scoped3A_213 : memref<!tpu.dma_semaphore, #tpu.memory_space<semaphore_mem>>) {add = true}
        %dma_wait3A_224 = arith.constant 0 : i32
        %dma_wait3A_225 = arith.constant 0 : i32
        %dma_wait3A_226 = tpu.memref_slice %arg14[%run_scoped3A, %dma_wait3A_224, %dma_wait3A_225] : memref<2x128x128xf32, #tpu.memory_space<vmem>> -> memref<1x128x128xf32, #tpu.memory_space<vmem>>
        %dma_wait3A_227 = tpu.memref_squeeze %dma_wait3A_226 : memref<1x128x128xf32, #tpu.memory_space<vmem>> -> memref<128x128xf32, #tpu.memory_space<vmem>>
        %dma_wait3A_228 = arith.constant 0 : i32
        %dma_wait3A_229 = tpu.memref_slice %arg13[%run_scoped3A_155, %dma_wait3A_228] : memref<8x128xi32, #tpu.memory_space<vmem>> -> memref<1x128xi32, #tpu.memory_space<vmem>>
        %dma_wait3A_230 = tpu.memref_squeeze %dma_wait3A_229 : memref<1x128xi32, #tpu.memory_space<vmem>> -> memref<128xi32, #tpu.memory_space<vmem>>
        %dma_wait3A_231 = arith.constant 0 : i32
        %dma_wait3A_232 = arith.constant 0 : i32
        %dma_wait3A_233 = tpu.memref_slice %arg11[%dma_wait3A_231, %dma_wait3A_232] : memref<10000x128xf32, #tpu.memory_space<vmem_shared>> -> memref<10000x128xf32, #tpu.memory_space<vmem_shared>>
        tpu.wait_indirect_dma semaphore(%run_scoped3A_213 : memref<!tpu.dma_semaphore, #tpu.memory_space<semaphore_mem>>) src(%dma_wait3A_227 : memref<128x128xf32, #tpu.memory_space<vmem>>) dst(%dma_wait3A_233 : memref<10000x128xf32, #tpu.memory_space<vmem_shared>>)
        tpu.yield
      }) : () -> ()
      %barrier3A_156 = arith.constant 0 : index
      tpu.barrier barrier_id(%barrier3A_156)
      %add3A_157 = arith.constant 0 : i32
      %add3A_158 = arith.addi %add3A_157, %arg1 : i32
      %lt3A_159 = arith.constant 125 : i32
      %lt3A_160 = arith.cmpi slt, %add3A_158, %lt3A_159 : i32
      %convert_element_type3A_161 = arith.extui %lt3A_160 : i1 to i32
      %cond3A_162 = arith.constant 0 : i32
      %cond3A_163 = arith.cmpi ne, %convert_element_type3A_161, %cond3A_162 : i32
      scf.if %cond3A_163 {
        %mul3A_213 = arith.constant 80 : i32
        %mul3A_214 = arith.muli %add3A_158, %mul3A_213 : i32
        "tpu.region"() ({
          %run_scoped3A_215 = tpu.sem_alloc : memref<!tpu.dma_semaphore, #tpu.memory_space<semaphore_mem>>
          %dma_start3A_216 = arith.constant 0 : i32
          %dma_start3A_217 = tpu.memref_slice %arg10[%mul3A_214, %dma_start3A_216] : memref<10000x128xf32, #tpu.memory_space<hbm>> -> memref<80x128xf32, #tpu.memory_space<hbm>>
          %dma_start3A_218 = arith.constant 0 : i32
          %dma_start3A_219 = tpu.memref_slice %arg11[%mul3A_214, %dma_start3A_218] : memref<10000x128xf32, #tpu.memory_space<vmem_shared>> -> memref<80x128xf32, #tpu.memory_space<vmem_shared>>
          tpu.enqueue_dma source(%dma_start3A_219 : memref<80x128xf32, #tpu.memory_space<vmem_shared>>) target(%dma_start3A_217 : memref<80x128xf32, #tpu.memory_space<hbm>>) target_semaphore(%run_scoped3A_215 : memref<!tpu.dma_semaphore, #tpu.memory_space<semaphore_mem>>)
          %dma_wait3A_220 = arith.constant 0 : i32
          %dma_wait3A_221 = tpu.memref_slice %arg10[%mul3A_214, %dma_wait3A_220] : memref<10000x128xf32, #tpu.memory_space<hbm>> -> memref<80x128xf32, #tpu.memory_space<hbm>>
          %dma_wait3A_222 = arith.constant 0 : i32
          %dma_wait3A_223 = tpu.memref_slice %arg11[%mul3A_214, %dma_wait3A_222] : memref<10000x128xf32, #tpu.memory_space<vmem_shared>> -> memref<80x128xf32, #tpu.memory_space<vmem_shared>>
          tpu.wait_dma2 semaphore(%run_scoped3A_215 : memref<!tpu.dma_semaphore, #tpu.memory_space<semaphore_mem>>) src(%dma_wait3A_223 : memref<80x128xf32, #tpu.memory_space<vmem_shared>>) dst(%dma_wait3A_221 : memref<80x128xf32, #tpu.memory_space<hbm>>)
          tpu.yield
        }) : () -> ()
      } else {
      }
      %add3A_164 = arith.constant 16 : i32
      %add3A_165 = arith.addi %add3A_164, %arg1 : i32
      %lt3A_166 = arith.constant 125 : i32
      %lt3A_167 = arith.cmpi slt, %add3A_165, %lt3A_166 : i32
      %convert_element_type3A_168 = arith.extui %lt3A_167 : i1 to i32
      %cond3A_169 = arith.constant 0 : i32
      %cond3A_170 = arith.cmpi ne, %convert_element_type3A_168, %cond3A_169 : i32
      scf.if %cond3A_170 {
        %mul3A_213 = arith.constant 80 : i32
        %mul3A_214 = arith.muli %add3A_165, %mul3A_213 : i32
        "tpu.region"() ({
          %run_scoped3A_215 = tpu.sem_alloc : memref<!tpu.dma_semaphore, #tpu.memory_space<semaphore_mem>>
          %dma_start3A_216 = arith.constant 0 : i32
          %dma_start3A_217 = tpu.memref_slice %arg10[%mul3A_214, %dma_start3A_216] : memref<10000x128xf32, #tpu.memory_space<hbm>> -> memref<80x128xf32, #tpu.memory_space<hbm>>
          %dma_start3A_218 = arith.constant 0 : i32
          %dma_start3A_219 = tpu.memref_slice %arg11[%mul3A_214, %dma_start3A_218] : memref<10000x128xf32, #tpu.memory_space<vmem_shared>> -> memref<80x128xf32, #tpu.memory_space<vmem_shared>>
          tpu.enqueue_dma source(%dma_start3A_219 : memref<80x128xf32, #tpu.memory_space<vmem_shared>>) target(%dma_start3A_217 : memref<80x128xf32, #tpu.memory_space<hbm>>) target_semaphore(%run_scoped3A_215 : memref<!tpu.dma_semaphore, #tpu.memory_space<semaphore_mem>>)
          %dma_wait3A_220 = arith.constant 0 : i32
          %dma_wait3A_221 = tpu.memref_slice %arg10[%mul3A_214, %dma_wait3A_220] : memref<10000x128xf32, #tpu.memory_space<hbm>> -> memref<80x128xf32, #tpu.memory_space<hbm>>
          %dma_wait3A_222 = arith.constant 0 : i32
          %dma_wait3A_223 = tpu.memref_slice %arg11[%mul3A_214, %dma_wait3A_222] : memref<10000x128xf32, #tpu.memory_space<vmem_shared>> -> memref<80x128xf32, #tpu.memory_space<vmem_shared>>
          tpu.wait_dma2 semaphore(%run_scoped3A_215 : memref<!tpu.dma_semaphore, #tpu.memory_space<semaphore_mem>>) src(%dma_wait3A_223 : memref<80x128xf32, #tpu.memory_space<vmem_shared>>) dst(%dma_wait3A_221 : memref<80x128xf32, #tpu.memory_space<hbm>>)
          tpu.yield
        }) : () -> ()
      } else {
      }
      %add3A_171 = arith.constant 32 : i32
      %add3A_172 = arith.addi %add3A_171, %arg1 : i32
      %lt3A_173 = arith.constant 125 : i32
      %lt3A_174 = arith.cmpi slt, %add3A_172, %lt3A_173 : i32
      %convert_element_type3A_175 = arith.extui %lt3A_174 : i1 to i32
      %cond3A_176 = arith.constant 0 : i32
      %cond3A_177 = arith.cmpi ne, %convert_element_type3A_175, %cond3A_176 : i32
      scf.if %cond3A_177 {
        %mul3A_213 = arith.constant 80 : i32
        %mul3A_214 = arith.muli %add3A_172, %mul3A_213 : i32
        "tpu.region"() ({
          %run_scoped3A_215 = tpu.sem_alloc : memref<!tpu.dma_semaphore, #tpu.memory_space<semaphore_mem>>
          %dma_start3A_216 = arith.constant 0 : i32
          %dma_start3A_217 = tpu.memref_slice %arg10[%mul3A_214, %dma_start3A_216] : memref<10000x128xf32, #tpu.memory_space<hbm>> -> memref<80x128xf32, #tpu.memory_space<hbm>>
          %dma_start3A_218 = arith.constant 0 : i32
          %dma_start3A_219 = tpu.memref_slice %arg11[%mul3A_214, %dma_start3A_218] : memref<10000x128xf32, #tpu.memory_space<vmem_shared>> -> memref<80x128xf32, #tpu.memory_space<vmem_shared>>
          tpu.enqueue_dma source(%dma_start3A_219 : memref<80x128xf32, #tpu.memory_space<vmem_shared>>) target(%dma_start3A_217 : memref<80x128xf32, #tpu.memory_space<hbm>>) target_semaphore(%run_scoped3A_215 : memref<!tpu.dma_semaphore, #tpu.memory_space<semaphore_mem>>)
          %dma_wait3A_220 = arith.constant 0 : i32
          %dma_wait3A_221 = tpu.memref_slice %arg10[%mul3A_214, %dma_wait3A_220] : memref<10000x128xf32, #tpu.memory_space<hbm>> -> memref<80x128xf32, #tpu.memory_space<hbm>>
          %dma_wait3A_222 = arith.constant 0 : i32
          %dma_wait3A_223 = tpu.memref_slice %arg11[%mul3A_214, %dma_wait3A_222] : memref<10000x128xf32, #tpu.memory_space<vmem_shared>> -> memref<80x128xf32, #tpu.memory_space<vmem_shared>>
          tpu.wait_dma2 semaphore(%run_scoped3A_215 : memref<!tpu.dma_semaphore, #tpu.memory_space<semaphore_mem>>) src(%dma_wait3A_223 : memref<80x128xf32, #tpu.memory_space<vmem_shared>>) dst(%dma_wait3A_221 : memref<80x128xf32, #tpu.memory_space<hbm>>)
          tpu.yield
        }) : () -> ()
      } else {
      }
      %add3A_178 = arith.constant 48 : i32
      %add3A_179 = arith.addi %add3A_178, %arg1 : i32
      %lt3A_180 = arith.constant 125 : i32
      %lt3A_181 = arith.cmpi slt, %add3A_179, %lt3A_180 : i32
      %convert_element_type3A_182 = arith.extui %lt3A_181 : i1 to i32
      %cond3A_183 = arith.constant 0 : i32
      %cond3A_184 = arith.cmpi ne, %convert_element_type3A_182, %cond3A_183 : i32
      scf.if %cond3A_184 {
        %mul3A_213 = arith.constant 80 : i32
        %mul3A_214 = arith.muli %add3A_179, %mul3A_213 : i32
        "tpu.region"() ({
          %run_scoped3A_215 = tpu.sem_alloc : memref<!tpu.dma_semaphore, #tpu.memory_space<semaphore_mem>>
          %dma_start3A_216 = arith.constant 0 : i32
          %dma_start3A_217 = tpu.memref_slice %arg10[%mul3A_214, %dma_start3A_216] : memref<10000x128xf32, #tpu.memory_space<hbm>> -> memref<80x128xf32, #tpu.memory_space<hbm>>
          %dma_start3A_218 = arith.constant 0 : i32
          %dma_start3A_219 = tpu.memref_slice %arg11[%mul3A_214, %dma_start3A_218] : memref<10000x128xf32, #tpu.memory_space<vmem_shared>> -> memref<80x128xf32, #tpu.memory_space<vmem_shared>>
          tpu.enqueue_dma source(%dma_start3A_219 : memref<80x128xf32, #tpu.memory_space<vmem_shared>>) target(%dma_start3A_217 : memref<80x128xf32, #tpu.memory_space<hbm>>) target_semaphore(%run_scoped3A_215 : memref<!tpu.dma_semaphore, #tpu.memory_space<semaphore_mem>>)
          %dma_wait3A_220 = arith.constant 0 : i32
          %dma_wait3A_221 = tpu.memref_slice %arg10[%mul3A_214, %dma_wait3A_220] : memref<10000x128xf32, #tpu.memory_space<hbm>> -> memref<80x128xf32, #tpu.memory_space<hbm>>
          %dma_wait3A_222 = arith.constant 0 : i32
          %dma_wait3A_223 = tpu.memref_slice %arg11[%mul3A_214, %dma_wait3A_222] : memref<10000x128xf32, #tpu.memory_space<vmem_shared>> -> memref<80x128xf32, #tpu.memory_space<vmem_shared>>
          tpu.wait_dma2 semaphore(%run_scoped3A_215 : memref<!tpu.dma_semaphore, #tpu.memory_space<semaphore_mem>>) src(%dma_wait3A_223 : memref<80x128xf32, #tpu.memory_space<vmem_shared>>) dst(%dma_wait3A_221 : memref<80x128xf32, #tpu.memory_space<hbm>>)
          tpu.yield
        }) : () -> ()
      } else {
      }
      %add3A_185 = arith.constant 64 : i32
      %add3A_186 = arith.addi %add3A_185, %arg1 : i32
      %lt3A_187 = arith.constant 125 : i32
      %lt3A_188 = arith.cmpi slt, %add3A_186, %lt3A_187 : i32
      %convert_element_type3A_189 = arith.extui %lt3A_188 : i1 to i32
      %cond3A_190 = arith.constant 0 : i32
      %cond3A_191 = arith.cmpi ne, %convert_element_type3A_189, %cond3A_190 : i32
      scf.if %cond3A_191 {
        %mul3A_213 = arith.constant 80 : i32
        %mul3A_214 = arith.muli %add3A_186, %mul3A_213 : i32
        "tpu.region"() ({
          %run_scoped3A_215 = tpu.sem_alloc : memref<!tpu.dma_semaphore, #tpu.memory_space<semaphore_mem>>
          %dma_start3A_216 = arith.constant 0 : i32
          %dma_start3A_217 = tpu.memref_slice %arg10[%mul3A_214, %dma_start3A_216] : memref<10000x128xf32, #tpu.memory_space<hbm>> -> memref<80x128xf32, #tpu.memory_space<hbm>>
          %dma_start3A_218 = arith.constant 0 : i32
          %dma_start3A_219 = tpu.memref_slice %arg11[%mul3A_214, %dma_start3A_218] : memref<10000x128xf32, #tpu.memory_space<vmem_shared>> -> memref<80x128xf32, #tpu.memory_space<vmem_shared>>
          tpu.enqueue_dma source(%dma_start3A_219 : memref<80x128xf32, #tpu.memory_space<vmem_shared>>) target(%dma_start3A_217 : memref<80x128xf32, #tpu.memory_space<hbm>>) target_semaphore(%run_scoped3A_215 : memref<!tpu.dma_semaphore, #tpu.memory_space<semaphore_mem>>)
          %dma_wait3A_220 = arith.constant 0 : i32
          %dma_wait3A_221 = tpu.memref_slice %arg10[%mul3A_214, %dma_wait3A_220] : memref<10000x128xf32, #tpu.memory_space<hbm>> -> memref<80x128xf32, #tpu.memory_space<hbm>>
          %dma_wait3A_222 = arith.constant 0 : i32
          %dma_wait3A_223 = tpu.memref_slice %arg11[%mul3A_214, %dma_wait3A_222] : memref<10000x128xf32, #tpu.memory_space<vmem_shared>> -> memref<80x128xf32, #tpu.memory_space<vmem_shared>>
          tpu.wait_dma2 semaphore(%run_scoped3A_215 : memref<!tpu.dma_semaphore, #tpu.memory_space<semaphore_mem>>) src(%dma_wait3A_223 : memref<80x128xf32, #tpu.memory_space<vmem_shared>>) dst(%dma_wait3A_221 : memref<80x128xf32, #tpu.memory_space<hbm>>)
          tpu.yield
        }) : () -> ()
      } else {
      }
      %add3A_192 = arith.constant 80 : i32
      %add3A_193 = arith.addi %add3A_192, %arg1 : i32
      %lt3A_194 = arith.constant 125 : i32
      %lt3A_195 = arith.cmpi slt, %add3A_193, %lt3A_194 : i32
      %convert_element_type3A_196 = arith.extui %lt3A_195 : i1 to i32
      %cond3A_197 = arith.constant 0 : i32
      %cond3A_198 = arith.cmpi ne, %convert_element_type3A_196, %cond3A_197 : i32
      scf.if %cond3A_198 {
        %mul3A_213 = arith.constant 80 : i32
        %mul3A_214 = arith.muli %add3A_193, %mul3A_213 : i32
        "tpu.region"() ({
          %run_scoped3A_215 = tpu.sem_alloc : memref<!tpu.dma_semaphore, #tpu.memory_space<semaphore_mem>>
          %dma_start3A_216 = arith.constant 0 : i32
          %dma_start3A_217 = tpu.memref_slice %arg10[%mul3A_214, %dma_start3A_216] : memref<10000x128xf32, #tpu.memory_space<hbm>> -> memref<80x128xf32, #tpu.memory_space<hbm>>
          %dma_start3A_218 = arith.constant 0 : i32
          %dma_start3A_219 = tpu.memref_slice %arg11[%mul3A_214, %dma_start3A_218] : memref<10000x128xf32, #tpu.memory_space<vmem_shared>> -> memref<80x128xf32, #tpu.memory_space<vmem_shared>>
          tpu.enqueue_dma source(%dma_start3A_219 : memref<80x128xf32, #tpu.memory_space<vmem_shared>>) target(%dma_start3A_217 : memref<80x128xf32, #tpu.memory_space<hbm>>) target_semaphore(%run_scoped3A_215 : memref<!tpu.dma_semaphore, #tpu.memory_space<semaphore_mem>>)
          %dma_wait3A_220 = arith.constant 0 : i32
          %dma_wait3A_221 = tpu.memref_slice %arg10[%mul3A_214, %dma_wait3A_220] : memref<10000x128xf32, #tpu.memory_space<hbm>> -> memref<80x128xf32, #tpu.memory_space<hbm>>
          %dma_wait3A_222 = arith.constant 0 : i32
          %dma_wait3A_223 = tpu.memref_slice %arg11[%mul3A_214, %dma_wait3A_222] : memref<10000x128xf32, #tpu.memory_space<vmem_shared>> -> memref<80x128xf32, #tpu.memory_space<vmem_shared>>
          tpu.wait_dma2 semaphore(%run_scoped3A_215 : memref<!tpu.dma_semaphore, #tpu.memory_space<semaphore_mem>>) src(%dma_wait3A_223 : memref<80x128xf32, #tpu.memory_space<vmem_shared>>) dst(%dma_wait3A_221 : memref<80x128xf32, #tpu.memory_space<hbm>>)
          tpu.yield
        }) : () -> ()
      } else {
      }
      %add3A_199 = arith.constant 96 : i32
      %add3A_200 = arith.addi %add3A_199, %arg1 : i32
      %lt3A_201 = arith.constant 125 : i32
      %lt3A_202 = arith.cmpi slt, %add3A_200, %lt3A_201 : i32
      %convert_element_type3A_203 = arith.extui %lt3A_202 : i1 to i32
      %cond3A_204 = arith.constant 0 : i32
      %cond3A_205 = arith.cmpi ne, %convert_element_type3A_203, %cond3A_204 : i32
      scf.if %cond3A_205 {
        %mul3A_213 = arith.constant 80 : i32
        %mul3A_214 = arith.muli %add3A_200, %mul3A_213 : i32
        "tpu.region"() ({
          %run_scoped3A_215 = tpu.sem_alloc : memref<!tpu.dma_semaphore, #tpu.memory_space<semaphore_mem>>
          %dma_start3A_216 = arith.constant 0 : i32
          %dma_start3A_217 = tpu.memref_slice %arg10[%mul3A_214, %dma_start3A_216] : memref<10000x128xf32, #tpu.memory_space<hbm>> -> memref<80x128xf32, #tpu.memory_space<hbm>>
          %dma_start3A_218 = arith.constant 0 : i32
          %dma_start3A_219 = tpu.memref_slice %arg11[%mul3A_214, %dma_start3A_218] : memref<10000x128xf32, #tpu.memory_space<vmem_shared>> -> memref<80x128xf32, #tpu.memory_space<vmem_shared>>
          tpu.enqueue_dma source(%dma_start3A_219 : memref<80x128xf32, #tpu.memory_space<vmem_shared>>) target(%dma_start3A_217 : memref<80x128xf32, #tpu.memory_space<hbm>>) target_semaphore(%run_scoped3A_215 : memref<!tpu.dma_semaphore, #tpu.memory_space<semaphore_mem>>)
          %dma_wait3A_220 = arith.constant 0 : i32
          %dma_wait3A_221 = tpu.memref_slice %arg10[%mul3A_214, %dma_wait3A_220] : memref<10000x128xf32, #tpu.memory_space<hbm>> -> memref<80x128xf32, #tpu.memory_space<hbm>>
          %dma_wait3A_222 = arith.constant 0 : i32
          %dma_wait3A_223 = tpu.memref_slice %arg11[%mul3A_214, %dma_wait3A_222] : memref<10000x128xf32, #tpu.memory_space<vmem_shared>> -> memref<80x128xf32, #tpu.memory_space<vmem_shared>>
          tpu.wait_dma2 semaphore(%run_scoped3A_215 : memref<!tpu.dma_semaphore, #tpu.memory_space<semaphore_mem>>) src(%dma_wait3A_223 : memref<80x128xf32, #tpu.memory_space<vmem_shared>>) dst(%dma_wait3A_221 : memref<80x128xf32, #tpu.memory_space<hbm>>)
          tpu.yield
        }) : () -> ()
      } else {
      }
      %add3A_206 = arith.constant 112 : i32
      %add3A_207 = arith.addi %add3A_206, %arg1 : i32
      %lt3A_208 = arith.constant 125 : i32
      %lt3A_209 = arith.cmpi slt, %add3A_207, %lt3A_208 : i32
      %convert_element_type3A_210 = arith.extui %lt3A_209 : i1 to i32
      %cond3A_211 = arith.constant 0 : i32
      %cond3A_212 = arith.cmpi ne, %convert_element_type3A_210, %cond3A_211 : i32
      scf.if %cond3A_212 {
        %mul3A_213 = arith.constant 80 : i32
        %mul3A_214 = arith.muli %add3A_207, %mul3A_213 : i32
        "tpu.region"() ({
          %run_scoped3A_215 = tpu.sem_alloc : memref<!tpu.dma_semaphore, #tpu.memory_space<semaphore_mem>>
          %dma_start3A_216 = arith.constant 0 : i32
          %dma_start3A_217 = tpu.memref_slice %arg10[%mul3A_214, %dma_start3A_216] : memref<10000x128xf32, #tpu.memory_space<hbm>> -> memref<80x128xf32, #tpu.memory_space<hbm>>
          %dma_start3A_218 = arith.constant 0 : i32
          %dma_start3A_219 = tpu.memref_slice %arg11[%mul3A_214, %dma_start3A_218] : memref<10000x128xf32, #tpu.memory_space<vmem_shared>> -> memref<80x128xf32, #tpu.memory_space<vmem_shared>>
          tpu.enqueue_dma source(%dma_start3A_219 : memref<80x128xf32, #tpu.memory_space<vmem_shared>>) target(%dma_start3A_217 : memref<80x128xf32, #tpu.memory_space<hbm>>) target_semaphore(%run_scoped3A_215 : memref<!tpu.dma_semaphore, #tpu.memory_space<semaphore_mem>>)
          %dma_wait3A_220 = arith.constant 0 : i32
          %dma_wait3A_221 = tpu.memref_slice %arg10[%mul3A_214, %dma_wait3A_220] : memref<10000x128xf32, #tpu.memory_space<hbm>> -> memref<80x128xf32, #tpu.memory_space<hbm>>
          %dma_wait3A_222 = arith.constant 0 : i32
          %dma_wait3A_223 = tpu.memref_slice %arg11[%mul3A_214, %dma_wait3A_222] : memref<10000x128xf32, #tpu.memory_space<vmem_shared>> -> memref<80x128xf32, #tpu.memory_space<vmem_shared>>
          tpu.wait_dma2 semaphore(%run_scoped3A_215 : memref<!tpu.dma_semaphore, #tpu.memory_space<semaphore_mem>>) src(%dma_wait3A_223 : memref<80x128xf32, #tpu.memory_space<vmem_shared>>) dst(%dma_wait3A_221 : memref<80x128xf32, #tpu.memory_space<hbm>>)
          tpu.yield
        }) : () -> ()
      } else {
      }
    } else {
    }
    return
  }
}

#map = affine_map<(d0, d1) -> (0, 0)>
#map1 = affine_map<(d0, d1) -> (0)>
module attributes {stable_mosaic.version = 14 : i64} {
  func.func @_sc_body(%arg0: i32, %arg1: i32, %arg2: memref<10000x128xf32, #tpu.memory_space<hbm>>, %arg3: memref<10000x128xf32, #tpu.memory_space<hbm>>, %arg4: memref<256000xi32, #tpu.memory_space<hbm>>, %arg5: memref<256000xi32, #tpu.memory_space<hbm>>, %arg6: memref<256000xi32, #tpu.memory_space<hbm>>, %arg7: memref<256000xi32, #tpu.memory_space<hbm>>, %arg8: memref<80x128xf32, #tpu.memory_space<hbm>>, %arg9: memref<10000x128xf32, #tpu.memory_space<hbm>>, %arg10: memref<10000x128xf32, #tpu.memory_space<hbm>>, %arg11: memref<10000x128xf32, #tpu.memory_space<vmem_shared>>, %arg12: memref<16000xi32, #tpu.memory_space<vmem>>, %arg13: memref<8x128xi32, #tpu.memory_space<vmem>>, %arg14: memref<2x128x128xf32, #tpu.memory_space<vmem>>, %arg15: memref<2x!tpu.dma_semaphore, #tpu.memory_space<semaphore_mem>>, %arg16: memref<2x!tpu.dma_semaphore, #tpu.memory_space<semaphore_mem>>) attributes {dimension_semantics = [#tpu.dimension_semantics<core_parallel>, #tpu.dimension_semantics<subcore_parallel>], iteration_bounds = array<i64: 2, 16>, scalar_prefetch = 0 : i64, scratch_operands = 6 : i64, tpu.core_type = #tpu.core_type<sc_vector_subcore>, window_params = [{transform_indices = #map}, {transform_indices = #map}, {transform_indices = #map1}, {transform_indices = #map1}, {transform_indices = #map1}, {transform_indices = #map1}, {transform_indices = #map}, {transform_indices = #map}, {transform_indices = #map}]} {
    %eq3A = arith.constant 0 : i32
    %eq3A_0 = arith.cmpi eq, %arg0, %eq3A : i32
    %convert_element_type3A = arith.extui %eq3A_0 : i1 to i32
    %cond3A = arith.constant 0 : i32
    %cond3A_1 = arith.cmpi ne, %convert_element_type3A, %cond3A : i32
    scf.if %cond3A_1 {
      %mul3A = arith.constant 16000 : i32
      %mul3A_7 = arith.muli %arg1, %mul3A : i32
      "tpu.region"() ({
        %run_scoped3A_213 = tpu.sem_alloc : memref<!tpu.dma_semaphore, #tpu.memory_space<semaphore_mem>>
        %dma_start3A_214 = tpu.memref_slice %arg4[%mul3A_7] : memref<256000xi32, #tpu.memory_space<hbm>> -> memref<16000xi32, #tpu.memory_space<hbm>>
        %dma_start3A_215 = tpu.memref_slice %arg4[%mul3A_7] : memref<256000xi32, #tpu.memory_space<hbm>> -> memref<16000xi32, #tpu.memory_space<hbm>>
        tpu.enqueue_dma source(%dma_start3A_215 : memref<16000xi32, #tpu.memory_space<hbm>>) target(%arg12 : memref<16000xi32, #tpu.memory_space<vmem>>) target_semaphore(%run_scoped3A_213 : memref<!tpu.dma_semaphore, #tpu.memory_space<semaphore_mem>>)
        %dma_wait3A_216 = tpu.memref_slice %arg4[%mul3A_7] : memref<256000xi32, #tpu.memory_space<hbm>> -> memref<16000xi32, #tpu.memory_space<hbm>>
        %dma_wait3A_217 = tpu.memref_slice %arg4[%mul3A_7] : memref<256000xi32, #tpu.memory_space<hbm>> -> memref<16000xi32, #tpu.memory_space<hbm>>
        tpu.wait_dma2 semaphore(%run_scoped3A_213 : memref<!tpu.dma_semaphore, #tpu.memory_space<semaphore_mem>>) src(%dma_wait3A_217 : memref<16000xi32, #tpu.memory_space<hbm>>) dst(%arg12 : memref<16000xi32, #tpu.memory_space<vmem>>)
        tpu.yield
      }) : () -> ()
      %add3A = arith.constant 0 : i32
      %add3A_8 = arith.addi %add3A, %arg1 : i32
      %lt3A = arith.constant 125 : i32
      %lt3A_9 = arith.cmpi slt, %add3A_8, %lt3A : i32
      %convert_element_type3A_10 = arith.extui %lt3A_9 : i1 to i32
      %cond3A_11 = arith.constant 0 : i32
      %cond3A_12 = arith.cmpi ne, %convert_element_type3A_10, %cond3A_11 : i32
      scf.if %cond3A_12 {
        %mul3A_213 = arith.constant 80 : i32
        %mul3A_214 = arith.muli %add3A_8, %mul3A_213 : i32
        "tpu.region"() ({
          %run_scoped3A_215 = tpu.sem_alloc : memref<!tpu.dma_semaphore, #tpu.memory_space<semaphore_mem>>
          %dma_start3A_216 = arith.constant 0 : i32
          %dma_start3A_217 = tpu.memref_slice %arg11[%mul3A_214, %dma_start3A_216] : memref<10000x128xf32, #tpu.memory_space<vmem_shared>> -> memref<80x128xf32, #tpu.memory_space<vmem_shared>>
          tpu.enqueue_dma source(%arg8 : memref<80x128xf32, #tpu.memory_space<hbm>>) target(%dma_start3A_217 : memref<80x128xf32, #tpu.memory_space<vmem_shared>>) target_semaphore(%run_scoped3A_215 : memref<!tpu.dma_semaphore, #tpu.memory_space<semaphore_mem>>)
          %dma_wait3A_218 = arith.constant 0 : i32
          %dma_wait3A_219 = tpu.memref_slice %arg11[%mul3A_214, %dma_wait3A_218] : memref<10000x128xf32, #tpu.memory_space<vmem_shared>> -> memref<80x128xf32, #tpu.memory_space<vmem_shared>>
          tpu.wait_dma2 semaphore(%run_scoped3A_215 : memref<!tpu.dma_semaphore, #tpu.memory_space<semaphore_mem>>) src(%arg8 : memref<80x128xf32, #tpu.memory_space<hbm>>) dst(%dma_wait3A_219 : memref<80x128xf32, #tpu.memory_space<vmem_shared>>)
          tpu.yield
        }) : () -> ()
      } else {
      }
      %add3A_13 = arith.constant 16 : i32
      %add3A_14 = arith.addi %add3A_13, %arg1 : i32
      %lt3A_15 = arith.constant 125 : i32
      %lt3A_16 = arith.cmpi slt, %add3A_14, %lt3A_15 : i32
      %convert_element_type3A_17 = arith.extui %lt3A_16 : i1 to i32
      %cond3A_18 = arith.constant 0 : i32
      %cond3A_19 = arith.cmpi ne, %convert_element_type3A_17, %cond3A_18 : i32
      scf.if %cond3A_19 {
        %mul3A_213 = arith.constant 80 : i32
        %mul3A_214 = arith.muli %add3A_14, %mul3A_213 : i32
        "tpu.region"() ({
          %run_scoped3A_215 = tpu.sem_alloc : memref<!tpu.dma_semaphore, #tpu.memory_space<semaphore_mem>>
          %dma_start3A_216 = arith.constant 0 : i32
          %dma_start3A_217 = tpu.memref_slice %arg11[%mul3A_214, %dma_start3A_216] : memref<10000x128xf32, #tpu.memory_space<vmem_shared>> -> memref<80x128xf32, #tpu.memory_space<vmem_shared>>
          tpu.enqueue_dma source(%arg8 : memref<80x128xf32, #tpu.memory_space<hbm>>) target(%dma_start3A_217 : memref<80x128xf32, #tpu.memory_space<vmem_shared>>) target_semaphore(%run_scoped3A_215 : memref<!tpu.dma_semaphore, #tpu.memory_space<semaphore_mem>>)
          %dma_wait3A_218 = arith.constant 0 : i32
          %dma_wait3A_219 = tpu.memref_slice %arg11[%mul3A_214, %dma_wait3A_218] : memref<10000x128xf32, #tpu.memory_space<vmem_shared>> -> memref<80x128xf32, #tpu.memory_space<vmem_shared>>
          tpu.wait_dma2 semaphore(%run_scoped3A_215 : memref<!tpu.dma_semaphore, #tpu.memory_space<semaphore_mem>>) src(%arg8 : memref<80x128xf32, #tpu.memory_space<hbm>>) dst(%dma_wait3A_219 : memref<80x128xf32, #tpu.memory_space<vmem_shared>>)
          tpu.yield
        }) : () -> ()
      } else {
      }
      %add3A_20 = arith.constant 32 : i32
      %add3A_21 = arith.addi %add3A_20, %arg1 : i32
      %lt3A_22 = arith.constant 125 : i32
      %lt3A_23 = arith.cmpi slt, %add3A_21, %lt3A_22 : i32
      %convert_element_type3A_24 = arith.extui %lt3A_23 : i1 to i32
      %cond3A_25 = arith.constant 0 : i32
      %cond3A_26 = arith.cmpi ne, %convert_element_type3A_24, %cond3A_25 : i32
      scf.if %cond3A_26 {
        %mul3A_213 = arith.constant 80 : i32
        %mul3A_214 = arith.muli %add3A_21, %mul3A_213 : i32
        "tpu.region"() ({
          %run_scoped3A_215 = tpu.sem_alloc : memref<!tpu.dma_semaphore, #tpu.memory_space<semaphore_mem>>
          %dma_start3A_216 = arith.constant 0 : i32
          %dma_start3A_217 = tpu.memref_slice %arg11[%mul3A_214, %dma_start3A_216] : memref<10000x128xf32, #tpu.memory_space<vmem_shared>> -> memref<80x128xf32, #tpu.memory_space<vmem_shared>>
          tpu.enqueue_dma source(%arg8 : memref<80x128xf32, #tpu.memory_space<hbm>>) target(%dma_start3A_217 : memref<80x128xf32, #tpu.memory_space<vmem_shared>>) target_semaphore(%run_scoped3A_215 : memref<!tpu.dma_semaphore, #tpu.memory_space<semaphore_mem>>)
          %dma_wait3A_218 = arith.constant 0 : i32
          %dma_wait3A_219 = tpu.memref_slice %arg11[%mul3A_214, %dma_wait3A_218] : memref<10000x128xf32, #tpu.memory_space<vmem_shared>> -> memref<80x128xf32, #tpu.memory_space<vmem_shared>>
          tpu.wait_dma2 semaphore(%run_scoped3A_215 : memref<!tpu.dma_semaphore, #tpu.memory_space<semaphore_mem>>) src(%arg8 : memref<80x128xf32, #tpu.memory_space<hbm>>) dst(%dma_wait3A_219 : memref<80x128xf32, #tpu.memory_space<vmem_shared>>)
          tpu.yield
        }) : () -> ()
      } else {
      }
      %add3A_27 = arith.constant 48 : i32
      %add3A_28 = arith.addi %add3A_27, %arg1 : i32
      %lt3A_29 = arith.constant 125 : i32
      %lt3A_30 = arith.cmpi slt, %add3A_28, %lt3A_29 : i32
      %convert_element_type3A_31 = arith.extui %lt3A_30 : i1 to i32
      %cond3A_32 = arith.constant 0 : i32
      %cond3A_33 = arith.cmpi ne, %convert_element_type3A_31, %cond3A_32 : i32
      scf.if %cond3A_33 {
        %mul3A_213 = arith.constant 80 : i32
        %mul3A_214 = arith.muli %add3A_28, %mul3A_213 : i32
        "tpu.region"() ({
          %run_scoped3A_215 = tpu.sem_alloc : memref<!tpu.dma_semaphore, #tpu.memory_space<semaphore_mem>>
          %dma_start3A_216 = arith.constant 0 : i32
          %dma_start3A_217 = tpu.memref_slice %arg11[%mul3A_214, %dma_start3A_216] : memref<10000x128xf32, #tpu.memory_space<vmem_shared>> -> memref<80x128xf32, #tpu.memory_space<vmem_shared>>
          tpu.enqueue_dma source(%arg8 : memref<80x128xf32, #tpu.memory_space<hbm>>) target(%dma_start3A_217 : memref<80x128xf32, #tpu.memory_space<vmem_shared>>) target_semaphore(%run_scoped3A_215 : memref<!tpu.dma_semaphore, #tpu.memory_space<semaphore_mem>>)
          %dma_wait3A_218 = arith.constant 0 : i32
          %dma_wait3A_219 = tpu.memref_slice %arg11[%mul3A_214, %dma_wait3A_218] : memref<10000x128xf32, #tpu.memory_space<vmem_shared>> -> memref<80x128xf32, #tpu.memory_space<vmem_shared>>
          tpu.wait_dma2 semaphore(%run_scoped3A_215 : memref<!tpu.dma_semaphore, #tpu.memory_space<semaphore_mem>>) src(%arg8 : memref<80x128xf32, #tpu.memory_space<hbm>>) dst(%dma_wait3A_219 : memref<80x128xf32, #tpu.memory_space<vmem_shared>>)
          tpu.yield
        }) : () -> ()
      } else {
      }
      %add3A_34 = arith.constant 64 : i32
      %add3A_35 = arith.addi %add3A_34, %arg1 : i32
      %lt3A_36 = arith.constant 125 : i32
      %lt3A_37 = arith.cmpi slt, %add3A_35, %lt3A_36 : i32
      %convert_element_type3A_38 = arith.extui %lt3A_37 : i1 to i32
      %cond3A_39 = arith.constant 0 : i32
      %cond3A_40 = arith.cmpi ne, %convert_element_type3A_38, %cond3A_39 : i32
      scf.if %cond3A_40 {
        %mul3A_213 = arith.constant 80 : i32
        %mul3A_214 = arith.muli %add3A_35, %mul3A_213 : i32
        "tpu.region"() ({
          %run_scoped3A_215 = tpu.sem_alloc : memref<!tpu.dma_semaphore, #tpu.memory_space<semaphore_mem>>
          %dma_start3A_216 = arith.constant 0 : i32
          %dma_start3A_217 = tpu.memref_slice %arg11[%mul3A_214, %dma_start3A_216] : memref<10000x128xf32, #tpu.memory_space<vmem_shared>> -> memref<80x128xf32, #tpu.memory_space<vmem_shared>>
          tpu.enqueue_dma source(%arg8 : memref<80x128xf32, #tpu.memory_space<hbm>>) target(%dma_start3A_217 : memref<80x128xf32, #tpu.memory_space<vmem_shared>>) target_semaphore(%run_scoped3A_215 : memref<!tpu.dma_semaphore, #tpu.memory_space<semaphore_mem>>)
          %dma_wait3A_218 = arith.constant 0 : i32
          %dma_wait3A_219 = tpu.memref_slice %arg11[%mul3A_214, %dma_wait3A_218] : memref<10000x128xf32, #tpu.memory_space<vmem_shared>> -> memref<80x128xf32, #tpu.memory_space<vmem_shared>>
          tpu.wait_dma2 semaphore(%run_scoped3A_215 : memref<!tpu.dma_semaphore, #tpu.memory_space<semaphore_mem>>) src(%arg8 : memref<80x128xf32, #tpu.memory_space<hbm>>) dst(%dma_wait3A_219 : memref<80x128xf32, #tpu.memory_space<vmem_shared>>)
          tpu.yield
        }) : () -> ()
      } else {
      }
      %add3A_41 = arith.constant 80 : i32
      %add3A_42 = arith.addi %add3A_41, %arg1 : i32
      %lt3A_43 = arith.constant 125 : i32
      %lt3A_44 = arith.cmpi slt, %add3A_42, %lt3A_43 : i32
      %convert_element_type3A_45 = arith.extui %lt3A_44 : i1 to i32
      %cond3A_46 = arith.constant 0 : i32
      %cond3A_47 = arith.cmpi ne, %convert_element_type3A_45, %cond3A_46 : i32
      scf.if %cond3A_47 {
        %mul3A_213 = arith.constant 80 : i32
        %mul3A_214 = arith.muli %add3A_42, %mul3A_213 : i32
        "tpu.region"() ({
          %run_scoped3A_215 = tpu.sem_alloc : memref<!tpu.dma_semaphore, #tpu.memory_space<semaphore_mem>>
          %dma_start3A_216 = arith.constant 0 : i32
          %dma_start3A_217 = tpu.memref_slice %arg11[%mul3A_214, %dma_start3A_216] : memref<10000x128xf32, #tpu.memory_space<vmem_shared>> -> memref<80x128xf32, #tpu.memory_space<vmem_shared>>
          tpu.enqueue_dma source(%arg8 : memref<80x128xf32, #tpu.memory_space<hbm>>) target(%dma_start3A_217 : memref<80x128xf32, #tpu.memory_space<vmem_shared>>) target_semaphore(%run_scoped3A_215 : memref<!tpu.dma_semaphore, #tpu.memory_space<semaphore_mem>>)
          %dma_wait3A_218 = arith.constant 0 : i32
          %dma_wait3A_219 = tpu.memref_slice %arg11[%mul3A_214, %dma_wait3A_218] : memref<10000x128xf32, #tpu.memory_space<vmem_shared>> -> memref<80x128xf32, #tpu.memory_space<vmem_shared>>
          tpu.wait_dma2 semaphore(%run_scoped3A_215 : memref<!tpu.dma_semaphore, #tpu.memory_space<semaphore_mem>>) src(%arg8 : memref<80x128xf32, #tpu.memory_space<hbm>>) dst(%dma_wait3A_219 : memref<80x128xf32, #tpu.memory_space<vmem_shared>>)
          tpu.yield
        }) : () -> ()
      } else {
      }
      %add3A_48 = arith.constant 96 : i32
      %add3A_49 = arith.addi %add3A_48, %arg1 : i32
      %lt3A_50 = arith.constant 125 : i32
      %lt3A_51 = arith.cmpi slt, %add3A_49, %lt3A_50 : i32
      %convert_element_type3A_52 = arith.extui %lt3A_51 : i1 to i32
      %cond3A_53 = arith.constant 0 : i32
      %cond3A_54 = arith.cmpi ne, %convert_element_type3A_52, %cond3A_53 : i32
      scf.if %cond3A_54 {
        %mul3A_213 = arith.constant 80 : i32
        %mul3A_214 = arith.muli %add3A_49, %mul3A_213 : i32
        "tpu.region"() ({
          %run_scoped3A_215 = tpu.sem_alloc : memref<!tpu.dma_semaphore, #tpu.memory_space<semaphore_mem>>
          %dma_start3A_216 = arith.constant 0 : i32
          %dma_start3A_217 = tpu.memref_slice %arg11[%mul3A_214, %dma_start3A_216] : memref<10000x128xf32, #tpu.memory_space<vmem_shared>> -> memref<80x128xf32, #tpu.memory_space<vmem_shared>>
          tpu.enqueue_dma source(%arg8 : memref<80x128xf32, #tpu.memory_space<hbm>>) target(%dma_start3A_217 : memref<80x128xf32, #tpu.memory_space<vmem_shared>>) target_semaphore(%run_scoped3A_215 : memref<!tpu.dma_semaphore, #tpu.memory_space<semaphore_mem>>)
          %dma_wait3A_218 = arith.constant 0 : i32
          %dma_wait3A_219 = tpu.memref_slice %arg11[%mul3A_214, %dma_wait3A_218] : memref<10000x128xf32, #tpu.memory_space<vmem_shared>> -> memref<80x128xf32, #tpu.memory_space<vmem_shared>>
          tpu.wait_dma2 semaphore(%run_scoped3A_215 : memref<!tpu.dma_semaphore, #tpu.memory_space<semaphore_mem>>) src(%arg8 : memref<80x128xf32, #tpu.memory_space<hbm>>) dst(%dma_wait3A_219 : memref<80x128xf32, #tpu.memory_space<vmem_shared>>)
          tpu.yield
        }) : () -> ()
      } else {
      }
      %add3A_55 = arith.constant 112 : i32
      %add3A_56 = arith.addi %add3A_55, %arg1 : i32
      %lt3A_57 = arith.constant 125 : i32
      %lt3A_58 = arith.cmpi slt, %add3A_56, %lt3A_57 : i32
      %convert_element_type3A_59 = arith.extui %lt3A_58 : i1 to i32
      %cond3A_60 = arith.constant 0 : i32
      %cond3A_61 = arith.cmpi ne, %convert_element_type3A_59, %cond3A_60 : i32
      scf.if %cond3A_61 {
        %mul3A_213 = arith.constant 80 : i32
        %mul3A_214 = arith.muli %add3A_56, %mul3A_213 : i32
        "tpu.region"() ({
          %run_scoped3A_215 = tpu.sem_alloc : memref<!tpu.dma_semaphore, #tpu.memory_space<semaphore_mem>>
          %dma_start3A_216 = arith.constant 0 : i32
          %dma_start3A_217 = tpu.memref_slice %arg11[%mul3A_214, %dma_start3A_216] : memref<10000x128xf32, #tpu.memory_space<vmem_shared>> -> memref<80x128xf32, #tpu.memory_space<vmem_shared>>
          tpu.enqueue_dma source(%arg8 : memref<80x128xf32, #tpu.memory_space<hbm>>) target(%dma_start3A_217 : memref<80x128xf32, #tpu.memory_space<vmem_shared>>) target_semaphore(%run_scoped3A_215 : memref<!tpu.dma_semaphore, #tpu.memory_space<semaphore_mem>>)
          %dma_wait3A_218 = arith.constant 0 : i32
          %dma_wait3A_219 = tpu.memref_slice %arg11[%mul3A_214, %dma_wait3A_218] : memref<10000x128xf32, #tpu.memory_space<vmem_shared>> -> memref<80x128xf32, #tpu.memory_space<vmem_shared>>
          tpu.wait_dma2 semaphore(%run_scoped3A_215 : memref<!tpu.dma_semaphore, #tpu.memory_space<semaphore_mem>>) src(%arg8 : memref<80x128xf32, #tpu.memory_space<hbm>>) dst(%dma_wait3A_219 : memref<80x128xf32, #tpu.memory_space<vmem_shared>>)
          tpu.yield
        }) : () -> ()
      } else {
      }
      %barrier3A = arith.constant 0 : index
      tpu.barrier barrier_id(%barrier3A)
      %mul3A_62 = arith.constant 16000 : i32
      %mul3A_63 = arith.muli %arg1, %mul3A_62 : i32
      %add3A_64 = arith.constant 0 : i32
      %add3A_65 = arith.addi %mul3A_63, %add3A_64 : i32
      %dma_start3A = arith.constant 0 : i32
      %dma_start3A_66 = arith.constant 0 : i32
      %dma_start3A_67 = arith.constant 0 : i32
      %dma_start3A_68 = tpu.memref_slice %arg13[%dma_start3A, %dma_start3A_67] : memref<8x128xi32, #tpu.memory_space<vmem>> -> memref<1x128xi32, #tpu.memory_space<vmem>>
      %dma_start3A_69 = tpu.memref_squeeze %dma_start3A_68 : memref<1x128xi32, #tpu.memory_space<vmem>> -> memref<128xi32, #tpu.memory_space<vmem>>
      %dma_start3A_70 = tpu.memref_slice %arg5[%add3A_65] : memref<256000xi32, #tpu.memory_space<hbm>> -> memref<128xi32, #tpu.memory_space<hbm>>
      %dma_start3A_71 = tpu.memref_slice %arg16[%dma_start3A_66] : memref<2x!tpu.dma_semaphore, #tpu.memory_space<semaphore_mem>> -> memref<1x!tpu.dma_semaphore, #tpu.memory_space<semaphore_mem>>
      %dma_start3A_72 = tpu.memref_squeeze %dma_start3A_71 : memref<1x!tpu.dma_semaphore, #tpu.memory_space<semaphore_mem>> -> memref<!tpu.dma_semaphore, #tpu.memory_space<semaphore_mem>>
      %dma_start3A_73 = arith.constant 0 : i32
      %dma_start3A_74 = tpu.memref_slice %arg13[%dma_start3A, %dma_start3A_73] : memref<8x128xi32, #tpu.memory_space<vmem>> -> memref<1x128xi32, #tpu.memory_space<vmem>>
      %dma_start3A_75 = tpu.memref_squeeze %dma_start3A_74 : memref<1x128xi32, #tpu.memory_space<vmem>> -> memref<128xi32, #tpu.memory_space<vmem>>
      %dma_start3A_76 = tpu.memref_slice %arg5[%add3A_65] : memref<256000xi32, #tpu.memory_space<hbm>> -> memref<128xi32, #tpu.memory_space<hbm>>
      tpu.enqueue_dma source(%dma_start3A_76 : memref<128xi32, #tpu.memory_space<hbm>>) target(%dma_start3A_75 : memref<128xi32, #tpu.memory_space<vmem>>) target_semaphore(%dma_start3A_72 : memref<!tpu.dma_semaphore, #tpu.memory_space<semaphore_mem>>)
      %dma_start3A_77 = arith.constant 0 : i32
      %dma_start3A_78 = arith.constant 0 : i32
      %dma_start3A_79 = arith.constant 0 : i32
      %dma_start3A_80 = arith.constant 0 : i32
      %dma_start3A_81 = tpu.memref_slice %arg14[%dma_start3A_77, %dma_start3A_79, %dma_start3A_80] : memref<2x128x128xf32, #tpu.memory_space<vmem>> -> memref<1x128x128xf32, #tpu.memory_space<vmem>>
      %dma_start3A_82 = tpu.memref_squeeze %dma_start3A_81 : memref<1x128x128xf32, #tpu.memory_space<vmem>> -> memref<128x128xf32, #tpu.memory_space<vmem>>
      %dma_start3A_83 = arith.constant 0 : i32
      %dma_start3A_84 = tpu.memref_slice %arg12[%dma_start3A_83] : memref<16000xi32, #tpu.memory_space<vmem>> -> memref<128xi32, #tpu.memory_space<vmem>>
      %dma_start3A_85 = arith.constant 0 : i32
      %dma_start3A_86 = arith.constant 0 : i32
      %dma_start3A_87 = tpu.memref_slice %arg2[%dma_start3A_85, %dma_start3A_86] : memref<10000x128xf32, #tpu.memory_space<hbm>> -> memref<10000x128xf32, #tpu.memory_space<hbm>>
      %dma_start3A_88 = tpu.memref_slice %arg15[%dma_start3A_78] : memref<2x!tpu.dma_semaphore, #tpu.memory_space<semaphore_mem>> -> memref<1x!tpu.dma_semaphore, #tpu.memory_space<semaphore_mem>>
      %dma_start3A_89 = tpu.memref_squeeze %dma_start3A_88 : memref<1x!tpu.dma_semaphore, #tpu.memory_space<semaphore_mem>> -> memref<!tpu.dma_semaphore, #tpu.memory_space<semaphore_mem>>
      tpu.enqueue_indirect_dma source(%dma_start3A_87 : memref<10000x128xf32, #tpu.memory_space<hbm>>) target(%dma_start3A_82 : memref<128x128xf32, #tpu.memory_space<vmem>>) offsets(%dma_start3A_84 : memref<128xi32, #tpu.memory_space<vmem>>) semaphore(%dma_start3A_89 : memref<!tpu.dma_semaphore, #tpu.memory_space<semaphore_mem>>)
      %mul3A_90 = arith.constant 16000 : i32
      %mul3A_91 = arith.muli %arg1, %mul3A_90 : i32
      %add3A_92 = arith.constant 128 : i32
      %add3A_93 = arith.addi %mul3A_91, %add3A_92 : i32
      %dma_start3A_94 = arith.constant 1 : i32
      %dma_start3A_95 = arith.constant 1 : i32
      %dma_start3A_96 = arith.constant 0 : i32
      %dma_start3A_97 = tpu.memref_slice %arg13[%dma_start3A_94, %dma_start3A_96] : memref<8x128xi32, #tpu.memory_space<vmem>> -> memref<1x128xi32, #tpu.memory_space<vmem>>
      %dma_start3A_98 = tpu.memref_squeeze %dma_start3A_97 : memref<1x128xi32, #tpu.memory_space<vmem>> -> memref<128xi32, #tpu.memory_space<vmem>>
      %dma_start3A_99 = tpu.memref_slice %arg5[%add3A_93] : memref<256000xi32, #tpu.memory_space<hbm>> -> memref<128xi32, #tpu.memory_space<hbm>>
      %dma_start3A_100 = tpu.memref_slice %arg16[%dma_start3A_95] : memref<2x!tpu.dma_semaphore, #tpu.memory_space<semaphore_mem>> -> memref<1x!tpu.dma_semaphore, #tpu.memory_space<semaphore_mem>>
      %dma_start3A_101 = tpu.memref_squeeze %dma_start3A_100 : memref<1x!tpu.dma_semaphore, #tpu.memory_space<semaphore_mem>> -> memref<!tpu.dma_semaphore, #tpu.memory_space<semaphore_mem>>
      %dma_start3A_102 = arith.constant 0 : i32
      %dma_start3A_103 = tpu.memref_slice %arg13[%dma_start3A_94, %dma_start3A_102] : memref<8x128xi32, #tpu.memory_space<vmem>> -> memref<1x128xi32, #tpu.memory_space<vmem>>
      %dma_start3A_104 = tpu.memref_squeeze %dma_start3A_103 : memref<1x128xi32, #tpu.memory_space<vmem>> -> memref<128xi32, #tpu.memory_space<vmem>>
      %dma_start3A_105 = tpu.memref_slice %arg5[%add3A_93] : memref<256000xi32, #tpu.memory_space<hbm>> -> memref<128xi32, #tpu.memory_space<hbm>>
      tpu.enqueue_dma source(%dma_start3A_105 : memref<128xi32, #tpu.memory_space<hbm>>) target(%dma_start3A_104 : memref<128xi32, #tpu.memory_space<vmem>>) target_semaphore(%dma_start3A_101 : memref<!tpu.dma_semaphore, #tpu.memory_space<semaphore_mem>>)
      %dma_start3A_106 = arith.constant 1 : i32
      %dma_start3A_107 = arith.constant 1 : i32
      %dma_start3A_108 = arith.constant 0 : i32
      %dma_start3A_109 = arith.constant 0 : i32
      %dma_start3A_110 = tpu.memref_slice %arg14[%dma_start3A_106, %dma_start3A_108, %dma_start3A_109] : memref<2x128x128xf32, #tpu.memory_space<vmem>> -> memref<1x128x128xf32, #tpu.memory_space<vmem>>
      %dma_start3A_111 = tpu.memref_squeeze %dma_start3A_110 : memref<1x128x128xf32, #tpu.memory_space<vmem>> -> memref<128x128xf32, #tpu.memory_space<vmem>>
      %dma_start3A_112 = arith.constant 128 : i32
      %dma_start3A_113 = tpu.memref_slice %arg12[%dma_start3A_112] : memref<16000xi32, #tpu.memory_space<vmem>> -> memref<128xi32, #tpu.memory_space<vmem>>
      %dma_start3A_114 = arith.constant 0 : i32
      %dma_start3A_115 = arith.constant 0 : i32
      %dma_start3A_116 = tpu.memref_slice %arg2[%dma_start3A_114, %dma_start3A_115] : memref<10000x128xf32, #tpu.memory_space<hbm>> -> memref<10000x128xf32, #tpu.memory_space<hbm>>
      %dma_start3A_117 = tpu.memref_slice %arg15[%dma_start3A_107] : memref<2x!tpu.dma_semaphore, #tpu.memory_space<semaphore_mem>> -> memref<1x!tpu.dma_semaphore, #tpu.memory_space<semaphore_mem>>
      %dma_start3A_118 = tpu.memref_squeeze %dma_start3A_117 : memref<1x!tpu.dma_semaphore, #tpu.memory_space<semaphore_mem>> -> memref<!tpu.dma_semaphore, #tpu.memory_space<semaphore_mem>>
      tpu.enqueue_indirect_dma source(%dma_start3A_116 : memref<10000x128xf32, #tpu.memory_space<hbm>>) target(%dma_start3A_111 : memref<128x128xf32, #tpu.memory_space<vmem>>) offsets(%dma_start3A_113 : memref<128xi32, #tpu.memory_space<vmem>>) semaphore(%dma_start3A_118 : memref<!tpu.dma_semaphore, #tpu.memory_space<semaphore_mem>>)
      %scan3A = arith.constant 0 : i32
      %scan3A_119 = arith.constant 0 : i32
      %scan3A_120 = arith.constant 62 : i32
      %scan3A_121 = arith.addi %scan3A_119, %scan3A_120 : i32
      %scan3A_122 = arith.constant 1 : i32
      scf.for %scan3A_213 = %scan3A_119 to %scan3A_121 step %scan3A_122  : i32 {
        %mul3A_214 = arith.constant 2 : i32
        %mul3A_215 = arith.muli %scan3A_213, %mul3A_214 : i32
        %add3A_216 = arith.constant 0 : i32
        %add3A_217 = arith.addi %mul3A_215, %add3A_216 : i32
        %dma_wait3A_218 = arith.constant 0 : i32
        %dma_wait3A_219 = arith.constant 0 : i32
        %dma_wait3A_220 = arith.constant 0 : i32
        %dma_wait3A_221 = tpu.memref_slice %arg13[%dma_wait3A_218, %dma_wait3A_220] : memref<8x128xi32, #tpu.memory_space<vmem>> -> memref<1x128xi32, #tpu.memory_space<vmem>>
        %dma_wait3A_222 = tpu.memref_squeeze %dma_wait3A_221 : memref<1x128xi32, #tpu.memory_space<vmem>> -> memref<128xi32, #tpu.memory_space<vmem>>
        %dma_wait3A_223 = arith.constant 0 : i32
        %dma_wait3A_224 = tpu.memref_slice %arg5[%dma_wait3A_223] : memref<256000xi32, #tpu.memory_space<hbm>> -> memref<128xi32, #tpu.memory_space<hbm>>
        %dma_wait3A_225 = tpu.memref_slice %arg16[%dma_wait3A_219] : memref<2x!tpu.dma_semaphore, #tpu.memory_space<semaphore_mem>> -> memref<1x!tpu.dma_semaphore, #tpu.memory_space<semaphore_mem>>
        %dma_wait3A_226 = tpu.memref_squeeze %dma_wait3A_225 : memref<1x!tpu.dma_semaphore, #tpu.memory_space<semaphore_mem>> -> memref<!tpu.dma_semaphore, #tpu.memory_space<semaphore_mem>>
        %dma_wait3A_227 = arith.constant 0 : i32
        %dma_wait3A_228 = tpu.memref_slice %arg13[%dma_wait3A_218, %dma_wait3A_227] : memref<8x128xi32, #tpu.memory_space<vmem>> -> memref<1x128xi32, #tpu.memory_space<vmem>>
        %dma_wait3A_229 = tpu.memref_squeeze %dma_wait3A_228 : memref<1x128xi32, #tpu.memory_space<vmem>> -> memref<128xi32, #tpu.memory_space<vmem>>
        %dma_wait3A_230 = arith.constant 0 : i32
        %dma_wait3A_231 = tpu.memref_slice %arg5[%dma_wait3A_230] : memref<256000xi32, #tpu.memory_space<hbm>> -> memref<128xi32, #tpu.memory_space<hbm>>
        tpu.wait_dma2 semaphore(%dma_wait3A_226 : memref<!tpu.dma_semaphore, #tpu.memory_space<semaphore_mem>>) src(%dma_wait3A_231 : memref<128xi32, #tpu.memory_space<hbm>>) dst(%dma_wait3A_229 : memref<128xi32, #tpu.memory_space<vmem>>)
        %dma_wait3A_232 = arith.constant 0 : i32
        %dma_wait3A_233 = arith.constant 0 : i32
        %dma_wait3A_234 = arith.constant 0 : i32
        %dma_wait3A_235 = arith.constant 0 : i32
        %dma_wait3A_236 = tpu.memref_slice %arg14[%dma_wait3A_232, %dma_wait3A_234, %dma_wait3A_235] : memref<2x128x128xf32, #tpu.memory_space<vmem>> -> memref<1x128x128xf32, #tpu.memory_space<vmem>>
        %dma_wait3A_237 = tpu.memref_squeeze %dma_wait3A_236 : memref<1x128x128xf32, #tpu.memory_space<vmem>> -> memref<128x128xf32, #tpu.memory_space<vmem>>
        %dma_wait3A_238 = arith.constant 0 : i32
        %dma_wait3A_239 = arith.constant 0 : i32
        %dma_wait3A_240 = tpu.memref_slice %arg2[%dma_wait3A_238, %dma_wait3A_239] : memref<10000x128xf32, #tpu.memory_space<hbm>> -> memref<128x128xf32, #tpu.memory_space<hbm>>
        %dma_wait3A_241 = tpu.memref_slice %arg15[%dma_wait3A_233] : memref<2x!tpu.dma_semaphore, #tpu.memory_space<semaphore_mem>> -> memref<1x!tpu.dma_semaphore, #tpu.memory_space<semaphore_mem>>
        %dma_wait3A_242 = tpu.memref_squeeze %dma_wait3A_241 : memref<1x!tpu.dma_semaphore, #tpu.memory_space<semaphore_mem>> -> memref<!tpu.dma_semaphore, #tpu.memory_space<semaphore_mem>>
        %dma_wait3A_243 = arith.constant 0 : i32
        %dma_wait3A_244 = arith.constant 0 : i32
        %dma_wait3A_245 = tpu.memref_slice %arg14[%dma_wait3A_232, %dma_wait3A_243, %dma_wait3A_244] : memref<2x128x128xf32, #tpu.memory_space<vmem>> -> memref<1x128x128xf32, #tpu.memory_space<vmem>>
        %dma_wait3A_246 = tpu.memref_squeeze %dma_wait3A_245 : memref<1x128x128xf32, #tpu.memory_space<vmem>> -> memref<128x128xf32, #tpu.memory_space<vmem>>
        %dma_wait3A_247 = arith.constant 0 : i32
        %dma_wait3A_248 = arith.constant 0 : i32
        %dma_wait3A_249 = tpu.memref_slice %arg2[%dma_wait3A_247, %dma_wait3A_248] : memref<10000x128xf32, #tpu.memory_space<hbm>> -> memref<128x128xf32, #tpu.memory_space<hbm>>
        tpu.wait_dma2 semaphore(%dma_wait3A_242 : memref<!tpu.dma_semaphore, #tpu.memory_space<semaphore_mem>>) src(%dma_wait3A_249 : memref<128x128xf32, #tpu.memory_space<hbm>>) dst(%dma_wait3A_246 : memref<128x128xf32, #tpu.memory_space<vmem>>)
        %run_scoped3A_250 = arith.constant 0 : i32
        %run_scoped3A_251 = arith.constant 0 : i32
        "tpu.region"() ({
          %run_scoped3A_304 = tpu.sem_alloc : memref<!tpu.dma_semaphore, #tpu.memory_space<semaphore_mem>>
          %dma_start3A_305 = arith.constant 0 : i32
          %dma_start3A_306 = arith.constant 0 : i32
          %dma_start3A_307 = tpu.memref_slice %arg14[%run_scoped3A_250, %dma_start3A_305, %dma_start3A_306] : memref<2x128x128xf32, #tpu.memory_space<vmem>> -> memref<1x128x128xf32, #tpu.memory_space<vmem>>
          %dma_start3A_308 = tpu.memref_squeeze %dma_start3A_307 : memref<1x128x128xf32, #tpu.memory_space<vmem>> -> memref<128x128xf32, #tpu.memory_space<vmem>>
          %dma_start3A_309 = arith.constant 0 : i32
          %dma_start3A_310 = tpu.memref_slice %arg13[%run_scoped3A_251, %dma_start3A_309] : memref<8x128xi32, #tpu.memory_space<vmem>> -> memref<1x128xi32, #tpu.memory_space<vmem>>
          %dma_start3A_311 = tpu.memref_squeeze %dma_start3A_310 : memref<1x128xi32, #tpu.memory_space<vmem>> -> memref<128xi32, #tpu.memory_space<vmem>>
          %dma_start3A_312 = arith.constant 0 : i32
          %dma_start3A_313 = arith.constant 0 : i32
          %dma_start3A_314 = tpu.memref_slice %arg11[%dma_start3A_312, %dma_start3A_313] : memref<10000x128xf32, #tpu.memory_space<vmem_shared>> -> memref<10000x128xf32, #tpu.memory_space<vmem_shared>>
          tpu.enqueue_indirect_dma source(%dma_start3A_308 : memref<128x128xf32, #tpu.memory_space<vmem>>) target(%dma_start3A_314 : memref<10000x128xf32, #tpu.memory_space<vmem_shared>>) offsets(%dma_start3A_311 : memref<128xi32, #tpu.memory_space<vmem>>) semaphore(%run_scoped3A_304 : memref<!tpu.dma_semaphore, #tpu.memory_space<semaphore_mem>>) {add = true}
          %dma_wait3A_315 = arith.constant 0 : i32
          %dma_wait3A_316 = arith.constant 0 : i32
          %dma_wait3A_317 = tpu.memref_slice %arg14[%run_scoped3A_250, %dma_wait3A_315, %dma_wait3A_316] : memref<2x128x128xf32, #tpu.memory_space<vmem>> -> memref<1x128x128xf32, #tpu.memory_space<vmem>>
          %dma_wait3A_318 = tpu.memref_squeeze %dma_wait3A_317 : memref<1x128x128xf32, #tpu.memory_space<vmem>> -> memref<128x128xf32, #tpu.memory_space<vmem>>
          %dma_wait3A_319 = arith.constant 0 : i32
          %dma_wait3A_320 = tpu.memref_slice %arg13[%run_scoped3A_251, %dma_wait3A_319] : memref<8x128xi32, #tpu.memory_space<vmem>> -> memref<1x128xi32, #tpu.memory_space<vmem>>
          %dma_wait3A_321 = tpu.memref_squeeze %dma_wait3A_320 : memref<1x128xi32, #tpu.memory_space<vmem>> -> memref<128xi32, #tpu.memory_space<vmem>>
          %dma_wait3A_322 = arith.constant 0 : i32
          %dma_wait3A_323 = arith.constant 0 : i32
          %dma_wait3A_324 = tpu.memref_slice %arg11[%dma_wait3A_322, %dma_wait3A_323] : memref<10000x128xf32, #tpu.memory_space<vmem_shared>> -> memref<10000x128xf32, #tpu.memory_space<vmem_shared>>
          tpu.wait_indirect_dma semaphore(%run_scoped3A_304 : memref<!tpu.dma_semaphore, #tpu.memory_space<semaphore_mem>>) src(%dma_wait3A_318 : memref<128x128xf32, #tpu.memory_space<vmem>>) dst(%dma_wait3A_324 : memref<10000x128xf32, #tpu.memory_space<vmem_shared>>)
          tpu.yield
        }) : () -> ()
        %add3A_252 = arith.constant 2 : i32
        %add3A_253 = arith.addi %add3A_217, %add3A_252 : i32
        %lt3A_254 = arith.constant 125 : i32
        %lt3A_255 = arith.cmpi slt, %add3A_253, %lt3A_254 : i32
        %convert_element_type3A_256 = arith.extui %lt3A_255 : i1 to i32
        %cond3A_257 = arith.constant 0 : i32
        %cond3A_258 = arith.cmpi ne, %convert_element_type3A_256, %cond3A_257 : i32
        scf.if %cond3A_258 {
          %add3A_304 = arith.constant 2 : i32
          %add3A_305 = arith.addi %add3A_217, %add3A_304 : i32
          %mul3A_306 = arith.constant 16000 : i32
          %mul3A_307 = arith.muli %arg1, %mul3A_306 : i32
          %mul3A_308 = arith.constant 128 : i32
          %mul3A_309 = arith.muli %add3A_305, %mul3A_308 : i32
          %add3A_310 = arith.addi %mul3A_307, %mul3A_309 : i32
          %dma_start3A_311 = arith.constant 0 : i32
          %dma_start3A_312 = arith.constant 0 : i32
          %dma_start3A_313 = arith.constant 0 : i32
          %dma_start3A_314 = tpu.memref_slice %arg13[%dma_start3A_311, %dma_start3A_313] : memref<8x128xi32, #tpu.memory_space<vmem>> -> memref<1x128xi32, #tpu.memory_space<vmem>>
          %dma_start3A_315 = tpu.memref_squeeze %dma_start3A_314 : memref<1x128xi32, #tpu.memory_space<vmem>> -> memref<128xi32, #tpu.memory_space<vmem>>
          %dma_start3A_316 = tpu.memref_slice %arg5[%add3A_310] : memref<256000xi32, #tpu.memory_space<hbm>> -> memref<128xi32, #tpu.memory_space<hbm>>
          %dma_start3A_317 = tpu.memref_slice %arg16[%dma_start3A_312] : memref<2x!tpu.dma_semaphore, #tpu.memory_space<semaphore_mem>> -> memref<1x!tpu.dma_semaphore, #tpu.memory_space<semaphore_mem>>
          %dma_start3A_318 = tpu.memref_squeeze %dma_start3A_317 : memref<1x!tpu.dma_semaphore, #tpu.memory_space<semaphore_mem>> -> memref<!tpu.dma_semaphore, #tpu.memory_space<semaphore_mem>>
          %dma_start3A_319 = arith.constant 0 : i32
          %dma_start3A_320 = tpu.memref_slice %arg13[%dma_start3A_311, %dma_start3A_319] : memref<8x128xi32, #tpu.memory_space<vmem>> -> memref<1x128xi32, #tpu.memory_space<vmem>>
          %dma_start3A_321 = tpu.memref_squeeze %dma_start3A_320 : memref<1x128xi32, #tpu.memory_space<vmem>> -> memref<128xi32, #tpu.memory_space<vmem>>
          %dma_start3A_322 = tpu.memref_slice %arg5[%add3A_310] : memref<256000xi32, #tpu.memory_space<hbm>> -> memref<128xi32, #tpu.memory_space<hbm>>
          tpu.enqueue_dma source(%dma_start3A_322 : memref<128xi32, #tpu.memory_space<hbm>>) target(%dma_start3A_321 : memref<128xi32, #tpu.memory_space<vmem>>) target_semaphore(%dma_start3A_318 : memref<!tpu.dma_semaphore, #tpu.memory_space<semaphore_mem>>)
          %mul3A_323 = arith.constant 128 : i32
          %mul3A_324 = arith.muli %add3A_305, %mul3A_323 : i32
          %dma_start3A_325 = arith.constant 0 : i32
          %dma_start3A_326 = arith.constant 0 : i32
          %dma_start3A_327 = arith.constant 0 : i32
          %dma_start3A_328 = arith.constant 0 : i32
          %dma_start3A_329 = tpu.memref_slice %arg14[%dma_start3A_325, %dma_start3A_327, %dma_start3A_328] : memref<2x128x128xf32, #tpu.memory_space<vmem>> -> memref<1x128x128xf32, #tpu.memory_space<vmem>>
          %dma_start3A_330 = tpu.memref_squeeze %dma_start3A_329 : memref<1x128x128xf32, #tpu.memory_space<vmem>> -> memref<128x128xf32, #tpu.memory_space<vmem>>
          %dma_start3A_331 = tpu.memref_slice %arg12[%mul3A_324] : memref<16000xi32, #tpu.memory_space<vmem>> -> memref<128xi32, #tpu.memory_space<vmem>>
          %dma_start3A_332 = arith.constant 0 : i32
          %dma_start3A_333 = arith.constant 0 : i32
          %dma_start3A_334 = tpu.memref_slice %arg2[%dma_start3A_332, %dma_start3A_333] : memref<10000x128xf32, #tpu.memory_space<hbm>> -> memref<10000x128xf32, #tpu.memory_space<hbm>>
          %dma_start3A_335 = tpu.memref_slice %arg15[%dma_start3A_326] : memref<2x!tpu.dma_semaphore, #tpu.memory_space<semaphore_mem>> -> memref<1x!tpu.dma_semaphore, #tpu.memory_space<semaphore_mem>>
          %dma_start3A_336 = tpu.memref_squeeze %dma_start3A_335 : memref<1x!tpu.dma_semaphore, #tpu.memory_space<semaphore_mem>> -> memref<!tpu.dma_semaphore, #tpu.memory_space<semaphore_mem>>
          tpu.enqueue_indirect_dma source(%dma_start3A_334 : memref<10000x128xf32, #tpu.memory_space<hbm>>) target(%dma_start3A_330 : memref<128x128xf32, #tpu.memory_space<vmem>>) offsets(%dma_start3A_331 : memref<128xi32, #tpu.memory_space<vmem>>) semaphore(%dma_start3A_336 : memref<!tpu.dma_semaphore, #tpu.memory_space<semaphore_mem>>)
        } else {
        }
        %mul3A_259 = arith.constant 2 : i32
        %mul3A_260 = arith.muli %scan3A_213, %mul3A_259 : i32
        %add3A_261 = arith.constant 1 : i32
        %add3A_262 = arith.addi %mul3A_260, %add3A_261 : i32
        %dma_wait3A_263 = arith.constant 1 : i32
        %dma_wait3A_264 = arith.constant 1 : i32
        %dma_wait3A_265 = arith.constant 0 : i32
        %dma_wait3A_266 = tpu.memref_slice %arg13[%dma_wait3A_263, %dma_wait3A_265] : memref<8x128xi32, #tpu.memory_space<vmem>> -> memref<1x128xi32, #tpu.memory_space<vmem>>
        %dma_wait3A_267 = tpu.memref_squeeze %dma_wait3A_266 : memref<1x128xi32, #tpu.memory_space<vmem>> -> memref<128xi32, #tpu.memory_space<vmem>>
        %dma_wait3A_268 = arith.constant 0 : i32
        %dma_wait3A_269 = tpu.memref_slice %arg5[%dma_wait3A_268] : memref<256000xi32, #tpu.memory_space<hbm>> -> memref<128xi32, #tpu.memory_space<hbm>>
        %dma_wait3A_270 = tpu.memref_slice %arg16[%dma_wait3A_264] : memref<2x!tpu.dma_semaphore, #tpu.memory_space<semaphore_mem>> -> memref<1x!tpu.dma_semaphore, #tpu.memory_space<semaphore_mem>>
        %dma_wait3A_271 = tpu.memref_squeeze %dma_wait3A_270 : memref<1x!tpu.dma_semaphore, #tpu.memory_space<semaphore_mem>> -> memref<!tpu.dma_semaphore, #tpu.memory_space<semaphore_mem>>
        %dma_wait3A_272 = arith.constant 0 : i32
        %dma_wait3A_273 = tpu.memref_slice %arg13[%dma_wait3A_263, %dma_wait3A_272] : memref<8x128xi32, #tpu.memory_space<vmem>> -> memref<1x128xi32, #tpu.memory_space<vmem>>
        %dma_wait3A_274 = tpu.memref_squeeze %dma_wait3A_273 : memref<1x128xi32, #tpu.memory_space<vmem>> -> memref<128xi32, #tpu.memory_space<vmem>>
        %dma_wait3A_275 = arith.constant 0 : i32
        %dma_wait3A_276 = tpu.memref_slice %arg5[%dma_wait3A_275] : memref<256000xi32, #tpu.memory_space<hbm>> -> memref<128xi32, #tpu.memory_space<hbm>>
        tpu.wait_dma2 semaphore(%dma_wait3A_271 : memref<!tpu.dma_semaphore, #tpu.memory_space<semaphore_mem>>) src(%dma_wait3A_276 : memref<128xi32, #tpu.memory_space<hbm>>) dst(%dma_wait3A_274 : memref<128xi32, #tpu.memory_space<vmem>>)
        %dma_wait3A_277 = arith.constant 1 : i32
        %dma_wait3A_278 = arith.constant 1 : i32
        %dma_wait3A_279 = arith.constant 0 : i32
        %dma_wait3A_280 = arith.constant 0 : i32
        %dma_wait3A_281 = tpu.memref_slice %arg14[%dma_wait3A_277, %dma_wait3A_279, %dma_wait3A_280] : memref<2x128x128xf32, #tpu.memory_space<vmem>> -> memref<1x128x128xf32, #tpu.memory_space<vmem>>
        %dma_wait3A_282 = tpu.memref_squeeze %dma_wait3A_281 : memref<1x128x128xf32, #tpu.memory_space<vmem>> -> memref<128x128xf32, #tpu.memory_space<vmem>>
        %dma_wait3A_283 = arith.constant 0 : i32
        %dma_wait3A_284 = arith.constant 0 : i32
        %dma_wait3A_285 = tpu.memref_slice %arg2[%dma_wait3A_283, %dma_wait3A_284] : memref<10000x128xf32, #tpu.memory_space<hbm>> -> memref<128x128xf32, #tpu.memory_space<hbm>>
        %dma_wait3A_286 = tpu.memref_slice %arg15[%dma_wait3A_278] : memref<2x!tpu.dma_semaphore, #tpu.memory_space<semaphore_mem>> -> memref<1x!tpu.dma_semaphore, #tpu.memory_space<semaphore_mem>>
        %dma_wait3A_287 = tpu.memref_squeeze %dma_wait3A_286 : memref<1x!tpu.dma_semaphore, #tpu.memory_space<semaphore_mem>> -> memref<!tpu.dma_semaphore, #tpu.memory_space<semaphore_mem>>
        %dma_wait3A_288 = arith.constant 0 : i32
        %dma_wait3A_289 = arith.constant 0 : i32
        %dma_wait3A_290 = tpu.memref_slice %arg14[%dma_wait3A_277, %dma_wait3A_288, %dma_wait3A_289] : memref<2x128x128xf32, #tpu.memory_space<vmem>> -> memref<1x128x128xf32, #tpu.memory_space<vmem>>
        %dma_wait3A_291 = tpu.memref_squeeze %dma_wait3A_290 : memref<1x128x128xf32, #tpu.memory_space<vmem>> -> memref<128x128xf32, #tpu.memory_space<vmem>>
        %dma_wait3A_292 = arith.constant 0 : i32
        %dma_wait3A_293 = arith.constant 0 : i32
        %dma_wait3A_294 = tpu.memref_slice %arg2[%dma_wait3A_292, %dma_wait3A_293] : memref<10000x128xf32, #tpu.memory_space<hbm>> -> memref<128x128xf32, #tpu.memory_space<hbm>>
        tpu.wait_dma2 semaphore(%dma_wait3A_287 : memref<!tpu.dma_semaphore, #tpu.memory_space<semaphore_mem>>) src(%dma_wait3A_294 : memref<128x128xf32, #tpu.memory_space<hbm>>) dst(%dma_wait3A_291 : memref<128x128xf32, #tpu.memory_space<vmem>>)
        %run_scoped3A_295 = arith.constant 1 : i32
        %run_scoped3A_296 = arith.constant 1 : i32
        "tpu.region"() ({
          %run_scoped3A_304 = tpu.sem_alloc : memref<!tpu.dma_semaphore, #tpu.memory_space<semaphore_mem>>
          %dma_start3A_305 = arith.constant 0 : i32
          %dma_start3A_306 = arith.constant 0 : i32
          %dma_start3A_307 = tpu.memref_slice %arg14[%run_scoped3A_295, %dma_start3A_305, %dma_start3A_306] : memref<2x128x128xf32, #tpu.memory_space<vmem>> -> memref<1x128x128xf32, #tpu.memory_space<vmem>>
          %dma_start3A_308 = tpu.memref_squeeze %dma_start3A_307 : memref<1x128x128xf32, #tpu.memory_space<vmem>> -> memref<128x128xf32, #tpu.memory_space<vmem>>
          %dma_start3A_309 = arith.constant 0 : i32
          %dma_start3A_310 = tpu.memref_slice %arg13[%run_scoped3A_296, %dma_start3A_309] : memref<8x128xi32, #tpu.memory_space<vmem>> -> memref<1x128xi32, #tpu.memory_space<vmem>>
          %dma_start3A_311 = tpu.memref_squeeze %dma_start3A_310 : memref<1x128xi32, #tpu.memory_space<vmem>> -> memref<128xi32, #tpu.memory_space<vmem>>
          %dma_start3A_312 = arith.constant 0 : i32
          %dma_start3A_313 = arith.constant 0 : i32
          %dma_start3A_314 = tpu.memref_slice %arg11[%dma_start3A_312, %dma_start3A_313] : memref<10000x128xf32, #tpu.memory_space<vmem_shared>> -> memref<10000x128xf32, #tpu.memory_space<vmem_shared>>
          tpu.enqueue_indirect_dma source(%dma_start3A_308 : memref<128x128xf32, #tpu.memory_space<vmem>>) target(%dma_start3A_314 : memref<10000x128xf32, #tpu.memory_space<vmem_shared>>) offsets(%dma_start3A_311 : memref<128xi32, #tpu.memory_space<vmem>>) semaphore(%run_scoped3A_304 : memref<!tpu.dma_semaphore, #tpu.memory_space<semaphore_mem>>) {add = true}
          %dma_wait3A_315 = arith.constant 0 : i32
          %dma_wait3A_316 = arith.constant 0 : i32
          %dma_wait3A_317 = tpu.memref_slice %arg14[%run_scoped3A_295, %dma_wait3A_315, %dma_wait3A_316] : memref<2x128x128xf32, #tpu.memory_space<vmem>> -> memref<1x128x128xf32, #tpu.memory_space<vmem>>
          %dma_wait3A_318 = tpu.memref_squeeze %dma_wait3A_317 : memref<1x128x128xf32, #tpu.memory_space<vmem>> -> memref<128x128xf32, #tpu.memory_space<vmem>>
          %dma_wait3A_319 = arith.constant 0 : i32
          %dma_wait3A_320 = tpu.memref_slice %arg13[%run_scoped3A_296, %dma_wait3A_319] : memref<8x128xi32, #tpu.memory_space<vmem>> -> memref<1x128xi32, #tpu.memory_space<vmem>>
          %dma_wait3A_321 = tpu.memref_squeeze %dma_wait3A_320 : memref<1x128xi32, #tpu.memory_space<vmem>> -> memref<128xi32, #tpu.memory_space<vmem>>
          %dma_wait3A_322 = arith.constant 0 : i32
          %dma_wait3A_323 = arith.constant 0 : i32
          %dma_wait3A_324 = tpu.memref_slice %arg11[%dma_wait3A_322, %dma_wait3A_323] : memref<10000x128xf32, #tpu.memory_space<vmem_shared>> -> memref<10000x128xf32, #tpu.memory_space<vmem_shared>>
          tpu.wait_indirect_dma semaphore(%run_scoped3A_304 : memref<!tpu.dma_semaphore, #tpu.memory_space<semaphore_mem>>) src(%dma_wait3A_318 : memref<128x128xf32, #tpu.memory_space<vmem>>) dst(%dma_wait3A_324 : memref<10000x128xf32, #tpu.memory_space<vmem_shared>>)
          tpu.yield
        }) : () -> ()
        %add3A_297 = arith.constant 2 : i32
        %add3A_298 = arith.addi %add3A_262, %add3A_297 : i32
        %lt3A_299 = arith.constant 125 : i32
        %lt3A_300 = arith.cmpi slt, %add3A_298, %lt3A_299 : i32
        %convert_element_type3A_301 = arith.extui %lt3A_300 : i1 to i32
        %cond3A_302 = arith.constant 0 : i32
        %cond3A_303 = arith.cmpi ne, %convert_element_type3A_301, %cond3A_302 : i32
        scf.if %cond3A_303 {
          %add3A_304 = arith.constant 2 : i32
          %add3A_305 = arith.addi %add3A_262, %add3A_304 : i32
          %mul3A_306 = arith.constant 16000 : i32
          %mul3A_307 = arith.muli %arg1, %mul3A_306 : i32
          %mul3A_308 = arith.constant 128 : i32
          %mul3A_309 = arith.muli %add3A_305, %mul3A_308 : i32
          %add3A_310 = arith.addi %mul3A_307, %mul3A_309 : i32
          %dma_start3A_311 = arith.constant 1 : i32
          %dma_start3A_312 = arith.constant 1 : i32
          %dma_start3A_313 = arith.constant 0 : i32
          %dma_start3A_314 = tpu.memref_slice %arg13[%dma_start3A_311, %dma_start3A_313] : memref<8x128xi32, #tpu.memory_space<vmem>> -> memref<1x128xi32, #tpu.memory_space<vmem>>
          %dma_start3A_315 = tpu.memref_squeeze %dma_start3A_314 : memref<1x128xi32, #tpu.memory_space<vmem>> -> memref<128xi32, #tpu.memory_space<vmem>>
          %dma_start3A_316 = tpu.memref_slice %arg5[%add3A_310] : memref<256000xi32, #tpu.memory_space<hbm>> -> memref<128xi32, #tpu.memory_space<hbm>>
          %dma_start3A_317 = tpu.memref_slice %arg16[%dma_start3A_312] : memref<2x!tpu.dma_semaphore, #tpu.memory_space<semaphore_mem>> -> memref<1x!tpu.dma_semaphore, #tpu.memory_space<semaphore_mem>>
          %dma_start3A_318 = tpu.memref_squeeze %dma_start3A_317 : memref<1x!tpu.dma_semaphore, #tpu.memory_space<semaphore_mem>> -> memref<!tpu.dma_semaphore, #tpu.memory_space<semaphore_mem>>
          %dma_start3A_319 = arith.constant 0 : i32
          %dma_start3A_320 = tpu.memref_slice %arg13[%dma_start3A_311, %dma_start3A_319] : memref<8x128xi32, #tpu.memory_space<vmem>> -> memref<1x128xi32, #tpu.memory_space<vmem>>
          %dma_start3A_321 = tpu.memref_squeeze %dma_start3A_320 : memref<1x128xi32, #tpu.memory_space<vmem>> -> memref<128xi32, #tpu.memory_space<vmem>>
          %dma_start3A_322 = tpu.memref_slice %arg5[%add3A_310] : memref<256000xi32, #tpu.memory_space<hbm>> -> memref<128xi32, #tpu.memory_space<hbm>>
          tpu.enqueue_dma source(%dma_start3A_322 : memref<128xi32, #tpu.memory_space<hbm>>) target(%dma_start3A_321 : memref<128xi32, #tpu.memory_space<vmem>>) target_semaphore(%dma_start3A_318 : memref<!tpu.dma_semaphore, #tpu.memory_space<semaphore_mem>>)
          %mul3A_323 = arith.constant 128 : i32
          %mul3A_324 = arith.muli %add3A_305, %mul3A_323 : i32
          %dma_start3A_325 = arith.constant 1 : i32
          %dma_start3A_326 = arith.constant 1 : i32
          %dma_start3A_327 = arith.constant 0 : i32
          %dma_start3A_328 = arith.constant 0 : i32
          %dma_start3A_329 = tpu.memref_slice %arg14[%dma_start3A_325, %dma_start3A_327, %dma_start3A_328] : memref<2x128x128xf32, #tpu.memory_space<vmem>> -> memref<1x128x128xf32, #tpu.memory_space<vmem>>
          %dma_start3A_330 = tpu.memref_squeeze %dma_start3A_329 : memref<1x128x128xf32, #tpu.memory_space<vmem>> -> memref<128x128xf32, #tpu.memory_space<vmem>>
          %dma_start3A_331 = tpu.memref_slice %arg12[%mul3A_324] : memref<16000xi32, #tpu.memory_space<vmem>> -> memref<128xi32, #tpu.memory_space<vmem>>
          %dma_start3A_332 = arith.constant 0 : i32
          %dma_start3A_333 = arith.constant 0 : i32
          %dma_start3A_334 = tpu.memref_slice %arg2[%dma_start3A_332, %dma_start3A_333] : memref<10000x128xf32, #tpu.memory_space<hbm>> -> memref<10000x128xf32, #tpu.memory_space<hbm>>
          %dma_start3A_335 = tpu.memref_slice %arg15[%dma_start3A_326] : memref<2x!tpu.dma_semaphore, #tpu.memory_space<semaphore_mem>> -> memref<1x!tpu.dma_semaphore, #tpu.memory_space<semaphore_mem>>
          %dma_start3A_336 = tpu.memref_squeeze %dma_start3A_335 : memref<1x!tpu.dma_semaphore, #tpu.memory_space<semaphore_mem>> -> memref<!tpu.dma_semaphore, #tpu.memory_space<semaphore_mem>>
          tpu.enqueue_indirect_dma source(%dma_start3A_334 : memref<10000x128xf32, #tpu.memory_space<hbm>>) target(%dma_start3A_330 : memref<128x128xf32, #tpu.memory_space<vmem>>) offsets(%dma_start3A_331 : memref<128xi32, #tpu.memory_space<vmem>>) semaphore(%dma_start3A_336 : memref<!tpu.dma_semaphore, #tpu.memory_space<semaphore_mem>>)
        } else {
        }
      }
      %scan3A_123 = arith.constant 62 : i32
      %dma_wait3A = arith.constant 0 : i32
      %dma_wait3A_124 = arith.constant 0 : i32
      %dma_wait3A_125 = arith.constant 0 : i32
      %dma_wait3A_126 = tpu.memref_slice %arg13[%dma_wait3A, %dma_wait3A_125] : memref<8x128xi32, #tpu.memory_space<vmem>> -> memref<1x128xi32, #tpu.memory_space<vmem>>
      %dma_wait3A_127 = tpu.memref_squeeze %dma_wait3A_126 : memref<1x128xi32, #tpu.memory_space<vmem>> -> memref<128xi32, #tpu.memory_space<vmem>>
      %dma_wait3A_128 = arith.constant 0 : i32
      %dma_wait3A_129 = tpu.memref_slice %arg5[%dma_wait3A_128] : memref<256000xi32, #tpu.memory_space<hbm>> -> memref<128xi32, #tpu.memory_space<hbm>>
      %dma_wait3A_130 = tpu.memref_slice %arg16[%dma_wait3A_124] : memref<2x!tpu.dma_semaphore, #tpu.memory_space<semaphore_mem>> -> memref<1x!tpu.dma_semaphore, #tpu.memory_space<semaphore_mem>>
      %dma_wait3A_131 = tpu.memref_squeeze %dma_wait3A_130 : memref<1x!tpu.dma_semaphore, #tpu.memory_space<semaphore_mem>> -> memref<!tpu.dma_semaphore, #tpu.memory_space<semaphore_mem>>
      %dma_wait3A_132 = arith.constant 0 : i32
      %dma_wait3A_133 = tpu.memref_slice %arg13[%dma_wait3A, %dma_wait3A_132] : memref<8x128xi32, #tpu.memory_space<vmem>> -> memref<1x128xi32, #tpu.memory_space<vmem>>
      %dma_wait3A_134 = tpu.memref_squeeze %dma_wait3A_133 : memref<1x128xi32, #tpu.memory_space<vmem>> -> memref<128xi32, #tpu.memory_space<vmem>>
      %dma_wait3A_135 = arith.constant 0 : i32
      %dma_wait3A_136 = tpu.memref_slice %arg5[%dma_wait3A_135] : memref<256000xi32, #tpu.memory_space<hbm>> -> memref<128xi32, #tpu.memory_space<hbm>>
      tpu.wait_dma2 semaphore(%dma_wait3A_131 : memref<!tpu.dma_semaphore, #tpu.memory_space<semaphore_mem>>) src(%dma_wait3A_136 : memref<128xi32, #tpu.memory_space<hbm>>) dst(%dma_wait3A_134 : memref<128xi32, #tpu.memory_space<vmem>>)
      %dma_wait3A_137 = arith.constant 0 : i32
      %dma_wait3A_138 = arith.constant 0 : i32
      %dma_wait3A_139 = arith.constant 0 : i32
      %dma_wait3A_140 = arith.constant 0 : i32
      %dma_wait3A_141 = tpu.memref_slice %arg14[%dma_wait3A_137, %dma_wait3A_139, %dma_wait3A_140] : memref<2x128x128xf32, #tpu.memory_space<vmem>> -> memref<1x128x128xf32, #tpu.memory_space<vmem>>
      %dma_wait3A_142 = tpu.memref_squeeze %dma_wait3A_141 : memref<1x128x128xf32, #tpu.memory_space<vmem>> -> memref<128x128xf32, #tpu.memory_space<vmem>>
      %dma_wait3A_143 = arith.constant 0 : i32
      %dma_wait3A_144 = arith.constant 0 : i32
      %dma_wait3A_145 = tpu.memref_slice %arg2[%dma_wait3A_143, %dma_wait3A_144] : memref<10000x128xf32, #tpu.memory_space<hbm>> -> memref<128x128xf32, #tpu.memory_space<hbm>>
      %dma_wait3A_146 = tpu.memref_slice %arg15[%dma_wait3A_138] : memref<2x!tpu.dma_semaphore, #tpu.memory_space<semaphore_mem>> -> memref<1x!tpu.dma_semaphore, #tpu.memory_space<semaphore_mem>>
      %dma_wait3A_147 = tpu.memref_squeeze %dma_wait3A_146 : memref<1x!tpu.dma_semaphore, #tpu.memory_space<semaphore_mem>> -> memref<!tpu.dma_semaphore, #tpu.memory_space<semaphore_mem>>
      %dma_wait3A_148 = arith.constant 0 : i32
      %dma_wait3A_149 = arith.constant 0 : i32
      %dma_wait3A_150 = tpu.memref_slice %arg14[%dma_wait3A_137, %dma_wait3A_148, %dma_wait3A_149] : memref<2x128x128xf32, #tpu.memory_space<vmem>> -> memref<1x128x128xf32, #tpu.memory_space<vmem>>
      %dma_wait3A_151 = tpu.memref_squeeze %dma_wait3A_150 : memref<1x128x128xf32, #tpu.memory_space<vmem>> -> memref<128x128xf32, #tpu.memory_space<vmem>>
      %dma_wait3A_152 = arith.constant 0 : i32
      %dma_wait3A_153 = arith.constant 0 : i32
      %dma_wait3A_154 = tpu.memref_slice %arg2[%dma_wait3A_152, %dma_wait3A_153] : memref<10000x128xf32, #tpu.memory_space<hbm>> -> memref<128x128xf32, #tpu.memory_space<hbm>>
      tpu.wait_dma2 semaphore(%dma_wait3A_147 : memref<!tpu.dma_semaphore, #tpu.memory_space<semaphore_mem>>) src(%dma_wait3A_154 : memref<128x128xf32, #tpu.memory_space<hbm>>) dst(%dma_wait3A_151 : memref<128x128xf32, #tpu.memory_space<vmem>>)
      %run_scoped3A = arith.constant 0 : i32
      %run_scoped3A_155 = arith.constant 0 : i32
      "tpu.region"() ({
        %run_scoped3A_213 = tpu.sem_alloc : memref<!tpu.dma_semaphore, #tpu.memory_space<semaphore_mem>>
        %dma_start3A_214 = arith.constant 0 : i32
        %dma_start3A_215 = arith.constant 0 : i32
        %dma_start3A_216 = tpu.memref_slice %arg14[%run_scoped3A, %dma_start3A_214, %dma_start3A_215] : memref<2x128x128xf32, #tpu.memory_space<vmem>> -> memref<1x128x128xf32, #tpu.memory_space<vmem>>
        %dma_start3A_217 = tpu.memref_squeeze %dma_start3A_216 : memref<1x128x128xf32, #tpu.memory_space<vmem>> -> memref<128x128xf32, #tpu.memory_space<vmem>>
        %dma_start3A_218 = arith.constant 0 : i32
        %dma_start3A_219 = tpu.memref_slice %arg13[%run_scoped3A_155, %dma_start3A_218] : memref<8x128xi32, #tpu.memory_space<vmem>> -> memref<1x128xi32, #tpu.memory_space<vmem>>
        %dma_start3A_220 = tpu.memref_squeeze %dma_start3A_219 : memref<1x128xi32, #tpu.memory_space<vmem>> -> memref<128xi32, #tpu.memory_space<vmem>>
        %dma_start3A_221 = arith.constant 0 : i32
        %dma_start3A_222 = arith.constant 0 : i32
        %dma_start3A_223 = tpu.memref_slice %arg11[%dma_start3A_221, %dma_start3A_222] : memref<10000x128xf32, #tpu.memory_space<vmem_shared>> -> memref<10000x128xf32, #tpu.memory_space<vmem_shared>>
        tpu.enqueue_indirect_dma source(%dma_start3A_217 : memref<128x128xf32, #tpu.memory_space<vmem>>) target(%dma_start3A_223 : memref<10000x128xf32, #tpu.memory_space<vmem_shared>>) offsets(%dma_start3A_220 : memref<128xi32, #tpu.memory_space<vmem>>) semaphore(%run_scoped3A_213 : memref<!tpu.dma_semaphore, #tpu.memory_space<semaphore_mem>>) {add = true}
        %dma_wait3A_224 = arith.constant 0 : i32
        %dma_wait3A_225 = arith.constant 0 : i32
        %dma_wait3A_226 = tpu.memref_slice %arg14[%run_scoped3A, %dma_wait3A_224, %dma_wait3A_225] : memref<2x128x128xf32, #tpu.memory_space<vmem>> -> memref<1x128x128xf32, #tpu.memory_space<vmem>>
        %dma_wait3A_227 = tpu.memref_squeeze %dma_wait3A_226 : memref<1x128x128xf32, #tpu.memory_space<vmem>> -> memref<128x128xf32, #tpu.memory_space<vmem>>
        %dma_wait3A_228 = arith.constant 0 : i32
        %dma_wait3A_229 = tpu.memref_slice %arg13[%run_scoped3A_155, %dma_wait3A_228] : memref<8x128xi32, #tpu.memory_space<vmem>> -> memref<1x128xi32, #tpu.memory_space<vmem>>
        %dma_wait3A_230 = tpu.memref_squeeze %dma_wait3A_229 : memref<1x128xi32, #tpu.memory_space<vmem>> -> memref<128xi32, #tpu.memory_space<vmem>>
        %dma_wait3A_231 = arith.constant 0 : i32
        %dma_wait3A_232 = arith.constant 0 : i32
        %dma_wait3A_233 = tpu.memref_slice %arg11[%dma_wait3A_231, %dma_wait3A_232] : memref<10000x128xf32, #tpu.memory_space<vmem_shared>> -> memref<10000x128xf32, #tpu.memory_space<vmem_shared>>
        tpu.wait_indirect_dma semaphore(%run_scoped3A_213 : memref<!tpu.dma_semaphore, #tpu.memory_space<semaphore_mem>>) src(%dma_wait3A_227 : memref<128x128xf32, #tpu.memory_space<vmem>>) dst(%dma_wait3A_233 : memref<10000x128xf32, #tpu.memory_space<vmem_shared>>)
        tpu.yield
      }) : () -> ()
      %barrier3A_156 = arith.constant 0 : index
      tpu.barrier barrier_id(%barrier3A_156)
      %add3A_157 = arith.constant 0 : i32
      %add3A_158 = arith.addi %add3A_157, %arg1 : i32
      %lt3A_159 = arith.constant 125 : i32
      %lt3A_160 = arith.cmpi slt, %add3A_158, %lt3A_159 : i32
      %convert_element_type3A_161 = arith.extui %lt3A_160 : i1 to i32
      %cond3A_162 = arith.constant 0 : i32
      %cond3A_163 = arith.cmpi ne, %convert_element_type3A_161, %cond3A_162 : i32
      scf.if %cond3A_163 {
        %mul3A_213 = arith.constant 80 : i32
        %mul3A_214 = arith.muli %add3A_158, %mul3A_213 : i32
        "tpu.region"() ({
          %run_scoped3A_215 = tpu.sem_alloc : memref<!tpu.dma_semaphore, #tpu.memory_space<semaphore_mem>>
          %dma_start3A_216 = arith.constant 0 : i32
          %dma_start3A_217 = tpu.memref_slice %arg9[%mul3A_214, %dma_start3A_216] : memref<10000x128xf32, #tpu.memory_space<hbm>> -> memref<80x128xf32, #tpu.memory_space<hbm>>
          %dma_start3A_218 = arith.constant 0 : i32
          %dma_start3A_219 = tpu.memref_slice %arg11[%mul3A_214, %dma_start3A_218] : memref<10000x128xf32, #tpu.memory_space<vmem_shared>> -> memref<80x128xf32, #tpu.memory_space<vmem_shared>>
          tpu.enqueue_dma source(%dma_start3A_219 : memref<80x128xf32, #tpu.memory_space<vmem_shared>>) target(%dma_start3A_217 : memref<80x128xf32, #tpu.memory_space<hbm>>) target_semaphore(%run_scoped3A_215 : memref<!tpu.dma_semaphore, #tpu.memory_space<semaphore_mem>>)
          %dma_wait3A_220 = arith.constant 0 : i32
          %dma_wait3A_221 = tpu.memref_slice %arg9[%mul3A_214, %dma_wait3A_220] : memref<10000x128xf32, #tpu.memory_space<hbm>> -> memref<80x128xf32, #tpu.memory_space<hbm>>
          %dma_wait3A_222 = arith.constant 0 : i32
          %dma_wait3A_223 = tpu.memref_slice %arg11[%mul3A_214, %dma_wait3A_222] : memref<10000x128xf32, #tpu.memory_space<vmem_shared>> -> memref<80x128xf32, #tpu.memory_space<vmem_shared>>
          tpu.wait_dma2 semaphore(%run_scoped3A_215 : memref<!tpu.dma_semaphore, #tpu.memory_space<semaphore_mem>>) src(%dma_wait3A_223 : memref<80x128xf32, #tpu.memory_space<vmem_shared>>) dst(%dma_wait3A_221 : memref<80x128xf32, #tpu.memory_space<hbm>>)
          tpu.yield
        }) : () -> ()
      } else {
      }
      %add3A_164 = arith.constant 16 : i32
      %add3A_165 = arith.addi %add3A_164, %arg1 : i32
      %lt3A_166 = arith.constant 125 : i32
      %lt3A_167 = arith.cmpi slt, %add3A_165, %lt3A_166 : i32
      %convert_element_type3A_168 = arith.extui %lt3A_167 : i1 to i32
      %cond3A_169 = arith.constant 0 : i32
      %cond3A_170 = arith.cmpi ne, %convert_element_type3A_168, %cond3A_169 : i32
      scf.if %cond3A_170 {
        %mul3A_213 = arith.constant 80 : i32
        %mul3A_214 = arith.muli %add3A_165, %mul3A_213 : i32
        "tpu.region"() ({
          %run_scoped3A_215 = tpu.sem_alloc : memref<!tpu.dma_semaphore, #tpu.memory_space<semaphore_mem>>
          %dma_start3A_216 = arith.constant 0 : i32
          %dma_start3A_217 = tpu.memref_slice %arg9[%mul3A_214, %dma_start3A_216] : memref<10000x128xf32, #tpu.memory_space<hbm>> -> memref<80x128xf32, #tpu.memory_space<hbm>>
          %dma_start3A_218 = arith.constant 0 : i32
          %dma_start3A_219 = tpu.memref_slice %arg11[%mul3A_214, %dma_start3A_218] : memref<10000x128xf32, #tpu.memory_space<vmem_shared>> -> memref<80x128xf32, #tpu.memory_space<vmem_shared>>
          tpu.enqueue_dma source(%dma_start3A_219 : memref<80x128xf32, #tpu.memory_space<vmem_shared>>) target(%dma_start3A_217 : memref<80x128xf32, #tpu.memory_space<hbm>>) target_semaphore(%run_scoped3A_215 : memref<!tpu.dma_semaphore, #tpu.memory_space<semaphore_mem>>)
          %dma_wait3A_220 = arith.constant 0 : i32
          %dma_wait3A_221 = tpu.memref_slice %arg9[%mul3A_214, %dma_wait3A_220] : memref<10000x128xf32, #tpu.memory_space<hbm>> -> memref<80x128xf32, #tpu.memory_space<hbm>>
          %dma_wait3A_222 = arith.constant 0 : i32
          %dma_wait3A_223 = tpu.memref_slice %arg11[%mul3A_214, %dma_wait3A_222] : memref<10000x128xf32, #tpu.memory_space<vmem_shared>> -> memref<80x128xf32, #tpu.memory_space<vmem_shared>>
          tpu.wait_dma2 semaphore(%run_scoped3A_215 : memref<!tpu.dma_semaphore, #tpu.memory_space<semaphore_mem>>) src(%dma_wait3A_223 : memref<80x128xf32, #tpu.memory_space<vmem_shared>>) dst(%dma_wait3A_221 : memref<80x128xf32, #tpu.memory_space<hbm>>)
          tpu.yield
        }) : () -> ()
      } else {
      }
      %add3A_171 = arith.constant 32 : i32
      %add3A_172 = arith.addi %add3A_171, %arg1 : i32
      %lt3A_173 = arith.constant 125 : i32
      %lt3A_174 = arith.cmpi slt, %add3A_172, %lt3A_173 : i32
      %convert_element_type3A_175 = arith.extui %lt3A_174 : i1 to i32
      %cond3A_176 = arith.constant 0 : i32
      %cond3A_177 = arith.cmpi ne, %convert_element_type3A_175, %cond3A_176 : i32
      scf.if %cond3A_177 {
        %mul3A_213 = arith.constant 80 : i32
        %mul3A_214 = arith.muli %add3A_172, %mul3A_213 : i32
        "tpu.region"() ({
          %run_scoped3A_215 = tpu.sem_alloc : memref<!tpu.dma_semaphore, #tpu.memory_space<semaphore_mem>>
          %dma_start3A_216 = arith.constant 0 : i32
          %dma_start3A_217 = tpu.memref_slice %arg9[%mul3A_214, %dma_start3A_216] : memref<10000x128xf32, #tpu.memory_space<hbm>> -> memref<80x128xf32, #tpu.memory_space<hbm>>
          %dma_start3A_218 = arith.constant 0 : i32
          %dma_start3A_219 = tpu.memref_slice %arg11[%mul3A_214, %dma_start3A_218] : memref<10000x128xf32, #tpu.memory_space<vmem_shared>> -> memref<80x128xf32, #tpu.memory_space<vmem_shared>>
          tpu.enqueue_dma source(%dma_start3A_219 : memref<80x128xf32, #tpu.memory_space<vmem_shared>>) target(%dma_start3A_217 : memref<80x128xf32, #tpu.memory_space<hbm>>) target_semaphore(%run_scoped3A_215 : memref<!tpu.dma_semaphore, #tpu.memory_space<semaphore_mem>>)
          %dma_wait3A_220 = arith.constant 0 : i32
          %dma_wait3A_221 = tpu.memref_slice %arg9[%mul3A_214, %dma_wait3A_220] : memref<10000x128xf32, #tpu.memory_space<hbm>> -> memref<80x128xf32, #tpu.memory_space<hbm>>
          %dma_wait3A_222 = arith.constant 0 : i32
          %dma_wait3A_223 = tpu.memref_slice %arg11[%mul3A_214, %dma_wait3A_222] : memref<10000x128xf32, #tpu.memory_space<vmem_shared>> -> memref<80x128xf32, #tpu.memory_space<vmem_shared>>
          tpu.wait_dma2 semaphore(%run_scoped3A_215 : memref<!tpu.dma_semaphore, #tpu.memory_space<semaphore_mem>>) src(%dma_wait3A_223 : memref<80x128xf32, #tpu.memory_space<vmem_shared>>) dst(%dma_wait3A_221 : memref<80x128xf32, #tpu.memory_space<hbm>>)
          tpu.yield
        }) : () -> ()
      } else {
      }
      %add3A_178 = arith.constant 48 : i32
      %add3A_179 = arith.addi %add3A_178, %arg1 : i32
      %lt3A_180 = arith.constant 125 : i32
      %lt3A_181 = arith.cmpi slt, %add3A_179, %lt3A_180 : i32
      %convert_element_type3A_182 = arith.extui %lt3A_181 : i1 to i32
      %cond3A_183 = arith.constant 0 : i32
      %cond3A_184 = arith.cmpi ne, %convert_element_type3A_182, %cond3A_183 : i32
      scf.if %cond3A_184 {
        %mul3A_213 = arith.constant 80 : i32
        %mul3A_214 = arith.muli %add3A_179, %mul3A_213 : i32
        "tpu.region"() ({
          %run_scoped3A_215 = tpu.sem_alloc : memref<!tpu.dma_semaphore, #tpu.memory_space<semaphore_mem>>
          %dma_start3A_216 = arith.constant 0 : i32
          %dma_start3A_217 = tpu.memref_slice %arg9[%mul3A_214, %dma_start3A_216] : memref<10000x128xf32, #tpu.memory_space<hbm>> -> memref<80x128xf32, #tpu.memory_space<hbm>>
          %dma_start3A_218 = arith.constant 0 : i32
          %dma_start3A_219 = tpu.memref_slice %arg11[%mul3A_214, %dma_start3A_218] : memref<10000x128xf32, #tpu.memory_space<vmem_shared>> -> memref<80x128xf32, #tpu.memory_space<vmem_shared>>
          tpu.enqueue_dma source(%dma_start3A_219 : memref<80x128xf32, #tpu.memory_space<vmem_shared>>) target(%dma_start3A_217 : memref<80x128xf32, #tpu.memory_space<hbm>>) target_semaphore(%run_scoped3A_215 : memref<!tpu.dma_semaphore, #tpu.memory_space<semaphore_mem>>)
          %dma_wait3A_220 = arith.constant 0 : i32
          %dma_wait3A_221 = tpu.memref_slice %arg9[%mul3A_214, %dma_wait3A_220] : memref<10000x128xf32, #tpu.memory_space<hbm>> -> memref<80x128xf32, #tpu.memory_space<hbm>>
          %dma_wait3A_222 = arith.constant 0 : i32
          %dma_wait3A_223 = tpu.memref_slice %arg11[%mul3A_214, %dma_wait3A_222] : memref<10000x128xf32, #tpu.memory_space<vmem_shared>> -> memref<80x128xf32, #tpu.memory_space<vmem_shared>>
          tpu.wait_dma2 semaphore(%run_scoped3A_215 : memref<!tpu.dma_semaphore, #tpu.memory_space<semaphore_mem>>) src(%dma_wait3A_223 : memref<80x128xf32, #tpu.memory_space<vmem_shared>>) dst(%dma_wait3A_221 : memref<80x128xf32, #tpu.memory_space<hbm>>)
          tpu.yield
        }) : () -> ()
      } else {
      }
      %add3A_185 = arith.constant 64 : i32
      %add3A_186 = arith.addi %add3A_185, %arg1 : i32
      %lt3A_187 = arith.constant 125 : i32
      %lt3A_188 = arith.cmpi slt, %add3A_186, %lt3A_187 : i32
      %convert_element_type3A_189 = arith.extui %lt3A_188 : i1 to i32
      %cond3A_190 = arith.constant 0 : i32
      %cond3A_191 = arith.cmpi ne, %convert_element_type3A_189, %cond3A_190 : i32
      scf.if %cond3A_191 {
        %mul3A_213 = arith.constant 80 : i32
        %mul3A_214 = arith.muli %add3A_186, %mul3A_213 : i32
        "tpu.region"() ({
          %run_scoped3A_215 = tpu.sem_alloc : memref<!tpu.dma_semaphore, #tpu.memory_space<semaphore_mem>>
          %dma_start3A_216 = arith.constant 0 : i32
          %dma_start3A_217 = tpu.memref_slice %arg9[%mul3A_214, %dma_start3A_216] : memref<10000x128xf32, #tpu.memory_space<hbm>> -> memref<80x128xf32, #tpu.memory_space<hbm>>
          %dma_start3A_218 = arith.constant 0 : i32
          %dma_start3A_219 = tpu.memref_slice %arg11[%mul3A_214, %dma_start3A_218] : memref<10000x128xf32, #tpu.memory_space<vmem_shared>> -> memref<80x128xf32, #tpu.memory_space<vmem_shared>>
          tpu.enqueue_dma source(%dma_start3A_219 : memref<80x128xf32, #tpu.memory_space<vmem_shared>>) target(%dma_start3A_217 : memref<80x128xf32, #tpu.memory_space<hbm>>) target_semaphore(%run_scoped3A_215 : memref<!tpu.dma_semaphore, #tpu.memory_space<semaphore_mem>>)
          %dma_wait3A_220 = arith.constant 0 : i32
          %dma_wait3A_221 = tpu.memref_slice %arg9[%mul3A_214, %dma_wait3A_220] : memref<10000x128xf32, #tpu.memory_space<hbm>> -> memref<80x128xf32, #tpu.memory_space<hbm>>
          %dma_wait3A_222 = arith.constant 0 : i32
          %dma_wait3A_223 = tpu.memref_slice %arg11[%mul3A_214, %dma_wait3A_222] : memref<10000x128xf32, #tpu.memory_space<vmem_shared>> -> memref<80x128xf32, #tpu.memory_space<vmem_shared>>
          tpu.wait_dma2 semaphore(%run_scoped3A_215 : memref<!tpu.dma_semaphore, #tpu.memory_space<semaphore_mem>>) src(%dma_wait3A_223 : memref<80x128xf32, #tpu.memory_space<vmem_shared>>) dst(%dma_wait3A_221 : memref<80x128xf32, #tpu.memory_space<hbm>>)
          tpu.yield
        }) : () -> ()
      } else {
      }
      %add3A_192 = arith.constant 80 : i32
      %add3A_193 = arith.addi %add3A_192, %arg1 : i32
      %lt3A_194 = arith.constant 125 : i32
      %lt3A_195 = arith.cmpi slt, %add3A_193, %lt3A_194 : i32
      %convert_element_type3A_196 = arith.extui %lt3A_195 : i1 to i32
      %cond3A_197 = arith.constant 0 : i32
      %cond3A_198 = arith.cmpi ne, %convert_element_type3A_196, %cond3A_197 : i32
      scf.if %cond3A_198 {
        %mul3A_213 = arith.constant 80 : i32
        %mul3A_214 = arith.muli %add3A_193, %mul3A_213 : i32
        "tpu.region"() ({
          %run_scoped3A_215 = tpu.sem_alloc : memref<!tpu.dma_semaphore, #tpu.memory_space<semaphore_mem>>
          %dma_start3A_216 = arith.constant 0 : i32
          %dma_start3A_217 = tpu.memref_slice %arg9[%mul3A_214, %dma_start3A_216] : memref<10000x128xf32, #tpu.memory_space<hbm>> -> memref<80x128xf32, #tpu.memory_space<hbm>>
          %dma_start3A_218 = arith.constant 0 : i32
          %dma_start3A_219 = tpu.memref_slice %arg11[%mul3A_214, %dma_start3A_218] : memref<10000x128xf32, #tpu.memory_space<vmem_shared>> -> memref<80x128xf32, #tpu.memory_space<vmem_shared>>
          tpu.enqueue_dma source(%dma_start3A_219 : memref<80x128xf32, #tpu.memory_space<vmem_shared>>) target(%dma_start3A_217 : memref<80x128xf32, #tpu.memory_space<hbm>>) target_semaphore(%run_scoped3A_215 : memref<!tpu.dma_semaphore, #tpu.memory_space<semaphore_mem>>)
          %dma_wait3A_220 = arith.constant 0 : i32
          %dma_wait3A_221 = tpu.memref_slice %arg9[%mul3A_214, %dma_wait3A_220] : memref<10000x128xf32, #tpu.memory_space<hbm>> -> memref<80x128xf32, #tpu.memory_space<hbm>>
          %dma_wait3A_222 = arith.constant 0 : i32
          %dma_wait3A_223 = tpu.memref_slice %arg11[%mul3A_214, %dma_wait3A_222] : memref<10000x128xf32, #tpu.memory_space<vmem_shared>> -> memref<80x128xf32, #tpu.memory_space<vmem_shared>>
          tpu.wait_dma2 semaphore(%run_scoped3A_215 : memref<!tpu.dma_semaphore, #tpu.memory_space<semaphore_mem>>) src(%dma_wait3A_223 : memref<80x128xf32, #tpu.memory_space<vmem_shared>>) dst(%dma_wait3A_221 : memref<80x128xf32, #tpu.memory_space<hbm>>)
          tpu.yield
        }) : () -> ()
      } else {
      }
      %add3A_199 = arith.constant 96 : i32
      %add3A_200 = arith.addi %add3A_199, %arg1 : i32
      %lt3A_201 = arith.constant 125 : i32
      %lt3A_202 = arith.cmpi slt, %add3A_200, %lt3A_201 : i32
      %convert_element_type3A_203 = arith.extui %lt3A_202 : i1 to i32
      %cond3A_204 = arith.constant 0 : i32
      %cond3A_205 = arith.cmpi ne, %convert_element_type3A_203, %cond3A_204 : i32
      scf.if %cond3A_205 {
        %mul3A_213 = arith.constant 80 : i32
        %mul3A_214 = arith.muli %add3A_200, %mul3A_213 : i32
        "tpu.region"() ({
          %run_scoped3A_215 = tpu.sem_alloc : memref<!tpu.dma_semaphore, #tpu.memory_space<semaphore_mem>>
          %dma_start3A_216 = arith.constant 0 : i32
          %dma_start3A_217 = tpu.memref_slice %arg9[%mul3A_214, %dma_start3A_216] : memref<10000x128xf32, #tpu.memory_space<hbm>> -> memref<80x128xf32, #tpu.memory_space<hbm>>
          %dma_start3A_218 = arith.constant 0 : i32
          %dma_start3A_219 = tpu.memref_slice %arg11[%mul3A_214, %dma_start3A_218] : memref<10000x128xf32, #tpu.memory_space<vmem_shared>> -> memref<80x128xf32, #tpu.memory_space<vmem_shared>>
          tpu.enqueue_dma source(%dma_start3A_219 : memref<80x128xf32, #tpu.memory_space<vmem_shared>>) target(%dma_start3A_217 : memref<80x128xf32, #tpu.memory_space<hbm>>) target_semaphore(%run_scoped3A_215 : memref<!tpu.dma_semaphore, #tpu.memory_space<semaphore_mem>>)
          %dma_wait3A_220 = arith.constant 0 : i32
          %dma_wait3A_221 = tpu.memref_slice %arg9[%mul3A_214, %dma_wait3A_220] : memref<10000x128xf32, #tpu.memory_space<hbm>> -> memref<80x128xf32, #tpu.memory_space<hbm>>
          %dma_wait3A_222 = arith.constant 0 : i32
          %dma_wait3A_223 = tpu.memref_slice %arg11[%mul3A_214, %dma_wait3A_222] : memref<10000x128xf32, #tpu.memory_space<vmem_shared>> -> memref<80x128xf32, #tpu.memory_space<vmem_shared>>
          tpu.wait_dma2 semaphore(%run_scoped3A_215 : memref<!tpu.dma_semaphore, #tpu.memory_space<semaphore_mem>>) src(%dma_wait3A_223 : memref<80x128xf32, #tpu.memory_space<vmem_shared>>) dst(%dma_wait3A_221 : memref<80x128xf32, #tpu.memory_space<hbm>>)
          tpu.yield
        }) : () -> ()
      } else {
      }
      %add3A_206 = arith.constant 112 : i32
      %add3A_207 = arith.addi %add3A_206, %arg1 : i32
      %lt3A_208 = arith.constant 125 : i32
      %lt3A_209 = arith.cmpi slt, %add3A_207, %lt3A_208 : i32
      %convert_element_type3A_210 = arith.extui %lt3A_209 : i1 to i32
      %cond3A_211 = arith.constant 0 : i32
      %cond3A_212 = arith.cmpi ne, %convert_element_type3A_210, %cond3A_211 : i32
      scf.if %cond3A_212 {
        %mul3A_213 = arith.constant 80 : i32
        %mul3A_214 = arith.muli %add3A_207, %mul3A_213 : i32
        "tpu.region"() ({
          %run_scoped3A_215 = tpu.sem_alloc : memref<!tpu.dma_semaphore, #tpu.memory_space<semaphore_mem>>
          %dma_start3A_216 = arith.constant 0 : i32
          %dma_start3A_217 = tpu.memref_slice %arg9[%mul3A_214, %dma_start3A_216] : memref<10000x128xf32, #tpu.memory_space<hbm>> -> memref<80x128xf32, #tpu.memory_space<hbm>>
          %dma_start3A_218 = arith.constant 0 : i32
          %dma_start3A_219 = tpu.memref_slice %arg11[%mul3A_214, %dma_start3A_218] : memref<10000x128xf32, #tpu.memory_space<vmem_shared>> -> memref<80x128xf32, #tpu.memory_space<vmem_shared>>
          tpu.enqueue_dma source(%dma_start3A_219 : memref<80x128xf32, #tpu.memory_space<vmem_shared>>) target(%dma_start3A_217 : memref<80x128xf32, #tpu.memory_space<hbm>>) target_semaphore(%run_scoped3A_215 : memref<!tpu.dma_semaphore, #tpu.memory_space<semaphore_mem>>)
          %dma_wait3A_220 = arith.constant 0 : i32
          %dma_wait3A_221 = tpu.memref_slice %arg9[%mul3A_214, %dma_wait3A_220] : memref<10000x128xf32, #tpu.memory_space<hbm>> -> memref<80x128xf32, #tpu.memory_space<hbm>>
          %dma_wait3A_222 = arith.constant 0 : i32
          %dma_wait3A_223 = tpu.memref_slice %arg11[%mul3A_214, %dma_wait3A_222] : memref<10000x128xf32, #tpu.memory_space<vmem_shared>> -> memref<80x128xf32, #tpu.memory_space<vmem_shared>>
          tpu.wait_dma2 semaphore(%run_scoped3A_215 : memref<!tpu.dma_semaphore, #tpu.memory_space<semaphore_mem>>) src(%dma_wait3A_223 : memref<80x128xf32, #tpu.memory_space<vmem_shared>>) dst(%dma_wait3A_221 : memref<80x128xf32, #tpu.memory_space<hbm>>)
          tpu.yield
        }) : () -> ()
      } else {
      }
    } else {
    }
    %eq3A_2 = arith.constant 1 : i32
    %eq3A_3 = arith.cmpi eq, %arg0, %eq3A_2 : i32
    %convert_element_type3A_4 = arith.extui %eq3A_3 : i1 to i32
    %cond3A_5 = arith.constant 0 : i32
    %cond3A_6 = arith.cmpi ne, %convert_element_type3A_4, %cond3A_5 : i32
    scf.if %cond3A_6 {
      %mul3A = arith.constant 16000 : i32
      %mul3A_7 = arith.muli %arg1, %mul3A : i32
      "tpu.region"() ({
        %run_scoped3A_213 = tpu.sem_alloc : memref<!tpu.dma_semaphore, #tpu.memory_space<semaphore_mem>>
        %dma_start3A_214 = tpu.memref_slice %arg6[%mul3A_7] : memref<256000xi32, #tpu.memory_space<hbm>> -> memref<16000xi32, #tpu.memory_space<hbm>>
        %dma_start3A_215 = tpu.memref_slice %arg6[%mul3A_7] : memref<256000xi32, #tpu.memory_space<hbm>> -> memref<16000xi32, #tpu.memory_space<hbm>>
        tpu.enqueue_dma source(%dma_start3A_215 : memref<16000xi32, #tpu.memory_space<hbm>>) target(%arg12 : memref<16000xi32, #tpu.memory_space<vmem>>) target_semaphore(%run_scoped3A_213 : memref<!tpu.dma_semaphore, #tpu.memory_space<semaphore_mem>>)
        %dma_wait3A_216 = tpu.memref_slice %arg6[%mul3A_7] : memref<256000xi32, #tpu.memory_space<hbm>> -> memref<16000xi32, #tpu.memory_space<hbm>>
        %dma_wait3A_217 = tpu.memref_slice %arg6[%mul3A_7] : memref<256000xi32, #tpu.memory_space<hbm>> -> memref<16000xi32, #tpu.memory_space<hbm>>
        tpu.wait_dma2 semaphore(%run_scoped3A_213 : memref<!tpu.dma_semaphore, #tpu.memory_space<semaphore_mem>>) src(%dma_wait3A_217 : memref<16000xi32, #tpu.memory_space<hbm>>) dst(%arg12 : memref<16000xi32, #tpu.memory_space<vmem>>)
        tpu.yield
      }) : () -> ()
      %add3A = arith.constant 0 : i32
      %add3A_8 = arith.addi %add3A, %arg1 : i32
      %lt3A = arith.constant 125 : i32
      %lt3A_9 = arith.cmpi slt, %add3A_8, %lt3A : i32
      %convert_element_type3A_10 = arith.extui %lt3A_9 : i1 to i32
      %cond3A_11 = arith.constant 0 : i32
      %cond3A_12 = arith.cmpi ne, %convert_element_type3A_10, %cond3A_11 : i32
      scf.if %cond3A_12 {
        %mul3A_213 = arith.constant 80 : i32
        %mul3A_214 = arith.muli %add3A_8, %mul3A_213 : i32
        "tpu.region"() ({
          %run_scoped3A_215 = tpu.sem_alloc : memref<!tpu.dma_semaphore, #tpu.memory_space<semaphore_mem>>
          %dma_start3A_216 = arith.constant 0 : i32
          %dma_start3A_217 = tpu.memref_slice %arg11[%mul3A_214, %dma_start3A_216] : memref<10000x128xf32, #tpu.memory_space<vmem_shared>> -> memref<80x128xf32, #tpu.memory_space<vmem_shared>>
          tpu.enqueue_dma source(%arg8 : memref<80x128xf32, #tpu.memory_space<hbm>>) target(%dma_start3A_217 : memref<80x128xf32, #tpu.memory_space<vmem_shared>>) target_semaphore(%run_scoped3A_215 : memref<!tpu.dma_semaphore, #tpu.memory_space<semaphore_mem>>)
          %dma_wait3A_218 = arith.constant 0 : i32
          %dma_wait3A_219 = tpu.memref_slice %arg11[%mul3A_214, %dma_wait3A_218] : memref<10000x128xf32, #tpu.memory_space<vmem_shared>> -> memref<80x128xf32, #tpu.memory_space<vmem_shared>>
          tpu.wait_dma2 semaphore(%run_scoped3A_215 : memref<!tpu.dma_semaphore, #tpu.memory_space<semaphore_mem>>) src(%arg8 : memref<80x128xf32, #tpu.memory_space<hbm>>) dst(%dma_wait3A_219 : memref<80x128xf32, #tpu.memory_space<vmem_shared>>)
          tpu.yield
        }) : () -> ()
      } else {
      }
      %add3A_13 = arith.constant 16 : i32
      %add3A_14 = arith.addi %add3A_13, %arg1 : i32
      %lt3A_15 = arith.constant 125 : i32
      %lt3A_16 = arith.cmpi slt, %add3A_14, %lt3A_15 : i32
      %convert_element_type3A_17 = arith.extui %lt3A_16 : i1 to i32
      %cond3A_18 = arith.constant 0 : i32
      %cond3A_19 = arith.cmpi ne, %convert_element_type3A_17, %cond3A_18 : i32
      scf.if %cond3A_19 {
        %mul3A_213 = arith.constant 80 : i32
        %mul3A_214 = arith.muli %add3A_14, %mul3A_213 : i32
        "tpu.region"() ({
          %run_scoped3A_215 = tpu.sem_alloc : memref<!tpu.dma_semaphore, #tpu.memory_space<semaphore_mem>>
          %dma_start3A_216 = arith.constant 0 : i32
          %dma_start3A_217 = tpu.memref_slice %arg11[%mul3A_214, %dma_start3A_216] : memref<10000x128xf32, #tpu.memory_space<vmem_shared>> -> memref<80x128xf32, #tpu.memory_space<vmem_shared>>
          tpu.enqueue_dma source(%arg8 : memref<80x128xf32, #tpu.memory_space<hbm>>) target(%dma_start3A_217 : memref<80x128xf32, #tpu.memory_space<vmem_shared>>) target_semaphore(%run_scoped3A_215 : memref<!tpu.dma_semaphore, #tpu.memory_space<semaphore_mem>>)
          %dma_wait3A_218 = arith.constant 0 : i32
          %dma_wait3A_219 = tpu.memref_slice %arg11[%mul3A_214, %dma_wait3A_218] : memref<10000x128xf32, #tpu.memory_space<vmem_shared>> -> memref<80x128xf32, #tpu.memory_space<vmem_shared>>
          tpu.wait_dma2 semaphore(%run_scoped3A_215 : memref<!tpu.dma_semaphore, #tpu.memory_space<semaphore_mem>>) src(%arg8 : memref<80x128xf32, #tpu.memory_space<hbm>>) dst(%dma_wait3A_219 : memref<80x128xf32, #tpu.memory_space<vmem_shared>>)
          tpu.yield
        }) : () -> ()
      } else {
      }
      %add3A_20 = arith.constant 32 : i32
      %add3A_21 = arith.addi %add3A_20, %arg1 : i32
      %lt3A_22 = arith.constant 125 : i32
      %lt3A_23 = arith.cmpi slt, %add3A_21, %lt3A_22 : i32
      %convert_element_type3A_24 = arith.extui %lt3A_23 : i1 to i32
      %cond3A_25 = arith.constant 0 : i32
      %cond3A_26 = arith.cmpi ne, %convert_element_type3A_24, %cond3A_25 : i32
      scf.if %cond3A_26 {
        %mul3A_213 = arith.constant 80 : i32
        %mul3A_214 = arith.muli %add3A_21, %mul3A_213 : i32
        "tpu.region"() ({
          %run_scoped3A_215 = tpu.sem_alloc : memref<!tpu.dma_semaphore, #tpu.memory_space<semaphore_mem>>
          %dma_start3A_216 = arith.constant 0 : i32
          %dma_start3A_217 = tpu.memref_slice %arg11[%mul3A_214, %dma_start3A_216] : memref<10000x128xf32, #tpu.memory_space<vmem_shared>> -> memref<80x128xf32, #tpu.memory_space<vmem_shared>>
          tpu.enqueue_dma source(%arg8 : memref<80x128xf32, #tpu.memory_space<hbm>>) target(%dma_start3A_217 : memref<80x128xf32, #tpu.memory_space<vmem_shared>>) target_semaphore(%run_scoped3A_215 : memref<!tpu.dma_semaphore, #tpu.memory_space<semaphore_mem>>)
          %dma_wait3A_218 = arith.constant 0 : i32
          %dma_wait3A_219 = tpu.memref_slice %arg11[%mul3A_214, %dma_wait3A_218] : memref<10000x128xf32, #tpu.memory_space<vmem_shared>> -> memref<80x128xf32, #tpu.memory_space<vmem_shared>>
          tpu.wait_dma2 semaphore(%run_scoped3A_215 : memref<!tpu.dma_semaphore, #tpu.memory_space<semaphore_mem>>) src(%arg8 : memref<80x128xf32, #tpu.memory_space<hbm>>) dst(%dma_wait3A_219 : memref<80x128xf32, #tpu.memory_space<vmem_shared>>)
          tpu.yield
        }) : () -> ()
      } else {
      }
      %add3A_27 = arith.constant 48 : i32
      %add3A_28 = arith.addi %add3A_27, %arg1 : i32
      %lt3A_29 = arith.constant 125 : i32
      %lt3A_30 = arith.cmpi slt, %add3A_28, %lt3A_29 : i32
      %convert_element_type3A_31 = arith.extui %lt3A_30 : i1 to i32
      %cond3A_32 = arith.constant 0 : i32
      %cond3A_33 = arith.cmpi ne, %convert_element_type3A_31, %cond3A_32 : i32
      scf.if %cond3A_33 {
        %mul3A_213 = arith.constant 80 : i32
        %mul3A_214 = arith.muli %add3A_28, %mul3A_213 : i32
        "tpu.region"() ({
          %run_scoped3A_215 = tpu.sem_alloc : memref<!tpu.dma_semaphore, #tpu.memory_space<semaphore_mem>>
          %dma_start3A_216 = arith.constant 0 : i32
          %dma_start3A_217 = tpu.memref_slice %arg11[%mul3A_214, %dma_start3A_216] : memref<10000x128xf32, #tpu.memory_space<vmem_shared>> -> memref<80x128xf32, #tpu.memory_space<vmem_shared>>
          tpu.enqueue_dma source(%arg8 : memref<80x128xf32, #tpu.memory_space<hbm>>) target(%dma_start3A_217 : memref<80x128xf32, #tpu.memory_space<vmem_shared>>) target_semaphore(%run_scoped3A_215 : memref<!tpu.dma_semaphore, #tpu.memory_space<semaphore_mem>>)
          %dma_wait3A_218 = arith.constant 0 : i32
          %dma_wait3A_219 = tpu.memref_slice %arg11[%mul3A_214, %dma_wait3A_218] : memref<10000x128xf32, #tpu.memory_space<vmem_shared>> -> memref<80x128xf32, #tpu.memory_space<vmem_shared>>
          tpu.wait_dma2 semaphore(%run_scoped3A_215 : memref<!tpu.dma_semaphore, #tpu.memory_space<semaphore_mem>>) src(%arg8 : memref<80x128xf32, #tpu.memory_space<hbm>>) dst(%dma_wait3A_219 : memref<80x128xf32, #tpu.memory_space<vmem_shared>>)
          tpu.yield
        }) : () -> ()
      } else {
      }
      %add3A_34 = arith.constant 64 : i32
      %add3A_35 = arith.addi %add3A_34, %arg1 : i32
      %lt3A_36 = arith.constant 125 : i32
      %lt3A_37 = arith.cmpi slt, %add3A_35, %lt3A_36 : i32
      %convert_element_type3A_38 = arith.extui %lt3A_37 : i1 to i32
      %cond3A_39 = arith.constant 0 : i32
      %cond3A_40 = arith.cmpi ne, %convert_element_type3A_38, %cond3A_39 : i32
      scf.if %cond3A_40 {
        %mul3A_213 = arith.constant 80 : i32
        %mul3A_214 = arith.muli %add3A_35, %mul3A_213 : i32
        "tpu.region"() ({
          %run_scoped3A_215 = tpu.sem_alloc : memref<!tpu.dma_semaphore, #tpu.memory_space<semaphore_mem>>
          %dma_start3A_216 = arith.constant 0 : i32
          %dma_start3A_217 = tpu.memref_slice %arg11[%mul3A_214, %dma_start3A_216] : memref<10000x128xf32, #tpu.memory_space<vmem_shared>> -> memref<80x128xf32, #tpu.memory_space<vmem_shared>>
          tpu.enqueue_dma source(%arg8 : memref<80x128xf32, #tpu.memory_space<hbm>>) target(%dma_start3A_217 : memref<80x128xf32, #tpu.memory_space<vmem_shared>>) target_semaphore(%run_scoped3A_215 : memref<!tpu.dma_semaphore, #tpu.memory_space<semaphore_mem>>)
          %dma_wait3A_218 = arith.constant 0 : i32
          %dma_wait3A_219 = tpu.memref_slice %arg11[%mul3A_214, %dma_wait3A_218] : memref<10000x128xf32, #tpu.memory_space<vmem_shared>> -> memref<80x128xf32, #tpu.memory_space<vmem_shared>>
          tpu.wait_dma2 semaphore(%run_scoped3A_215 : memref<!tpu.dma_semaphore, #tpu.memory_space<semaphore_mem>>) src(%arg8 : memref<80x128xf32, #tpu.memory_space<hbm>>) dst(%dma_wait3A_219 : memref<80x128xf32, #tpu.memory_space<vmem_shared>>)
          tpu.yield
        }) : () -> ()
      } else {
      }
      %add3A_41 = arith.constant 80 : i32
      %add3A_42 = arith.addi %add3A_41, %arg1 : i32
      %lt3A_43 = arith.constant 125 : i32
      %lt3A_44 = arith.cmpi slt, %add3A_42, %lt3A_43 : i32
      %convert_element_type3A_45 = arith.extui %lt3A_44 : i1 to i32
      %cond3A_46 = arith.constant 0 : i32
      %cond3A_47 = arith.cmpi ne, %convert_element_type3A_45, %cond3A_46 : i32
      scf.if %cond3A_47 {
        %mul3A_213 = arith.constant 80 : i32
        %mul3A_214 = arith.muli %add3A_42, %mul3A_213 : i32
        "tpu.region"() ({
          %run_scoped3A_215 = tpu.sem_alloc : memref<!tpu.dma_semaphore, #tpu.memory_space<semaphore_mem>>
          %dma_start3A_216 = arith.constant 0 : i32
          %dma_start3A_217 = tpu.memref_slice %arg11[%mul3A_214, %dma_start3A_216] : memref<10000x128xf32, #tpu.memory_space<vmem_shared>> -> memref<80x128xf32, #tpu.memory_space<vmem_shared>>
          tpu.enqueue_dma source(%arg8 : memref<80x128xf32, #tpu.memory_space<hbm>>) target(%dma_start3A_217 : memref<80x128xf32, #tpu.memory_space<vmem_shared>>) target_semaphore(%run_scoped3A_215 : memref<!tpu.dma_semaphore, #tpu.memory_space<semaphore_mem>>)
          %dma_wait3A_218 = arith.constant 0 : i32
          %dma_wait3A_219 = tpu.memref_slice %arg11[%mul3A_214, %dma_wait3A_218] : memref<10000x128xf32, #tpu.memory_space<vmem_shared>> -> memref<80x128xf32, #tpu.memory_space<vmem_shared>>
          tpu.wait_dma2 semaphore(%run_scoped3A_215 : memref<!tpu.dma_semaphore, #tpu.memory_space<semaphore_mem>>) src(%arg8 : memref<80x128xf32, #tpu.memory_space<hbm>>) dst(%dma_wait3A_219 : memref<80x128xf32, #tpu.memory_space<vmem_shared>>)
          tpu.yield
        }) : () -> ()
      } else {
      }
      %add3A_48 = arith.constant 96 : i32
      %add3A_49 = arith.addi %add3A_48, %arg1 : i32
      %lt3A_50 = arith.constant 125 : i32
      %lt3A_51 = arith.cmpi slt, %add3A_49, %lt3A_50 : i32
      %convert_element_type3A_52 = arith.extui %lt3A_51 : i1 to i32
      %cond3A_53 = arith.constant 0 : i32
      %cond3A_54 = arith.cmpi ne, %convert_element_type3A_52, %cond3A_53 : i32
      scf.if %cond3A_54 {
        %mul3A_213 = arith.constant 80 : i32
        %mul3A_214 = arith.muli %add3A_49, %mul3A_213 : i32
        "tpu.region"() ({
          %run_scoped3A_215 = tpu.sem_alloc : memref<!tpu.dma_semaphore, #tpu.memory_space<semaphore_mem>>
          %dma_start3A_216 = arith.constant 0 : i32
          %dma_start3A_217 = tpu.memref_slice %arg11[%mul3A_214, %dma_start3A_216] : memref<10000x128xf32, #tpu.memory_space<vmem_shared>> -> memref<80x128xf32, #tpu.memory_space<vmem_shared>>
          tpu.enqueue_dma source(%arg8 : memref<80x128xf32, #tpu.memory_space<hbm>>) target(%dma_start3A_217 : memref<80x128xf32, #tpu.memory_space<vmem_shared>>) target_semaphore(%run_scoped3A_215 : memref<!tpu.dma_semaphore, #tpu.memory_space<semaphore_mem>>)
          %dma_wait3A_218 = arith.constant 0 : i32
          %dma_wait3A_219 = tpu.memref_slice %arg11[%mul3A_214, %dma_wait3A_218] : memref<10000x128xf32, #tpu.memory_space<vmem_shared>> -> memref<80x128xf32, #tpu.memory_space<vmem_shared>>
          tpu.wait_dma2 semaphore(%run_scoped3A_215 : memref<!tpu.dma_semaphore, #tpu.memory_space<semaphore_mem>>) src(%arg8 : memref<80x128xf32, #tpu.memory_space<hbm>>) dst(%dma_wait3A_219 : memref<80x128xf32, #tpu.memory_space<vmem_shared>>)
          tpu.yield
        }) : () -> ()
      } else {
      }
      %add3A_55 = arith.constant 112 : i32
      %add3A_56 = arith.addi %add3A_55, %arg1 : i32
      %lt3A_57 = arith.constant 125 : i32
      %lt3A_58 = arith.cmpi slt, %add3A_56, %lt3A_57 : i32
      %convert_element_type3A_59 = arith.extui %lt3A_58 : i1 to i32
      %cond3A_60 = arith.constant 0 : i32
      %cond3A_61 = arith.cmpi ne, %convert_element_type3A_59, %cond3A_60 : i32
      scf.if %cond3A_61 {
        %mul3A_213 = arith.constant 80 : i32
        %mul3A_214 = arith.muli %add3A_56, %mul3A_213 : i32
        "tpu.region"() ({
          %run_scoped3A_215 = tpu.sem_alloc : memref<!tpu.dma_semaphore, #tpu.memory_space<semaphore_mem>>
          %dma_start3A_216 = arith.constant 0 : i32
          %dma_start3A_217 = tpu.memref_slice %arg11[%mul3A_214, %dma_start3A_216] : memref<10000x128xf32, #tpu.memory_space<vmem_shared>> -> memref<80x128xf32, #tpu.memory_space<vmem_shared>>
          tpu.enqueue_dma source(%arg8 : memref<80x128xf32, #tpu.memory_space<hbm>>) target(%dma_start3A_217 : memref<80x128xf32, #tpu.memory_space<vmem_shared>>) target_semaphore(%run_scoped3A_215 : memref<!tpu.dma_semaphore, #tpu.memory_space<semaphore_mem>>)
          %dma_wait3A_218 = arith.constant 0 : i32
          %dma_wait3A_219 = tpu.memref_slice %arg11[%mul3A_214, %dma_wait3A_218] : memref<10000x128xf32, #tpu.memory_space<vmem_shared>> -> memref<80x128xf32, #tpu.memory_space<vmem_shared>>
          tpu.wait_dma2 semaphore(%run_scoped3A_215 : memref<!tpu.dma_semaphore, #tpu.memory_space<semaphore_mem>>) src(%arg8 : memref<80x128xf32, #tpu.memory_space<hbm>>) dst(%dma_wait3A_219 : memref<80x128xf32, #tpu.memory_space<vmem_shared>>)
          tpu.yield
        }) : () -> ()
      } else {
      }
      %barrier3A = arith.constant 0 : index
      tpu.barrier barrier_id(%barrier3A)
      %mul3A_62 = arith.constant 16000 : i32
      %mul3A_63 = arith.muli %arg1, %mul3A_62 : i32
      %add3A_64 = arith.constant 0 : i32
      %add3A_65 = arith.addi %mul3A_63, %add3A_64 : i32
      %dma_start3A = arith.constant 0 : i32
      %dma_start3A_66 = arith.constant 0 : i32
      %dma_start3A_67 = arith.constant 0 : i32
      %dma_start3A_68 = tpu.memref_slice %arg13[%dma_start3A, %dma_start3A_67] : memref<8x128xi32, #tpu.memory_space<vmem>> -> memref<1x128xi32, #tpu.memory_space<vmem>>
      %dma_start3A_69 = tpu.memref_squeeze %dma_start3A_68 : memref<1x128xi32, #tpu.memory_space<vmem>> -> memref<128xi32, #tpu.memory_space<vmem>>
      %dma_start3A_70 = tpu.memref_slice %arg7[%add3A_65] : memref<256000xi32, #tpu.memory_space<hbm>> -> memref<128xi32, #tpu.memory_space<hbm>>
      %dma_start3A_71 = tpu.memref_slice %arg16[%dma_start3A_66] : memref<2x!tpu.dma_semaphore, #tpu.memory_space<semaphore_mem>> -> memref<1x!tpu.dma_semaphore, #tpu.memory_space<semaphore_mem>>
      %dma_start3A_72 = tpu.memref_squeeze %dma_start3A_71 : memref<1x!tpu.dma_semaphore, #tpu.memory_space<semaphore_mem>> -> memref<!tpu.dma_semaphore, #tpu.memory_space<semaphore_mem>>
      %dma_start3A_73 = arith.constant 0 : i32
      %dma_start3A_74 = tpu.memref_slice %arg13[%dma_start3A, %dma_start3A_73] : memref<8x128xi32, #tpu.memory_space<vmem>> -> memref<1x128xi32, #tpu.memory_space<vmem>>
      %dma_start3A_75 = tpu.memref_squeeze %dma_start3A_74 : memref<1x128xi32, #tpu.memory_space<vmem>> -> memref<128xi32, #tpu.memory_space<vmem>>
      %dma_start3A_76 = tpu.memref_slice %arg7[%add3A_65] : memref<256000xi32, #tpu.memory_space<hbm>> -> memref<128xi32, #tpu.memory_space<hbm>>
      tpu.enqueue_dma source(%dma_start3A_76 : memref<128xi32, #tpu.memory_space<hbm>>) target(%dma_start3A_75 : memref<128xi32, #tpu.memory_space<vmem>>) target_semaphore(%dma_start3A_72 : memref<!tpu.dma_semaphore, #tpu.memory_space<semaphore_mem>>)
      %dma_start3A_77 = arith.constant 0 : i32
      %dma_start3A_78 = arith.constant 0 : i32
      %dma_start3A_79 = arith.constant 0 : i32
      %dma_start3A_80 = arith.constant 0 : i32
      %dma_start3A_81 = tpu.memref_slice %arg14[%dma_start3A_77, %dma_start3A_79, %dma_start3A_80] : memref<2x128x128xf32, #tpu.memory_space<vmem>> -> memref<1x128x128xf32, #tpu.memory_space<vmem>>
      %dma_start3A_82 = tpu.memref_squeeze %dma_start3A_81 : memref<1x128x128xf32, #tpu.memory_space<vmem>> -> memref<128x128xf32, #tpu.memory_space<vmem>>
      %dma_start3A_83 = arith.constant 0 : i32
      %dma_start3A_84 = tpu.memref_slice %arg12[%dma_start3A_83] : memref<16000xi32, #tpu.memory_space<vmem>> -> memref<128xi32, #tpu.memory_space<vmem>>
      %dma_start3A_85 = arith.constant 0 : i32
      %dma_start3A_86 = arith.constant 0 : i32
      %dma_start3A_87 = tpu.memref_slice %arg3[%dma_start3A_85, %dma_start3A_86] : memref<10000x128xf32, #tpu.memory_space<hbm>> -> memref<10000x128xf32, #tpu.memory_space<hbm>>
      %dma_start3A_88 = tpu.memref_slice %arg15[%dma_start3A_78] : memref<2x!tpu.dma_semaphore, #tpu.memory_space<semaphore_mem>> -> memref<1x!tpu.dma_semaphore, #tpu.memory_space<semaphore_mem>>
      %dma_start3A_89 = tpu.memref_squeeze %dma_start3A_88 : memref<1x!tpu.dma_semaphore, #tpu.memory_space<semaphore_mem>> -> memref<!tpu.dma_semaphore, #tpu.memory_space<semaphore_mem>>
      tpu.enqueue_indirect_dma source(%dma_start3A_87 : memref<10000x128xf32, #tpu.memory_space<hbm>>) target(%dma_start3A_82 : memref<128x128xf32, #tpu.memory_space<vmem>>) offsets(%dma_start3A_84 : memref<128xi32, #tpu.memory_space<vmem>>) semaphore(%dma_start3A_89 : memref<!tpu.dma_semaphore, #tpu.memory_space<semaphore_mem>>)
      %mul3A_90 = arith.constant 16000 : i32
      %mul3A_91 = arith.muli %arg1, %mul3A_90 : i32
      %add3A_92 = arith.constant 128 : i32
      %add3A_93 = arith.addi %mul3A_91, %add3A_92 : i32
      %dma_start3A_94 = arith.constant 1 : i32
      %dma_start3A_95 = arith.constant 1 : i32
      %dma_start3A_96 = arith.constant 0 : i32
      %dma_start3A_97 = tpu.memref_slice %arg13[%dma_start3A_94, %dma_start3A_96] : memref<8x128xi32, #tpu.memory_space<vmem>> -> memref<1x128xi32, #tpu.memory_space<vmem>>
      %dma_start3A_98 = tpu.memref_squeeze %dma_start3A_97 : memref<1x128xi32, #tpu.memory_space<vmem>> -> memref<128xi32, #tpu.memory_space<vmem>>
      %dma_start3A_99 = tpu.memref_slice %arg7[%add3A_93] : memref<256000xi32, #tpu.memory_space<hbm>> -> memref<128xi32, #tpu.memory_space<hbm>>
      %dma_start3A_100 = tpu.memref_slice %arg16[%dma_start3A_95] : memref<2x!tpu.dma_semaphore, #tpu.memory_space<semaphore_mem>> -> memref<1x!tpu.dma_semaphore, #tpu.memory_space<semaphore_mem>>
      %dma_start3A_101 = tpu.memref_squeeze %dma_start3A_100 : memref<1x!tpu.dma_semaphore, #tpu.memory_space<semaphore_mem>> -> memref<!tpu.dma_semaphore, #tpu.memory_space<semaphore_mem>>
      %dma_start3A_102 = arith.constant 0 : i32
      %dma_start3A_103 = tpu.memref_slice %arg13[%dma_start3A_94, %dma_start3A_102] : memref<8x128xi32, #tpu.memory_space<vmem>> -> memref<1x128xi32, #tpu.memory_space<vmem>>
      %dma_start3A_104 = tpu.memref_squeeze %dma_start3A_103 : memref<1x128xi32, #tpu.memory_space<vmem>> -> memref<128xi32, #tpu.memory_space<vmem>>
      %dma_start3A_105 = tpu.memref_slice %arg7[%add3A_93] : memref<256000xi32, #tpu.memory_space<hbm>> -> memref<128xi32, #tpu.memory_space<hbm>>
      tpu.enqueue_dma source(%dma_start3A_105 : memref<128xi32, #tpu.memory_space<hbm>>) target(%dma_start3A_104 : memref<128xi32, #tpu.memory_space<vmem>>) target_semaphore(%dma_start3A_101 : memref<!tpu.dma_semaphore, #tpu.memory_space<semaphore_mem>>)
      %dma_start3A_106 = arith.constant 1 : i32
      %dma_start3A_107 = arith.constant 1 : i32
      %dma_start3A_108 = arith.constant 0 : i32
      %dma_start3A_109 = arith.constant 0 : i32
      %dma_start3A_110 = tpu.memref_slice %arg14[%dma_start3A_106, %dma_start3A_108, %dma_start3A_109] : memref<2x128x128xf32, #tpu.memory_space<vmem>> -> memref<1x128x128xf32, #tpu.memory_space<vmem>>
      %dma_start3A_111 = tpu.memref_squeeze %dma_start3A_110 : memref<1x128x128xf32, #tpu.memory_space<vmem>> -> memref<128x128xf32, #tpu.memory_space<vmem>>
      %dma_start3A_112 = arith.constant 128 : i32
      %dma_start3A_113 = tpu.memref_slice %arg12[%dma_start3A_112] : memref<16000xi32, #tpu.memory_space<vmem>> -> memref<128xi32, #tpu.memory_space<vmem>>
      %dma_start3A_114 = arith.constant 0 : i32
      %dma_start3A_115 = arith.constant 0 : i32
      %dma_start3A_116 = tpu.memref_slice %arg3[%dma_start3A_114, %dma_start3A_115] : memref<10000x128xf32, #tpu.memory_space<hbm>> -> memref<10000x128xf32, #tpu.memory_space<hbm>>
      %dma_start3A_117 = tpu.memref_slice %arg15[%dma_start3A_107] : memref<2x!tpu.dma_semaphore, #tpu.memory_space<semaphore_mem>> -> memref<1x!tpu.dma_semaphore, #tpu.memory_space<semaphore_mem>>
      %dma_start3A_118 = tpu.memref_squeeze %dma_start3A_117 : memref<1x!tpu.dma_semaphore, #tpu.memory_space<semaphore_mem>> -> memref<!tpu.dma_semaphore, #tpu.memory_space<semaphore_mem>>
      tpu.enqueue_indirect_dma source(%dma_start3A_116 : memref<10000x128xf32, #tpu.memory_space<hbm>>) target(%dma_start3A_111 : memref<128x128xf32, #tpu.memory_space<vmem>>) offsets(%dma_start3A_113 : memref<128xi32, #tpu.memory_space<vmem>>) semaphore(%dma_start3A_118 : memref<!tpu.dma_semaphore, #tpu.memory_space<semaphore_mem>>)
      %scan3A = arith.constant 0 : i32
      %scan3A_119 = arith.constant 0 : i32
      %scan3A_120 = arith.constant 62 : i32
      %scan3A_121 = arith.addi %scan3A_119, %scan3A_120 : i32
      %scan3A_122 = arith.constant 1 : i32
      scf.for %scan3A_213 = %scan3A_119 to %scan3A_121 step %scan3A_122  : i32 {
        %mul3A_214 = arith.constant 2 : i32
        %mul3A_215 = arith.muli %scan3A_213, %mul3A_214 : i32
        %add3A_216 = arith.constant 0 : i32
        %add3A_217 = arith.addi %mul3A_215, %add3A_216 : i32
        %dma_wait3A_218 = arith.constant 0 : i32
        %dma_wait3A_219 = arith.constant 0 : i32
        %dma_wait3A_220 = arith.constant 0 : i32
        %dma_wait3A_221 = tpu.memref_slice %arg13[%dma_wait3A_218, %dma_wait3A_220] : memref<8x128xi32, #tpu.memory_space<vmem>> -> memref<1x128xi32, #tpu.memory_space<vmem>>
        %dma_wait3A_222 = tpu.memref_squeeze %dma_wait3A_221 : memref<1x128xi32, #tpu.memory_space<vmem>> -> memref<128xi32, #tpu.memory_space<vmem>>
        %dma_wait3A_223 = arith.constant 0 : i32
        %dma_wait3A_224 = tpu.memref_slice %arg7[%dma_wait3A_223] : memref<256000xi32, #tpu.memory_space<hbm>> -> memref<128xi32, #tpu.memory_space<hbm>>
        %dma_wait3A_225 = tpu.memref_slice %arg16[%dma_wait3A_219] : memref<2x!tpu.dma_semaphore, #tpu.memory_space<semaphore_mem>> -> memref<1x!tpu.dma_semaphore, #tpu.memory_space<semaphore_mem>>
        %dma_wait3A_226 = tpu.memref_squeeze %dma_wait3A_225 : memref<1x!tpu.dma_semaphore, #tpu.memory_space<semaphore_mem>> -> memref<!tpu.dma_semaphore, #tpu.memory_space<semaphore_mem>>
        %dma_wait3A_227 = arith.constant 0 : i32
        %dma_wait3A_228 = tpu.memref_slice %arg13[%dma_wait3A_218, %dma_wait3A_227] : memref<8x128xi32, #tpu.memory_space<vmem>> -> memref<1x128xi32, #tpu.memory_space<vmem>>
        %dma_wait3A_229 = tpu.memref_squeeze %dma_wait3A_228 : memref<1x128xi32, #tpu.memory_space<vmem>> -> memref<128xi32, #tpu.memory_space<vmem>>
        %dma_wait3A_230 = arith.constant 0 : i32
        %dma_wait3A_231 = tpu.memref_slice %arg7[%dma_wait3A_230] : memref<256000xi32, #tpu.memory_space<hbm>> -> memref<128xi32, #tpu.memory_space<hbm>>
        tpu.wait_dma2 semaphore(%dma_wait3A_226 : memref<!tpu.dma_semaphore, #tpu.memory_space<semaphore_mem>>) src(%dma_wait3A_231 : memref<128xi32, #tpu.memory_space<hbm>>) dst(%dma_wait3A_229 : memref<128xi32, #tpu.memory_space<vmem>>)
        %dma_wait3A_232 = arith.constant 0 : i32
        %dma_wait3A_233 = arith.constant 0 : i32
        %dma_wait3A_234 = arith.constant 0 : i32
        %dma_wait3A_235 = arith.constant 0 : i32
        %dma_wait3A_236 = tpu.memref_slice %arg14[%dma_wait3A_232, %dma_wait3A_234, %dma_wait3A_235] : memref<2x128x128xf32, #tpu.memory_space<vmem>> -> memref<1x128x128xf32, #tpu.memory_space<vmem>>
        %dma_wait3A_237 = tpu.memref_squeeze %dma_wait3A_236 : memref<1x128x128xf32, #tpu.memory_space<vmem>> -> memref<128x128xf32, #tpu.memory_space<vmem>>
        %dma_wait3A_238 = arith.constant 0 : i32
        %dma_wait3A_239 = arith.constant 0 : i32
        %dma_wait3A_240 = tpu.memref_slice %arg3[%dma_wait3A_238, %dma_wait3A_239] : memref<10000x128xf32, #tpu.memory_space<hbm>> -> memref<128x128xf32, #tpu.memory_space<hbm>>
        %dma_wait3A_241 = tpu.memref_slice %arg15[%dma_wait3A_233] : memref<2x!tpu.dma_semaphore, #tpu.memory_space<semaphore_mem>> -> memref<1x!tpu.dma_semaphore, #tpu.memory_space<semaphore_mem>>
        %dma_wait3A_242 = tpu.memref_squeeze %dma_wait3A_241 : memref<1x!tpu.dma_semaphore, #tpu.memory_space<semaphore_mem>> -> memref<!tpu.dma_semaphore, #tpu.memory_space<semaphore_mem>>
        %dma_wait3A_243 = arith.constant 0 : i32
        %dma_wait3A_244 = arith.constant 0 : i32
        %dma_wait3A_245 = tpu.memref_slice %arg14[%dma_wait3A_232, %dma_wait3A_243, %dma_wait3A_244] : memref<2x128x128xf32, #tpu.memory_space<vmem>> -> memref<1x128x128xf32, #tpu.memory_space<vmem>>
        %dma_wait3A_246 = tpu.memref_squeeze %dma_wait3A_245 : memref<1x128x128xf32, #tpu.memory_space<vmem>> -> memref<128x128xf32, #tpu.memory_space<vmem>>
        %dma_wait3A_247 = arith.constant 0 : i32
        %dma_wait3A_248 = arith.constant 0 : i32
        %dma_wait3A_249 = tpu.memref_slice %arg3[%dma_wait3A_247, %dma_wait3A_248] : memref<10000x128xf32, #tpu.memory_space<hbm>> -> memref<128x128xf32, #tpu.memory_space<hbm>>
        tpu.wait_dma2 semaphore(%dma_wait3A_242 : memref<!tpu.dma_semaphore, #tpu.memory_space<semaphore_mem>>) src(%dma_wait3A_249 : memref<128x128xf32, #tpu.memory_space<hbm>>) dst(%dma_wait3A_246 : memref<128x128xf32, #tpu.memory_space<vmem>>)
        %run_scoped3A_250 = arith.constant 0 : i32
        %run_scoped3A_251 = arith.constant 0 : i32
        "tpu.region"() ({
          %run_scoped3A_304 = tpu.sem_alloc : memref<!tpu.dma_semaphore, #tpu.memory_space<semaphore_mem>>
          %dma_start3A_305 = arith.constant 0 : i32
          %dma_start3A_306 = arith.constant 0 : i32
          %dma_start3A_307 = tpu.memref_slice %arg14[%run_scoped3A_250, %dma_start3A_305, %dma_start3A_306] : memref<2x128x128xf32, #tpu.memory_space<vmem>> -> memref<1x128x128xf32, #tpu.memory_space<vmem>>
          %dma_start3A_308 = tpu.memref_squeeze %dma_start3A_307 : memref<1x128x128xf32, #tpu.memory_space<vmem>> -> memref<128x128xf32, #tpu.memory_space<vmem>>
          %dma_start3A_309 = arith.constant 0 : i32
          %dma_start3A_310 = tpu.memref_slice %arg13[%run_scoped3A_251, %dma_start3A_309] : memref<8x128xi32, #tpu.memory_space<vmem>> -> memref<1x128xi32, #tpu.memory_space<vmem>>
          %dma_start3A_311 = tpu.memref_squeeze %dma_start3A_310 : memref<1x128xi32, #tpu.memory_space<vmem>> -> memref<128xi32, #tpu.memory_space<vmem>>
          %dma_start3A_312 = arith.constant 0 : i32
          %dma_start3A_313 = arith.constant 0 : i32
          %dma_start3A_314 = tpu.memref_slice %arg11[%dma_start3A_312, %dma_start3A_313] : memref<10000x128xf32, #tpu.memory_space<vmem_shared>> -> memref<10000x128xf32, #tpu.memory_space<vmem_shared>>
          tpu.enqueue_indirect_dma source(%dma_start3A_308 : memref<128x128xf32, #tpu.memory_space<vmem>>) target(%dma_start3A_314 : memref<10000x128xf32, #tpu.memory_space<vmem_shared>>) offsets(%dma_start3A_311 : memref<128xi32, #tpu.memory_space<vmem>>) semaphore(%run_scoped3A_304 : memref<!tpu.dma_semaphore, #tpu.memory_space<semaphore_mem>>) {add = true}
          %dma_wait3A_315 = arith.constant 0 : i32
          %dma_wait3A_316 = arith.constant 0 : i32
          %dma_wait3A_317 = tpu.memref_slice %arg14[%run_scoped3A_250, %dma_wait3A_315, %dma_wait3A_316] : memref<2x128x128xf32, #tpu.memory_space<vmem>> -> memref<1x128x128xf32, #tpu.memory_space<vmem>>
          %dma_wait3A_318 = tpu.memref_squeeze %dma_wait3A_317 : memref<1x128x128xf32, #tpu.memory_space<vmem>> -> memref<128x128xf32, #tpu.memory_space<vmem>>
          %dma_wait3A_319 = arith.constant 0 : i32
          %dma_wait3A_320 = tpu.memref_slice %arg13[%run_scoped3A_251, %dma_wait3A_319] : memref<8x128xi32, #tpu.memory_space<vmem>> -> memref<1x128xi32, #tpu.memory_space<vmem>>
          %dma_wait3A_321 = tpu.memref_squeeze %dma_wait3A_320 : memref<1x128xi32, #tpu.memory_space<vmem>> -> memref<128xi32, #tpu.memory_space<vmem>>
          %dma_wait3A_322 = arith.constant 0 : i32
          %dma_wait3A_323 = arith.constant 0 : i32
          %dma_wait3A_324 = tpu.memref_slice %arg11[%dma_wait3A_322, %dma_wait3A_323] : memref<10000x128xf32, #tpu.memory_space<vmem_shared>> -> memref<10000x128xf32, #tpu.memory_space<vmem_shared>>
          tpu.wait_indirect_dma semaphore(%run_scoped3A_304 : memref<!tpu.dma_semaphore, #tpu.memory_space<semaphore_mem>>) src(%dma_wait3A_318 : memref<128x128xf32, #tpu.memory_space<vmem>>) dst(%dma_wait3A_324 : memref<10000x128xf32, #tpu.memory_space<vmem_shared>>)
          tpu.yield
        }) : () -> ()
        %add3A_252 = arith.constant 2 : i32
        %add3A_253 = arith.addi %add3A_217, %add3A_252 : i32
        %lt3A_254 = arith.constant 125 : i32
        %lt3A_255 = arith.cmpi slt, %add3A_253, %lt3A_254 : i32
        %convert_element_type3A_256 = arith.extui %lt3A_255 : i1 to i32
        %cond3A_257 = arith.constant 0 : i32
        %cond3A_258 = arith.cmpi ne, %convert_element_type3A_256, %cond3A_257 : i32
        scf.if %cond3A_258 {
          %add3A_304 = arith.constant 2 : i32
          %add3A_305 = arith.addi %add3A_217, %add3A_304 : i32
          %mul3A_306 = arith.constant 16000 : i32
          %mul3A_307 = arith.muli %arg1, %mul3A_306 : i32
          %mul3A_308 = arith.constant 128 : i32
          %mul3A_309 = arith.muli %add3A_305, %mul3A_308 : i32
          %add3A_310 = arith.addi %mul3A_307, %mul3A_309 : i32
          %dma_start3A_311 = arith.constant 0 : i32
          %dma_start3A_312 = arith.constant 0 : i32
          %dma_start3A_313 = arith.constant 0 : i32
          %dma_start3A_314 = tpu.memref_slice %arg13[%dma_start3A_311, %dma_start3A_313] : memref<8x128xi32, #tpu.memory_space<vmem>> -> memref<1x128xi32, #tpu.memory_space<vmem>>
          %dma_start3A_315 = tpu.memref_squeeze %dma_start3A_314 : memref<1x128xi32, #tpu.memory_space<vmem>> -> memref<128xi32, #tpu.memory_space<vmem>>
          %dma_start3A_316 = tpu.memref_slice %arg7[%add3A_310] : memref<256000xi32, #tpu.memory_space<hbm>> -> memref<128xi32, #tpu.memory_space<hbm>>
          %dma_start3A_317 = tpu.memref_slice %arg16[%dma_start3A_312] : memref<2x!tpu.dma_semaphore, #tpu.memory_space<semaphore_mem>> -> memref<1x!tpu.dma_semaphore, #tpu.memory_space<semaphore_mem>>
          %dma_start3A_318 = tpu.memref_squeeze %dma_start3A_317 : memref<1x!tpu.dma_semaphore, #tpu.memory_space<semaphore_mem>> -> memref<!tpu.dma_semaphore, #tpu.memory_space<semaphore_mem>>
          %dma_start3A_319 = arith.constant 0 : i32
          %dma_start3A_320 = tpu.memref_slice %arg13[%dma_start3A_311, %dma_start3A_319] : memref<8x128xi32, #tpu.memory_space<vmem>> -> memref<1x128xi32, #tpu.memory_space<vmem>>
          %dma_start3A_321 = tpu.memref_squeeze %dma_start3A_320 : memref<1x128xi32, #tpu.memory_space<vmem>> -> memref<128xi32, #tpu.memory_space<vmem>>
          %dma_start3A_322 = tpu.memref_slice %arg7[%add3A_310] : memref<256000xi32, #tpu.memory_space<hbm>> -> memref<128xi32, #tpu.memory_space<hbm>>
          tpu.enqueue_dma source(%dma_start3A_322 : memref<128xi32, #tpu.memory_space<hbm>>) target(%dma_start3A_321 : memref<128xi32, #tpu.memory_space<vmem>>) target_semaphore(%dma_start3A_318 : memref<!tpu.dma_semaphore, #tpu.memory_space<semaphore_mem>>)
          %mul3A_323 = arith.constant 128 : i32
          %mul3A_324 = arith.muli %add3A_305, %mul3A_323 : i32
          %dma_start3A_325 = arith.constant 0 : i32
          %dma_start3A_326 = arith.constant 0 : i32
          %dma_start3A_327 = arith.constant 0 : i32
          %dma_start3A_328 = arith.constant 0 : i32
          %dma_start3A_329 = tpu.memref_slice %arg14[%dma_start3A_325, %dma_start3A_327, %dma_start3A_328] : memref<2x128x128xf32, #tpu.memory_space<vmem>> -> memref<1x128x128xf32, #tpu.memory_space<vmem>>
          %dma_start3A_330 = tpu.memref_squeeze %dma_start3A_329 : memref<1x128x128xf32, #tpu.memory_space<vmem>> -> memref<128x128xf32, #tpu.memory_space<vmem>>
          %dma_start3A_331 = tpu.memref_slice %arg12[%mul3A_324] : memref<16000xi32, #tpu.memory_space<vmem>> -> memref<128xi32, #tpu.memory_space<vmem>>
          %dma_start3A_332 = arith.constant 0 : i32
          %dma_start3A_333 = arith.constant 0 : i32
          %dma_start3A_334 = tpu.memref_slice %arg3[%dma_start3A_332, %dma_start3A_333] : memref<10000x128xf32, #tpu.memory_space<hbm>> -> memref<10000x128xf32, #tpu.memory_space<hbm>>
          %dma_start3A_335 = tpu.memref_slice %arg15[%dma_start3A_326] : memref<2x!tpu.dma_semaphore, #tpu.memory_space<semaphore_mem>> -> memref<1x!tpu.dma_semaphore, #tpu.memory_space<semaphore_mem>>
          %dma_start3A_336 = tpu.memref_squeeze %dma_start3A_335 : memref<1x!tpu.dma_semaphore, #tpu.memory_space<semaphore_mem>> -> memref<!tpu.dma_semaphore, #tpu.memory_space<semaphore_mem>>
          tpu.enqueue_indirect_dma source(%dma_start3A_334 : memref<10000x128xf32, #tpu.memory_space<hbm>>) target(%dma_start3A_330 : memref<128x128xf32, #tpu.memory_space<vmem>>) offsets(%dma_start3A_331 : memref<128xi32, #tpu.memory_space<vmem>>) semaphore(%dma_start3A_336 : memref<!tpu.dma_semaphore, #tpu.memory_space<semaphore_mem>>)
        } else {
        }
        %mul3A_259 = arith.constant 2 : i32
        %mul3A_260 = arith.muli %scan3A_213, %mul3A_259 : i32
        %add3A_261 = arith.constant 1 : i32
        %add3A_262 = arith.addi %mul3A_260, %add3A_261 : i32
        %dma_wait3A_263 = arith.constant 1 : i32
        %dma_wait3A_264 = arith.constant 1 : i32
        %dma_wait3A_265 = arith.constant 0 : i32
        %dma_wait3A_266 = tpu.memref_slice %arg13[%dma_wait3A_263, %dma_wait3A_265] : memref<8x128xi32, #tpu.memory_space<vmem>> -> memref<1x128xi32, #tpu.memory_space<vmem>>
        %dma_wait3A_267 = tpu.memref_squeeze %dma_wait3A_266 : memref<1x128xi32, #tpu.memory_space<vmem>> -> memref<128xi32, #tpu.memory_space<vmem>>
        %dma_wait3A_268 = arith.constant 0 : i32
        %dma_wait3A_269 = tpu.memref_slice %arg7[%dma_wait3A_268] : memref<256000xi32, #tpu.memory_space<hbm>> -> memref<128xi32, #tpu.memory_space<hbm>>
        %dma_wait3A_270 = tpu.memref_slice %arg16[%dma_wait3A_264] : memref<2x!tpu.dma_semaphore, #tpu.memory_space<semaphore_mem>> -> memref<1x!tpu.dma_semaphore, #tpu.memory_space<semaphore_mem>>
        %dma_wait3A_271 = tpu.memref_squeeze %dma_wait3A_270 : memref<1x!tpu.dma_semaphore, #tpu.memory_space<semaphore_mem>> -> memref<!tpu.dma_semaphore, #tpu.memory_space<semaphore_mem>>
        %dma_wait3A_272 = arith.constant 0 : i32
        %dma_wait3A_273 = tpu.memref_slice %arg13[%dma_wait3A_263, %dma_wait3A_272] : memref<8x128xi32, #tpu.memory_space<vmem>> -> memref<1x128xi32, #tpu.memory_space<vmem>>
        %dma_wait3A_274 = tpu.memref_squeeze %dma_wait3A_273 : memref<1x128xi32, #tpu.memory_space<vmem>> -> memref<128xi32, #tpu.memory_space<vmem>>
        %dma_wait3A_275 = arith.constant 0 : i32
        %dma_wait3A_276 = tpu.memref_slice %arg7[%dma_wait3A_275] : memref<256000xi32, #tpu.memory_space<hbm>> -> memref<128xi32, #tpu.memory_space<hbm>>
        tpu.wait_dma2 semaphore(%dma_wait3A_271 : memref<!tpu.dma_semaphore, #tpu.memory_space<semaphore_mem>>) src(%dma_wait3A_276 : memref<128xi32, #tpu.memory_space<hbm>>) dst(%dma_wait3A_274 : memref<128xi32, #tpu.memory_space<vmem>>)
        %dma_wait3A_277 = arith.constant 1 : i32
        %dma_wait3A_278 = arith.constant 1 : i32
        %dma_wait3A_279 = arith.constant 0 : i32
        %dma_wait3A_280 = arith.constant 0 : i32
        %dma_wait3A_281 = tpu.memref_slice %arg14[%dma_wait3A_277, %dma_wait3A_279, %dma_wait3A_280] : memref<2x128x128xf32, #tpu.memory_space<vmem>> -> memref<1x128x128xf32, #tpu.memory_space<vmem>>
        %dma_wait3A_282 = tpu.memref_squeeze %dma_wait3A_281 : memref<1x128x128xf32, #tpu.memory_space<vmem>> -> memref<128x128xf32, #tpu.memory_space<vmem>>
        %dma_wait3A_283 = arith.constant 0 : i32
        %dma_wait3A_284 = arith.constant 0 : i32
        %dma_wait3A_285 = tpu.memref_slice %arg3[%dma_wait3A_283, %dma_wait3A_284] : memref<10000x128xf32, #tpu.memory_space<hbm>> -> memref<128x128xf32, #tpu.memory_space<hbm>>
        %dma_wait3A_286 = tpu.memref_slice %arg15[%dma_wait3A_278] : memref<2x!tpu.dma_semaphore, #tpu.memory_space<semaphore_mem>> -> memref<1x!tpu.dma_semaphore, #tpu.memory_space<semaphore_mem>>
        %dma_wait3A_287 = tpu.memref_squeeze %dma_wait3A_286 : memref<1x!tpu.dma_semaphore, #tpu.memory_space<semaphore_mem>> -> memref<!tpu.dma_semaphore, #tpu.memory_space<semaphore_mem>>
        %dma_wait3A_288 = arith.constant 0 : i32
        %dma_wait3A_289 = arith.constant 0 : i32
        %dma_wait3A_290 = tpu.memref_slice %arg14[%dma_wait3A_277, %dma_wait3A_288, %dma_wait3A_289] : memref<2x128x128xf32, #tpu.memory_space<vmem>> -> memref<1x128x128xf32, #tpu.memory_space<vmem>>
        %dma_wait3A_291 = tpu.memref_squeeze %dma_wait3A_290 : memref<1x128x128xf32, #tpu.memory_space<vmem>> -> memref<128x128xf32, #tpu.memory_space<vmem>>
        %dma_wait3A_292 = arith.constant 0 : i32
        %dma_wait3A_293 = arith.constant 0 : i32
        %dma_wait3A_294 = tpu.memref_slice %arg3[%dma_wait3A_292, %dma_wait3A_293] : memref<10000x128xf32, #tpu.memory_space<hbm>> -> memref<128x128xf32, #tpu.memory_space<hbm>>
        tpu.wait_dma2 semaphore(%dma_wait3A_287 : memref<!tpu.dma_semaphore, #tpu.memory_space<semaphore_mem>>) src(%dma_wait3A_294 : memref<128x128xf32, #tpu.memory_space<hbm>>) dst(%dma_wait3A_291 : memref<128x128xf32, #tpu.memory_space<vmem>>)
        %run_scoped3A_295 = arith.constant 1 : i32
        %run_scoped3A_296 = arith.constant 1 : i32
        "tpu.region"() ({
          %run_scoped3A_304 = tpu.sem_alloc : memref<!tpu.dma_semaphore, #tpu.memory_space<semaphore_mem>>
          %dma_start3A_305 = arith.constant 0 : i32
          %dma_start3A_306 = arith.constant 0 : i32
          %dma_start3A_307 = tpu.memref_slice %arg14[%run_scoped3A_295, %dma_start3A_305, %dma_start3A_306] : memref<2x128x128xf32, #tpu.memory_space<vmem>> -> memref<1x128x128xf32, #tpu.memory_space<vmem>>
          %dma_start3A_308 = tpu.memref_squeeze %dma_start3A_307 : memref<1x128x128xf32, #tpu.memory_space<vmem>> -> memref<128x128xf32, #tpu.memory_space<vmem>>
          %dma_start3A_309 = arith.constant 0 : i32
          %dma_start3A_310 = tpu.memref_slice %arg13[%run_scoped3A_296, %dma_start3A_309] : memref<8x128xi32, #tpu.memory_space<vmem>> -> memref<1x128xi32, #tpu.memory_space<vmem>>
          %dma_start3A_311 = tpu.memref_squeeze %dma_start3A_310 : memref<1x128xi32, #tpu.memory_space<vmem>> -> memref<128xi32, #tpu.memory_space<vmem>>
          %dma_start3A_312 = arith.constant 0 : i32
          %dma_start3A_313 = arith.constant 0 : i32
          %dma_start3A_314 = tpu.memref_slice %arg11[%dma_start3A_312, %dma_start3A_313] : memref<10000x128xf32, #tpu.memory_space<vmem_shared>> -> memref<10000x128xf32, #tpu.memory_space<vmem_shared>>
          tpu.enqueue_indirect_dma source(%dma_start3A_308 : memref<128x128xf32, #tpu.memory_space<vmem>>) target(%dma_start3A_314 : memref<10000x128xf32, #tpu.memory_space<vmem_shared>>) offsets(%dma_start3A_311 : memref<128xi32, #tpu.memory_space<vmem>>) semaphore(%run_scoped3A_304 : memref<!tpu.dma_semaphore, #tpu.memory_space<semaphore_mem>>) {add = true}
          %dma_wait3A_315 = arith.constant 0 : i32
          %dma_wait3A_316 = arith.constant 0 : i32
          %dma_wait3A_317 = tpu.memref_slice %arg14[%run_scoped3A_295, %dma_wait3A_315, %dma_wait3A_316] : memref<2x128x128xf32, #tpu.memory_space<vmem>> -> memref<1x128x128xf32, #tpu.memory_space<vmem>>
          %dma_wait3A_318 = tpu.memref_squeeze %dma_wait3A_317 : memref<1x128x128xf32, #tpu.memory_space<vmem>> -> memref<128x128xf32, #tpu.memory_space<vmem>>
          %dma_wait3A_319 = arith.constant 0 : i32
          %dma_wait3A_320 = tpu.memref_slice %arg13[%run_scoped3A_296, %dma_wait3A_319] : memref<8x128xi32, #tpu.memory_space<vmem>> -> memref<1x128xi32, #tpu.memory_space<vmem>>
          %dma_wait3A_321 = tpu.memref_squeeze %dma_wait3A_320 : memref<1x128xi32, #tpu.memory_space<vmem>> -> memref<128xi32, #tpu.memory_space<vmem>>
          %dma_wait3A_322 = arith.constant 0 : i32
          %dma_wait3A_323 = arith.constant 0 : i32
          %dma_wait3A_324 = tpu.memref_slice %arg11[%dma_wait3A_322, %dma_wait3A_323] : memref<10000x128xf32, #tpu.memory_space<vmem_shared>> -> memref<10000x128xf32, #tpu.memory_space<vmem_shared>>
          tpu.wait_indirect_dma semaphore(%run_scoped3A_304 : memref<!tpu.dma_semaphore, #tpu.memory_space<semaphore_mem>>) src(%dma_wait3A_318 : memref<128x128xf32, #tpu.memory_space<vmem>>) dst(%dma_wait3A_324 : memref<10000x128xf32, #tpu.memory_space<vmem_shared>>)
          tpu.yield
        }) : () -> ()
        %add3A_297 = arith.constant 2 : i32
        %add3A_298 = arith.addi %add3A_262, %add3A_297 : i32
        %lt3A_299 = arith.constant 125 : i32
        %lt3A_300 = arith.cmpi slt, %add3A_298, %lt3A_299 : i32
        %convert_element_type3A_301 = arith.extui %lt3A_300 : i1 to i32
        %cond3A_302 = arith.constant 0 : i32
        %cond3A_303 = arith.cmpi ne, %convert_element_type3A_301, %cond3A_302 : i32
        scf.if %cond3A_303 {
          %add3A_304 = arith.constant 2 : i32
          %add3A_305 = arith.addi %add3A_262, %add3A_304 : i32
          %mul3A_306 = arith.constant 16000 : i32
          %mul3A_307 = arith.muli %arg1, %mul3A_306 : i32
          %mul3A_308 = arith.constant 128 : i32
          %mul3A_309 = arith.muli %add3A_305, %mul3A_308 : i32
          %add3A_310 = arith.addi %mul3A_307, %mul3A_309 : i32
          %dma_start3A_311 = arith.constant 1 : i32
          %dma_start3A_312 = arith.constant 1 : i32
          %dma_start3A_313 = arith.constant 0 : i32
          %dma_start3A_314 = tpu.memref_slice %arg13[%dma_start3A_311, %dma_start3A_313] : memref<8x128xi32, #tpu.memory_space<vmem>> -> memref<1x128xi32, #tpu.memory_space<vmem>>
          %dma_start3A_315 = tpu.memref_squeeze %dma_start3A_314 : memref<1x128xi32, #tpu.memory_space<vmem>> -> memref<128xi32, #tpu.memory_space<vmem>>
          %dma_start3A_316 = tpu.memref_slice %arg7[%add3A_310] : memref<256000xi32, #tpu.memory_space<hbm>> -> memref<128xi32, #tpu.memory_space<hbm>>
          %dma_start3A_317 = tpu.memref_slice %arg16[%dma_start3A_312] : memref<2x!tpu.dma_semaphore, #tpu.memory_space<semaphore_mem>> -> memref<1x!tpu.dma_semaphore, #tpu.memory_space<semaphore_mem>>
          %dma_start3A_318 = tpu.memref_squeeze %dma_start3A_317 : memref<1x!tpu.dma_semaphore, #tpu.memory_space<semaphore_mem>> -> memref<!tpu.dma_semaphore, #tpu.memory_space<semaphore_mem>>
          %dma_start3A_319 = arith.constant 0 : i32
          %dma_start3A_320 = tpu.memref_slice %arg13[%dma_start3A_311, %dma_start3A_319] : memref<8x128xi32, #tpu.memory_space<vmem>> -> memref<1x128xi32, #tpu.memory_space<vmem>>
          %dma_start3A_321 = tpu.memref_squeeze %dma_start3A_320 : memref<1x128xi32, #tpu.memory_space<vmem>> -> memref<128xi32, #tpu.memory_space<vmem>>
          %dma_start3A_322 = tpu.memref_slice %arg7[%add3A_310] : memref<256000xi32, #tpu.memory_space<hbm>> -> memref<128xi32, #tpu.memory_space<hbm>>
          tpu.enqueue_dma source(%dma_start3A_322 : memref<128xi32, #tpu.memory_space<hbm>>) target(%dma_start3A_321 : memref<128xi32, #tpu.memory_space<vmem>>) target_semaphore(%dma_start3A_318 : memref<!tpu.dma_semaphore, #tpu.memory_space<semaphore_mem>>)
          %mul3A_323 = arith.constant 128 : i32
          %mul3A_324 = arith.muli %add3A_305, %mul3A_323 : i32
          %dma_start3A_325 = arith.constant 1 : i32
          %dma_start3A_326 = arith.constant 1 : i32
          %dma_start3A_327 = arith.constant 0 : i32
          %dma_start3A_328 = arith.constant 0 : i32
          %dma_start3A_329 = tpu.memref_slice %arg14[%dma_start3A_325, %dma_start3A_327, %dma_start3A_328] : memref<2x128x128xf32, #tpu.memory_space<vmem>> -> memref<1x128x128xf32, #tpu.memory_space<vmem>>
          %dma_start3A_330 = tpu.memref_squeeze %dma_start3A_329 : memref<1x128x128xf32, #tpu.memory_space<vmem>> -> memref<128x128xf32, #tpu.memory_space<vmem>>
          %dma_start3A_331 = tpu.memref_slice %arg12[%mul3A_324] : memref<16000xi32, #tpu.memory_space<vmem>> -> memref<128xi32, #tpu.memory_space<vmem>>
          %dma_start3A_332 = arith.constant 0 : i32
          %dma_start3A_333 = arith.constant 0 : i32
          %dma_start3A_334 = tpu.memref_slice %arg3[%dma_start3A_332, %dma_start3A_333] : memref<10000x128xf32, #tpu.memory_space<hbm>> -> memref<10000x128xf32, #tpu.memory_space<hbm>>
          %dma_start3A_335 = tpu.memref_slice %arg15[%dma_start3A_326] : memref<2x!tpu.dma_semaphore, #tpu.memory_space<semaphore_mem>> -> memref<1x!tpu.dma_semaphore, #tpu.memory_space<semaphore_mem>>
          %dma_start3A_336 = tpu.memref_squeeze %dma_start3A_335 : memref<1x!tpu.dma_semaphore, #tpu.memory_space<semaphore_mem>> -> memref<!tpu.dma_semaphore, #tpu.memory_space<semaphore_mem>>
          tpu.enqueue_indirect_dma source(%dma_start3A_334 : memref<10000x128xf32, #tpu.memory_space<hbm>>) target(%dma_start3A_330 : memref<128x128xf32, #tpu.memory_space<vmem>>) offsets(%dma_start3A_331 : memref<128xi32, #tpu.memory_space<vmem>>) semaphore(%dma_start3A_336 : memref<!tpu.dma_semaphore, #tpu.memory_space<semaphore_mem>>)
        } else {
        }
      }
      %scan3A_123 = arith.constant 62 : i32
      %dma_wait3A = arith.constant 0 : i32
      %dma_wait3A_124 = arith.constant 0 : i32
      %dma_wait3A_125 = arith.constant 0 : i32
      %dma_wait3A_126 = tpu.memref_slice %arg13[%dma_wait3A, %dma_wait3A_125] : memref<8x128xi32, #tpu.memory_space<vmem>> -> memref<1x128xi32, #tpu.memory_space<vmem>>
      %dma_wait3A_127 = tpu.memref_squeeze %dma_wait3A_126 : memref<1x128xi32, #tpu.memory_space<vmem>> -> memref<128xi32, #tpu.memory_space<vmem>>
      %dma_wait3A_128 = arith.constant 0 : i32
      %dma_wait3A_129 = tpu.memref_slice %arg7[%dma_wait3A_128] : memref<256000xi32, #tpu.memory_space<hbm>> -> memref<128xi32, #tpu.memory_space<hbm>>
      %dma_wait3A_130 = tpu.memref_slice %arg16[%dma_wait3A_124] : memref<2x!tpu.dma_semaphore, #tpu.memory_space<semaphore_mem>> -> memref<1x!tpu.dma_semaphore, #tpu.memory_space<semaphore_mem>>
      %dma_wait3A_131 = tpu.memref_squeeze %dma_wait3A_130 : memref<1x!tpu.dma_semaphore, #tpu.memory_space<semaphore_mem>> -> memref<!tpu.dma_semaphore, #tpu.memory_space<semaphore_mem>>
      %dma_wait3A_132 = arith.constant 0 : i32
      %dma_wait3A_133 = tpu.memref_slice %arg13[%dma_wait3A, %dma_wait3A_132] : memref<8x128xi32, #tpu.memory_space<vmem>> -> memref<1x128xi32, #tpu.memory_space<vmem>>
      %dma_wait3A_134 = tpu.memref_squeeze %dma_wait3A_133 : memref<1x128xi32, #tpu.memory_space<vmem>> -> memref<128xi32, #tpu.memory_space<vmem>>
      %dma_wait3A_135 = arith.constant 0 : i32
      %dma_wait3A_136 = tpu.memref_slice %arg7[%dma_wait3A_135] : memref<256000xi32, #tpu.memory_space<hbm>> -> memref<128xi32, #tpu.memory_space<hbm>>
      tpu.wait_dma2 semaphore(%dma_wait3A_131 : memref<!tpu.dma_semaphore, #tpu.memory_space<semaphore_mem>>) src(%dma_wait3A_136 : memref<128xi32, #tpu.memory_space<hbm>>) dst(%dma_wait3A_134 : memref<128xi32, #tpu.memory_space<vmem>>)
      %dma_wait3A_137 = arith.constant 0 : i32
      %dma_wait3A_138 = arith.constant 0 : i32
      %dma_wait3A_139 = arith.constant 0 : i32
      %dma_wait3A_140 = arith.constant 0 : i32
      %dma_wait3A_141 = tpu.memref_slice %arg14[%dma_wait3A_137, %dma_wait3A_139, %dma_wait3A_140] : memref<2x128x128xf32, #tpu.memory_space<vmem>> -> memref<1x128x128xf32, #tpu.memory_space<vmem>>
      %dma_wait3A_142 = tpu.memref_squeeze %dma_wait3A_141 : memref<1x128x128xf32, #tpu.memory_space<vmem>> -> memref<128x128xf32, #tpu.memory_space<vmem>>
      %dma_wait3A_143 = arith.constant 0 : i32
      %dma_wait3A_144 = arith.constant 0 : i32
      %dma_wait3A_145 = tpu.memref_slice %arg3[%dma_wait3A_143, %dma_wait3A_144] : memref<10000x128xf32, #tpu.memory_space<hbm>> -> memref<128x128xf32, #tpu.memory_space<hbm>>
      %dma_wait3A_146 = tpu.memref_slice %arg15[%dma_wait3A_138] : memref<2x!tpu.dma_semaphore, #tpu.memory_space<semaphore_mem>> -> memref<1x!tpu.dma_semaphore, #tpu.memory_space<semaphore_mem>>
      %dma_wait3A_147 = tpu.memref_squeeze %dma_wait3A_146 : memref<1x!tpu.dma_semaphore, #tpu.memory_space<semaphore_mem>> -> memref<!tpu.dma_semaphore, #tpu.memory_space<semaphore_mem>>
      %dma_wait3A_148 = arith.constant 0 : i32
      %dma_wait3A_149 = arith.constant 0 : i32
      %dma_wait3A_150 = tpu.memref_slice %arg14[%dma_wait3A_137, %dma_wait3A_148, %dma_wait3A_149] : memref<2x128x128xf32, #tpu.memory_space<vmem>> -> memref<1x128x128xf32, #tpu.memory_space<vmem>>
      %dma_wait3A_151 = tpu.memref_squeeze %dma_wait3A_150 : memref<1x128x128xf32, #tpu.memory_space<vmem>> -> memref<128x128xf32, #tpu.memory_space<vmem>>
      %dma_wait3A_152 = arith.constant 0 : i32
      %dma_wait3A_153 = arith.constant 0 : i32
      %dma_wait3A_154 = tpu.memref_slice %arg3[%dma_wait3A_152, %dma_wait3A_153] : memref<10000x128xf32, #tpu.memory_space<hbm>> -> memref<128x128xf32, #tpu.memory_space<hbm>>
      tpu.wait_dma2 semaphore(%dma_wait3A_147 : memref<!tpu.dma_semaphore, #tpu.memory_space<semaphore_mem>>) src(%dma_wait3A_154 : memref<128x128xf32, #tpu.memory_space<hbm>>) dst(%dma_wait3A_151 : memref<128x128xf32, #tpu.memory_space<vmem>>)
      %run_scoped3A = arith.constant 0 : i32
      %run_scoped3A_155 = arith.constant 0 : i32
      "tpu.region"() ({
        %run_scoped3A_213 = tpu.sem_alloc : memref<!tpu.dma_semaphore, #tpu.memory_space<semaphore_mem>>
        %dma_start3A_214 = arith.constant 0 : i32
        %dma_start3A_215 = arith.constant 0 : i32
        %dma_start3A_216 = tpu.memref_slice %arg14[%run_scoped3A, %dma_start3A_214, %dma_start3A_215] : memref<2x128x128xf32, #tpu.memory_space<vmem>> -> memref<1x128x128xf32, #tpu.memory_space<vmem>>
        %dma_start3A_217 = tpu.memref_squeeze %dma_start3A_216 : memref<1x128x128xf32, #tpu.memory_space<vmem>> -> memref<128x128xf32, #tpu.memory_space<vmem>>
        %dma_start3A_218 = arith.constant 0 : i32
        %dma_start3A_219 = tpu.memref_slice %arg13[%run_scoped3A_155, %dma_start3A_218] : memref<8x128xi32, #tpu.memory_space<vmem>> -> memref<1x128xi32, #tpu.memory_space<vmem>>
        %dma_start3A_220 = tpu.memref_squeeze %dma_start3A_219 : memref<1x128xi32, #tpu.memory_space<vmem>> -> memref<128xi32, #tpu.memory_space<vmem>>
        %dma_start3A_221 = arith.constant 0 : i32
        %dma_start3A_222 = arith.constant 0 : i32
        %dma_start3A_223 = tpu.memref_slice %arg11[%dma_start3A_221, %dma_start3A_222] : memref<10000x128xf32, #tpu.memory_space<vmem_shared>> -> memref<10000x128xf32, #tpu.memory_space<vmem_shared>>
        tpu.enqueue_indirect_dma source(%dma_start3A_217 : memref<128x128xf32, #tpu.memory_space<vmem>>) target(%dma_start3A_223 : memref<10000x128xf32, #tpu.memory_space<vmem_shared>>) offsets(%dma_start3A_220 : memref<128xi32, #tpu.memory_space<vmem>>) semaphore(%run_scoped3A_213 : memref<!tpu.dma_semaphore, #tpu.memory_space<semaphore_mem>>) {add = true}
        %dma_wait3A_224 = arith.constant 0 : i32
        %dma_wait3A_225 = arith.constant 0 : i32
        %dma_wait3A_226 = tpu.memref_slice %arg14[%run_scoped3A, %dma_wait3A_224, %dma_wait3A_225] : memref<2x128x128xf32, #tpu.memory_space<vmem>> -> memref<1x128x128xf32, #tpu.memory_space<vmem>>
        %dma_wait3A_227 = tpu.memref_squeeze %dma_wait3A_226 : memref<1x128x128xf32, #tpu.memory_space<vmem>> -> memref<128x128xf32, #tpu.memory_space<vmem>>
        %dma_wait3A_228 = arith.constant 0 : i32
        %dma_wait3A_229 = tpu.memref_slice %arg13[%run_scoped3A_155, %dma_wait3A_228] : memref<8x128xi32, #tpu.memory_space<vmem>> -> memref<1x128xi32, #tpu.memory_space<vmem>>
        %dma_wait3A_230 = tpu.memref_squeeze %dma_wait3A_229 : memref<1x128xi32, #tpu.memory_space<vmem>> -> memref<128xi32, #tpu.memory_space<vmem>>
        %dma_wait3A_231 = arith.constant 0 : i32
        %dma_wait3A_232 = arith.constant 0 : i32
        %dma_wait3A_233 = tpu.memref_slice %arg11[%dma_wait3A_231, %dma_wait3A_232] : memref<10000x128xf32, #tpu.memory_space<vmem_shared>> -> memref<10000x128xf32, #tpu.memory_space<vmem_shared>>
        tpu.wait_indirect_dma semaphore(%run_scoped3A_213 : memref<!tpu.dma_semaphore, #tpu.memory_space<semaphore_mem>>) src(%dma_wait3A_227 : memref<128x128xf32, #tpu.memory_space<vmem>>) dst(%dma_wait3A_233 : memref<10000x128xf32, #tpu.memory_space<vmem_shared>>)
        tpu.yield
      }) : () -> ()
      %barrier3A_156 = arith.constant 0 : index
      tpu.barrier barrier_id(%barrier3A_156)
      %add3A_157 = arith.constant 0 : i32
      %add3A_158 = arith.addi %add3A_157, %arg1 : i32
      %lt3A_159 = arith.constant 125 : i32
      %lt3A_160 = arith.cmpi slt, %add3A_158, %lt3A_159 : i32
      %convert_element_type3A_161 = arith.extui %lt3A_160 : i1 to i32
      %cond3A_162 = arith.constant 0 : i32
      %cond3A_163 = arith.cmpi ne, %convert_element_type3A_161, %cond3A_162 : i32
      scf.if %cond3A_163 {
        %mul3A_213 = arith.constant 80 : i32
        %mul3A_214 = arith.muli %add3A_158, %mul3A_213 : i32
        "tpu.region"() ({
          %run_scoped3A_215 = tpu.sem_alloc : memref<!tpu.dma_semaphore, #tpu.memory_space<semaphore_mem>>
          %dma_start3A_216 = arith.constant 0 : i32
          %dma_start3A_217 = tpu.memref_slice %arg10[%mul3A_214, %dma_start3A_216] : memref<10000x128xf32, #tpu.memory_space<hbm>> -> memref<80x128xf32, #tpu.memory_space<hbm>>
          %dma_start3A_218 = arith.constant 0 : i32
          %dma_start3A_219 = tpu.memref_slice %arg11[%mul3A_214, %dma_start3A_218] : memref<10000x128xf32, #tpu.memory_space<vmem_shared>> -> memref<80x128xf32, #tpu.memory_space<vmem_shared>>
          tpu.enqueue_dma source(%dma_start3A_219 : memref<80x128xf32, #tpu.memory_space<vmem_shared>>) target(%dma_start3A_217 : memref<80x128xf32, #tpu.memory_space<hbm>>) target_semaphore(%run_scoped3A_215 : memref<!tpu.dma_semaphore, #tpu.memory_space<semaphore_mem>>)
          %dma_wait3A_220 = arith.constant 0 : i32
          %dma_wait3A_221 = tpu.memref_slice %arg10[%mul3A_214, %dma_wait3A_220] : memref<10000x128xf32, #tpu.memory_space<hbm>> -> memref<80x128xf32, #tpu.memory_space<hbm>>
          %dma_wait3A_222 = arith.constant 0 : i32
          %dma_wait3A_223 = tpu.memref_slice %arg11[%mul3A_214, %dma_wait3A_222] : memref<10000x128xf32, #tpu.memory_space<vmem_shared>> -> memref<80x128xf32, #tpu.memory_space<vmem_shared>>
          tpu.wait_dma2 semaphore(%run_scoped3A_215 : memref<!tpu.dma_semaphore, #tpu.memory_space<semaphore_mem>>) src(%dma_wait3A_223 : memref<80x128xf32, #tpu.memory_space<vmem_shared>>) dst(%dma_wait3A_221 : memref<80x128xf32, #tpu.memory_space<hbm>>)
          tpu.yield
        }) : () -> ()
      } else {
      }
      %add3A_164 = arith.constant 16 : i32
      %add3A_165 = arith.addi %add3A_164, %arg1 : i32
      %lt3A_166 = arith.constant 125 : i32
      %lt3A_167 = arith.cmpi slt, %add3A_165, %lt3A_166 : i32
      %convert_element_type3A_168 = arith.extui %lt3A_167 : i1 to i32
      %cond3A_169 = arith.constant 0 : i32
      %cond3A_170 = arith.cmpi ne, %convert_element_type3A_168, %cond3A_169 : i32
      scf.if %cond3A_170 {
        %mul3A_213 = arith.constant 80 : i32
        %mul3A_214 = arith.muli %add3A_165, %mul3A_213 : i32
        "tpu.region"() ({
          %run_scoped3A_215 = tpu.sem_alloc : memref<!tpu.dma_semaphore, #tpu.memory_space<semaphore_mem>>
          %dma_start3A_216 = arith.constant 0 : i32
          %dma_start3A_217 = tpu.memref_slice %arg10[%mul3A_214, %dma_start3A_216] : memref<10000x128xf32, #tpu.memory_space<hbm>> -> memref<80x128xf32, #tpu.memory_space<hbm>>
          %dma_start3A_218 = arith.constant 0 : i32
          %dma_start3A_219 = tpu.memref_slice %arg11[%mul3A_214, %dma_start3A_218] : memref<10000x128xf32, #tpu.memory_space<vmem_shared>> -> memref<80x128xf32, #tpu.memory_space<vmem_shared>>
          tpu.enqueue_dma source(%dma_start3A_219 : memref<80x128xf32, #tpu.memory_space<vmem_shared>>) target(%dma_start3A_217 : memref<80x128xf32, #tpu.memory_space<hbm>>) target_semaphore(%run_scoped3A_215 : memref<!tpu.dma_semaphore, #tpu.memory_space<semaphore_mem>>)
          %dma_wait3A_220 = arith.constant 0 : i32
          %dma_wait3A_221 = tpu.memref_slice %arg10[%mul3A_214, %dma_wait3A_220] : memref<10000x128xf32, #tpu.memory_space<hbm>> -> memref<80x128xf32, #tpu.memory_space<hbm>>
          %dma_wait3A_222 = arith.constant 0 : i32
          %dma_wait3A_223 = tpu.memref_slice %arg11[%mul3A_214, %dma_wait3A_222] : memref<10000x128xf32, #tpu.memory_space<vmem_shared>> -> memref<80x128xf32, #tpu.memory_space<vmem_shared>>
          tpu.wait_dma2 semaphore(%run_scoped3A_215 : memref<!tpu.dma_semaphore, #tpu.memory_space<semaphore_mem>>) src(%dma_wait3A_223 : memref<80x128xf32, #tpu.memory_space<vmem_shared>>) dst(%dma_wait3A_221 : memref<80x128xf32, #tpu.memory_space<hbm>>)
          tpu.yield
        }) : () -> ()
      } else {
      }
      %add3A_171 = arith.constant 32 : i32
      %add3A_172 = arith.addi %add3A_171, %arg1 : i32
      %lt3A_173 = arith.constant 125 : i32
      %lt3A_174 = arith.cmpi slt, %add3A_172, %lt3A_173 : i32
      %convert_element_type3A_175 = arith.extui %lt3A_174 : i1 to i32
      %cond3A_176 = arith.constant 0 : i32
      %cond3A_177 = arith.cmpi ne, %convert_element_type3A_175, %cond3A_176 : i32
      scf.if %cond3A_177 {
        %mul3A_213 = arith.constant 80 : i32
        %mul3A_214 = arith.muli %add3A_172, %mul3A_213 : i32
        "tpu.region"() ({
          %run_scoped3A_215 = tpu.sem_alloc : memref<!tpu.dma_semaphore, #tpu.memory_space<semaphore_mem>>
          %dma_start3A_216 = arith.constant 0 : i32
          %dma_start3A_217 = tpu.memref_slice %arg10[%mul3A_214, %dma_start3A_216] : memref<10000x128xf32, #tpu.memory_space<hbm>> -> memref<80x128xf32, #tpu.memory_space<hbm>>
          %dma_start3A_218 = arith.constant 0 : i32
          %dma_start3A_219 = tpu.memref_slice %arg11[%mul3A_214, %dma_start3A_218] : memref<10000x128xf32, #tpu.memory_space<vmem_shared>> -> memref<80x128xf32, #tpu.memory_space<vmem_shared>>
          tpu.enqueue_dma source(%dma_start3A_219 : memref<80x128xf32, #tpu.memory_space<vmem_shared>>) target(%dma_start3A_217 : memref<80x128xf32, #tpu.memory_space<hbm>>) target_semaphore(%run_scoped3A_215 : memref<!tpu.dma_semaphore, #tpu.memory_space<semaphore_mem>>)
          %dma_wait3A_220 = arith.constant 0 : i32
          %dma_wait3A_221 = tpu.memref_slice %arg10[%mul3A_214, %dma_wait3A_220] : memref<10000x128xf32, #tpu.memory_space<hbm>> -> memref<80x128xf32, #tpu.memory_space<hbm>>
          %dma_wait3A_222 = arith.constant 0 : i32
          %dma_wait3A_223 = tpu.memref_slice %arg11[%mul3A_214, %dma_wait3A_222] : memref<10000x128xf32, #tpu.memory_space<vmem_shared>> -> memref<80x128xf32, #tpu.memory_space<vmem_shared>>
          tpu.wait_dma2 semaphore(%run_scoped3A_215 : memref<!tpu.dma_semaphore, #tpu.memory_space<semaphore_mem>>) src(%dma_wait3A_223 : memref<80x128xf32, #tpu.memory_space<vmem_shared>>) dst(%dma_wait3A_221 : memref<80x128xf32, #tpu.memory_space<hbm>>)
          tpu.yield
        }) : () -> ()
      } else {
      }
      %add3A_178 = arith.constant 48 : i32
      %add3A_179 = arith.addi %add3A_178, %arg1 : i32
      %lt3A_180 = arith.constant 125 : i32
      %lt3A_181 = arith.cmpi slt, %add3A_179, %lt3A_180 : i32
      %convert_element_type3A_182 = arith.extui %lt3A_181 : i1 to i32
      %cond3A_183 = arith.constant 0 : i32
      %cond3A_184 = arith.cmpi ne, %convert_element_type3A_182, %cond3A_183 : i32
      scf.if %cond3A_184 {
        %mul3A_213 = arith.constant 80 : i32
        %mul3A_214 = arith.muli %add3A_179, %mul3A_213 : i32
        "tpu.region"() ({
          %run_scoped3A_215 = tpu.sem_alloc : memref<!tpu.dma_semaphore, #tpu.memory_space<semaphore_mem>>
          %dma_start3A_216 = arith.constant 0 : i32
          %dma_start3A_217 = tpu.memref_slice %arg10[%mul3A_214, %dma_start3A_216] : memref<10000x128xf32, #tpu.memory_space<hbm>> -> memref<80x128xf32, #tpu.memory_space<hbm>>
          %dma_start3A_218 = arith.constant 0 : i32
          %dma_start3A_219 = tpu.memref_slice %arg11[%mul3A_214, %dma_start3A_218] : memref<10000x128xf32, #tpu.memory_space<vmem_shared>> -> memref<80x128xf32, #tpu.memory_space<vmem_shared>>
          tpu.enqueue_dma source(%dma_start3A_219 : memref<80x128xf32, #tpu.memory_space<vmem_shared>>) target(%dma_start3A_217 : memref<80x128xf32, #tpu.memory_space<hbm>>) target_semaphore(%run_scoped3A_215 : memref<!tpu.dma_semaphore, #tpu.memory_space<semaphore_mem>>)
          %dma_wait3A_220 = arith.constant 0 : i32
          %dma_wait3A_221 = tpu.memref_slice %arg10[%mul3A_214, %dma_wait3A_220] : memref<10000x128xf32, #tpu.memory_space<hbm>> -> memref<80x128xf32, #tpu.memory_space<hbm>>
          %dma_wait3A_222 = arith.constant 0 : i32
          %dma_wait3A_223 = tpu.memref_slice %arg11[%mul3A_214, %dma_wait3A_222] : memref<10000x128xf32, #tpu.memory_space<vmem_shared>> -> memref<80x128xf32, #tpu.memory_space<vmem_shared>>
          tpu.wait_dma2 semaphore(%run_scoped3A_215 : memref<!tpu.dma_semaphore, #tpu.memory_space<semaphore_mem>>) src(%dma_wait3A_223 : memref<80x128xf32, #tpu.memory_space<vmem_shared>>) dst(%dma_wait3A_221 : memref<80x128xf32, #tpu.memory_space<hbm>>)
          tpu.yield
        }) : () -> ()
      } else {
      }
      %add3A_185 = arith.constant 64 : i32
      %add3A_186 = arith.addi %add3A_185, %arg1 : i32
      %lt3A_187 = arith.constant 125 : i32
      %lt3A_188 = arith.cmpi slt, %add3A_186, %lt3A_187 : i32
      %convert_element_type3A_189 = arith.extui %lt3A_188 : i1 to i32
      %cond3A_190 = arith.constant 0 : i32
      %cond3A_191 = arith.cmpi ne, %convert_element_type3A_189, %cond3A_190 : i32
      scf.if %cond3A_191 {
        %mul3A_213 = arith.constant 80 : i32
        %mul3A_214 = arith.muli %add3A_186, %mul3A_213 : i32
        "tpu.region"() ({
          %run_scoped3A_215 = tpu.sem_alloc : memref<!tpu.dma_semaphore, #tpu.memory_space<semaphore_mem>>
          %dma_start3A_216 = arith.constant 0 : i32
          %dma_start3A_217 = tpu.memref_slice %arg10[%mul3A_214, %dma_start3A_216] : memref<10000x128xf32, #tpu.memory_space<hbm>> -> memref<80x128xf32, #tpu.memory_space<hbm>>
          %dma_start3A_218 = arith.constant 0 : i32
          %dma_start3A_219 = tpu.memref_slice %arg11[%mul3A_214, %dma_start3A_218] : memref<10000x128xf32, #tpu.memory_space<vmem_shared>> -> memref<80x128xf32, #tpu.memory_space<vmem_shared>>
          tpu.enqueue_dma source(%dma_start3A_219 : memref<80x128xf32, #tpu.memory_space<vmem_shared>>) target(%dma_start3A_217 : memref<80x128xf32, #tpu.memory_space<hbm>>) target_semaphore(%run_scoped3A_215 : memref<!tpu.dma_semaphore, #tpu.memory_space<semaphore_mem>>)
          %dma_wait3A_220 = arith.constant 0 : i32
          %dma_wait3A_221 = tpu.memref_slice %arg10[%mul3A_214, %dma_wait3A_220] : memref<10000x128xf32, #tpu.memory_space<hbm>> -> memref<80x128xf32, #tpu.memory_space<hbm>>
          %dma_wait3A_222 = arith.constant 0 : i32
          %dma_wait3A_223 = tpu.memref_slice %arg11[%mul3A_214, %dma_wait3A_222] : memref<10000x128xf32, #tpu.memory_space<vmem_shared>> -> memref<80x128xf32, #tpu.memory_space<vmem_shared>>
          tpu.wait_dma2 semaphore(%run_scoped3A_215 : memref<!tpu.dma_semaphore, #tpu.memory_space<semaphore_mem>>) src(%dma_wait3A_223 : memref<80x128xf32, #tpu.memory_space<vmem_shared>>) dst(%dma_wait3A_221 : memref<80x128xf32, #tpu.memory_space<hbm>>)
          tpu.yield
        }) : () -> ()
      } else {
      }
      %add3A_192 = arith.constant 80 : i32
      %add3A_193 = arith.addi %add3A_192, %arg1 : i32
      %lt3A_194 = arith.constant 125 : i32
      %lt3A_195 = arith.cmpi slt, %add3A_193, %lt3A_194 : i32
      %convert_element_type3A_196 = arith.extui %lt3A_195 : i1 to i32
      %cond3A_197 = arith.constant 0 : i32
      %cond3A_198 = arith.cmpi ne, %convert_element_type3A_196, %cond3A_197 : i32
      scf.if %cond3A_198 {
        %mul3A_213 = arith.constant 80 : i32
        %mul3A_214 = arith.muli %add3A_193, %mul3A_213 : i32
        "tpu.region"() ({
          %run_scoped3A_215 = tpu.sem_alloc : memref<!tpu.dma_semaphore, #tpu.memory_space<semaphore_mem>>
          %dma_start3A_216 = arith.constant 0 : i32
          %dma_start3A_217 = tpu.memref_slice %arg10[%mul3A_214, %dma_start3A_216] : memref<10000x128xf32, #tpu.memory_space<hbm>> -> memref<80x128xf32, #tpu.memory_space<hbm>>
          %dma_start3A_218 = arith.constant 0 : i32
          %dma_start3A_219 = tpu.memref_slice %arg11[%mul3A_214, %dma_start3A_218] : memref<10000x128xf32, #tpu.memory_space<vmem_shared>> -> memref<80x128xf32, #tpu.memory_space<vmem_shared>>
          tpu.enqueue_dma source(%dma_start3A_219 : memref<80x128xf32, #tpu.memory_space<vmem_shared>>) target(%dma_start3A_217 : memref<80x128xf32, #tpu.memory_space<hbm>>) target_semaphore(%run_scoped3A_215 : memref<!tpu.dma_semaphore, #tpu.memory_space<semaphore_mem>>)
          %dma_wait3A_220 = arith.constant 0 : i32
          %dma_wait3A_221 = tpu.memref_slice %arg10[%mul3A_214, %dma_wait3A_220] : memref<10000x128xf32, #tpu.memory_space<hbm>> -> memref<80x128xf32, #tpu.memory_space<hbm>>
          %dma_wait3A_222 = arith.constant 0 : i32
          %dma_wait3A_223 = tpu.memref_slice %arg11[%mul3A_214, %dma_wait3A_222] : memref<10000x128xf32, #tpu.memory_space<vmem_shared>> -> memref<80x128xf32, #tpu.memory_space<vmem_shared>>
          tpu.wait_dma2 semaphore(%run_scoped3A_215 : memref<!tpu.dma_semaphore, #tpu.memory_space<semaphore_mem>>) src(%dma_wait3A_223 : memref<80x128xf32, #tpu.memory_space<vmem_shared>>) dst(%dma_wait3A_221 : memref<80x128xf32, #tpu.memory_space<hbm>>)
          tpu.yield
        }) : () -> ()
      } else {
      }
      %add3A_199 = arith.constant 96 : i32
      %add3A_200 = arith.addi %add3A_199, %arg1 : i32
      %lt3A_201 = arith.constant 125 : i32
      %lt3A_202 = arith.cmpi slt, %add3A_200, %lt3A_201 : i32
      %convert_element_type3A_203 = arith.extui %lt3A_202 : i1 to i32
      %cond3A_204 = arith.constant 0 : i32
      %cond3A_205 = arith.cmpi ne, %convert_element_type3A_203, %cond3A_204 : i32
      scf.if %cond3A_205 {
        %mul3A_213 = arith.constant 80 : i32
        %mul3A_214 = arith.muli %add3A_200, %mul3A_213 : i32
        "tpu.region"() ({
          %run_scoped3A_215 = tpu.sem_alloc : memref<!tpu.dma_semaphore, #tpu.memory_space<semaphore_mem>>
          %dma_start3A_216 = arith.constant 0 : i32
          %dma_start3A_217 = tpu.memref_slice %arg10[%mul3A_214, %dma_start3A_216] : memref<10000x128xf32, #tpu.memory_space<hbm>> -> memref<80x128xf32, #tpu.memory_space<hbm>>
          %dma_start3A_218 = arith.constant 0 : i32
          %dma_start3A_219 = tpu.memref_slice %arg11[%mul3A_214, %dma_start3A_218] : memref<10000x128xf32, #tpu.memory_space<vmem_shared>> -> memref<80x128xf32, #tpu.memory_space<vmem_shared>>
          tpu.enqueue_dma source(%dma_start3A_219 : memref<80x128xf32, #tpu.memory_space<vmem_shared>>) target(%dma_start3A_217 : memref<80x128xf32, #tpu.memory_space<hbm>>) target_semaphore(%run_scoped3A_215 : memref<!tpu.dma_semaphore, #tpu.memory_space<semaphore_mem>>)
          %dma_wait3A_220 = arith.constant 0 : i32
          %dma_wait3A_221 = tpu.memref_slice %arg10[%mul3A_214, %dma_wait3A_220] : memref<10000x128xf32, #tpu.memory_space<hbm>> -> memref<80x128xf32, #tpu.memory_space<hbm>>
          %dma_wait3A_222 = arith.constant 0 : i32
          %dma_wait3A_223 = tpu.memref_slice %arg11[%mul3A_214, %dma_wait3A_222] : memref<10000x128xf32, #tpu.memory_space<vmem_shared>> -> memref<80x128xf32, #tpu.memory_space<vmem_shared>>
          tpu.wait_dma2 semaphore(%run_scoped3A_215 : memref<!tpu.dma_semaphore, #tpu.memory_space<semaphore_mem>>) src(%dma_wait3A_223 : memref<80x128xf32, #tpu.memory_space<vmem_shared>>) dst(%dma_wait3A_221 : memref<80x128xf32, #tpu.memory_space<hbm>>)
          tpu.yield
        }) : () -> ()
      } else {
      }
      %add3A_206 = arith.constant 112 : i32
      %add3A_207 = arith.addi %add3A_206, %arg1 : i32
      %lt3A_208 = arith.constant 125 : i32
      %lt3A_209 = arith.cmpi slt, %add3A_207, %lt3A_208 : i32
      %convert_element_type3A_210 = arith.extui %lt3A_209 : i1 to i32
      %cond3A_211 = arith.constant 0 : i32
      %cond3A_212 = arith.cmpi ne, %convert_element_type3A_210, %cond3A_211 : i32
      scf.if %cond3A_212 {
        %mul3A_213 = arith.constant 80 : i32
        %mul3A_214 = arith.muli %add3A_207, %mul3A_213 : i32
        "tpu.region"() ({
          %run_scoped3A_215 = tpu.sem_alloc : memref<!tpu.dma_semaphore, #tpu.memory_space<semaphore_mem>>
          %dma_start3A_216 = arith.constant 0 : i32
          %dma_start3A_217 = tpu.memref_slice %arg10[%mul3A_214, %dma_start3A_216] : memref<10000x128xf32, #tpu.memory_space<hbm>> -> memref<80x128xf32, #tpu.memory_space<hbm>>
          %dma_start3A_218 = arith.constant 0 : i32
          %dma_start3A_219 = tpu.memref_slice %arg11[%mul3A_214, %dma_start3A_218] : memref<10000x128xf32, #tpu.memory_space<vmem_shared>> -> memref<80x128xf32, #tpu.memory_space<vmem_shared>>
          tpu.enqueue_dma source(%dma_start3A_219 : memref<80x128xf32, #tpu.memory_space<vmem_shared>>) target(%dma_start3A_217 : memref<80x128xf32, #tpu.memory_space<hbm>>) target_semaphore(%run_scoped3A_215 : memref<!tpu.dma_semaphore, #tpu.memory_space<semaphore_mem>>)
          %dma_wait3A_220 = arith.constant 0 : i32
          %dma_wait3A_221 = tpu.memref_slice %arg10[%mul3A_214, %dma_wait3A_220] : memref<10000x128xf32, #tpu.memory_space<hbm>> -> memref<80x128xf32, #tpu.memory_space<hbm>>
          %dma_wait3A_222 = arith.constant 0 : i32
          %dma_wait3A_223 = tpu.memref_slice %arg11[%mul3A_214, %dma_wait3A_222] : memref<10000x128xf32, #tpu.memory_space<vmem_shared>> -> memref<80x128xf32, #tpu.memory_space<vmem_shared>>
          tpu.wait_dma2 semaphore(%run_scoped3A_215 : memref<!tpu.dma_semaphore, #tpu.memory_space<semaphore_mem>>) src(%dma_wait3A_223 : memref<80x128xf32, #tpu.memory_space<vmem_shared>>) dst(%dma_wait3A_221 : memref<80x128xf32, #tpu.memory_space<hbm>>)
          tpu.yield
        }) : () -> ()
      } else {
      }
    } else {
    }
    return
  }
}

module attributes {stable_mosaic.version = 14 : i64} {
  func.func @_mm2_body(%arg0: i32, %arg1: memref<2000x128xf32, #tpu.memory_space<vmem>>, %arg2: memref<128x128xf32, #tpu.memory_space<vmem>>, %arg3: memref<128x128xf32, #tpu.memory_space<vmem>>, %arg4: memref<2000x128xf32, #tpu.memory_space<vmem>>, %arg5: memref<2000x128xf32, #tpu.memory_space<vmem>>) attributes {dimension_semantics = [#tpu.dimension_semantics<arbitrary>], iteration_bounds = array<i64: 5>, scalar_prefetch = 0 : i64, scratch_operands = 0 : i64, tpu.core_type = #tpu.core_type<tc>, window_params = [{transform_indices = @transform_0, window_bounds = array<i64: 2000, 128>}, {pipeline_mode = #tpu.pipeline_mode<synchronous>, transform_indices = @transform_1, window_bounds = array<i64: 128, 128>}, {pipeline_mode = #tpu.pipeline_mode<synchronous>, transform_indices = @transform_2, window_bounds = array<i64: 128, 128>}, {transform_indices = @transform_3, window_bounds = array<i64: 2000, 128>}, {transform_indices = @transform_4, window_bounds = array<i64: 2000, 128>}]} {
    %get3A = arith.constant 0 : index
    %get3A_0 = arith.constant 0 : index
    %get3A_1 = vector.load %arg1[%get3A, %get3A_0] : memref<2000x128xf32, #tpu.memory_space<vmem>>, vector<2000x128xf32>
    %get3A_2 = arith.constant 0 : index
    %get3A_3 = arith.constant 0 : index
    %get3A_4 = vector.load %arg2[%get3A_2, %get3A_3] : memref<128x128xf32, #tpu.memory_space<vmem>>, vector<128x128xf32>
    %dot_general3A = arith.constant dense<0.000000e+00> : vector<2000x128xf32>
    %dot_general3A_5 = tpu.matmul %get3A_1, %get3A_4, %dot_general3A {dimension_numbers = #tpu.dot_dimension_numbers<[1], [0], [0], [1], [0, 0, 1, 1], [], []>, transpose_lhs_hint = false} : vector<2000x128xf32>, vector<128x128xf32>, vector<2000x128xf32> -> vector<2000x128xf32>
    %swap3A = arith.constant 0 : index
    %swap3A_6 = arith.constant 0 : index
    %swap3A_7 = vector.load %arg4[%swap3A, %swap3A_6] : memref<2000x128xf32, #tpu.memory_space<vmem>>, vector<2000x128xf32>
    tpu.vector_store %arg4[%swap3A, %swap3A_6], %dot_general3A_5 {strides = array<i32>} : memref<2000x128xf32, #tpu.memory_space<vmem>>, vector<2000x128xf32>,
    %get3A_8 = arith.constant 0 : index
    %get3A_9 = arith.constant 0 : index
    %get3A_10 = vector.load %arg1[%get3A_8, %get3A_9] : memref<2000x128xf32, #tpu.memory_space<vmem>>, vector<2000x128xf32>
    %get3A_11 = arith.constant 0 : index
    %get3A_12 = arith.constant 0 : index
    %get3A_13 = vector.load %arg3[%get3A_11, %get3A_12] : memref<128x128xf32, #tpu.memory_space<vmem>>, vector<128x128xf32>
    %dot_general3A_14 = arith.constant dense<0.000000e+00> : vector<2000x128xf32>
    %dot_general3A_15 = tpu.matmul %get3A_10, %get3A_13, %dot_general3A_14 {dimension_numbers = #tpu.dot_dimension_numbers<[1], [0], [0], [1], [0, 0, 1, 1], [], []>, transpose_lhs_hint = false} : vector<2000x128xf32>, vector<128x128xf32>, vector<2000x128xf32> -> vector<2000x128xf32>
    %swap3A_16 = arith.constant 0 : index
    %swap3A_17 = arith.constant 0 : index
    %swap3A_18 = vector.load %arg5[%swap3A_16, %swap3A_17] : memref<2000x128xf32, #tpu.memory_space<vmem>>, vector<2000x128xf32>
    tpu.vector_store %arg5[%swap3A_16, %swap3A_17], %dot_general3A_15 {strides = array<i32>} : memref<2000x128xf32, #tpu.memory_space<vmem>>, vector<2000x128xf32>,
    return
  }
  func.func @transform_0(%arg0: i32) -> (i32, i32) {
    %c0_i32 = arith.constant 0 : i32
    %c0_i32_0 = arith.constant 0 : i32
    return %arg0, %c0_i32 : i32, i32
  }
  func.func @transform_1(%arg0: i32) -> (i32, i32) {
    %c0_i32 = arith.constant 0 : i32
    %c0_i32_0 = arith.constant 0 : i32
    %c0_i32_1 = arith.constant 0 : i32
    return %c0_i32, %c0_i32_0 : i32, i32
  }
  func.func @transform_2(%arg0: i32) -> (i32, i32) {
    %c0_i32 = arith.constant 0 : i32
    %c0_i32_0 = arith.constant 0 : i32
    %c0_i32_1 = arith.constant 0 : i32
    return %c0_i32, %c0_i32_0 : i32, i32
  }
  func.func @transform_3(%arg0: i32) -> (i32, i32) {
    %c0_i32 = arith.constant 0 : i32
    %c0_i32_0 = arith.constant 0 : i32
    return %arg0, %c0_i32 : i32, i32
  }
  func.func @transform_4(%arg0: i32) -> (i32, i32) {
    %c0_i32 = arith.constant 0 : i32
    %c0_i32_0 = arith.constant 0 : i32
    return %arg0, %c0_i32 : i32, i32
  }
}

module attributes {stable_mosaic.version = 14 : i64} {
  func.func @_post_mm2_body(%arg0: i32, %arg1: memref<2000x128xf32, #tpu.memory_space<vmem>>, %arg2: memref<2000x128xf32, #tpu.memory_space<vmem>>, %arg3: memref<1x128xf32, #tpu.memory_space<vmem>>, %arg4: memref<128x128xf32, #tpu.memory_space<vmem>>, %arg5: memref<128x128xf32, #tpu.memory_space<vmem>>, %arg6: memref<2000x128xf32, #tpu.memory_space<vmem>>, %arg7: memref<2000x128xf32, #tpu.memory_space<vmem>>, %arg8: memref<2000x128xf32, #tpu.memory_space<vmem>>) attributes {dimension_semantics = [#tpu.dimension_semantics<arbitrary>], iteration_bounds = array<i64: 5>, scalar_prefetch = 0 : i64, scratch_operands = 0 : i64, tpu.core_type = #tpu.core_type<tc>, window_params = [{transform_indices = @transform_0, window_bounds = array<i64: 2000, 128>}, {transform_indices = @transform_1, window_bounds = array<i64: 2000, 128>}, {pipeline_mode = #tpu.pipeline_mode<synchronous>, transform_indices = @transform_2, window_bounds = array<i64: 1, 128>}, {pipeline_mode = #tpu.pipeline_mode<synchronous>, transform_indices = @transform_3, window_bounds = array<i64: 128, 128>}, {pipeline_mode = #tpu.pipeline_mode<synchronous>, transform_indices = @transform_4, window_bounds = array<i64: 128, 128>}, {transform_indices = @transform_5, window_bounds = array<i64: 2000, 128>}, {transform_indices = @transform_6, window_bounds = array<i64: 2000, 128>}, {transform_indices = @transform_7, window_bounds = array<i64: 2000, 128>}]} {
    %get3A = arith.constant 0 : index
    %get3A_0 = arith.constant 0 : index
    %get3A_1 = vector.load %arg1[%get3A, %get3A_0] : memref<2000x128xf32, #tpu.memory_space<vmem>>, vector<2000x128xf32>
    %get3A_2 = arith.constant 0 : index
    %get3A_3 = arith.constant 0 : index
    %get3A_4 = vector.load %arg2[%get3A_2, %get3A_3] : memref<2000x128xf32, #tpu.memory_space<vmem>>, vector<2000x128xf32>
    %add3A = arith.addf %get3A_1, %get3A_4 : vector<2000x128xf32>
    %get3A_5 = arith.constant 0 : index
    %get3A_6 = arith.constant 0 : index
    %get3A_7 = vector.load %arg3[%get3A_5, %get3A_6] : memref<1x128xf32, #tpu.memory_space<vmem>>, vector<1x128xf32>
    %add3A_8 = vector.broadcast %get3A_7 : vector<1x128xf32> to vector<2000x128xf32>
    %add3A_9 = arith.addf %add3A, %add3A_8 : vector<2000x128xf32>
    %max3A = arith.constant 0.000000e+00 : f32
    %max3A_10 = vector.broadcast %max3A : f32 to vector<2000x128xf32>
    %max3A_11 = arith.maximumf %add3A_9, %max3A_10 : vector<2000x128xf32>
    %swap3A = arith.constant 0 : index
    %swap3A_12 = arith.constant 0 : index
    %swap3A_13 = vector.load %arg6[%swap3A, %swap3A_12] : memref<2000x128xf32, #tpu.memory_space<vmem>>, vector<2000x128xf32>
    tpu.vector_store %arg6[%swap3A, %swap3A_12], %max3A_11 {strides = array<i32>} : memref<2000x128xf32, #tpu.memory_space<vmem>>, vector<2000x128xf32>,
    %get3A_14 = arith.constant 0 : index
    %get3A_15 = arith.constant 0 : index
    %get3A_16 = vector.load %arg4[%get3A_14, %get3A_15] : memref<128x128xf32, #tpu.memory_space<vmem>>, vector<128x128xf32>
    %dot_general3A = arith.constant dense<0.000000e+00> : vector<2000x128xf32>
    %dot_general3A_17 = tpu.matmul %max3A_11, %get3A_16, %dot_general3A {dimension_numbers = #tpu.dot_dimension_numbers<[1], [0], [0], [1], [0, 0, 1, 1], [], []>, transpose_lhs_hint = false} : vector<2000x128xf32>, vector<128x128xf32>, vector<2000x128xf32> -> vector<2000x128xf32>
    %swap3A_18 = arith.constant 0 : index
    %swap3A_19 = arith.constant 0 : index
    %swap3A_20 = vector.load %arg7[%swap3A_18, %swap3A_19] : memref<2000x128xf32, #tpu.memory_space<vmem>>, vector<2000x128xf32>
    tpu.vector_store %arg7[%swap3A_18, %swap3A_19], %dot_general3A_17 {strides = array<i32>} : memref<2000x128xf32, #tpu.memory_space<vmem>>, vector<2000x128xf32>,
    %get3A_21 = arith.constant 0 : index
    %get3A_22 = arith.constant 0 : index
    %get3A_23 = vector.load %arg5[%get3A_21, %get3A_22] : memref<128x128xf32, #tpu.memory_space<vmem>>, vector<128x128xf32>
    %dot_general3A_24 = arith.constant dense<0.000000e+00> : vector<2000x128xf32>
    %dot_general3A_25 = tpu.matmul %max3A_11, %get3A_23, %dot_general3A_24 {dimension_numbers = #tpu.dot_dimension_numbers<[1], [0], [0], [1], [0, 0, 1, 1], [], []>, transpose_lhs_hint = false} : vector<2000x128xf32>, vector<128x128xf32>, vector<2000x128xf32> -> vector<2000x128xf32>
    %swap3A_26 = arith.constant 0 : index
    %swap3A_27 = arith.constant 0 : index
    %swap3A_28 = vector.load %arg8[%swap3A_26, %swap3A_27] : memref<2000x128xf32, #tpu.memory_space<vmem>>, vector<2000x128xf32>
    tpu.vector_store %arg8[%swap3A_26, %swap3A_27], %dot_general3A_25 {strides = array<i32>} : memref<2000x128xf32, #tpu.memory_space<vmem>>, vector<2000x128xf32>,
    return
  }
  func.func @transform_0(%arg0: i32) -> (i32, i32) {
    %c0_i32 = arith.constant 0 : i32
    %c0_i32_0 = arith.constant 0 : i32
    return %arg0, %c0_i32 : i32, i32
  }
  func.func @transform_1(%arg0: i32) -> (i32, i32) {
    %c0_i32 = arith.constant 0 : i32
    %c0_i32_0 = arith.constant 0 : i32
    return %arg0, %c0_i32 : i32, i32
  }
  func.func @transform_2(%arg0: i32) -> (i32, i32) {
    %c0_i32 = arith.constant 0 : i32
    %c0_i32_0 = arith.constant 0 : i32
    %c0_i32_1 = arith.constant 0 : i32
    return %c0_i32, %c0_i32_0 : i32, i32
  }
  func.func @transform_3(%arg0: i32) -> (i32, i32) {
    %c0_i32 = arith.constant 0 : i32
    %c0_i32_0 = arith.constant 0 : i32
    %c0_i32_1 = arith.constant 0 : i32
    return %c0_i32, %c0_i32_0 : i32, i32
  }
  func.func @transform_4(%arg0: i32) -> (i32, i32) {
    %c0_i32 = arith.constant 0 : i32
    %c0_i32_0 = arith.constant 0 : i32
    %c0_i32_1 = arith.constant 0 : i32
    return %c0_i32, %c0_i32_0 : i32, i32
  }
  func.func @transform_5(%arg0: i32) -> (i32, i32) {
    %c0_i32 = arith.constant 0 : i32
    %c0_i32_0 = arith.constant 0 : i32
    return %arg0, %c0_i32 : i32, i32
  }
  func.func @transform_6(%arg0: i32) -> (i32, i32) {
    %c0_i32 = arith.constant 0 : i32
    %c0_i32_0 = arith.constant 0 : i32
    return %arg0, %c0_i32 : i32, i32
  }
  func.func @transform_7(%arg0: i32) -> (i32, i32) {
    %c0_i32 = arith.constant 0 : i32
    %c0_i32_0 = arith.constant 0 : i32
    return %arg0, %c0_i32 : i32, i32
  }
}

module attributes {stable_mosaic.version = 14 : i64} {
  func.func @_post_body(%arg0: i32, %arg1: memref<2000x128xf32, #tpu.memory_space<vmem>>, %arg2: memref<2000x128xf32, #tpu.memory_space<vmem>>, %arg3: memref<1x128xf32, #tpu.memory_space<vmem>>, %arg4: memref<2000x128xf32, #tpu.memory_space<vmem>>) attributes {dimension_semantics = [#tpu.dimension_semantics<arbitrary>], iteration_bounds = array<i64: 5>, scalar_prefetch = 0 : i64, scratch_operands = 0 : i64, tpu.core_type = #tpu.core_type<tc>, window_params = [{transform_indices = @transform_0, window_bounds = array<i64: 2000, 128>}, {transform_indices = @transform_1, window_bounds = array<i64: 2000, 128>}, {pipeline_mode = #tpu.pipeline_mode<synchronous>, transform_indices = @transform_2, window_bounds = array<i64: 1, 128>}, {transform_indices = @transform_3, window_bounds = array<i64: 2000, 128>}]} {
    %get3A = arith.constant 0 : index
    %get3A_0 = arith.constant 0 : index
    %get3A_1 = vector.load %arg1[%get3A, %get3A_0] : memref<2000x128xf32, #tpu.memory_space<vmem>>, vector<2000x128xf32>
    %get3A_2 = arith.constant 0 : index
    %get3A_3 = arith.constant 0 : index
    %get3A_4 = vector.load %arg2[%get3A_2, %get3A_3] : memref<2000x128xf32, #tpu.memory_space<vmem>>, vector<2000x128xf32>
    %add3A = arith.addf %get3A_1, %get3A_4 : vector<2000x128xf32>
    %get3A_5 = arith.constant 0 : index
    %get3A_6 = arith.constant 0 : index
    %get3A_7 = vector.load %arg3[%get3A_5, %get3A_6] : memref<1x128xf32, #tpu.memory_space<vmem>>, vector<1x128xf32>
    %add3A_8 = vector.broadcast %get3A_7 : vector<1x128xf32> to vector<2000x128xf32>
    %add3A_9 = arith.addf %add3A, %add3A_8 : vector<2000x128xf32>
    %max3A = arith.constant 0.000000e+00 : f32
    %max3A_10 = vector.broadcast %max3A : f32 to vector<2000x128xf32>
    %max3A_11 = arith.maximumf %add3A_9, %max3A_10 : vector<2000x128xf32>
    %swap3A = arith.constant 0 : index
    %swap3A_12 = arith.constant 0 : index
    %swap3A_13 = vector.load %arg4[%swap3A, %swap3A_12] : memref<2000x128xf32, #tpu.memory_space<vmem>>, vector<2000x128xf32>
    tpu.vector_store %arg4[%swap3A, %swap3A_12], %max3A_11 {strides = array<i32>} : memref<2000x128xf32, #tpu.memory_space<vmem>>, vector<2000x128xf32>,
    return
  }
  func.func @transform_0(%arg0: i32) -> (i32, i32) {
    %c0_i32 = arith.constant 0 : i32
    %c0_i32_0 = arith.constant 0 : i32
    return %arg0, %c0_i32 : i32, i32
  }
  func.func @transform_1(%arg0: i32) -> (i32, i32) {
    %c0_i32 = arith.constant 0 : i32
    %c0_i32_0 = arith.constant 0 : i32
    return %arg0, %c0_i32 : i32, i32
  }
  func.func @transform_2(%arg0: i32) -> (i32, i32) {
    %c0_i32 = arith.constant 0 : i32
    %c0_i32_0 = arith.constant 0 : i32
    %c0_i32_1 = arith.constant 0 : i32
    return %c0_i32, %c0_i32_0 : i32, i32
  }
  func.func @transform_3(%arg0: i32) -> (i32, i32) {
    %c0_i32 = arith.constant 0 : i32
    %c0_i32_0 = arith.constant 0 : i32
    return %arg0, %c0_i32 : i32, i32
  }
}

</mosaic_0001>

<sc_bundles>
// kernel: kernel.10.cloned.1.call-start
scs
__scs_entry_jumppad:
0x0: {  	(pc) =	sbr.rel $0x88, $3  }
0x1: {  	(tag) =	ssettag $0x0;
	lr =	simm.s32 $0x1  }
0x2: {  	[smem:$0x3F91] =	sst lr;
	_ =	strace $0xD0000000  }
0x3: {  	_ = 	snop  }
0x4: {  	_ = 	snop  }
0x5: {  	_ = 	snop  }
0x6: {  	_ = 	snop  }
0x7: {  	_ = 	snop  }
__scs_overlays_trampoline_lowered:
0x8: {  	[smem:$0x3FA0] =	sst s0  }
0x9: {  	[smem:$0x3FA1] =	sst s1  }
0xa: {  	[smem:$0x3FA2] =	sst s2  }
0xb: {  	[smem:$0x3FA3] =	sst s3  }
0xc: {  	[smem:$0x3FA4] =	sst s4  }
0xd: {  	[smem:$0x3FA5] =	sst s5  }
0xe: {  	[smem:$0x3FA6] =	sst s6  }
0xf: {  	[smem:$0x3FA7] =	sst s7  }
0x10: {  	[smem:$0x3FA8] =	sst s8  }
0x11: {  	[smem:$0x3FA9] =	sst s9;
	s0 =	simm.s32 @!p0 $0x0  }
0x12: {  	s1 =	sld [smem:$0x3F8F];
	s0 =	simm.s32 @p0 $0x1  }
0x13: {  	[smem:$0x3FAA] =	sst s0;
	s0 =	simm.s32 @!p1 $0x0  }
0x14: {  	s2 =	sld [smem:$0x3F8E];
	s0 =	simm.s32 @p1 $0x1  }
0x15: {  	[smem:$0x3FAB] =	sst s0;
	s0 =	simm.s32 @!p2 $0x0  }
0x16: {  	s3 =	sld [smem:$0x3FDB];
	s0 =	simm.s32 @p2 $0x1  }
0x17: {  	s4 =	simm.s32 $0x1BF5;
	[smem:$0x3FAD] =	sst s0  }
0x18: {  	s0 =	sld [smem:$0x3F90];
	_ =	swait.ge [sflag:s4], $0x0  }
0x19: {  	s7 =	sld [smem:$0x3F91]  }
0x1a: {  	s8 =	sadd.s32 $0xFFFFE003, lr  }
0x1b: {  	s9 =	sadd.s32 $0xFFFFFEF7, lr;
	s5 =	simm.s32 $0xFFFFFFFF;
	p2 =	slt.u32 s8, $0xFFFFF086  }
0x1c: {  	p1 =	slt.u32 s9, $0xF7A;
	s5 =	simm.s32 @!p2 $0x0  }
0x1d: {  	s5 =	simm.s32 @p1 $0x1;
	p0 =	seq.s32 s7, s2  }
0x1e: {  	s7 =	smul.u32 @!p0 $0xF7A, s2;
	p2 =	seq.s32 @!p0 s5, $0x0  }
0x1f: {  	s9 =	smul.u32 $0xF7A, s1;
	s8 =	simm.s32 @!p0 $0x1BF5;
	p2 =	por !p2, p0  }
0x20: {  	[sflag:s8] =	ssyncset.s32 @!p0 $0xFFFFF086;
	s6 =	sadd.s32 @!p0 s3, s7;
	s7 =	simm.s32 @!p0 $0x108  }
0x21: {  	s3 =	sadd.s32 s3, s9;
	s6 =	sadd.s32 @!p0 $0x88, s6;
	s7 =	simm.s32 @p2 $0x1082  }
0x22: {  	[simem:s7], [sflag:s8] =	dma.local @!p0 [hbm:s6], $0xF7A  }
0x23: {  	s9 =	sor.u32 $0xD0000000, s2;
	s6 =	simm.s32 $0x108;
	_ =	swait.ge @!p0 [sflag:s8], $0x0  }
0x24: {  	s3 =	sadd.s32 $0x88, s3;
	s6 =	simm.s32 @!p1 $0x1082;
	[sflag:s4] =	ssyncset.s32 $0xFFFFF086  }
0x25: {  	[simem:s6], [sflag:s4] =	dma.local [hbm:s3], $0xF7A  }
0x26: {  	[smem:$0x3F91] =	sst s1;
	(tag) =	ssettag s2;
	_ =	strace s9  }
0x27: {  	s1 =	sld [smem:$0x3FA1]  }
0x28: {  	s2 =	sld [smem:$0x3FA2]  }
0x29: {  	s4 =	sld [smem:$0x3FA4]  }
0x2a: {  	p0 =	seq.s32 s5, $0x0;
	s5 =	sld [smem:$0x3FA5]  }
0x2b: {  	s6 =	sld [smem:$0x3FA6]  }
0x2c: {  	s7 =	sld [smem:$0x3FA7]  }
0x2d: {  	s3 =	simm.s32 $0x108;
	s8 =	sld [smem:$0x3FA8]  }
0x2e: {  	s3 =	simm.s32 @!p0 $0x1082;
	s9 =	sld [smem:$0x3FA9]  }
0x2f: {  	lr =	sadd.s32 s0, s3;
	s0 =	sld [smem:$0x3FA0]  }
0x30: {  	s3 =	sld [smem:$0x3FA3]  }
0x31: {  	[smem:$0x3FAC] =	sst s10  }
0x32: {  	s10 =	sld [smem:$0x3FAA];
	_ =	sdelay $0x3  }
0x33: {  	p0 =	seq.s32 s10, $0x1;
	s10 =	sld [smem:$0x3FAC];
	_ =	sdelay $0x3  }
0x34: {  	[smem:$0x3FAC] =	sst s10  }
0x35: {  	s10 =	sld [smem:$0x3FAB];
	_ =	sdelay $0x3  }
0x36: {  	p1 =	seq.s32 s10, $0x1;
	s10 =	sld [smem:$0x3FAC];
	_ =	sdelay $0x3  }
0x37: {  	[smem:$0x3FAC] =	sst s10  }
0x38: {  	s10 =	sld [smem:$0x3FAD]  }
0x39: {  	_ = 	snop;
	(pc) =	sbr.ind lr, $3  }
0x3a: {  	_ = 	snop  }
0x3b: {  	_ = 	snop  }
0x3c: {  	p2 =	seq.s32 s10, $0x1;
	s10 =	sld [smem:$0x3FAC]  }
0x3d: {  	_ =	shalt  }
0x3e: {  	_ =	shalt  }
0x3f: {  	_ =	shalt  }
0x40: {  	_ =	shalt  }
0x41: {  	_ =	shalt  }
0x42: {  	_ =	shalt  }
0x43: {  	_ =	shalt  }
0x44: {  	_ =	shalt  }
0x45: {  	_ =	shalt  }
0x46: {  	_ =	shalt  }
0x47: {  	_ =	shalt  }
0x48: {  	_ =	shalt  }
0x49: {  	_ =	shalt  }
0x4a: {  	_ =	shalt  }
0x4b: {  	_ =	shalt  }
0x4c: {  	_ =	shalt  }
0x4d: {  	_ =	shalt  }
0x4e: {  	_ =	shalt  }
0x4f: {  	_ =	shalt  }
0x50: {  	_ =	shalt  }
0x51: {  	_ =	shalt  }
0x52: {  	_ =	shalt  }
0x53: {  	_ =	shalt  }
0x54: {  	_ =	shalt  }
0x55: {  	_ =	shalt  }
0x56: {  	_ =	shalt  }
0x57: {  	_ =	shalt  }
0x58: {  	_ =	shalt  }
0x59: {  	_ =	shalt  }
0x5a: {  	_ =	shalt  }
0x5b: {  	_ =	shalt  }
0x5c: {  	_ =	shalt  }
0x5d: {  	_ =	shalt  }
0x5e: {  	_ =	shalt  }
0x5f: {  	_ =	shalt  }
0x60: {  	_ =	shalt  }
0x61: {  	_ =	shalt  }
0x62: {  	_ =	shalt  }
0x63: {  	_ =	shalt  }
0x64: {  	_ =	shalt  }
0x65: {  	_ =	shalt  }
0x66: {  	_ =	shalt  }
0x67: {  	_ =	shalt  }
0x68: {  	_ =	shalt  }
0x69: {  	_ =	shalt  }
0x6a: {  	_ =	shalt  }
0x6b: {  	_ =	shalt  }
0x6c: {  	_ =	shalt  }
0x6d: {  	_ =	shalt  }
0x6e: {  	_ =	shalt  }
0x6f: {  	_ =	shalt  }
0x70: {  	_ =	shalt  }
0x71: {  	_ =	shalt  }
0x72: {  	_ =	shalt  }
0x73: {  	_ =	shalt  }
0x74: {  	_ =	shalt  }
0x75: {  	_ =	shalt  }
0x76: {  	_ =	shalt  }
0x77: {  	_ =	shalt  }
0x78: {  	_ =	shalt  }
0x79: {  	_ =	shalt  }
0x7a: {  	_ =	shalt  }
0x7b: {  	_ =	shalt  }
0x7c: {  	_ =	shalt  }
0x7d: {  	_ =	shalt  }
0x7e: {  	_ =	shalt  }
0x7f: {  	_ =	shalt  }
0x80: {  	_ =	shalt  }
0x81: {  	_ =	shalt  }
0x82: {  	_ =	shalt  }
0x83: {  	_ =	shalt  }
0x84: {  	_ =	shalt  }
0x85: {  	_ =	shalt  }
0x86: {  	_ =	shalt  }
0x87: {  	_ =	shalt  }
.Lfunc_end0:
.L_simem_size_0:
called_computation_lowered:
.L_overlay_start_0:
0x88: {  	s2 =	sld [smem:$0x3FD9]  }
0x89: {  	s3 =	sld [smem:$0x3FFE];
	_ =	sdelay $0x1  }
0x8a: {  	s1 =	srdreg.scid  }
0x8b: {  	s0 =	sand.u32 $0x1, s1  }
0x8c: {  	s14 =	sshll.u32 s0, $0xA;
	s2 =	sadd.s32 s3, s2  }
0x8d: {  	s2 =	sadd.s32 s2, s14  }
0x8e: {  	[smem:$0x3FB8] =	sst s2  }
0x8f: {  	_ = 	snop  }
0x90: {  	s2 =	sld [smem:$0x3FD0];
	_ =	sdelay $0x2  }
0x91: {  	s15 =	simm.s32 $0xA;
	s4 =	simm.s32 $0x10  }
0x92: {  	[smem:s4], [sflag:s15] =	dma.local [hbm:s2], $0x1  }
0x93: {  	_ =	swait.eq [sflag:s15], $0x1  }
0x94: {  	s16 =	sld [smem:$0x10];
	[sflag:s15] =	ssyncset.done $0x0  }
0x95: {  	s17 =	sld [smem:$0x11];
	[sflag:s15] =	ssyncadd.s32 $0xFFFFFFFF  }
0x96: {  	s18 =	sld [smem:$0x12];
	(tm) =	ssettm $0x1  }
0x97: {  	s5 =	sld [smem:$0x3FFB];
	_ =	sdelay $0x3  }
0x98: {  	_ =	strace s5  }
0x99: {  	s5 =	sld [smem:$0x3FFC];
	_ =	sdelay $0x3  }
0x9a: {  	_ =	strace s5  }
0x9b: {  	s5 =	sld [smem:$0x3FFD];
	_ =	sdelay $0x3  }
0x9c: {  	_ =	strace s5  }
0x9d: {  	_ =	strace $0x8FFFFFFF  }
0x9e: {  	s19 =	sld [smem:$0x3FDB];
	_ =	sdelay $0x1  }
0x9f: {  	s6 =	simm.s32 $_scs_section_size  }
0xa0: {  	s7 =	simm.s32 $_size__tile_overlayer_lowered;
	s8 =	simm.s32 $_tile_overlayer_lowered  }
0xa1: {  	s22 =	simm.s32 $0x1BFF;
	s21 =	sshll.u32 s8, $0x1;
	s5 =	sadd.s32 s6, s19  }
0xa2: {  	s9 =	simm.s32 $0x0;
	s20 =	sshll.u32 s7, $0x1;
	s7 =	sadd.s32 s21, s5  }
0xa3: {  	[timem:s9], [sflag:s22] =	dma.local [hbm:s7], s20  }
0xa4: {  	_ =	swait.ge [sflag:s22], s20  }
0xa5: {  	s6 =	ssub.s32 $0x0, s20;
	[sflag:s22] =	ssyncset.done $0x0  }
0xa6: {  	[sflag:s22] =	ssyncadd.s32 s6;
	_ =	sdelay $0x1  }
0xa7: {  	s23 =	simm.s32 $0x1B8B  }
0xa8: {  	_ =	swait.ge [sflag:s23], $0x1  }
0xa9: {  	[sflag:s23] =	ssyncset.done $0x0  }
0xaa: {  	s25 =	simm.s32 $0x1B8E;
	s24 =	sld [smem:$0x3FFE];
	[sflag:s23] =	ssyncadd.s32 $0xFFFFFFFF  }
0xab: {  	s26 =	simm.s32 $execute0_lowered;
	[smem:$0x3FD2] =	sst s25  }
0xac: {  	s7 =	sshll.u32 s26, $0x1;
	_ =	strace $0x80000046;
	[dreg:$0x1] =	wrdreg $0xFFFFFFFF  }
0xad: {  	s28 =	simm.s32 $_size_execute0_lowered;
	s5 =	sadd.s32 s5, s7;
	[dreg:$0x0] =	wrdreg $0x0  }
0xae: {  	s7 =	sshll.u32 s28, $0x1;
	[dreg:$0x2] =	wrdreg s5  }
0xaf: {  	[dreg:$0x3] =	wrdreg s7  }
0xb0: {  	[dreg:$0x4] =	wrdreg $0xC0  }
0xb1: {  	_ =	task [dreg:s9], $0x5FFFF  }
0xb2: {  	[dreg:$0x1] =	wrdreg $0xFFFFFFFF  }
0xb3: {  	[dreg:$0x0] =	wrdreg $0x60  }
0xb4: {  	[dreg:$0x2] =	wrdreg s18  }
0xb5: {  	[dreg:$0x3] =	wrdreg s17  }
0xb6: {  	[dreg:$0x4] =	wrdreg s24  }
0xb7: {  	[dreg:$0x5] =	wrdreg s16  }
0xb8: {  	[dreg:$0x6] =	wrdreg $0x0  }
0xb9: {  	[dreg:$0x7] =	wrdreg $0x9  }
0xba: {  	_ =	task.clear_ibuf [dreg:s9], $0x8FFFF;
	_ =	strace $0x90000046  }
0xbb: {  	s29 =	simm.s32 $0x9;
	_ =	strace $0x80000048  }
0xbc: {  	_ =	swait.ge [sflag:s29], $0x1  }
0xbd: {  	[sflag:s29] =	ssyncadd.s32 $0xFFFFFFFF  }
0xbe: {  	_ =	strace $0x90000048  }
0xbf: {  	_ =	sfence  }
0xc0: {  	s30 =	sld [smem:$0x0];
	_ =	sdelay $0x2  }
0xc1: {  	s31 =	sshll.u32 s1, $0xD;
	s1 =	sshrl.u32 s1, $0x2  }
0xc2: {  	s3 =	sand.u32 $0x4000, s31;
	s1 =	sadd.s32 s1, s30  }
0xc3: {  	s0 =	sor.u32 s3, s0;
	s1 =	sshll.u32 s1, $0x11  }
0xc4: {  	s0 =	sor.u32 s1, s0  }
0xc5: {  	s0 =	sadd.s32 $0x8F2B, s0  }
0xc6: {  	[sflag:s0] =	ssyncadd.remote.s32 $0x1  }
0xc7: {  	_ =	sfence.sel $0xFFFF  }
0xc8: {  	[dreg:$0x0] =	wrdreg $0xFFFFFFFF;
	(pc) =	sbr.abs _section_cstart, $3  }
0xc9: {  	[dreg:$0x1] =	wrdreg $0xFFFFFFFF  }
0xca: {  	_ =	task.clear_ibuf [dreg:s9], $0x2FFFF;
	_ =	strace $0x9FFFFFFF  }
0xcb: {  	(tm) =	ssettm $0x7FFFFFFF  }
tec
execute0_lowered:
.L_overlay_start_1:
0x0: {  	(tag) =	ssettag $0x1  }
0x1: {  	s1 =	rddreg [dreg:$0x0]  }
0x2: {  	s3 =	rddreg [dreg:$0x1]  }
0x3: {  	s2 =	rddreg [dreg:$0x2]  }
0x4: {  	s21 =	rddreg [dreg:$0x3]  }
0x5: {  	s5 =	rddreg [dreg:$0x4];
	s20 =	stileid.u32  }
0x6: {  	s6 =	simm.s32 $0x0;
	s25 =	srdreg.scid;
	s31 =	simm.s32 $0x5  }
0x7: {  	s28 =	simm.s32 $0x0;
	s0 =	smul.u32 $0x3E80, s20;
	[smem:$0x7FF] =	sst s6  }
0x8: {  	s4 =	sadd.s32 $0x4E00, s2;
	s9 =	sadd.s32 $0x14A00, s2;
	s11 =	smul.u32 $0xA000, s20  }
0x9: {  	s10 =	sand.u32 $0x1, s25;
	s12 =	sor.u32 $0x10, s20;
	s15 =	smul.u32 $0x7D0, s20  }
0xa: {  	s17 =	sor.u32 $0x20, s20;
	s19 =	sor.u32 $0x30, s20;
	s16 =	smul.u32 $0xA000, s12  }
0xb: {  	_ =	strace $0x80000047;
	s18 =	smul.u32 $0xA000, s17;
	p0 =	seq.s32 s10, $0x1  }
0xc: {  	s12 =	smul.u32 $0x500, s12;
	s7 =	sshrl.u32 s0, $0x3;
	s0 =	ssub.s32 $0x2, s10  }
0xd: {  	s10 =	smul.u32 $0xA000, s19;
	s25 =	sshrl.u32 s11, $0x2;
	s8 =	sadd.s32 s7, s2  }
0xe: {  	s13 =	sshrl.u32 s0, $0x1;
	s26 =	sadd.s32 s4, s7;
	s29 =	sadd.s32 $0x10, s7  }
0xf: {  	s30 =	sadd.s32 $0x7C0, s7;
	s7 =	sadd.s32 s9, s7;
	s18 =	sshrl.u32 s18, $0x2  }
0x10: {  	s0 =	ssub.s32 s0, s13;
	[dreg:$0x6] =	wrdreg s26;
	s14 =	sadd.s32 s4, s29  }
0x11: {  	[dreg:$0x8] =	wrdreg s7;
	s22 =	sadd.s32 s9, s29;
	s23 =	sadd.s32 s4, s30  }
0x12: {  	s24 =	sadd.s32 s9, s30;
	s13 =	sadd.s32 s15, s4;
	[dreg:$0x7] =	wrdreg s14  }
0x13: {  	s7 =	smul.u32 $0x500, s19;
	s26 =	sor.u32 $0x40, s20;
	[dreg:$0x9] =	wrdreg s22  }
0x14: {  	s4 =	sadd.s32 s25, s5;
	s29 =	sshrl.u32 s16, $0x2;
	[dreg:$0xa] =	wrdreg s23  }
0x15: {  	s19 =	sor.u32 $0x50, s20;
	s10 =	sshrl.u32 s10, $0x2;
	[dreg:$0xb] =	wrdreg s24  }
0x16: {  	s14 =	sadd.s32 s15, s9;
	s15 =	sadd.s32 $0x24600, s2;
	s22 =	sadd.s32 $0x24C00, s2  }
0x17: {  	s2 =	smul.u32 $0x500, s17;
	[dreg:$0xd] =	wrdreg s4;
	s4 =	sadd.s32 s29, s5  }
0x18: {  	s30 =	smul.u32 $0xA000, s26;
	s23 =	sadd.s32 s18, s5;
	[dreg:$0xe] =	wrdreg s4  }
0x19: {  	s9 =	smul.u32 $0x500, s26;
	s10 =	sadd.s32 s10, s5;
	[dreg:$0xf] =	wrdreg s23  }
0x1a: {  	s25 =	sor.u32 $0x60, s20;
	s24 =	smul.u32 $0xA000, s19;
	[dreg:$0x10] =	wrdreg s10  }
0x1b: {  	s16 =	smul.u32 $0x500, s19;
	s0 =	smax.u32 s0, $0x1;
	[dreg:$0xc] =	wrdreg s22  }
0x1c: {  	s26 =	smul.u32 $0xA000, s25;
	s17 =	sadd.s32 s22, s7;
	[smem:$0x7FD] =	sst s0  }
0x1d: {  	s29 =	sor.u32 $0x70, s20;
	s18 =	sadd.s32 s21, s7;
	[dreg:$0x1d] =	wrdreg s17  }
0x1e: {  	s10 =	sshrl.u32 s26, $0x2;
	s26 =	sadd.s32 $0xCC00, s8;
	[dreg:$0x1e] =	wrdreg s18  }
0x1f: {  	s11 =	sshrl.u32 s30, $0x2;
	s8 =	sadd.s32 $0x1C800, s8;
	[dreg:$0x15] =	wrdreg s26  }
0x20: {  	s4 =	sshrl.u32 s24, $0x2;
	s11 =	sadd.s32 s11, s5;
	[dreg:$0x16] =	wrdreg s8  }
0x21: {  	s23 =	smul.u32 $0x500, s20;
	s4 =	sadd.s32 s4, s5;
	[dreg:$0x11] =	wrdreg s11  }
0x22: {  	s30 =	smul.u32 $0xA000, s29;
	s10 =	sadd.s32 s10, s5;
	[dreg:$0x12] =	wrdreg s4  }
0x23: {  	s26 =	sadd.s32 s21, s16;
	s4 =	smul.u32 $0x500, s25;
	[dreg:$0x13] =	wrdreg s10  }
0x24: {  	s25 =	smul.u32 $0x500, s29;
	s29 =	sadd.s32 s22, s23;
	[smem:$0x7FA] =	sst s26  }
0x25: {  	s19 =	sshrl.u32 s30, $0x2;
	s30 =	sadd.s32 s21, s23;
	[dreg:$0x17] =	wrdreg s29  }
0x26: {  	p1 =	sgt.u32 s20, $0xC;
	s10 =	sadd.s32 s22, s12;
	[dreg:$0x18] =	wrdreg s30  }
0x27: {  	p2 =	slt.u32 s20, $0xD;
	s11 =	sadd.s32 s21, s12;
	[dreg:$0x19] =	wrdreg s10  }
0x28: {  	s0 =	simm.s32 $0x17700;
	s12 =	sadd.s32 s22, s2;
	[dreg:$0x1a] =	wrdreg s11  }
0x29: {  	s7 =	simm.s32 $0x17B00;
	s2 =	sadd.s32 s21, s2;
	[dreg:$0x1b] =	wrdreg s12  }
0x2a: {  	s8 =	simm.s32 $0x17780;
	s23 =	sadd.s32 s21, s9;
	[dreg:$0x1c] =	wrdreg s2  }
0x2b: {  	s24 =	sadd.s32 s19, s5;
	s19 =	sadd.s32 s22, s9;
	[smem:$0x7F8] =	sst s23  }
.Ltmp0:
0x2c: {  	s10 =	simm.s32 $0x1BB00;
	[dreg:$0x14] =	wrdreg s25;
	(pc) =	sbr.rel .LBB2_1-.Ltmp0, $4  }
0x2d: {  	s9 =	simm.s32 $0x3;
	[dreg:$0x1f] =	wrdreg s19;
	s25 =	sadd.s32 s22, s16  }
0x2e: {  	s11 =	simm.s32 $0x1;
	s29 =	sadd.s32 s22, s4;
	[smem:$0x7F9] =	sst s25  }
0x2f: {  	s12 =	simm.s32 $0x4;
	s30 =	sadd.s32 s21, s4;
	[smem:$0x7FB] =	sst s29  }
0x30: {  	s4 =	simm.s32 $0x80;
	[smem:$0x7FC] =	sst s30;
	s25 =	simm.s32 $0x2  }
.LBB2_8:
0x31: {  	s16 =	rddreg [dreg:$0x14]  }
0x32: {  	s30 =	sshrl.u32 s24, $0x3;
	s2 =	sadd.s32 s2, s16  }
0x33: {  	[hbm:s2], [sflag:s26] =	dma.local [spmem:s30], $0x500  }
0x34: {  	_ =	swait.ge [sflag:s31], $0x500  }
0x35: {  	[sflag:s31] =	ssyncset.done $0x0  }
0x36: {  	[sflag:s31] =	ssyncadd.s32 $0xFFFFFB00  }
.LBB2_9:
0x37: {  	s2 =	sld [smem:$0x7FD];
	_ =	sdelay $0x1  }
0x38: {  	s28 =	sadd.s32 $0x1, s28  }
0x39: {  	p3 =	sne.s32 s28, s2  }
.Ltmp1:
0x3a: {  	_ = 	snop;
	(pc) =	sbr.rel @!p3 .LBB2_10-.Ltmp1, $1  }
0x3b: {  	_ =	sdelay $0x3  }
.LBB2_1:
.Ltmp2:
0x3c: {  	(pc) =	sbr.rel @!p0 .LBB2_2-.Ltmp2, $2  }
0x3d: {  	_ =	sdelay $0x2  }
0x3e: {  	s22 =	sshrl.u32 @!p1 s24, $0x3  }
0x3f: {  	s2 =	rddreg [dreg:$0x16];
	s23 =	simm.s32 $0x13880  }
0x40: {  	[tilespmem:s23], [sflag:$0x5] =	stream.linear.gather [hbm4b:s2+s6], $0x3E80, $0x38;
	[tilespmem:$0x1FB00] =	vst v63  }
0x41: {  	s20 =	stileid.u32;
	_ =	swait.ge [sflag:s31], $0x3E80  }
0x42: {  	s2 =	sshll.u32 s20, $0x6;
	[sflag:s31] =	ssyncset.done $0x0;
	s21 =	rddreg [dreg:$0xd]  }
0x43: {  	s26 =	sor.u32 $0x1C05, s2;
	[sflag:s31] =	ssyncadd.s32 $0xFFFFC180;
	s2 =	sshrl.u32 s21, $0x3  }
0x44: {  	[spmem:s2], [sflag:s26] =	dma.local [hbm:s15], $0x500  }
0x45: {  	_ =	swait.ge [sflag:s31], $0x500  }
0x46: {  	[sflag:s31] =	ssyncset.done $0x0;
	s16 =	rddreg [dreg:$0xe]  }
0x47: {  	[sflag:s31] =	ssyncadd.s32 $0xFFFFFB00;
	s16 =	sshrl.u32 s16, $0x3  }
0x48: {  	[spmem:s16], [sflag:s26] =	dma.local [hbm:s15], $0x500  }
0x49: {  	_ =	swait.ge [sflag:s31], $0x500  }
0x4a: {  	[sflag:s31] =	ssyncset.done $0x0;
	s17 =	rddreg [dreg:$0xf]  }
0x4b: {  	[sflag:s31] =	ssyncadd.s32 $0xFFFFFB00;
	s17 =	sshrl.u32 s17, $0x3  }
0x4c: {  	[spmem:s17], [sflag:s26] =	dma.local [hbm:s15], $0x500  }
0x4d: {  	_ =	swait.ge [sflag:s31], $0x500  }
0x4e: {  	[sflag:s31] =	ssyncset.done $0x0;
	s18 =	rddreg [dreg:$0x10]  }
0x4f: {  	[sflag:s31] =	ssyncadd.s32 $0xFFFFFB00;
	s18 =	sshrl.u32 s18, $0x3  }
0x50: {  	[spmem:s18], [sflag:s26] =	dma.local [hbm:s15], $0x500  }
0x51: {  	_ =	swait.ge [sflag:s31], $0x500  }
0x52: {  	[sflag:s31] =	ssyncset.done $0x0;
	s19 =	rddreg [dreg:$0x11]  }
0x53: {  	[sflag:s31] =	ssyncadd.s32 $0xFFFFFB00;
	s19 =	sshrl.u32 s19, $0x3  }
0x54: {  	[spmem:s19], [sflag:s26] =	dma.local [hbm:s15], $0x500  }
0x55: {  	_ =	swait.ge [sflag:s31], $0x500  }
0x56: {  	[sflag:s31] =	ssyncset.done $0x0;
	s20 =	rddreg [dreg:$0x12]  }
0x57: {  	[sflag:s31] =	ssyncadd.s32 $0xFFFFFB00;
	s20 =	sshrl.u32 s20, $0x3  }
0x58: {  	[spmem:s20], [sflag:s26] =	dma.local [hbm:s15], $0x500  }
0x59: {  	_ =	swait.ge [sflag:s31], $0x500  }
0x5a: {  	[sflag:s31] =	ssyncset.done $0x0;
	s21 =	rddreg [dreg:$0x13]  }
0x5b: {  	[sflag:s31] =	ssyncadd.s32 $0xFFFFFB00;
	s21 =	sshrl.u32 s21, $0x3  }
0x5c: {  	[spmem:s21], [sflag:s26] =	dma.local [hbm:s15], $0x500  }
0x5d: {  	_ =	swait.ge [sflag:s31], $0x500  }
0x5e: {  	[sflag:s31] =	ssyncset.done $0x0  }
0x5f: {  	[sflag:s31] =	ssyncadd.s32 $0xFFFFFB00  }
0x60: {  	[spmem:s22], [sflag:s26] =	dma.local @!p1 [hbm:s15], $0x500  }
0x61: {  	s22 =	simm.s32 @!p1 $0x5  }
0x62: {  	_ =	swait.ge @!p1 [sflag:s22], $0x500  }
0x63: {  	[sflag:s22] =	ssyncset.done @!p1 $0x0  }
0x64: {  	[sflag:s22] =	ssyncadd.s32 @!p1 $0xFFFFFB00  }
0x65: {  	[bflag:$0x0] =	sbarrier.arrive $0xFFFF  }
0x66: {  	s29 =	rddreg [dreg:$0x8]  }
0x67: {  	[tilespmem:s0], [sflag:$0x3] =	stream.linear.gather [hbm4b:s29+s6], $0x80, $0x38;
	[tilespmem:$0x1FB00] =	vst v63  }
0x68: {  	_ = 	snop  }
0x69: {  	[tilespmem:s7], [sflag:$0x1] =	stream.indirect.gather [hbm4b:s3+s4], $0x80, s23, s4, $0xb8;
	[tilespmem:$0x1FB00] =	vst v63  }
0x6a: {  	s29 =	rddreg [dreg:$0x9]  }
0x6b: {  	[tilespmem:s8], [sflag:$0x4] =	stream.linear.gather [hbm4b:s29+s6], $0x80, $0x38;
	[tilespmem:$0x1FB00] =	vst v63  }
0x6c: {  	s23 =	simm.s32 $0x13900  }
0x6d: {  	[tilespmem:s10], [sflag:$0x2] =	stream.indirect.gather [hbm4b:s3+s4], $0x80, s23, s4, $0xb8;
	[tilespmem:$0x1FB00] =	vst v63  }
0x6e: {  	_ =	swait.ge [sflag:s9], $0x80  }
0x6f: {  	[sflag:s9] =	ssyncset.done $0x0  }
0x70: {  	[sflag:s9] =	ssyncadd.s32 $0xFFFFFF80  }
0x71: {  	_ =	swait.ge [sflag:s11], $0x4000  }
0x72: {  	[sflag:s11] =	ssyncset.done $0x0  }
0x73: {  	[sflag:s11] =	ssyncadd.s32 $0xFFFFC000  }
0x74: {  	[spmem:s5] =	stream.indirect.scatter.add.f32 [tilespmem:s7], [sflag:$0x5], $0x80, s0, s4, $0xb8;
	[tilespmem:$0x1FB00] =	vst v63  }
0x75: {  	_ =	swait.ge [sflag:s31], $0x4000  }
0x76: {  	s22 =	sadd.s32 $0xFFFFF860, s14;
	[sflag:s31] =	ssyncset.done $0x0  }
0x77: {  	s29 =	sadd.s32 $0x7C0, s22;
	[sflag:s31] =	ssyncadd.s32 $0xFFFFC000  }
0x78: {  	[tilespmem:s0], [sflag:$0x3] =	stream.linear.gather [hbm4b:s29+s6], $0x80, $0x38;
	[tilespmem:$0x1FB00] =	vst v63  }
0x79: {  	s29 =	simm.s32 $0x13980  }
0x7a: {  	[tilespmem:s7], [sflag:$0x1] =	stream.indirect.gather [hbm4b:s3+s4], $0x80, s29, s4, $0xb8;
	[tilespmem:$0x1FB00] =	vst v63  }
0x7b: {  	_ =	swait.ge [sflag:s12], $0x80  }
0x7c: {  	[sflag:s12] =	ssyncset.done $0x0  }
0x7d: {  	[sflag:s12] =	ssyncadd.s32 $0xFFFFFF80  }
0x7e: {  	_ =	swait.ge [sflag:s25], $0x4000  }
0x7f: {  	[sflag:s25] =	ssyncset.done $0x0  }
0x80: {  	[sflag:s25] =	ssyncadd.s32 $0xFFFFC000  }
0x81: {  	[spmem:s5] =	stream.indirect.scatter.add.f32 [tilespmem:s10], [sflag:$0x5], $0x80, s8, s4, $0xb8;
	[tilespmem:$0x1FB00] =	vst v63  }
0x82: {  	_ =	swait.ge [sflag:s31], $0x4000  }
0x83: {  	[sflag:s31] =	ssyncset.done $0x0  }
0x84: {  	s22 =	sadd.s32 $0x7D0, s22;
	[sflag:s31] =	ssyncadd.s32 $0xFFFFC000  }
0x85: {  	[tilespmem:s8], [sflag:$0x4] =	stream.linear.gather [hbm4b:s22+s6], $0x80, $0x38;
	[tilespmem:$0x1FB00] =	vst v63  }
0x86: {  	s30 =	simm.s32 $0x13A00;
	s23 =	simm.s32 $0x13A80;
	s22 =	simm.s32 $0xFFFFF880  }
.LBB2_6:
0x87: {  	[tilespmem:s10], [sflag:$0x2] =	stream.indirect.gather [hbm4b:s3+s4], $0x80, s30, s4, $0xb8;
	[tilespmem:$0x1FB00] =	vst v63  }
0x88: {  	s29 =	smov.u32 s22  }
0x89: {  	p3 =	sne.s32 s22, $0xFFFFFFE0;
	s22 =	sadd.s32 $0x20, s22;
	_ =	swait.ge [sflag:s9], $0x80  }
0x8a: {  	[sflag:s9] =	ssyncset.done $0x0  }
0x8b: {  	[sflag:s9] =	ssyncadd.s32 $0xFFFFFF80  }
0x8c: {  	_ =	swait.ge [sflag:s11], $0x4000  }
0x8d: {  	[sflag:s11] =	ssyncset.done $0x0  }
0x8e: {  	[sflag:s11] =	ssyncadd.s32 $0xFFFFC000  }
0x8f: {  	[spmem:s5] =	stream.indirect.scatter.add.f32 [tilespmem:s7], [sflag:$0x5], $0x80, s0, s4, $0xb8;
	[tilespmem:$0x1FB00] =	vst v63  }
0x90: {  	_ =	swait.ge [sflag:s31], $0x4000  }
0x91: {  	s29 =	sadd.s32 s29, s14;
	[sflag:s31] =	ssyncset.done $0x0  }
0x92: {  	s30 =	sadd.s32 $0x7C0, s29;
	[sflag:s31] =	ssyncadd.s32 $0xFFFFC000  }
0x93: {  	[tilespmem:s0], [sflag:$0x3] =	stream.linear.gather [hbm4b:s30+s6], $0x80, $0x38;
	[tilespmem:$0x1FB00] =	vst v63  }
0x94: {  	_ = 	snop  }
0x95: {  	[tilespmem:s7], [sflag:$0x1] =	stream.indirect.gather [hbm4b:s3+s4], $0x80, s23, s4, $0xb8;
	[tilespmem:$0x1FB00] =	vst v63  }
0x96: {  	_ =	swait.ge [sflag:s12], $0x80  }
0x97: {  	[sflag:s12] =	ssyncset.done $0x0  }
0x98: {  	[sflag:s12] =	ssyncadd.s32 $0xFFFFFF80  }
0x99: {  	_ =	swait.ge [sflag:s25], $0x4000  }
0x9a: {  	[sflag:s25] =	ssyncset.done $0x0  }
0x9b: {  	[sflag:s25] =	ssyncadd.s32 $0xFFFFC000  }
0x9c: {  	[spmem:s5] =	stream.indirect.scatter.add.f32 [tilespmem:s10], [sflag:$0x5], $0x80, s8, s4, $0xb8;
	[tilespmem:$0x1FB00] =	vst v63  }
.Ltmp3:
0x9d: {  	_ =	swait.ge [sflag:s31], $0x4000;
	(pc) =	sbr.rel @p3 .LBB2_6-.Ltmp3, $4  }
0x9e: {  	[sflag:s31] =	ssyncset.done $0x0  }
0x9f: {  	s29 =	sadd.s32 $0x7D0, s29;
	[sflag:s31] =	ssyncadd.s32 $0xFFFFC000  }
0xa0: {  	[tilespmem:s8], [sflag:$0x4] =	stream.linear.gather [hbm4b:s29+s6], $0x80, $0x38;
	[tilespmem:$0x1FB00] =	vst v63  }
0xa1: {  	s30 =	sadd.s32 $0x80, s23;
	s23 =	sadd.s32 $0x100, s23  }
0xa2: {  	[tilespmem:s10], [sflag:$0x2] =	stream.indirect.gather [hbm4b:s3+s4], $0x80, s30, s4, $0xb8;
	[tilespmem:$0x1FB00] =	vst v63  }
0xa3: {  	_ =	swait.ge [sflag:s9], $0x80  }
0xa4: {  	[sflag:s9] =	ssyncset.done $0x0  }
0xa5: {  	[sflag:s9] =	ssyncadd.s32 $0xFFFFFF80  }
0xa6: {  	_ =	swait.ge [sflag:s11], $0x4000  }
0xa7: {  	[sflag:s11] =	ssyncset.done $0x0  }
0xa8: {  	[sflag:s11] =	ssyncadd.s32 $0xFFFFC000  }
0xa9: {  	[spmem:s5] =	stream.indirect.scatter.add.f32 [tilespmem:s7], [sflag:$0x5], $0x80, s0, s4, $0xb8;
	[tilespmem:$0x1FB00] =	vst v63  }
0xaa: {  	_ =	swait.ge [sflag:s31], $0x4000  }
0xab: {  	[sflag:s31] =	ssyncset.done $0x0  }
0xac: {  	s22 =	rddreg [dreg:$0xb];
	[sflag:s31] =	ssyncadd.s32 $0xFFFFC000  }
0xad: {  	[tilespmem:s0], [sflag:$0x3] =	stream.linear.gather [hbm4b:s22+s6], $0x80, $0x38;
	[tilespmem:$0x1FB00] =	vst v63  }
0xae: {  	s23 =	simm.s32 $0x17680  }
0xaf: {  	[tilespmem:s7], [sflag:$0x1] =	stream.indirect.gather [hbm4b:s3+s4], $0x80, s23, s4, $0xb8;
	[tilespmem:$0x1FB00] =	vst v63  }
0xb0: {  	_ =	swait.ge [sflag:s12], $0x80  }
0xb1: {  	[sflag:s12] =	ssyncset.done $0x0  }
0xb2: {  	[sflag:s12] =	ssyncadd.s32 $0xFFFFFF80  }
0xb3: {  	_ =	swait.ge [sflag:s25], $0x4000  }
0xb4: {  	[sflag:s25] =	ssyncset.done $0x0  }
0xb5: {  	[sflag:s25] =	ssyncadd.s32 $0xFFFFC000  }
0xb6: {  	[spmem:s5] =	stream.indirect.scatter.add.f32 [tilespmem:s10], [sflag:$0x5], $0x80, s8, s4, $0xb8;
	[tilespmem:$0x1FB00] =	vst v63  }
0xb7: {  	_ =	swait.ge [sflag:s31], $0x4000  }
0xb8: {  	[sflag:s31] =	ssyncset.done $0x0  }
0xb9: {  	[sflag:s31] =	ssyncadd.s32 $0xFFFFC000  }
0xba: {  	_ =	swait.ge [sflag:s9], $0x80  }
0xbb: {  	[sflag:s9] =	ssyncset.done $0x0  }
0xbc: {  	[sflag:s9] =	ssyncadd.s32 $0xFFFFFF80  }
0xbd: {  	_ =	swait.ge [sflag:s11], $0x4000  }
0xbe: {  	[sflag:s11] =	ssyncset.done $0x0  }
0xbf: {  	[sflag:s11] =	ssyncadd.s32 $0xFFFFC000  }
0xc0: {  	[spmem:s5] =	stream.indirect.scatter.add.f32 [tilespmem:s7], [sflag:$0x5], $0x80, s0, s4, $0xb8;
	[tilespmem:$0x1FB00] =	vst v63  }
0xc1: {  	_ =	swait.ge [sflag:s31], $0x4000  }
0xc2: {  	[sflag:s31] =	ssyncset.done $0x0  }
0xc3: {  	[sflag:s31] =	ssyncadd.s32 $0xFFFFC000  }
0xc4: {  	[bflag:$0x0] =	sbarrier.arrive $0xFFFF  }
0xc5: {  	s29 =	rddreg [dreg:$0x18]  }
0xc6: {  	[hbm:s29], [sflag:s26] =	dma.local [spmem:s2], $0x500  }
0xc7: {  	_ =	swait.ge [sflag:s31], $0x500  }
0xc8: {  	[sflag:s31] =	ssyncset.done $0x0  }
0xc9: {  	s30 =	rddreg [dreg:$0x1a];
	[sflag:s31] =	ssyncadd.s32 $0xFFFFFB00  }
0xca: {  	[hbm:s30], [sflag:s26] =	dma.local [spmem:s16], $0x500  }
0xcb: {  	_ =	swait.ge [sflag:s31], $0x500  }
0xcc: {  	[sflag:s31] =	ssyncset.done $0x0  }
0xcd: {  	s16 =	rddreg [dreg:$0x1c];
	[sflag:s31] =	ssyncadd.s32 $0xFFFFFB00  }
0xce: {  	[hbm:s16], [sflag:s26] =	dma.local [spmem:s17], $0x500  }
0xcf: {  	_ =	swait.ge [sflag:s31], $0x500  }
0xd0: {  	[sflag:s31] =	ssyncset.done $0x0  }
0xd1: {  	s22 =	rddreg [dreg:$0x1e];
	[sflag:s31] =	ssyncadd.s32 $0xFFFFFB00  }
0xd2: {  	[hbm:s22], [sflag:s26] =	dma.local [spmem:s18], $0x500  }
0xd3: {  	_ =	swait.ge [sflag:s31], $0x500  }
0xd4: {  	s23 =	sld [smem:$0x7F8]  }
0xd5: {  	[sflag:s31] =	ssyncset.done $0x0  }
0xd6: {  	[sflag:s31] =	ssyncadd.s32 $0xFFFFFB00  }
0xd7: {  	[hbm:s23], [sflag:s26] =	dma.local [spmem:s19], $0x500  }
0xd8: {  	_ =	swait.ge [sflag:s31], $0x500  }
0xd9: {  	s29 =	sld [smem:$0x7FA]  }
0xda: {  	[sflag:s31] =	ssyncset.done $0x0  }
0xdb: {  	[sflag:s31] =	ssyncadd.s32 $0xFFFFFB00  }
0xdc: {  	[hbm:s29], [sflag:s26] =	dma.local [spmem:s20], $0x500  }
0xdd: {  	_ =	swait.ge [sflag:s31], $0x500  }
0xde: {  	s30 =	sld [smem:$0x7FC]  }
0xdf: {  	[sflag:s31] =	ssyncset.done $0x0  }
0xe0: {  	[sflag:s31] =	ssyncadd.s32 $0xFFFFFB00  }
0xe1: {  	[hbm:s30], [sflag:s26] =	dma.local [spmem:s21], $0x500  }
.Ltmp4:
0xe2: {  	_ = 	snop;
	(pc) =	sbr.rel @p1 .LBB2_9-.Ltmp4, $4  }
.Ltmp5:
0xe3: {  	_ =	swait.ge [sflag:s31], $0x500;
	(pc) =	sbr.rel @!p1 .LBB2_8-.Ltmp5, $4  }
0xe4: {  	[sflag:s31] =	ssyncset.done $0x0  }
0xe5: {  	[sflag:s31] =	ssyncadd.s32 $0xFFFFFB00  }
0xe6: {  	s2 =	rddreg [dreg:$0x3]  }
0xe7: {  	_ = 	snop  }
.LBB2_2:
0xe8: {  	s2 =	rddreg [dreg:$0x15];
	s23 =	simm.s32 $0x13880  }
0xe9: {  	[tilespmem:s23], [sflag:$0x5] =	stream.linear.gather [hbm4b:s2+s6], $0x3E80, $0x38;
	[tilespmem:$0x1FB00] =	vst v63  }
0xea: {  	s20 =	stileid.u32;
	_ =	swait.ge [sflag:s31], $0x3E80  }
0xeb: {  	s2 =	sshll.u32 s20, $0x6;
	[sflag:s31] =	ssyncset.done $0x0;
	s21 =	rddreg [dreg:$0xd]  }
0xec: {  	s26 =	sor.u32 $0x1C05, s2;
	[sflag:s31] =	ssyncadd.s32 $0xFFFFC180;
	s2 =	sshrl.u32 s21, $0x3  }
0xed: {  	[spmem:s2], [sflag:s26] =	dma.local [hbm:s15], $0x500  }
0xee: {  	_ =	swait.ge [sflag:s31], $0x500  }
0xef: {  	[sflag:s31] =	ssyncset.done $0x0;
	s16 =	rddreg [dreg:$0xe]  }
0xf0: {  	[sflag:s31] =	ssyncadd.s32 $0xFFFFFB00;
	s16 =	sshrl.u32 s16, $0x3  }
0xf1: {  	[spmem:s16], [sflag:s26] =	dma.local [hbm:s15], $0x500  }
0xf2: {  	_ =	swait.ge [sflag:s31], $0x500  }
0xf3: {  	[sflag:s31] =	ssyncset.done $0x0;
	s17 =	rddreg [dreg:$0xf]  }
0xf4: {  	[sflag:s31] =	ssyncadd.s32 $0xFFFFFB00;
	s17 =	sshrl.u32 s17, $0x3  }
0xf5: {  	[spmem:s17], [sflag:s26] =	dma.local [hbm:s15], $0x500  }
0xf6: {  	_ =	swait.ge [sflag:s31], $0x500  }
0xf7: {  	[sflag:s31] =	ssyncset.done $0x0;
	s18 =	rddreg [dreg:$0x10]  }
0xf8: {  	[sflag:s31] =	ssyncadd.s32 $0xFFFFFB00;
	s18 =	sshrl.u32 s18, $0x3  }
0xf9: {  	[spmem:s18], [sflag:s26] =	dma.local [hbm:s15], $0x500  }
0xfa: {  	_ =	swait.ge [sflag:s31], $0x500  }
0xfb: {  	[sflag:s31] =	ssyncset.done $0x0;
	s19 =	rddreg [dreg:$0x11]  }
0xfc: {  	[sflag:s31] =	ssyncadd.s32 $0xFFFFFB00;
	s19 =	sshrl.u32 s19, $0x3  }
0xfd: {  	[spmem:s19], [sflag:s26] =	dma.local [hbm:s15], $0x500  }
0xfe: {  	_ =	swait.ge [sflag:s31], $0x500  }
0xff: {  	[sflag:s31] =	ssyncset.done $0x0;
	s20 =	rddreg [dreg:$0x12]  }
0x100: {  	[sflag:s31] =	ssyncadd.s32 $0xFFFFFB00;
	s20 =	sshrl.u32 s20, $0x3  }
0x101: {  	[spmem:s20], [sflag:s26] =	dma.local [hbm:s15], $0x500  }
0x102: {  	_ =	swait.ge [sflag:s31], $0x500  }
0x103: {  	[sflag:s31] =	ssyncset.done $0x0;
	s21 =	rddreg [dreg:$0x13]  }
0x104: {  	[sflag:s31] =	ssyncadd.s32 $0xFFFFFB00;
	s21 =	sshrl.u32 s21, $0x3  }
0x105: {  	[spmem:s21], [sflag:s26] =	dma.local [hbm:s15], $0x500  }
0x106: {  	_ =	swait.ge [sflag:s31], $0x500  }
0x107: {  	[sflag:s31] =	ssyncset.done $0x0  }
0x108: {  	[sflag:s31] =	ssyncadd.s32 $0xFFFFFB00  }
0x109: {  	[spmem:s22], [sflag:s26] =	dma.local @!p1 [hbm:s15], $0x500  }
0x10a: {  	s22 =	simm.s32 @!p1 $0x5  }
0x10b: {  	_ =	swait.ge @!p1 [sflag:s22], $0x500  }
0x10c: {  	[sflag:s22] =	ssyncset.done @!p1 $0x0  }
0x10d: {  	[sflag:s22] =	ssyncadd.s32 @!p1 $0xFFFFFB00  }
0x10e: {  	[bflag:$0x0] =	sbarrier.arrive $0xFFFF  }
0x10f: {  	s29 =	rddreg [dreg:$0x6]  }
0x110: {  	[tilespmem:s0], [sflag:$0x3] =	stream.linear.gather [hbm4b:s29+s6], $0x80, $0x38;
	[tilespmem:$0x1FB00] =	vst v63  }
0x111: {  	_ = 	snop  }
0x112: {  	[tilespmem:s7], [sflag:$0x1] =	stream.indirect.gather [hbm4b:s1+s4], $0x80, s23, s4, $0xb8;
	[tilespmem:$0x1FB00] =	vst v63  }
0x113: {  	s29 =	rddreg [dreg:$0x7]  }
0x114: {  	[tilespmem:s8], [sflag:$0x4] =	stream.linear.gather [hbm4b:s29+s6], $0x80, $0x38;
	[tilespmem:$0x1FB00] =	vst v63  }
0x115: {  	s23 =	simm.s32 $0x13900  }
0x116: {  	[tilespmem:s10], [sflag:$0x2] =	stream.indirect.gather [hbm4b:s1+s4], $0x80, s23, s4, $0xb8;
	[tilespmem:$0x1FB00] =	vst v63  }
0x117: {  	_ =	swait.ge [sflag:s9], $0x80  }
0x118: {  	[sflag:s9] =	ssyncset.done $0x0  }
0x119: {  	[sflag:s9] =	ssyncadd.s32 $0xFFFFFF80  }
0x11a: {  	_ =	swait.ge [sflag:s11], $0x4000  }
0x11b: {  	[sflag:s11] =	ssyncset.done $0x0  }
0x11c: {  	[sflag:s11] =	ssyncadd.s32 $0xFFFFC000  }
0x11d: {  	[spmem:s5] =	stream.indirect.scatter.add.f32 [tilespmem:s7], [sflag:$0x5], $0x80, s0, s4, $0xb8;
	[tilespmem:$0x1FB00] =	vst v63  }
0x11e: {  	_ =	swait.ge [sflag:s31], $0x4000  }
0x11f: {  	s22 =	sadd.s32 $0xFFFFF860, s13;
	[sflag:s31] =	ssyncset.done $0x0  }
0x120: {  	s29 =	sadd.s32 $0x7C0, s22;
	[sflag:s31] =	ssyncadd.s32 $0xFFFFC000  }
0x121: {  	[tilespmem:s0], [sflag:$0x3] =	stream.linear.gather [hbm4b:s29+s6], $0x80, $0x38;
	[tilespmem:$0x1FB00] =	vst v63  }
0x122: {  	s29 =	simm.s32 $0x13980  }
0x123: {  	[tilespmem:s7], [sflag:$0x1] =	stream.indirect.gather [hbm4b:s1+s4], $0x80, s29, s4, $0xb8;
	[tilespmem:$0x1FB00] =	vst v63  }
0x124: {  	_ =	swait.ge [sflag:s12], $0x80  }
0x125: {  	[sflag:s12] =	ssyncset.done $0x0  }
0x126: {  	[sflag:s12] =	ssyncadd.s32 $0xFFFFFF80  }
0x127: {  	_ =	swait.ge [sflag:s25], $0x4000  }
0x128: {  	[sflag:s25] =	ssyncset.done $0x0  }
0x129: {  	[sflag:s25] =	ssyncadd.s32 $0xFFFFC000  }
0x12a: {  	[spmem:s5] =	stream.indirect.scatter.add.f32 [tilespmem:s10], [sflag:$0x5], $0x80, s8, s4, $0xb8;
	[tilespmem:$0x1FB00] =	vst v63  }
0x12b: {  	_ =	swait.ge [sflag:s31], $0x4000  }
0x12c: {  	[sflag:s31] =	ssyncset.done $0x0  }
0x12d: {  	s22 =	sadd.s32 $0x7D0, s22;
	[sflag:s31] =	ssyncadd.s32 $0xFFFFC000  }
0x12e: {  	[tilespmem:s8], [sflag:$0x4] =	stream.linear.gather [hbm4b:s22+s6], $0x80, $0x38;
	[tilespmem:$0x1FB00] =	vst v63  }
0x12f: {  	s30 =	simm.s32 $0x13A00;
	s23 =	simm.s32 $0x13A80;
	s22 =	simm.s32 $0xFFFFF880  }
.LBB2_3:
0x130: {  	[tilespmem:s10], [sflag:$0x2] =	stream.indirect.gather [hbm4b:s1+s4], $0x80, s30, s4, $0xb8;
	[tilespmem:$0x1FB00] =	vst v63  }
0x131: {  	s30 =	smov.u32 s22  }
0x132: {  	p3 =	sne.s32 s22, $0xFFFFFFE0;
	s22 =	sadd.s32 $0x20, s22;
	_ =	swait.ge [sflag:s9], $0x80  }
0x133: {  	[sflag:s9] =	ssyncset.done $0x0  }
0x134: {  	[sflag:s9] =	ssyncadd.s32 $0xFFFFFF80  }
0x135: {  	_ =	swait.ge [sflag:s11], $0x4000  }
0x136: {  	[sflag:s11] =	ssyncset.done $0x0  }
0x137: {  	[sflag:s11] =	ssyncadd.s32 $0xFFFFC000  }
0x138: {  	[spmem:s5] =	stream.indirect.scatter.add.f32 [tilespmem:s7], [sflag:$0x5], $0x80, s0, s4, $0xb8;
	[tilespmem:$0x1FB00] =	vst v63  }
0x139: {  	_ =	swait.ge [sflag:s31], $0x4000  }
0x13a: {  	s30 =	sadd.s32 s30, s13;
	[sflag:s31] =	ssyncset.done $0x0  }
0x13b: {  	s29 =	sadd.s32 $0x7C0, s30;
	[sflag:s31] =	ssyncadd.s32 $0xFFFFC000  }
0x13c: {  	[tilespmem:s0], [sflag:$0x3] =	stream.linear.gather [hbm4b:s29+s6], $0x80, $0x38;
	[tilespmem:$0x1FB00] =	vst v63  }
0x13d: {  	_ = 	snop  }
0x13e: {  	[tilespmem:s7], [sflag:$0x1] =	stream.indirect.gather [hbm4b:s1+s4], $0x80, s23, s4, $0xb8;
	[tilespmem:$0x1FB00] =	vst v63  }
0x13f: {  	_ =	swait.ge [sflag:s12], $0x80  }
0x140: {  	[sflag:s12] =	ssyncset.done $0x0  }
0x141: {  	[sflag:s12] =	ssyncadd.s32 $0xFFFFFF80  }
0x142: {  	_ =	swait.ge [sflag:s25], $0x4000  }
0x143: {  	[sflag:s25] =	ssyncset.done $0x0  }
0x144: {  	[sflag:s25] =	ssyncadd.s32 $0xFFFFC000  }
0x145: {  	[spmem:s5] =	stream.indirect.scatter.add.f32 [tilespmem:s10], [sflag:$0x5], $0x80, s8, s4, $0xb8;
	[tilespmem:$0x1FB00] =	vst v63  }
.Ltmp6:
0x146: {  	_ =	swait.ge [sflag:s31], $0x4000;
	(pc) =	sbr.rel @p3 .LBB2_3-.Ltmp6, $4  }
0x147: {  	[sflag:s31] =	ssyncset.done $0x0  }
0x148: {  	s29 =	sadd.s32 $0x7D0, s30;
	[sflag:s31] =	ssyncadd.s32 $0xFFFFC000  }
0x149: {  	[tilespmem:s8], [sflag:$0x4] =	stream.linear.gather [hbm4b:s29+s6], $0x80, $0x38;
	[tilespmem:$0x1FB00] =	vst v63  }
0x14a: {  	s30 =	sadd.s32 $0x80, s23;
	s23 =	sadd.s32 $0x100, s23  }
0x14b: {  	[tilespmem:s10], [sflag:$0x2] =	stream.indirect.gather [hbm4b:s1+s4], $0x80, s30, s4, $0xb8;
	[tilespmem:$0x1FB00] =	vst v63  }
0x14c: {  	_ =	swait.ge [sflag:s9], $0x80  }
0x14d: {  	[sflag:s9] =	ssyncset.done $0x0  }
0x14e: {  	[sflag:s9] =	ssyncadd.s32 $0xFFFFFF80  }
0x14f: {  	_ =	swait.ge [sflag:s11], $0x4000  }
0x150: {  	[sflag:s11] =	ssyncset.done $0x0  }
0x151: {  	[sflag:s11] =	ssyncadd.s32 $0xFFFFC000  }
0x152: {  	[spmem:s5] =	stream.indirect.scatter.add.f32 [tilespmem:s7], [sflag:$0x5], $0x80, s0, s4, $0xb8;
	[tilespmem:$0x1FB00] =	vst v63  }
0x153: {  	_ =	swait.ge [sflag:s31], $0x4000  }
0x154: {  	[sflag:s31] =	ssyncset.done $0x0  }
0x155: {  	s22 =	rddreg [dreg:$0xa];
	[sflag:s31] =	ssyncadd.s32 $0xFFFFC000  }
0x156: {  	[tilespmem:s0], [sflag:$0x3] =	stream.linear.gather [hbm4b:s22+s6], $0x80, $0x38;
	[tilespmem:$0x1FB00] =	vst v63  }
0x157: {  	s23 =	simm.s32 $0x17680  }
0x158: {  	[tilespmem:s7], [sflag:$0x1] =	stream.indirect.gather [hbm4b:s1+s4], $0x80, s23, s4, $0xb8;
	[tilespmem:$0x1FB00] =	vst v63  }
0x159: {  	_ =	swait.ge [sflag:s12], $0x80  }
0x15a: {  	[sflag:s12] =	ssyncset.done $0x0  }
0x15b: {  	[sflag:s12] =	ssyncadd.s32 $0xFFFFFF80  }
0x15c: {  	_ =	swait.ge [sflag:s25], $0x4000  }
0x15d: {  	[sflag:s25] =	ssyncset.done $0x0  }
0x15e: {  	[sflag:s25] =	ssyncadd.s32 $0xFFFFC000  }
0x15f: {  	[spmem:s5] =	stream.indirect.scatter.add.f32 [tilespmem:s10], [sflag:$0x5], $0x80, s8, s4, $0xb8;
	[tilespmem:$0x1FB00] =	vst v63  }
0x160: {  	_ =	swait.ge [sflag:s31], $0x4000  }
0x161: {  	[sflag:s31] =	ssyncset.done $0x0  }
0x162: {  	[sflag:s31] =	ssyncadd.s32 $0xFFFFC000  }
0x163: {  	_ =	swait.ge [sflag:s9], $0x80  }
0x164: {  	[sflag:s9] =	ssyncset.done $0x0  }
0x165: {  	[sflag:s9] =	ssyncadd.s32 $0xFFFFFF80  }
0x166: {  	_ =	swait.ge [sflag:s11], $0x4000  }
0x167: {  	[sflag:s11] =	ssyncset.done $0x0  }
0x168: {  	[sflag:s11] =	ssyncadd.s32 $0xFFFFC000  }
0x169: {  	[spmem:s5] =	stream.indirect.scatter.add.f32 [tilespmem:s7], [sflag:$0x5], $0x80, s0, s4, $0xb8;
	[tilespmem:$0x1FB00] =	vst v63  }
0x16a: {  	_ =	swait.ge [sflag:s31], $0x4000  }
0x16b: {  	[sflag:s31] =	ssyncset.done $0x0  }
0x16c: {  	[sflag:s31] =	ssyncadd.s32 $0xFFFFC000  }
0x16d: {  	[bflag:$0x0] =	sbarrier.arrive $0xFFFF  }
0x16e: {  	s29 =	rddreg [dreg:$0x17]  }
0x16f: {  	[hbm:s29], [sflag:s26] =	dma.local [spmem:s2], $0x500  }
0x170: {  	_ =	swait.ge [sflag:s31], $0x500  }
0x171: {  	[sflag:s31] =	ssyncset.done $0x0  }
0x172: {  	s30 =	rddreg [dreg:$0x19];
	[sflag:s31] =	ssyncadd.s32 $0xFFFFFB00  }
0x173: {  	[hbm:s30], [sflag:s26] =	dma.local [spmem:s16], $0x500  }
0x174: {  	_ =	swait.ge [sflag:s31], $0x500  }
0x175: {  	[sflag:s31] =	ssyncset.done $0x0  }
0x176: {  	s16 =	rddreg [dreg:$0x1b];
	[sflag:s31] =	ssyncadd.s32 $0xFFFFFB00  }
0x177: {  	[hbm:s16], [sflag:s26] =	dma.local [spmem:s17], $0x500  }
0x178: {  	_ =	swait.ge [sflag:s31], $0x500  }
0x179: {  	[sflag:s31] =	ssyncset.done $0x0  }
0x17a: {  	s22 =	rddreg [dreg:$0x1d];
	[sflag:s31] =	ssyncadd.s32 $0xFFFFFB00  }
0x17b: {  	[hbm:s22], [sflag:s26] =	dma.local [spmem:s18], $0x500  }
0x17c: {  	_ =	swait.ge [sflag:s31], $0x500  }
0x17d: {  	[sflag:s31] =	ssyncset.done $0x0  }
0x17e: {  	s23 =	rddreg [dreg:$0x1f];
	[sflag:s31] =	ssyncadd.s32 $0xFFFFFB00  }
0x17f: {  	[hbm:s23], [sflag:s26] =	dma.local [spmem:s19], $0x500  }
0x180: {  	_ =	swait.ge [sflag:s31], $0x500  }
0x181: {  	s29 =	sld [smem:$0x7F9]  }
0x182: {  	[sflag:s31] =	ssyncset.done $0x0  }
0x183: {  	[sflag:s31] =	ssyncadd.s32 $0xFFFFFB00  }
0x184: {  	[hbm:s29], [sflag:s26] =	dma.local [spmem:s20], $0x500  }
0x185: {  	_ =	swait.ge [sflag:s31], $0x500  }
0x186: {  	s30 =	sld [smem:$0x7FB]  }
0x187: {  	[sflag:s31] =	ssyncset.done $0x0  }
0x188: {  	[sflag:s31] =	ssyncadd.s32 $0xFFFFFB00  }
0x189: {  	[hbm:s30], [sflag:s26] =	dma.local [spmem:s21], $0x500  }
.Ltmp7:
0x18a: {  	_ = 	snop;
	(pc) =	sbr.rel @p2 .LBB2_8-.Ltmp7, $4  }
.Ltmp8:
0x18b: {  	_ = 	snop;
	(pc) =	sbr.rel @!p2 .LBB2_9-.Ltmp8, $4  }
0x18c: {  	_ =	swait.ge [sflag:s31], $0x500  }
0x18d: {  	[sflag:s31] =	ssyncset.done $0x0  }
0x18e: {  	s2 =	rddreg [dreg:$0xc];
	[sflag:s31] =	ssyncadd.s32 $0xFFFFFB00  }
0x18f: {  	_ = 	snop  }
.LBB2_10:
0x190: {  	_ =	sfence.sel $0x180000  }
0x191: {  	[bflag:$0x0] =	sbarrier.arrive $0xFFFF  }
0x192: {  	_ =	strace $0x90000047  }
0x193: {  	s0 =	stileid.u32;
	[bflag:$0x2] =	sbarrier.arrive $0xFFFF  }
0x194: {  	p0 =	sne.s32 s0, $0x0;
	s0 =	rddreg [dreg:$0x5]  }
0x195: {  	s0 =	sadd.s32 @!p0 $0x100000, s0  }
0x196: {  	[sflag:s0] =	ssyncadd.tile.s32 @!p0 $0x1;
	_ =	shalt  }
.Lfunc_end2:
_tile_overlayer_lowered:
.L_overlay_start_2:
0x197: {  	(tag) =	ssettag $0x2  }
0x198: {  	s0 =	rddreg [dreg:$0x0];
	s2 =	stileid.u32  }
0x199: {  	s1 =	rddreg [dreg:$0x1];
	p0 =	sne.s32 s2, $0x0  }
0x19a: {  	s3 =	rddreg [dreg:$0x2];
	[bflag:$0x3] =	sbarrier.arrive $0xFFFF;
	s2 =	simm.s32 @!p0 $0x1C05  }
0x19b: {  	[timem:s3], [sflag:s2] =	dma.local @!p0 [hbm:s0], s1  }
0x19c: {  	s0 =	simm.s32 @!p0 $0x5  }
0x19d: {  	_ =	swait.ge @!p0 [sflag:s0], s1  }
0x19e: {  	s1 =	ssub.s32 @!p0 $0x0, s1;
	[sflag:s0] =	ssyncset.done @!p0 $0x0  }
0x19f: {  	[sflag:s0] =	ssyncadd.s32 @!p0 s1  }
0x1a0: {  	[bflag:$0x3] =	sbarrier.arrive $0xFFFF  }
0x1a1: {  	_ =	shalt  }

// kernel: kernel.13.cloned.1.call-start
scs
__scs_entry_jumppad:
0x0: {  	(pc) =	sbr.rel $0x88, $3  }
0x1: {  	(tag) =	ssettag $0x0;
	lr =	simm.s32 $0x1  }
0x2: {  	[smem:$0x3F91] =	sst lr;
	_ =	strace $0xD0000000  }
0x3: {  	_ = 	snop  }
0x4: {  	_ = 	snop  }
0x5: {  	_ = 	snop  }
0x6: {  	_ = 	snop  }
0x7: {  	_ = 	snop  }
__scs_overlays_trampoline_lowered:
0x8: {  	[smem:$0x3FA0] =	sst s0  }
0x9: {  	[smem:$0x3FA1] =	sst s1  }
0xa: {  	[smem:$0x3FA2] =	sst s2  }
0xb: {  	[smem:$0x3FA3] =	sst s3  }
0xc: {  	[smem:$0x3FA4] =	sst s4  }
0xd: {  	[smem:$0x3FA5] =	sst s5  }
0xe: {  	[smem:$0x3FA6] =	sst s6  }
0xf: {  	[smem:$0x3FA7] =	sst s7  }
0x10: {  	[smem:$0x3FA8] =	sst s8  }
0x11: {  	[smem:$0x3FA9] =	sst s9;
	s0 =	simm.s32 @!p0 $0x0  }
0x12: {  	s1 =	sld [smem:$0x3F8F];
	s0 =	simm.s32 @p0 $0x1  }
0x13: {  	[smem:$0x3FAA] =	sst s0;
	s0 =	simm.s32 @!p1 $0x0  }
0x14: {  	s2 =	sld [smem:$0x3F8E];
	s0 =	simm.s32 @p1 $0x1  }
0x15: {  	[smem:$0x3FAB] =	sst s0;
	s0 =	simm.s32 @!p2 $0x0  }
0x16: {  	s3 =	sld [smem:$0x3FDB];
	s0 =	simm.s32 @p2 $0x1  }
0x17: {  	s4 =	simm.s32 $0x1BF5;
	[smem:$0x3FAD] =	sst s0  }
0x18: {  	s0 =	sld [smem:$0x3F90];
	_ =	swait.ge [sflag:s4], $0x0  }
0x19: {  	s7 =	sld [smem:$0x3F91]  }
0x1a: {  	s8 =	sadd.s32 $0xFFFFE003, lr  }
0x1b: {  	s9 =	sadd.s32 $0xFFFFFEF7, lr;
	s5 =	simm.s32 $0xFFFFFFFF;
	p2 =	slt.u32 s8, $0xFFFFF086  }
0x1c: {  	p1 =	slt.u32 s9, $0xF7A;
	s5 =	simm.s32 @!p2 $0x0  }
0x1d: {  	s5 =	simm.s32 @p1 $0x1;
	p0 =	seq.s32 s7, s2  }
0x1e: {  	s7 =	smul.u32 @!p0 $0xF7A, s2;
	p2 =	seq.s32 @!p0 s5, $0x0  }
0x1f: {  	s9 =	smul.u32 $0xF7A, s1;
	s8 =	simm.s32 @!p0 $0x1BF5;
	p2 =	por !p2, p0  }
0x20: {  	[sflag:s8] =	ssyncset.s32 @!p0 $0xFFFFF086;
	s6 =	sadd.s32 @!p0 s3, s7;
	s7 =	simm.s32 @!p0 $0x108  }
0x21: {  	s3 =	sadd.s32 s3, s9;
	s6 =	sadd.s32 @!p0 $0x88, s6;
	s7 =	simm.s32 @p2 $0x1082  }
0x22: {  	[simem:s7], [sflag:s8] =	dma.local @!p0 [hbm:s6], $0xF7A  }
0x23: {  	s9 =	sor.u32 $0xD0000000, s2;
	s6 =	simm.s32 $0x108;
	_ =	swait.ge @!p0 [sflag:s8], $0x0  }
0x24: {  	s3 =	sadd.s32 $0x88, s3;
	s6 =	simm.s32 @!p1 $0x1082;
	[sflag:s4] =	ssyncset.s32 $0xFFFFF086  }
0x25: {  	[simem:s6], [sflag:s4] =	dma.local [hbm:s3], $0xF7A  }
0x26: {  	[smem:$0x3F91] =	sst s1;
	(tag) =	ssettag s2;
	_ =	strace s9  }
0x27: {  	s1 =	sld [smem:$0x3FA1]  }
0x28: {  	s2 =	sld [smem:$0x3FA2]  }
0x29: {  	s4 =	sld [smem:$0x3FA4]  }
0x2a: {  	p0 =	seq.s32 s5, $0x0;
	s5 =	sld [smem:$0x3FA5]  }
0x2b: {  	s6 =	sld [smem:$0x3FA6]  }
0x2c: {  	s7 =	sld [smem:$0x3FA7]  }
0x2d: {  	s3 =	simm.s32 $0x108;
	s8 =	sld [smem:$0x3FA8]  }
0x2e: {  	s3 =	simm.s32 @!p0 $0x1082;
	s9 =	sld [smem:$0x3FA9]  }
0x2f: {  	lr =	sadd.s32 s0, s3;
	s0 =	sld [smem:$0x3FA0]  }
0x30: {  	s3 =	sld [smem:$0x3FA3]  }
0x31: {  	[smem:$0x3FAC] =	sst s10  }
0x32: {  	s10 =	sld [smem:$0x3FAA];
	_ =	sdelay $0x3  }
0x33: {  	p0 =	seq.s32 s10, $0x1;
	s10 =	sld [smem:$0x3FAC];
	_ =	sdelay $0x3  }
0x34: {  	[smem:$0x3FAC] =	sst s10  }
0x35: {  	s10 =	sld [smem:$0x3FAB];
	_ =	sdelay $0x3  }
0x36: {  	p1 =	seq.s32 s10, $0x1;
	s10 =	sld [smem:$0x3FAC];
	_ =	sdelay $0x3  }
0x37: {  	[smem:$0x3FAC] =	sst s10  }
0x38: {  	s10 =	sld [smem:$0x3FAD]  }
0x39: {  	_ = 	snop;
	(pc) =	sbr.ind lr, $3  }
0x3a: {  	_ = 	snop  }
0x3b: {  	_ = 	snop  }
0x3c: {  	p2 =	seq.s32 s10, $0x1;
	s10 =	sld [smem:$0x3FAC]  }
0x3d: {  	_ =	shalt  }
0x3e: {  	_ =	shalt  }
0x3f: {  	_ =	shalt  }
0x40: {  	_ =	shalt  }
0x41: {  	_ =	shalt  }
0x42: {  	_ =	shalt  }
0x43: {  	_ =	shalt  }
0x44: {  	_ =	shalt  }
0x45: {  	_ =	shalt  }
0x46: {  	_ =	shalt  }
0x47: {  	_ =	shalt  }
0x48: {  	_ =	shalt  }
0x49: {  	_ =	shalt  }
0x4a: {  	_ =	shalt  }
0x4b: {  	_ =	shalt  }
0x4c: {  	_ =	shalt  }
0x4d: {  	_ =	shalt  }
0x4e: {  	_ =	shalt  }
0x4f: {  	_ =	shalt  }
0x50: {  	_ =	shalt  }
0x51: {  	_ =	shalt  }
0x52: {  	_ =	shalt  }
0x53: {  	_ =	shalt  }
0x54: {  	_ =	shalt  }
0x55: {  	_ =	shalt  }
0x56: {  	_ =	shalt  }
0x57: {  	_ =	shalt  }
0x58: {  	_ =	shalt  }
0x59: {  	_ =	shalt  }
0x5a: {  	_ =	shalt  }
0x5b: {  	_ =	shalt  }
0x5c: {  	_ =	shalt  }
0x5d: {  	_ =	shalt  }
0x5e: {  	_ =	shalt  }
0x5f: {  	_ =	shalt  }
0x60: {  	_ =	shalt  }
0x61: {  	_ =	shalt  }
0x62: {  	_ =	shalt  }
0x63: {  	_ =	shalt  }
0x64: {  	_ =	shalt  }
0x65: {  	_ =	shalt  }
0x66: {  	_ =	shalt  }
0x67: {  	_ =	shalt  }
0x68: {  	_ =	shalt  }
0x69: {  	_ =	shalt  }
0x6a: {  	_ =	shalt  }
0x6b: {  	_ =	shalt  }
0x6c: {  	_ =	shalt  }
0x6d: {  	_ =	shalt  }
0x6e: {  	_ =	shalt  }
0x6f: {  	_ =	shalt  }
0x70: {  	_ =	shalt  }
0x71: {  	_ =	shalt  }
0x72: {  	_ =	shalt  }
0x73: {  	_ =	shalt  }
0x74: {  	_ =	shalt  }
0x75: {  	_ =	shalt  }
0x76: {  	_ =	shalt  }
0x77: {  	_ =	shalt  }
0x78: {  	_ =	shalt  }
0x79: {  	_ =	shalt  }
0x7a: {  	_ =	shalt  }
0x7b: {  	_ =	shalt  }
0x7c: {  	_ =	shalt  }
0x7d: {  	_ =	shalt  }
0x7e: {  	_ =	shalt  }
0x7f: {  	_ =	shalt  }
0x80: {  	_ =	shalt  }
0x81: {  	_ =	shalt  }
0x82: {  	_ =	shalt  }
0x83: {  	_ =	shalt  }
0x84: {  	_ =	shalt  }
0x85: {  	_ =	shalt  }
0x86: {  	_ =	shalt  }
0x87: {  	_ =	shalt  }
.Lfunc_end0:
.L_simem_size_0:
called_computation.1_lowered:
.L_overlay_start_0:
0x88: {  	s2 =	sld [smem:$0x3FD9]  }
0x89: {  	s3 =	sld [smem:$0x3FFE];
	_ =	sdelay $0x1  }
0x8a: {  	s1 =	srdreg.scid  }
0x8b: {  	s0 =	sand.u32 $0x1, s1  }
0x8c: {  	s14 =	sshll.u32 s0, $0xA;
	s2 =	sadd.s32 s3, s2  }
0x8d: {  	s2 =	sadd.s32 s2, s14  }
0x8e: {  	[smem:$0x3FB8] =	sst s2  }
0x8f: {  	_ = 	snop  }
0x90: {  	s2 =	sld [smem:$0x3FD0];
	_ =	sdelay $0x2  }
0x91: {  	s15 =	simm.s32 $0xA;
	s4 =	simm.s32 $0x10  }
0x92: {  	[smem:s4], [sflag:s15] =	dma.local [hbm:s2], $0x1  }
0x93: {  	_ =	swait.eq [sflag:s15], $0x1  }
0x94: {  	[sflag:s15] =	ssyncset.done $0x0  }
0x95: {  	s16 =	sld [smem:$0x12];
	[sflag:s15] =	ssyncadd.s32 $0xFFFFFFFF  }
0x96: {  	s17 =	sld [smem:$0x13];
	(tm) =	ssettm $0x1  }
0x97: {  	s18 =	sld [smem:$0x3FFB];
	_ =	sdelay $0x3  }
0x98: {  	_ =	strace s18  }
0x99: {  	s4 =	sld [smem:$0x3FFC];
	_ =	sdelay $0x3  }
0x9a: {  	_ =	strace s4  }
0x9b: {  	s4 =	sld [smem:$0x3FFD];
	_ =	sdelay $0x3  }
0x9c: {  	_ =	strace s4  }
0x9d: {  	_ =	strace $0x8FFFFFFF  }
0x9e: {  	s19 =	sld [smem:$0x3FDB];
	_ =	sdelay $0x1  }
0x9f: {  	s5 =	simm.s32 $_scs_section_size  }
0xa0: {  	s6 =	simm.s32 $_size__tile_overlayer_lowered;
	s7 =	simm.s32 $_tile_overlayer_lowered  }
0xa1: {  	s22 =	simm.s32 $0x1BFF;
	s21 =	sshll.u32 s7, $0x1;
	s4 =	sadd.s32 s5, s19  }
0xa2: {  	s8 =	simm.s32 $0x0;
	s20 =	sshll.u32 s6, $0x1;
	s6 =	sadd.s32 s21, s4  }
0xa3: {  	[timem:s8], [sflag:s22] =	dma.local [hbm:s6], s20  }
0xa4: {  	_ =	swait.ge [sflag:s22], s20  }
0xa5: {  	s5 =	ssub.s32 $0x0, s20;
	[sflag:s22] =	ssyncset.done $0x0  }
0xa6: {  	[sflag:s22] =	ssyncadd.s32 s5;
	_ =	sdelay $0x1  }
0xa7: {  	s23 =	simm.s32 $0x1B8B  }
0xa8: {  	_ =	swait.ge [sflag:s23], $0x1  }
0xa9: {  	[sflag:s23] =	ssyncset.done $0x0  }
0xaa: {  	s25 =	simm.s32 $0x1B8E;
	s24 =	sld [smem:$0x3FFE];
	[sflag:s23] =	ssyncadd.s32 $0xFFFFFFFF  }
0xab: {  	s26 =	simm.s32 $execute0_lowered;
	[smem:$0x3FD2] =	sst s25  }
0xac: {  	s6 =	sshll.u32 s26, $0x1;
	_ =	strace $0x80000049;
	[dreg:$0x1] =	wrdreg $0xFFFFFFFF  }
0xad: {  	s28 =	simm.s32 $_size_execute0_lowered;
	s4 =	sadd.s32 s4, s6;
	[dreg:$0x0] =	wrdreg $0x0  }
0xae: {  	s6 =	sshll.u32 s28, $0x1;
	[dreg:$0x2] =	wrdreg s4  }
0xaf: {  	[dreg:$0x3] =	wrdreg s6  }
0xb0: {  	[dreg:$0x4] =	wrdreg $0xC0  }
0xb1: {  	_ =	task [dreg:s8], $0x5FFFF  }
0xb2: {  	[dreg:$0x1] =	wrdreg $0xFFFFFFFF  }
0xb3: {  	[dreg:$0x0] =	wrdreg $0x60  }
0xb4: {  	[dreg:$0x2] =	wrdreg s17  }
0xb5: {  	[dreg:$0x3] =	wrdreg s16  }
0xb6: {  	[dreg:$0x4] =	wrdreg s24  }
0xb7: {  	[dreg:$0x5] =	wrdreg $0x0  }
0xb8: {  	[dreg:$0x6] =	wrdreg $0x9  }
0xb9: {  	_ =	task.clear_ibuf [dreg:s8], $0x7FFFF;
	_ =	strace $0x90000049  }
0xba: {  	s29 =	simm.s32 $0x9;
	_ =	strace $0x8000004B  }
0xbb: {  	_ =	swait.ge [sflag:s29], $0x1  }
0xbc: {  	[sflag:s29] =	ssyncadd.s32 $0xFFFFFFFF  }
0xbd: {  	_ =	strace $0x9000004B  }
0xbe: {  	_ =	sfence  }
0xbf: {  	s30 =	sld [smem:$0x0];
	_ =	sdelay $0x2  }
0xc0: {  	s31 =	sshll.u32 s1, $0xD;
	s1 =	sshrl.u32 s1, $0x2  }
0xc1: {  	s3 =	sand.u32 $0x4000, s31;
	s1 =	sadd.s32 s1, s30  }
0xc2: {  	s0 =	sor.u32 s3, s0;
	s1 =	sshll.u32 s1, $0x11  }
0xc3: {  	s0 =	sor.u32 s1, s0  }
0xc4: {  	s0 =	sadd.s32 $0x8F2B, s0  }
0xc5: {  	[sflag:s0] =	ssyncadd.remote.s32 $0x1  }
0xc6: {  	_ =	sfence.sel $0xFFFF  }
0xc7: {  	[dreg:$0x0] =	wrdreg $0xFFFFFFFF;
	(pc) =	sbr.abs _section_cstart, $3  }
0xc8: {  	[dreg:$0x1] =	wrdreg $0xFFFFFFFF  }
0xc9: {  	_ =	task.clear_ibuf [dreg:s8], $0x2FFFF;
	_ =	strace $0x9FFFFFFF  }
0xca: {  	(tm) =	ssettm $0x7FFFFFFF  }
0xcb: {  	_ =	shalt  }
tec
execute0_lowered:
.L_overlay_start_1:
0x0: {  	(tag) =	ssettag $0x1  }
0x1: {  	s2 =	rddreg [dreg:$0x0]  }
0x2: {  	s3 =	rddreg [dreg:$0x1]  }
0x3: {  	s1 =	rddreg [dreg:$0x2];
	s21 =	stileid.u32  }
0x4: {  	s4 =	rddreg [dreg:$0x3];
	s5 =	simm.s32 $0x0;
	s24 =	srdreg.scid  }
0x5: {  	s28 =	simm.s32 $0x2;
	s29 =	simm.s32 $0x0;
	s0 =	smul.u32 $0x3E80, s21  }
0x6: {  	[smem:$0x7FF] =	sst s5;
	s8 =	sadd.s32 $0x4E00, s1;
	s12 =	smul.u32 $0xA000, s21  }
0x7: {  	s10 =	sadd.s32 $0x14A00, s1;
	s13 =	sor.u32 $0x10, s21;
	s20 =	smul.u32 $0x7D0, s21  }
0x8: {  	s6 =	sadd.s32 $0x24600, s1;
	s16 =	sor.u32 $0x20, s21;
	s15 =	smul.u32 $0xA000, s13  }
0x9: {  	s11 =	sand.u32 $0x1, s24;
	s18 =	sor.u32 $0x30, s21;
	s17 =	smul.u32 $0xA000, s16  }
0xa: {  	_ =	strace $0x8000004A;
	p0 =	seq.s32 s11, $0x1;
	s19 =	smul.u32 $0x500, s13  }
0xb: {  	s7 =	sshrl.u32 s0, $0x3;
	s0 =	ssub.s32 $0x2, s11;
	s11 =	smul.u32 $0xA000, s18  }
0xc: {  	s13 =	sadd.s32 s20, s8;
	s9 =	sadd.s32 s7, s1;
	s14 =	sshrl.u32 s0, $0x1  }
0xd: {  	s25 =	sadd.s32 s8, s7;
	s26 =	sadd.s32 $0x10, s7;
	s31 =	sadd.s32 $0x7C0, s7  }
0xe: {  	s7 =	sadd.s32 s10, s7;
	s17 =	sshrl.u32 s17, $0x2;
	[dreg:$0x5] =	wrdreg s25  }
0xf: {  	s0 =	ssub.s32 s0, s14;
	s30 =	sadd.s32 s8, s26;
	[dreg:$0x7] =	wrdreg s7  }
0x10: {  	s22 =	sadd.s32 s10, s26;
	s23 =	sadd.s32 s8, s31;
	s24 =	sadd.s32 s10, s31  }
0x11: {  	s14 =	sadd.s32 s20, s10;
	s20 =	sadd.s32 $0x4BE00, s1;
	[dreg:$0x6] =	wrdreg s30  }
0x12: {  	s25 =	sshrl.u32 s12, $0x2;
	s8 =	smul.u32 $0x500, s18;
	[dreg:$0x8] =	wrdreg s22  }
0x13: {  	s26 =	sor.u32 $0x40, s21;
	s18 =	sor.u32 $0x50, s21;
	[dreg:$0x9] =	wrdreg s23  }
0x14: {  	s11 =	sshrl.u32 s11, $0x2;
	[dreg:$0xa] =	wrdreg s24;
	s22 =	sadd.s32 $0x24C00, s1  }
0x15: {  	s1 =	smul.u32 $0x500, s16;
	s7 =	sadd.s32 s25, s4;
	[dreg:$0xb] =	wrdreg s20  }
0x16: {  	s31 =	smul.u32 $0xA000, s26;
	s23 =	sadd.s32 s17, s4;
	[dreg:$0xd] =	wrdreg s7  }
0x17: {  	s10 =	smul.u32 $0x500, s26;
	s11 =	sadd.s32 s11, s4;
	[dreg:$0xf] =	wrdreg s23  }
0x18: {  	s30 =	sshrl.u32 s15, $0x2;
	s24 =	smul.u32 $0xA000, s18;
	[dreg:$0x10] =	wrdreg s11  }
0x19: {  	s15 =	smul.u32 $0x500, s18;
	s0 =	smax.u32 s0, $0x1;
	[dreg:$0xc] =	wrdreg s22  }
0x1a: {  	s25 =	sor.u32 $0x60, s21;
	s7 =	sadd.s32 s30, s4;
	[smem:$0x7FD] =	sst s0  }
0x1b: {  	s26 =	smul.u32 $0xA000, s25;
	s17 =	sadd.s32 s20, s8;
	[dreg:$0xe] =	wrdreg s7  }
0x1c: {  	s30 =	sor.u32 $0x70, s21;
	s16 =	sadd.s32 s20, s1;
	[dreg:$0x1d] =	wrdreg s17  }
0x1d: {  	s12 =	sshrl.u32 s31, $0x2;
	s1 =	sadd.s32 s22, s1;
	[dreg:$0x1b] =	wrdreg s16  }
0x1e: {  	s7 =	sshrl.u32 s24, $0x2;
	s12 =	sadd.s32 s12, s4;
	[dreg:$0x1c] =	wrdreg s1  }
0x1f: {  	s23 =	smul.u32 $0x500, s21;
	s7 =	sadd.s32 s7, s4;
	[dreg:$0x11] =	wrdreg s12  }
0x20: {  	s11 =	sshrl.u32 s26, $0x2;
	s26 =	sadd.s32 $0xCC00, s9;
	[dreg:$0x12] =	wrdreg s7  }
0x21: {  	s31 =	smul.u32 $0xA000, s30;
	s9 =	sadd.s32 $0x1C800, s9;
	[dreg:$0x15] =	wrdreg s26  }
0x22: {  	s7 =	smul.u32 $0x500, s25;
	s11 =	sadd.s32 s11, s4;
	[dreg:$0x16] =	wrdreg s9  }
0x23: {  	s25 =	smul.u32 $0x500, s30;
	s30 =	sadd.s32 s20, s23;
	[dreg:$0x13] =	wrdreg s11  }
0x24: {  	s18 =	sshrl.u32 s31, $0x2;
	s31 =	sadd.s32 s22, s23;
	[dreg:$0x17] =	wrdreg s30  }
0x25: {  	p1 =	sgt.u32 s21, $0xC;
	s12 =	sadd.s32 s22, s19;
	[dreg:$0x18] =	wrdreg s31  }
0x26: {  	p2 =	slt.u32 s21, $0xD;
	s23 =	sadd.s32 s22, s10;
	[dreg:$0x1a] =	wrdreg s12  }
0x27: {  	s1 =	simm.s32 $0x5;
	s26 =	sadd.s32 s22, s15;
	[smem:$0x7F8] =	sst s23  }
0x28: {  	s9 =	simm.s32 $0x17B00;
	s24 =	sadd.s32 s18, s4;
	[smem:$0x7FA] =	sst s26  }
0x29: {  	s11 =	sadd.s32 s20, s19;
	s18 =	sadd.s32 s22, s8;
	[dreg:$0x14] =	wrdreg s25  }
0x2a: {  	s19 =	sadd.s32 s20, s10;
	s8 =	simm.s32 $0x80;
	[dreg:$0x19] =	wrdreg s11  }
.Ltmp0:
0x2b: {  	s10 =	simm.s32 $0x17780;
	[dreg:$0x1e] =	wrdreg s18;
	(pc) =	sbr.rel .LBB2_1-.Ltmp0, $4  }
0x2c: {  	s12 =	simm.s32 $0x3;
	[dreg:$0x1f] =	wrdreg s19;
	s25 =	sadd.s32 s20, s15  }
0x2d: {  	s26 =	simm.s32 $0x4;
	s30 =	sadd.s32 s20, s7;
	[smem:$0x7F9] =	sst s25  }
0x2e: {  	s31 =	sadd.s32 s22, s7;
	s7 =	simm.s32 $0x17700;
	[smem:$0x7FB] =	sst s30  }
0x2f: {  	s11 =	simm.s32 $0x1BB00;
	[smem:$0x7FC] =	sst s31;
	s25 =	simm.s32 $0x1  }
.LBB2_8:
0x30: {  	s16 =	rddreg [dreg:$0x14]  }
0x31: {  	s31 =	sshrl.u32 s24, $0x3;
	s15 =	sadd.s32 s15, s16  }
0x32: {  	[hbm:s15], [sflag:s0] =	dma.local [spmem:s31], $0x500  }
0x33: {  	_ =	swait.ge [sflag:s1], $0x500  }
0x34: {  	[sflag:s1] =	ssyncset.done $0x0  }
0x35: {  	[sflag:s1] =	ssyncadd.s32 $0xFFFFFB00  }
.LBB2_9:
0x36: {  	s0 =	sld [smem:$0x7FD];
	_ =	sdelay $0x1  }
0x37: {  	s29 =	sadd.s32 $0x1, s29  }
0x38: {  	p3 =	sne.s32 s29, s0  }
.Ltmp1:
0x39: {  	_ = 	snop;
	(pc) =	sbr.rel @!p3 .LBB2_10-.Ltmp1, $1  }
0x3a: {  	_ =	sdelay $0x3  }
.LBB2_1:
.Ltmp2:
0x3b: {  	(pc) =	sbr.rel @!p0 .LBB2_2-.Ltmp2, $2  }
0x3c: {  	_ =	sdelay $0x2  }
0x3d: {  	s22 =	sshrl.u32 @!p1 s24, $0x3  }
0x3e: {  	s0 =	rddreg [dreg:$0x16];
	s23 =	simm.s32 $0x13880  }
0x3f: {  	[tilespmem:s23], [sflag:$0x5] =	stream.linear.gather [hbm4b:s0+s5], $0x3E80, $0x38;
	[tilespmem:$0x1FB00] =	vst v63  }
0x40: {  	s21 =	stileid.u32;
	_ =	swait.ge [sflag:s1], $0x3E80  }
0x41: {  	s0 =	sshll.u32 s21, $0x6;
	[sflag:s1] =	ssyncset.done $0x0;
	s15 =	rddreg [dreg:$0xd]  }
0x42: {  	s0 =	sor.u32 $0x1C05, s0;
	[sflag:s1] =	ssyncadd.s32 $0xFFFFC180;
	s15 =	sshrl.u32 s15, $0x3  }
0x43: {  	[spmem:s15], [sflag:s0] =	dma.local [hbm:s6], $0x500  }
0x44: {  	_ =	swait.ge [sflag:s1], $0x500  }
0x45: {  	[sflag:s1] =	ssyncset.done $0x0;
	s16 =	rddreg [dreg:$0xe]  }
0x46: {  	[sflag:s1] =	ssyncadd.s32 $0xFFFFFB00;
	s16 =	sshrl.u32 s16, $0x3  }
0x47: {  	[spmem:s16], [sflag:s0] =	dma.local [hbm:s6], $0x500  }
0x48: {  	_ =	swait.ge [sflag:s1], $0x500  }
0x49: {  	[sflag:s1] =	ssyncset.done $0x0;
	s17 =	rddreg [dreg:$0xf]  }
0x4a: {  	[sflag:s1] =	ssyncadd.s32 $0xFFFFFB00;
	s17 =	sshrl.u32 s17, $0x3  }
0x4b: {  	[spmem:s17], [sflag:s0] =	dma.local [hbm:s6], $0x500  }
0x4c: {  	_ =	swait.ge [sflag:s1], $0x500  }
0x4d: {  	[sflag:s1] =	ssyncset.done $0x0;
	s18 =	rddreg [dreg:$0x10]  }
0x4e: {  	[sflag:s1] =	ssyncadd.s32 $0xFFFFFB00;
	s18 =	sshrl.u32 s18, $0x3  }
0x4f: {  	[spmem:s18], [sflag:s0] =	dma.local [hbm:s6], $0x500  }
0x50: {  	_ =	swait.ge [sflag:s1], $0x500  }
0x51: {  	[sflag:s1] =	ssyncset.done $0x0;
	s19 =	rddreg [dreg:$0x11]  }
0x52: {  	[sflag:s1] =	ssyncadd.s32 $0xFFFFFB00;
	s19 =	sshrl.u32 s19, $0x3  }
0x53: {  	[spmem:s19], [sflag:s0] =	dma.local [hbm:s6], $0x500  }
0x54: {  	_ =	swait.ge [sflag:s1], $0x500  }
0x55: {  	[sflag:s1] =	ssyncset.done $0x0;
	s20 =	rddreg [dreg:$0x12]  }
0x56: {  	[sflag:s1] =	ssyncadd.s32 $0xFFFFFB00;
	s20 =	sshrl.u32 s20, $0x3  }
0x57: {  	[spmem:s20], [sflag:s0] =	dma.local [hbm:s6], $0x500  }
0x58: {  	_ =	swait.ge [sflag:s1], $0x500  }
0x59: {  	[sflag:s1] =	ssyncset.done $0x0;
	s21 =	rddreg [dreg:$0x13]  }
0x5a: {  	[sflag:s1] =	ssyncadd.s32 $0xFFFFFB00;
	s21 =	sshrl.u32 s21, $0x3  }
0x5b: {  	[spmem:s21], [sflag:s0] =	dma.local [hbm:s6], $0x500  }
0x5c: {  	_ =	swait.ge [sflag:s1], $0x500  }
0x5d: {  	[sflag:s1] =	ssyncset.done $0x0  }
0x5e: {  	[sflag:s1] =	ssyncadd.s32 $0xFFFFFB00  }
0x5f: {  	[spmem:s22], [sflag:s0] =	dma.local @!p1 [hbm:s6], $0x500  }
0x60: {  	s22 =	simm.s32 @!p1 $0x5  }
0x61: {  	_ =	swait.ge @!p1 [sflag:s22], $0x500  }
0x62: {  	[sflag:s22] =	ssyncset.done @!p1 $0x0  }
0x63: {  	[sflag:s22] =	ssyncadd.s32 @!p1 $0xFFFFFB00  }
0x64: {  	[bflag:$0x0] =	sbarrier.arrive $0xFFFF  }
0x65: {  	s30 =	rddreg [dreg:$0x7]  }
0x66: {  	[tilespmem:s7], [sflag:$0x3] =	stream.linear.gather [hbm4b:s30+s5], $0x80, $0x38;
	[tilespmem:$0x1FB00] =	vst v63  }
0x67: {  	_ = 	snop  }
0x68: {  	[tilespmem:s9], [sflag:$0x1] =	stream.indirect.gather [hbm4b:s3+s8], $0x80, s23, s8, $0xb8;
	[tilespmem:$0x1FB00] =	vst v63  }
0x69: {  	s30 =	rddreg [dreg:$0x8]  }
0x6a: {  	[tilespmem:s10], [sflag:$0x4] =	stream.linear.gather [hbm4b:s30+s5], $0x80, $0x38;
	[tilespmem:$0x1FB00] =	vst v63  }
0x6b: {  	s23 =	simm.s32 $0x13900  }
0x6c: {  	[tilespmem:s11], [sflag:$0x2] =	stream.indirect.gather [hbm4b:s3+s8], $0x80, s23, s8, $0xb8;
	[tilespmem:$0x1FB00] =	vst v63  }
0x6d: {  	_ =	swait.ge [sflag:s12], $0x80  }
0x6e: {  	[sflag:s12] =	ssyncset.done $0x0  }
0x6f: {  	[sflag:s12] =	ssyncadd.s32 $0xFFFFFF80  }
0x70: {  	_ =	swait.ge [sflag:s25], $0x4000  }
0x71: {  	[sflag:s25] =	ssyncset.done $0x0  }
0x72: {  	[sflag:s25] =	ssyncadd.s32 $0xFFFFC000  }
0x73: {  	[spmem:s4] =	stream.indirect.scatter.add.f32 [tilespmem:s9], [sflag:$0x5], $0x80, s7, s8, $0xb8;
	[tilespmem:$0x1FB00] =	vst v63  }
0x74: {  	_ =	swait.ge [sflag:s1], $0x4000  }
0x75: {  	s22 =	sadd.s32 $0xFFFFF860, s14;
	[sflag:s1] =	ssyncset.done $0x0  }
0x76: {  	s30 =	sadd.s32 $0x7C0, s22;
	[sflag:s1] =	ssyncadd.s32 $0xFFFFC000  }
0x77: {  	[tilespmem:s7], [sflag:$0x3] =	stream.linear.gather [hbm4b:s30+s5], $0x80, $0x38;
	[tilespmem:$0x1FB00] =	vst v63  }
0x78: {  	s30 =	simm.s32 $0x13980  }
0x79: {  	[tilespmem:s9], [sflag:$0x1] =	stream.indirect.gather [hbm4b:s3+s8], $0x80, s30, s8, $0xb8;
	[tilespmem:$0x1FB00] =	vst v63  }
0x7a: {  	_ =	swait.ge [sflag:s26], $0x80  }
0x7b: {  	[sflag:s26] =	ssyncset.done $0x0  }
0x7c: {  	[sflag:s26] =	ssyncadd.s32 $0xFFFFFF80  }
0x7d: {  	_ =	swait.ge [sflag:s28], $0x4000  }
0x7e: {  	[sflag:s28] =	ssyncset.done $0x0  }
0x7f: {  	[sflag:s28] =	ssyncadd.s32 $0xFFFFC000  }
0x80: {  	[spmem:s4] =	stream.indirect.scatter.add.f32 [tilespmem:s11], [sflag:$0x5], $0x80, s10, s8, $0xb8;
	[tilespmem:$0x1FB00] =	vst v63  }
0x81: {  	_ =	swait.ge [sflag:s1], $0x4000  }
0x82: {  	[sflag:s1] =	ssyncset.done $0x0  }
0x83: {  	s22 =	sadd.s32 $0x7D0, s22;
	[sflag:s1] =	ssyncadd.s32 $0xFFFFC000  }
0x84: {  	[tilespmem:s10], [sflag:$0x4] =	stream.linear.gather [hbm4b:s22+s5], $0x80, $0x38;
	[tilespmem:$0x1FB00] =	vst v63  }
0x85: {  	s31 =	simm.s32 $0x13A00;
	s23 =	simm.s32 $0x13A80;
	s22 =	simm.s32 $0xFFFFF880  }
.LBB2_6:
0x86: {  	[tilespmem:s11], [sflag:$0x2] =	stream.indirect.gather [hbm4b:s3+s8], $0x80, s31, s8, $0xb8;
	[tilespmem:$0x1FB00] =	vst v63  }
0x87: {  	s30 =	smov.u32 s22  }
0x88: {  	p3 =	sne.s32 s22, $0xFFFFFFE0;
	s22 =	sadd.s32 $0x20, s22;
	_ =	swait.ge [sflag:s12], $0x80  }
0x89: {  	[sflag:s12] =	ssyncset.done $0x0  }
0x8a: {  	[sflag:s12] =	ssyncadd.s32 $0xFFFFFF80  }
0x8b: {  	_ =	swait.ge [sflag:s25], $0x4000  }
0x8c: {  	[sflag:s25] =	ssyncset.done $0x0  }
0x8d: {  	[sflag:s25] =	ssyncadd.s32 $0xFFFFC000  }
0x8e: {  	[spmem:s4] =	stream.indirect.scatter.add.f32 [tilespmem:s9], [sflag:$0x5], $0x80, s7, s8, $0xb8;
	[tilespmem:$0x1FB00] =	vst v63  }
0x8f: {  	_ =	swait.ge [sflag:s1], $0x4000  }
0x90: {  	s30 =	sadd.s32 s30, s14;
	[sflag:s1] =	ssyncset.done $0x0  }
0x91: {  	s31 =	sadd.s32 $0x7C0, s30;
	[sflag:s1] =	ssyncadd.s32 $0xFFFFC000  }
0x92: {  	[tilespmem:s7], [sflag:$0x3] =	stream.linear.gather [hbm4b:s31+s5], $0x80, $0x38;
	[tilespmem:$0x1FB00] =	vst v63  }
0x93: {  	_ = 	snop  }
0x94: {  	[tilespmem:s9], [sflag:$0x1] =	stream.indirect.gather [hbm4b:s3+s8], $0x80, s23, s8, $0xb8;
	[tilespmem:$0x1FB00] =	vst v63  }
0x95: {  	_ =	swait.ge [sflag:s26], $0x80  }
0x96: {  	[sflag:s26] =	ssyncset.done $0x0  }
0x97: {  	[sflag:s26] =	ssyncadd.s32 $0xFFFFFF80  }
0x98: {  	_ =	swait.ge [sflag:s28], $0x4000  }
0x99: {  	[sflag:s28] =	ssyncset.done $0x0  }
0x9a: {  	[sflag:s28] =	ssyncadd.s32 $0xFFFFC000  }
0x9b: {  	[spmem:s4] =	stream.indirect.scatter.add.f32 [tilespmem:s11], [sflag:$0x5], $0x80, s10, s8, $0xb8;
	[tilespmem:$0x1FB00] =	vst v63  }
.Ltmp3:
0x9c: {  	_ =	swait.ge [sflag:s1], $0x4000;
	(pc) =	sbr.rel @p3 .LBB2_6-.Ltmp3, $4  }
0x9d: {  	[sflag:s1] =	ssyncset.done $0x0  }
0x9e: {  	s30 =	sadd.s32 $0x7D0, s30;
	[sflag:s1] =	ssyncadd.s32 $0xFFFFC000  }
0x9f: {  	[tilespmem:s10], [sflag:$0x4] =	stream.linear.gather [hbm4b:s30+s5], $0x80, $0x38;
	[tilespmem:$0x1FB00] =	vst v63  }
0xa0: {  	s31 =	sadd.s32 $0x80, s23;
	s23 =	sadd.s32 $0x100, s23  }
0xa1: {  	[tilespmem:s11], [sflag:$0x2] =	stream.indirect.gather [hbm4b:s3+s8], $0x80, s31, s8, $0xb8;
	[tilespmem:$0x1FB00] =	vst v63  }
0xa2: {  	_ =	swait.ge [sflag:s12], $0x80  }
0xa3: {  	[sflag:s12] =	ssyncset.done $0x0  }
0xa4: {  	[sflag:s12] =	ssyncadd.s32 $0xFFFFFF80  }
0xa5: {  	_ =	swait.ge [sflag:s25], $0x4000  }
0xa6: {  	[sflag:s25] =	ssyncset.done $0x0  }
0xa7: {  	[sflag:s25] =	ssyncadd.s32 $0xFFFFC000  }
0xa8: {  	[spmem:s4] =	stream.indirect.scatter.add.f32 [tilespmem:s9], [sflag:$0x5], $0x80, s7, s8, $0xb8;
	[tilespmem:$0x1FB00] =	vst v63  }
0xa9: {  	_ =	swait.ge [sflag:s1], $0x4000  }
0xaa: {  	[sflag:s1] =	ssyncset.done $0x0  }
0xab: {  	s22 =	rddreg [dreg:$0xa];
	[sflag:s1] =	ssyncadd.s32 $0xFFFFC000  }
0xac: {  	[tilespmem:s7], [sflag:$0x3] =	stream.linear.gather [hbm4b:s22+s5], $0x80, $0x38;
	[tilespmem:$0x1FB00] =	vst v63  }
0xad: {  	s23 =	simm.s32 $0x17680  }
0xae: {  	[tilespmem:s9], [sflag:$0x1] =	stream.indirect.gather [hbm4b:s3+s8], $0x80, s23, s8, $0xb8;
	[tilespmem:$0x1FB00] =	vst v63  }
0xaf: {  	_ =	swait.ge [sflag:s26], $0x80  }
0xb0: {  	[sflag:s26] =	ssyncset.done $0x0  }
0xb1: {  	[sflag:s26] =	ssyncadd.s32 $0xFFFFFF80  }
0xb2: {  	_ =	swait.ge [sflag:s28], $0x4000  }
0xb3: {  	[sflag:s28] =	ssyncset.done $0x0  }
0xb4: {  	[sflag:s28] =	ssyncadd.s32 $0xFFFFC000  }
0xb5: {  	[spmem:s4] =	stream.indirect.scatter.add.f32 [tilespmem:s11], [sflag:$0x5], $0x80, s10, s8, $0xb8;
	[tilespmem:$0x1FB00] =	vst v63  }
0xb6: {  	_ =	swait.ge [sflag:s1], $0x4000  }
0xb7: {  	[sflag:s1] =	ssyncset.done $0x0  }
0xb8: {  	[sflag:s1] =	ssyncadd.s32 $0xFFFFC000  }
0xb9: {  	_ =	swait.ge [sflag:s12], $0x80  }
0xba: {  	[sflag:s12] =	ssyncset.done $0x0  }
0xbb: {  	[sflag:s12] =	ssyncadd.s32 $0xFFFFFF80  }
0xbc: {  	_ =	swait.ge [sflag:s25], $0x4000  }
0xbd: {  	[sflag:s25] =	ssyncset.done $0x0  }
0xbe: {  	[sflag:s25] =	ssyncadd.s32 $0xFFFFC000  }
0xbf: {  	[spmem:s4] =	stream.indirect.scatter.add.f32 [tilespmem:s9], [sflag:$0x5], $0x80, s7, s8, $0xb8;
	[tilespmem:$0x1FB00] =	vst v63  }
0xc0: {  	_ =	swait.ge [sflag:s1], $0x4000  }
0xc1: {  	[sflag:s1] =	ssyncset.done $0x0  }
0xc2: {  	[sflag:s1] =	ssyncadd.s32 $0xFFFFC000  }
0xc3: {  	[bflag:$0x0] =	sbarrier.arrive $0xFFFF  }
0xc4: {  	s30 =	rddreg [dreg:$0x18]  }
0xc5: {  	[hbm:s30], [sflag:s0] =	dma.local [spmem:s15], $0x500  }
0xc6: {  	_ =	swait.ge [sflag:s1], $0x500  }
0xc7: {  	[sflag:s1] =	ssyncset.done $0x0  }
0xc8: {  	s31 =	rddreg [dreg:$0x1a];
	[sflag:s1] =	ssyncadd.s32 $0xFFFFFB00  }
0xc9: {  	[hbm:s31], [sflag:s0] =	dma.local [spmem:s16], $0x500  }
0xca: {  	_ =	swait.ge [sflag:s1], $0x500  }
0xcb: {  	[sflag:s1] =	ssyncset.done $0x0  }
0xcc: {  	s16 =	rddreg [dreg:$0x1c];
	[sflag:s1] =	ssyncadd.s32 $0xFFFFFB00  }
0xcd: {  	[hbm:s16], [sflag:s0] =	dma.local [spmem:s17], $0x500  }
0xce: {  	_ =	swait.ge [sflag:s1], $0x500  }
0xcf: {  	[sflag:s1] =	ssyncset.done $0x0  }
0xd0: {  	s22 =	rddreg [dreg:$0x1e];
	[sflag:s1] =	ssyncadd.s32 $0xFFFFFB00  }
0xd1: {  	[hbm:s22], [sflag:s0] =	dma.local [spmem:s18], $0x500  }
0xd2: {  	_ =	swait.ge [sflag:s1], $0x500  }
0xd3: {  	s23 =	sld [smem:$0x7F8]  }
0xd4: {  	[sflag:s1] =	ssyncset.done $0x0  }
0xd5: {  	[sflag:s1] =	ssyncadd.s32 $0xFFFFFB00  }
0xd6: {  	[hbm:s23], [sflag:s0] =	dma.local [spmem:s19], $0x500  }
0xd7: {  	_ =	swait.ge [sflag:s1], $0x500  }
0xd8: {  	s30 =	sld [smem:$0x7FA]  }
0xd9: {  	[sflag:s1] =	ssyncset.done $0x0  }
0xda: {  	[sflag:s1] =	ssyncadd.s32 $0xFFFFFB00  }
0xdb: {  	[hbm:s30], [sflag:s0] =	dma.local [spmem:s20], $0x500  }
0xdc: {  	_ =	swait.ge [sflag:s1], $0x500  }
0xdd: {  	s31 =	sld [smem:$0x7FC]  }
0xde: {  	[sflag:s1] =	ssyncset.done $0x0  }
0xdf: {  	[sflag:s1] =	ssyncadd.s32 $0xFFFFFB00  }
0xe0: {  	[hbm:s31], [sflag:s0] =	dma.local [spmem:s21], $0x500  }
.Ltmp4:
0xe1: {  	_ = 	snop;
	(pc) =	sbr.rel @p1 .LBB2_9-.Ltmp4, $4  }
.Ltmp5:
0xe2: {  	_ = 	snop;
	(pc) =	sbr.rel @!p1 .LBB2_8-.Ltmp5, $4  }
0xe3: {  	_ =	swait.ge [sflag:s1], $0x500  }
0xe4: {  	[sflag:s1] =	ssyncset.done $0x0  }
0xe5: {  	s15 =	rddreg [dreg:$0xc];
	[sflag:s1] =	ssyncadd.s32 $0xFFFFFB00  }
0xe6: {  	_ = 	snop  }
.LBB2_2:
0xe7: {  	s0 =	rddreg [dreg:$0x15];
	s23 =	simm.s32 $0x13880  }
0xe8: {  	[tilespmem:s23], [sflag:$0x5] =	stream.linear.gather [hbm4b:s0+s5], $0x3E80, $0x38;
	[tilespmem:$0x1FB00] =	vst v63  }
0xe9: {  	s21 =	stileid.u32;
	_ =	swait.ge [sflag:s1], $0x3E80  }
0xea: {  	s0 =	sshll.u32 s21, $0x6;
	[sflag:s1] =	ssyncset.done $0x0;
	s15 =	rddreg [dreg:$0xd]  }
0xeb: {  	s0 =	sor.u32 $0x1C05, s0;
	[sflag:s1] =	ssyncadd.s32 $0xFFFFC180;
	s15 =	sshrl.u32 s15, $0x3  }
0xec: {  	[spmem:s15], [sflag:s0] =	dma.local [hbm:s6], $0x500  }
0xed: {  	_ =	swait.ge [sflag:s1], $0x500  }
0xee: {  	[sflag:s1] =	ssyncset.done $0x0;
	s16 =	rddreg [dreg:$0xe]  }
0xef: {  	[sflag:s1] =	ssyncadd.s32 $0xFFFFFB00;
	s16 =	sshrl.u32 s16, $0x3  }
0xf0: {  	[spmem:s16], [sflag:s0] =	dma.local [hbm:s6], $0x500  }
0xf1: {  	_ =	swait.ge [sflag:s1], $0x500  }
0xf2: {  	[sflag:s1] =	ssyncset.done $0x0;
	s17 =	rddreg [dreg:$0xf]  }
0xf3: {  	[sflag:s1] =	ssyncadd.s32 $0xFFFFFB00;
	s17 =	sshrl.u32 s17, $0x3  }
0xf4: {  	[spmem:s17], [sflag:s0] =	dma.local [hbm:s6], $0x500  }
0xf5: {  	_ =	swait.ge [sflag:s1], $0x500  }
0xf6: {  	[sflag:s1] =	ssyncset.done $0x0;
	s18 =	rddreg [dreg:$0x10]  }
0xf7: {  	[sflag:s1] =	ssyncadd.s32 $0xFFFFFB00;
	s18 =	sshrl.u32 s18, $0x3  }
0xf8: {  	[spmem:s18], [sflag:s0] =	dma.local [hbm:s6], $0x500  }
0xf9: {  	_ =	swait.ge [sflag:s1], $0x500  }
0xfa: {  	[sflag:s1] =	ssyncset.done $0x0;
	s19 =	rddreg [dreg:$0x11]  }
0xfb: {  	[sflag:s1] =	ssyncadd.s32 $0xFFFFFB00;
	s19 =	sshrl.u32 s19, $0x3  }
0xfc: {  	[spmem:s19], [sflag:s0] =	dma.local [hbm:s6], $0x500  }
0xfd: {  	_ =	swait.ge [sflag:s1], $0x500  }
0xfe: {  	[sflag:s1] =	ssyncset.done $0x0;
	s20 =	rddreg [dreg:$0x12]  }
0xff: {  	[sflag:s1] =	ssyncadd.s32 $0xFFFFFB00;
	s20 =	sshrl.u32 s20, $0x3  }
0x100: {  	[spmem:s20], [sflag:s0] =	dma.local [hbm:s6], $0x500  }
0x101: {  	_ =	swait.ge [sflag:s1], $0x500  }
0x102: {  	[sflag:s1] =	ssyncset.done $0x0;
	s21 =	rddreg [dreg:$0x13]  }
0x103: {  	[sflag:s1] =	ssyncadd.s32 $0xFFFFFB00;
	s21 =	sshrl.u32 s21, $0x3  }
0x104: {  	[spmem:s21], [sflag:s0] =	dma.local [hbm:s6], $0x500  }
0x105: {  	_ =	swait.ge [sflag:s1], $0x500  }
0x106: {  	[sflag:s1] =	ssyncset.done $0x0  }
0x107: {  	[sflag:s1] =	ssyncadd.s32 $0xFFFFFB00  }
0x108: {  	[spmem:s22], [sflag:s0] =	dma.local @!p1 [hbm:s6], $0x500  }
0x109: {  	s22 =	simm.s32 @!p1 $0x5  }
0x10a: {  	_ =	swait.ge @!p1 [sflag:s22], $0x500  }
0x10b: {  	[sflag:s22] =	ssyncset.done @!p1 $0x0  }
0x10c: {  	[sflag:s22] =	ssyncadd.s32 @!p1 $0xFFFFFB00  }
0x10d: {  	[bflag:$0x0] =	sbarrier.arrive $0xFFFF  }
0x10e: {  	s30 =	rddreg [dreg:$0x5]  }
0x10f: {  	[tilespmem:s7], [sflag:$0x3] =	stream.linear.gather [hbm4b:s30+s5], $0x80, $0x38;
	[tilespmem:$0x1FB00] =	vst v63  }
0x110: {  	_ = 	snop  }
0x111: {  	[tilespmem:s9], [sflag:$0x1] =	stream.indirect.gather [hbm4b:s2+s8], $0x80, s23, s8, $0xb8;
	[tilespmem:$0x1FB00] =	vst v63  }
0x112: {  	s30 =	rddreg [dreg:$0x6]  }
0x113: {  	[tilespmem:s10], [sflag:$0x4] =	stream.linear.gather [hbm4b:s30+s5], $0x80, $0x38;
	[tilespmem:$0x1FB00] =	vst v63  }
0x114: {  	s23 =	simm.s32 $0x13900  }
0x115: {  	[tilespmem:s11], [sflag:$0x2] =	stream.indirect.gather [hbm4b:s2+s8], $0x80, s23, s8, $0xb8;
	[tilespmem:$0x1FB00] =	vst v63  }
0x116: {  	_ =	swait.ge [sflag:s12], $0x80  }
0x117: {  	[sflag:s12] =	ssyncset.done $0x0  }
0x118: {  	[sflag:s12] =	ssyncadd.s32 $0xFFFFFF80  }
0x119: {  	_ =	swait.ge [sflag:s25], $0x4000  }
0x11a: {  	[sflag:s25] =	ssyncset.done $0x0  }
0x11b: {  	[sflag:s25] =	ssyncadd.s32 $0xFFFFC000  }
0x11c: {  	[spmem:s4] =	stream.indirect.scatter.add.f32 [tilespmem:s9], [sflag:$0x5], $0x80, s7, s8, $0xb8;
	[tilespmem:$0x1FB00] =	vst v63  }
0x11d: {  	_ =	swait.ge [sflag:s1], $0x4000  }
0x11e: {  	s22 =	sadd.s32 $0xFFFFF860, s13;
	[sflag:s1] =	ssyncset.done $0x0  }
0x11f: {  	s30 =	sadd.s32 $0x7C0, s22;
	[sflag:s1] =	ssyncadd.s32 $0xFFFFC000  }
0x120: {  	[tilespmem:s7], [sflag:$0x3] =	stream.linear.gather [hbm4b:s30+s5], $0x80, $0x38;
	[tilespmem:$0x1FB00] =	vst v63  }
0x121: {  	s30 =	simm.s32 $0x13980  }
0x122: {  	[tilespmem:s9], [sflag:$0x1] =	stream.indirect.gather [hbm4b:s2+s8], $0x80, s30, s8, $0xb8;
	[tilespmem:$0x1FB00] =	vst v63  }
0x123: {  	_ =	swait.ge [sflag:s26], $0x80  }
0x124: {  	[sflag:s26] =	ssyncset.done $0x0  }
0x125: {  	[sflag:s26] =	ssyncadd.s32 $0xFFFFFF80  }
0x126: {  	_ =	swait.ge [sflag:s28], $0x4000  }
0x127: {  	[sflag:s28] =	ssyncset.done $0x0  }
0x128: {  	[sflag:s28] =	ssyncadd.s32 $0xFFFFC000  }
0x129: {  	[spmem:s4] =	stream.indirect.scatter.add.f32 [tilespmem:s11], [sflag:$0x5], $0x80, s10, s8, $0xb8;
	[tilespmem:$0x1FB00] =	vst v63  }
0x12a: {  	_ =	swait.ge [sflag:s1], $0x4000  }
0x12b: {  	[sflag:s1] =	ssyncset.done $0x0  }
0x12c: {  	s22 =	sadd.s32 $0x7D0, s22;
	[sflag:s1] =	ssyncadd.s32 $0xFFFFC000  }
0x12d: {  	[tilespmem:s10], [sflag:$0x4] =	stream.linear.gather [hbm4b:s22+s5], $0x80, $0x38;
	[tilespmem:$0x1FB00] =	vst v63  }
0x12e: {  	s31 =	simm.s32 $0x13A00;
	s23 =	simm.s32 $0x13A80;
	s22 =	simm.s32 $0xFFFFF880  }
.LBB2_3:
0x12f: {  	[tilespmem:s11], [sflag:$0x2] =	stream.indirect.gather [hbm4b:s2+s8], $0x80, s31, s8, $0xb8;
	[tilespmem:$0x1FB00] =	vst v63  }
0x130: {  	s31 =	smov.u32 s22  }
0x131: {  	p3 =	sne.s32 s22, $0xFFFFFFE0;
	s22 =	sadd.s32 $0x20, s22;
	_ =	swait.ge [sflag:s12], $0x80  }
0x132: {  	[sflag:s12] =	ssyncset.done $0x0  }
0x133: {  	[sflag:s12] =	ssyncadd.s32 $0xFFFFFF80  }
0x134: {  	_ =	swait.ge [sflag:s25], $0x4000  }
0x135: {  	[sflag:s25] =	ssyncset.done $0x0  }
0x136: {  	[sflag:s25] =	ssyncadd.s32 $0xFFFFC000  }
0x137: {  	[spmem:s4] =	stream.indirect.scatter.add.f32 [tilespmem:s9], [sflag:$0x5], $0x80, s7, s8, $0xb8;
	[tilespmem:$0x1FB00] =	vst v63  }
0x138: {  	_ =	swait.ge [sflag:s1], $0x4000  }
0x139: {  	s31 =	sadd.s32 s31, s13;
	[sflag:s1] =	ssyncset.done $0x0  }
0x13a: {  	s30 =	sadd.s32 $0x7C0, s31;
	[sflag:s1] =	ssyncadd.s32 $0xFFFFC000  }
0x13b: {  	[tilespmem:s7], [sflag:$0x3] =	stream.linear.gather [hbm4b:s30+s5], $0x80, $0x38;
	[tilespmem:$0x1FB00] =	vst v63  }
0x13c: {  	_ = 	snop  }
0x13d: {  	[tilespmem:s9], [sflag:$0x1] =	stream.indirect.gather [hbm4b:s2+s8], $0x80, s23, s8, $0xb8;
	[tilespmem:$0x1FB00] =	vst v63  }
0x13e: {  	_ =	swait.ge [sflag:s26], $0x80  }
0x13f: {  	[sflag:s26] =	ssyncset.done $0x0  }
0x140: {  	[sflag:s26] =	ssyncadd.s32 $0xFFFFFF80  }
0x141: {  	_ =	swait.ge [sflag:s28], $0x4000  }
0x142: {  	[sflag:s28] =	ssyncset.done $0x0  }
0x143: {  	[sflag:s28] =	ssyncadd.s32 $0xFFFFC000  }
0x144: {  	[spmem:s4] =	stream.indirect.scatter.add.f32 [tilespmem:s11], [sflag:$0x5], $0x80, s10, s8, $0xb8;
	[tilespmem:$0x1FB00] =	vst v63  }
.Ltmp6:
0x145: {  	_ =	swait.ge [sflag:s1], $0x4000;
	(pc) =	sbr.rel @p3 .LBB2_3-.Ltmp6, $4  }
0x146: {  	[sflag:s1] =	ssyncset.done $0x0  }
0x147: {  	s30 =	sadd.s32 $0x7D0, s31;
	[sflag:s1] =	ssyncadd.s32 $0xFFFFC000  }
0x148: {  	[tilespmem:s10], [sflag:$0x4] =	stream.linear.gather [hbm4b:s30+s5], $0x80, $0x38;
	[tilespmem:$0x1FB00] =	vst v63  }
0x149: {  	s31 =	sadd.s32 $0x80, s23;
	s23 =	sadd.s32 $0x100, s23  }
0x14a: {  	[tilespmem:s11], [sflag:$0x2] =	stream.indirect.gather [hbm4b:s2+s8], $0x80, s31, s8, $0xb8;
	[tilespmem:$0x1FB00] =	vst v63  }
0x14b: {  	_ =	swait.ge [sflag:s12], $0x80  }
0x14c: {  	[sflag:s12] =	ssyncset.done $0x0  }
0x14d: {  	[sflag:s12] =	ssyncadd.s32 $0xFFFFFF80  }
0x14e: {  	_ =	swait.ge [sflag:s25], $0x4000  }
0x14f: {  	[sflag:s25] =	ssyncset.done $0x0  }
0x150: {  	[sflag:s25] =	ssyncadd.s32 $0xFFFFC000  }
0x151: {  	[spmem:s4] =	stream.indirect.scatter.add.f32 [tilespmem:s9], [sflag:$0x5], $0x80, s7, s8, $0xb8;
	[tilespmem:$0x1FB00] =	vst v63  }
0x152: {  	_ =	swait.ge [sflag:s1], $0x4000  }
0x153: {  	[sflag:s1] =	ssyncset.done $0x0  }
0x154: {  	s22 =	rddreg [dreg:$0x9];
	[sflag:s1] =	ssyncadd.s32 $0xFFFFC000  }
0x155: {  	[tilespmem:s7], [sflag:$0x3] =	stream.linear.gather [hbm4b:s22+s5], $0x80, $0x38;
	[tilespmem:$0x1FB00] =	vst v63  }
0x156: {  	s23 =	simm.s32 $0x17680  }
0x157: {  	[tilespmem:s9], [sflag:$0x1] =	stream.indirect.gather [hbm4b:s2+s8], $0x80, s23, s8, $0xb8;
	[tilespmem:$0x1FB00] =	vst v63  }
0x158: {  	_ =	swait.ge [sflag:s26], $0x80  }
0x159: {  	[sflag:s26] =	ssyncset.done $0x0  }
0x15a: {  	[sflag:s26] =	ssyncadd.s32 $0xFFFFFF80  }
0x15b: {  	_ =	swait.ge [sflag:s28], $0x4000  }
0x15c: {  	[sflag:s28] =	ssyncset.done $0x0  }
0x15d: {  	[sflag:s28] =	ssyncadd.s32 $0xFFFFC000  }
0x15e: {  	[spmem:s4] =	stream.indirect.scatter.add.f32 [tilespmem:s11], [sflag:$0x5], $0x80, s10, s8, $0xb8;
	[tilespmem:$0x1FB00] =	vst v63  }
0x15f: {  	_ =	swait.ge [sflag:s1], $0x4000  }
0x160: {  	[sflag:s1] =	ssyncset.done $0x0  }
0x161: {  	[sflag:s1] =	ssyncadd.s32 $0xFFFFC000  }
0x162: {  	_ =	swait.ge [sflag:s12], $0x80  }
0x163: {  	[sflag:s12] =	ssyncset.done $0x0  }
0x164: {  	[sflag:s12] =	ssyncadd.s32 $0xFFFFFF80  }
0x165: {  	_ =	swait.ge [sflag:s25], $0x4000  }
0x166: {  	[sflag:s25] =	ssyncset.done $0x0  }
0x167: {  	[sflag:s25] =	ssyncadd.s32 $0xFFFFC000  }
0x168: {  	[spmem:s4] =	stream.indirect.scatter.add.f32 [tilespmem:s9], [sflag:$0x5], $0x80, s7, s8, $0xb8;
	[tilespmem:$0x1FB00] =	vst v63  }
0x169: {  	_ =	swait.ge [sflag:s1], $0x4000  }
0x16a: {  	[sflag:s1] =	ssyncset.done $0x0  }
0x16b: {  	[sflag:s1] =	ssyncadd.s32 $0xFFFFC000  }
0x16c: {  	[bflag:$0x0] =	sbarrier.arrive $0xFFFF  }
0x16d: {  	s30 =	rddreg [dreg:$0x17]  }
0x16e: {  	[hbm:s30], [sflag:s0] =	dma.local [spmem:s15], $0x500  }
0x16f: {  	_ =	swait.ge [sflag:s1], $0x500  }
0x170: {  	[sflag:s1] =	ssyncset.done $0x0  }
0x171: {  	s31 =	rddreg [dreg:$0x19];
	[sflag:s1] =	ssyncadd.s32 $0xFFFFFB00  }
0x172: {  	[hbm:s31], [sflag:s0] =	dma.local [spmem:s16], $0x500  }
0x173: {  	_ =	swait.ge [sflag:s1], $0x500  }
0x174: {  	[sflag:s1] =	ssyncset.done $0x0  }
0x175: {  	s16 =	rddreg [dreg:$0x1b];
	[sflag:s1] =	ssyncadd.s32 $0xFFFFFB00  }
0x176: {  	[hbm:s16], [sflag:s0] =	dma.local [spmem:s17], $0x500  }
0x177: {  	_ =	swait.ge [sflag:s1], $0x500  }
0x178: {  	[sflag:s1] =	ssyncset.done $0x0  }
0x179: {  	s22 =	rddreg [dreg:$0x1d];
	[sflag:s1] =	ssyncadd.s32 $0xFFFFFB00  }
0x17a: {  	[hbm:s22], [sflag:s0] =	dma.local [spmem:s18], $0x500  }
0x17b: {  	_ =	swait.ge [sflag:s1], $0x500  }
0x17c: {  	[sflag:s1] =	ssyncset.done $0x0  }
0x17d: {  	s23 =	rddreg [dreg:$0x1f];
	[sflag:s1] =	ssyncadd.s32 $0xFFFFFB00  }
0x17e: {  	[hbm:s23], [sflag:s0] =	dma.local [spmem:s19], $0x500  }
0x17f: {  	_ =	swait.ge [sflag:s1], $0x500  }
0x180: {  	s30 =	sld [smem:$0x7F9]  }
0x181: {  	[sflag:s1] =	ssyncset.done $0x0  }
0x182: {  	[sflag:s1] =	ssyncadd.s32 $0xFFFFFB00  }
0x183: {  	[hbm:s30], [sflag:s0] =	dma.local [spmem:s20], $0x500  }
0x184: {  	_ =	swait.ge [sflag:s1], $0x500  }
0x185: {  	s31 =	sld [smem:$0x7FB]  }
0x186: {  	[sflag:s1] =	ssyncset.done $0x0  }
0x187: {  	[sflag:s1] =	ssyncadd.s32 $0xFFFFFB00  }
0x188: {  	[hbm:s31], [sflag:s0] =	dma.local [spmem:s21], $0x500  }
.Ltmp7:
0x189: {  	_ = 	snop;
	(pc) =	sbr.rel @p2 .LBB2_8-.Ltmp7, $4  }
.Ltmp8:
0x18a: {  	_ = 	snop;
	(pc) =	sbr.rel @!p2 .LBB2_9-.Ltmp8, $4  }
0x18b: {  	_ =	swait.ge [sflag:s1], $0x500  }
0x18c: {  	[sflag:s1] =	ssyncset.done $0x0  }
0x18d: {  	s15 =	rddreg [dreg:$0xb];
	[sflag:s1] =	ssyncadd.s32 $0xFFFFFB00  }
0x18e: {  	_ = 	snop  }
.LBB2_10:
0x18f: {  	_ =	sfence.sel $0x180000  }
0x190: {  	[bflag:$0x0] =	sbarrier.arrive $0xFFFF  }
0x191: {  	_ =	strace $0x9000004A  }
0x192: {  	s0 =	stileid.u32;
	[bflag:$0x2] =	sbarrier.arrive $0xFFFF  }
0x193: {  	p0 =	sne.s32 s0, $0x0;
	s0 =	rddreg [dreg:$0x4]  }
0x194: {  	s0 =	sadd.s32 @!p0 $0x100000, s0  }
0x195: {  	[sflag:s0] =	ssyncadd.tile.s32 @!p0 $0x1;
	_ =	shalt  }
.Lfunc_end2:
_tile_overlayer_lowered:
.L_overlay_start_2:
0x196: {  	(tag) =	ssettag $0x2  }
0x197: {  	s0 =	rddreg [dreg:$0x0];
	s2 =	stileid.u32  }
0x198: {  	s1 =	rddreg [dreg:$0x1];
	p0 =	sne.s32 s2, $0x0  }
0x199: {  	s3 =	rddreg [dreg:$0x2];
	[bflag:$0x3] =	sbarrier.arrive $0xFFFF;
	s2 =	simm.s32 @!p0 $0x1C05  }
0x19a: {  	[timem:s3], [sflag:s2] =	dma.local @!p0 [hbm:s0], s1  }
0x19b: {  	s0 =	simm.s32 @!p0 $0x5  }
0x19c: {  	_ =	swait.ge @!p0 [sflag:s0], s1  }
0x19d: {  	s1 =	ssub.s32 @!p0 $0x0, s1;
	[sflag:s0] =	ssyncset.done @!p0 $0x0  }
0x19e: {  	[sflag:s0] =	ssyncadd.s32 @!p0 s1  }
0x19f: {  	[bflag:$0x3] =	sbarrier.arrive $0xFFFF  }
0x1a0: {  	_ =	shalt  }

</sc_bundles>
